<compile_context>
chip_gen: v7x
topology: tpu7x:2x2x1
jax: 0.10.2.dev20260603
libtpu: 0.0.44.dev20260713+nightly
codegen_flags: <defaults>
</compile_context>

<pallas_src>
import jax
import jax.numpy as jnp
from jax import lax
from jax.experimental import pallas as pl
from jax.experimental.pallas import tpu as pltpu
from jax.experimental.pallas import tpu_sc as plsc

_N = 10000
_E = 320000
_D = 128
_NC = 2
_NS = 16
_NW = _NC * _NS
_NP = 10240
_RPT = _NP // _NS
_EPW = _E // _NW
_CH = 80
_NIT = _EPW // _CH
_ACH = 40
_ANIT = _EPW // _ACH
_NSLOT = 6

_mesh = plsc.VectorSubcoreMesh(core_axis_name="c", subcore_axis_name="s")




_NBLK = _E // 128
_BPW = _NBLK // _NW
_BREM = _NBLK % _NW


def _sc_deg_body(ei_hbm, deg_hbm, dst_hbm, dacc_sh,
                 e0, e1, e2, e3, upd_v, buf_v, *sems):
    c = lax.axis_index("c")
    s = lax.axis_index("s")
    wid = c * _NS + s
    ebufs = (e0, e1, e2, e3)
    esems = sems[0:4]
    wsems = sems[4:8]
    csems = sems[8:12]
    nblk = _BPW + jnp.where(wid < _BREM, 1, 0)
    blk0 = wid * _BPW + jnp.minimum(wid, _BREM)

    def _ecopy(blk, b):
        return pltpu.async_copy(
            ei_hbm.at[:, pl.ds(blk * 128, 128)], ebufs[b], esems[b])

    def _ewait(blk, b):
        pltpu.make_async_copy(
            ei_hbm.at[:, pl.ds(blk * 128, 128)], ebufs[b], esems[b]).wait()

    for b in range(4):
        _ecopy(blk0 + b, b)

    for k in range(128 // 16):
        upd_v[pl.ds(k * 16, 16)] = jnp.ones((16,), jnp.float32)

    val = jnp.where(c == 0, 1.0, 0.0).astype(jnp.float32)

    def _fill(k, carry):
        buf_v[pl.ds(k * 16, 16)] = jnp.full((16,), 1.0, jnp.float32) * val
        return carry

    lax.fori_loop(0, _RPT // 16, _fill, 0)
    pltpu.sync_copy(buf_v, dacc_sh.at[pl.ds(s * _RPT, _RPT)])
    plsc.subcore_barrier()

    def _start(i, b):
        blk = blk0 + i
        _ewait(blk, b)
        w = pltpu.async_copy(
            ebufs[b].at[1], dst_hbm.at[pl.ds(blk * 128, 128)], wsems[b])
        sc = pltpu.async_copy(upd_v, dacc_sh.at[ebufs[b].at[1]], csems[b],
                              add=True)
        return w, sc

    def _quad(k, carry):
        g = 4 * k
        ds_ = [_start(g + b, b) for b in range(4)]
        for b in range(4):
            ds_[b][0].wait()
            ds_[b][1].wait()

            @pl.when(g + b + 4 < nblk)
            def _():
                _ecopy(blk0 + g + b + 4, b)

        return carry

    lax.fori_loop(0, _BPW // 4, _quad, 0)
    for t in range(_BPW - _BPW // 4 * 4 + 1):
        i = _BPW // 4 * 4 + t

        @pl.when(i < nblk)
        def _():
            w, sc = _start(i, t)
            w.wait()
            sc.wait()

    plsc.subcore_barrier()

    pltpu.sync_copy(dacc_sh.at[pl.ds(s * _RPT, _RPT)],
                    deg_hbm.at[c, pl.ds(s * _RPT, _RPT)])


_sc_deg = pl.kernel(
    _sc_deg_body,
    out_type=(
        jax.ShapeDtypeStruct((_NC, _NP), jnp.float32),
        jax.ShapeDtypeStruct((_E,), jnp.int32),
    ),
    mesh=_mesh,
    scratch_types=(
        [pltpu.VMEM_SHARED((_NP,), jnp.float32)]
        + [pltpu.VMEM((2, 128), jnp.int32)] * 4
        + [pltpu.VMEM((128,), jnp.float32)]
        + [pltpu.VMEM((_RPT,), jnp.float32)]
        + [pltpu.SemaphoreType.DMA] * 12
    ),
)


def _sc_agg_body(hs_hbm, src_hbm, dst_hbm, out_hbm,
                 acc_sh, sibufs, dibufs, rows, gsems, ssems, xsems, dsems):
    c = lax.axis_index("c")
    s = lax.axis_index("s")
    wid = c * _NS + s
    rb = s * _RPT
    ebase = wid * _EPW

    def _sidx_copy(chunk, b):
        return pltpu.async_copy(
            src_hbm.at[pl.ds(ebase + chunk * _ACH, _ACH)], sibufs[b],
            xsems[b])

    def _sidx_wait(chunk, b):
        pltpu.make_async_copy(
            src_hbm.at[pl.ds(ebase + chunk * _ACH, _ACH)], sibufs[b],
            xsems[b]).wait()

    def _didx_copy(chunk, b):
        return pltpu.async_copy(
            dst_hbm.at[pl.ds(ebase + chunk * _ACH, _ACH)], dibufs[b],
            dsems[b])

    def _didx_wait(chunk, b):
        pltpu.make_async_copy(
            dst_hbm.at[pl.ds(ebase + chunk * _ACH, _ACH)], dibufs[b],
            dsems[b]).wait()

    for b in range(_NSLOT):
        _sidx_copy(b, b)
        _didx_copy(b, b)

    @pl.when(c == 0)
    def _():
        pltpu.sync_copy(hs_hbm.at[pl.ds(rb, _RPT)],
                        acc_sh.at[pl.ds(rb, _RPT)])

    @pl.when(c == 1)
    def _():
        def _zrow(r, carry):
            for k in range(_D // 16):
                rows[0][r, pl.ds(k * 16, 16)] = jnp.zeros((16,), jnp.float32)
            return carry

        lax.fori_loop(0, _ACH, _zrow, 0)

        def _zcp(j, carry):
            pltpu.sync_copy(rows[0], acc_sh.at[pl.ds(rb + j * _ACH, _ACH)])
            return carry

        lax.fori_loop(0, _RPT // _ACH, _zcp, 0)

    plsc.subcore_barrier()

    def _gather(chunk, b):
        _sidx_wait(chunk, b)
        return pltpu.async_copy(hs_hbm.at[sibufs[b]], rows[b], gsems[b])

    def _gather_wait(chunk, b):
        pltpu.make_async_copy(hs_hbm.at[sibufs[b]], rows[b],
                              gsems[b]).wait()

    for b in range(_NSLOT):
        _gather(b, b)

    _NGRP = _ANIT // _NSLOT

    def _group(k, carry):
        g = k * _NSLOT
        scats = []
        for b in range(_NSLOT):
            _gather_wait(g + b, b)

            @pl.when(g + b + _NSLOT < _ANIT)
            def _():
                _sidx_copy(g + b + _NSLOT, b)

            _didx_wait(g + b, b)
            scats.append(
                pltpu.async_copy(rows[b], acc_sh.at[dibufs[b]],
                                 ssems[b], add=True))
        for b in range(_NSLOT):
            scats[b].wait()

            @pl.when(g + b + _NSLOT < _ANIT)
            def _():
                _didx_copy(g + b + _NSLOT, b)
                _gather(g + b + _NSLOT, b)

        return carry

    lax.fori_loop(0, _NGRP, _group, 0)
    for t in range(_ANIT - _NGRP * _NSLOT):
        ct = _NGRP * _NSLOT + t
        _gather_wait(ct, t)
        _didx_wait(ct, t)
        pltpu.sync_copy(rows[t], acc_sh.at[dibufs[t]], add=True)
    plsc.subcore_barrier()

    pltpu.sync_copy(acc_sh.at[pl.ds(rb, _RPT)],
                    out_hbm.at[c, pl.ds(rb, _RPT)])


def _sc_agg_entry(hs_hbm, src_hbm, dst_hbm, out_hbm, acc_sh,
                  *rest):
    sibufs = rest[:_NSLOT]
    dibufs = rest[_NSLOT:2 * _NSLOT]
    rows = rest[2 * _NSLOT:3 * _NSLOT]
    gsems = rest[3 * _NSLOT:4 * _NSLOT]
    ssems = rest[4 * _NSLOT:5 * _NSLOT]
    xsems = rest[5 * _NSLOT:6 * _NSLOT]
    dsems = rest[6 * _NSLOT:7 * _NSLOT]
    _sc_agg_body(hs_hbm, src_hbm, dst_hbm, out_hbm, acc_sh,
                 sibufs, dibufs, rows, gsems, ssems, xsems, dsems)


_sc_agg = pl.kernel(
    _sc_agg_entry,
    out_type=jax.ShapeDtypeStruct((_NC, _NP, _D), jnp.float32),
    mesh=_mesh,
    scratch_types=(
        [pltpu.VMEM_SHARED((_NP, _D), jnp.float32)]
        + [pltpu.VMEM((_ACH,), jnp.int32)] * (2 * _NSLOT)
        + [pltpu.VMEM((_ACH, _D), jnp.float32)] * _NSLOT
        + [pltpu.SemaphoreType.DMA] * (4 * _NSLOT)
    ),
)




def _tc_rsqrt_body(d_ref, o_ref):
    o_ref[...] = lax.rsqrt(d_ref[0] + d_ref[1])


def _tc_rsqrt(deg2):
    return pl.pallas_call(
        _tc_rsqrt_body,
        out_shape=jax.ShapeDtypeStruct((_NP // 128, 128), jnp.float32),
    )(deg2)


def _tc_mm1_body(x_ref, w_ref, dv_ref, o_ref):
    o_ref[_N :, :] = jnp.zeros((_NP - _N, _D), jnp.float32)
    o_ref[: _N, :] = jnp.dot(
        x_ref[...], w_ref[...], preferred_element_type=jnp.float32
    ) * dv_ref[...]


def _tc_mm1(x, W, dinv_col):
    return pl.pallas_call(
        _tc_mm1_body,
        out_shape=jax.ShapeDtypeStruct((_NP, _D), jnp.float32),
    )(x, W, dinv_col)


def _tc_mid_body(p_ref, dv_ref, b_ref, w_ref, o_ref):
    agg = p_ref[0, : _N, :] + p_ref[1, : _N, :]
    h = agg * dv_ref[...] + b_ref[...]
    h = jnp.maximum(h, 0.0)
    o_ref[_N :, :] = jnp.zeros((_NP - _N, _D), jnp.float32)
    o_ref[: _N, :] = jnp.dot(
        h, w_ref[...], preferred_element_type=jnp.float32
    ) * dv_ref[...]


def _tc_mid(p, dinv_col, b1, W2):
    return pl.pallas_call(
        _tc_mid_body,
        out_shape=jax.ShapeDtypeStruct((_NP, _D), jnp.float32),
    )(p, dinv_col, b1, W2)


def _tc_out_body(q_ref, dv_ref, b_ref, o_ref):
    agg = q_ref[0, : _N, :] + q_ref[1, : _N, :]
    o_ref[...] = agg * dv_ref[...] + b_ref[...]


def _tc_out(q, dinv_col, b2):
    return pl.pallas_call(
        _tc_out_body,
        out_shape=jax.ShapeDtypeStruct((_N, _D), jnp.float32),
    )(q, dinv_col, b2)




def kernel(x, edge_index, W1, b1, W2, b2):
    deg2, dst = _sc_deg(edge_index)
    src = edge_index[0]
    dinvp = _tc_rsqrt(deg2.reshape(_NC, _NP // 128, 128))
    dinv_col = dinvp.reshape(_NP, 1)[:_N]

    hs1 = _tc_mm1(x, W1, dinv_col)
    p = _sc_agg(hs1, src, dst)
    hs2 = _tc_mid(p, dinv_col, b1.reshape(1, _D), W2)

    q = _sc_agg(hs2, src, dst)
    return _tc_out(q, dinv_col, b2.reshape(1, _D))

# --- scband reference (transcript-rebuilt; emitter-appended) ---
"""Pipeline reference for scband-gnn-45208825757774 (READ-ONLY COPY).

The authoritative reference and input builder live on the scoring server;
editing this copy changes nothing except your own understanding.
"""

import jax
import jax.numpy as jnp
import numpy as np

N = 10000
E = 320000
D_IN = 128
D_H = 128


def setup_inputs(seed: int = 0):
    key = jax.random.key(seed)
    k1, k2, k3, k4 = jax.random.split(key, 4)
    x = jax.random.normal(k1, (N, D_IN), dtype=jnp.float32)
    edge_index = jax.random.randint(k2, (2, E), 0, N, dtype=jnp.int32)
    s1 = 1.0 / np.sqrt(D_IN)
    s2 = 1.0 / np.sqrt(D_H)
    W1 = jax.random.uniform(k3, (D_IN, D_H), dtype=jnp.float32, minval=-s1, maxval=s1)
    b1 = jnp.zeros((D_H,), dtype=jnp.float32)
    W2 = jax.random.uniform(k4, (D_H, D_H), dtype=jnp.float32, minval=-s2, maxval=s2)
    b2 = jnp.zeros((D_H,), dtype=jnp.float32)
    return {"x": x, "edge_index": edge_index, "W1": W1, "b1": b1, "W2": W2, "b2": b2}


def gcn_conv(x, edge_index, W, b, n_nodes):
    # PyG GCNConv: add self-loops, symmetric normalization, scatter-add aggregation
    loop = jnp.arange(n_nodes, dtype=edge_index.dtype)
    src = jnp.concatenate([edge_index[0], loop])
    dst = jnp.concatenate([edge_index[1], loop])
    deg = jnp.zeros((n_nodes,), dtype=x.dtype).at[dst].add(1.0)
    dinv = jnp.where(deg > 0, 1.0 / jnp.sqrt(deg), 0.0)
    norm = dinv[src] * dinv[dst]
    h = x @ W
    msg = h[src] * norm[:, None]
    out = jnp.zeros((n_nodes, W.shape[1]), dtype=x.dtype).at[dst].add(msg)
    return out + b


def reference(x, edge_index, W1, b1, W2, b2):
    h = gcn_conv(x, edge_index, W1, b1, N)
    h = jax.nn.relu(h)
    # F.dropout with training=False is identity (module run in eval mode)
    out = gcn_conv(h, edge_index, W2, b2, N)
    return out

if __name__ == "__main__":
    import jax
    _d = setup_inputs()
    print(jax.jit(kernel)(*tuple(_d.values())))

</pallas_src>

<mosaic_0001>
#map = affine_map<(d0, d1) -> (0, 0)>
#map1 = affine_map<(d0, d1) -> (0)>
#map2 = affine_map<(d0, d1) -> (0, 0, 0)>
module attributes {stable_mosaic.version = 14 : i64} {
  func.func @_sc_agg_entry(%arg0: i32, %arg1: i32, %arg2: memref<10240x128xf32, #tpu.memory_space<hbm>>, %arg3: memref<320000xi32, #tpu.memory_space<hbm>>, %arg4: memref<320000xi32, #tpu.memory_space<hbm>>, %arg5: memref<2x10240x128xf32, #tpu.memory_space<hbm>>, %arg6: memref<10240x128xf32, #tpu.memory_space<vmem_shared>>, %arg7: memref<40xi32, #tpu.memory_space<vmem>>, %arg8: memref<40xi32, #tpu.memory_space<vmem>>, %arg9: memref<40xi32, #tpu.memory_space<vmem>>, %arg10: memref<40xi32, #tpu.memory_space<vmem>>, %arg11: memref<40xi32, #tpu.memory_space<vmem>>, %arg12: memref<40xi32, #tpu.memory_space<vmem>>, %arg13: memref<40xi32, #tpu.memory_space<vmem>>, %arg14: memref<40xi32, #tpu.memory_space<vmem>>, %arg15: memref<40xi32, #tpu.memory_space<vmem>>, %arg16: memref<40xi32, #tpu.memory_space<vmem>>, %arg17: memref<40xi32, #tpu.memory_space<vmem>>, %arg18: memref<40xi32, #tpu.memory_space<vmem>>, %arg19: memref<40x128xf32, #tpu.memory_space<vmem>>, %arg20: memref<40x128xf32, #tpu.memory_space<vmem>>, %arg21: memref<40x128xf32, #tpu.memory_space<vmem>>, %arg22: memref<40x128xf32, #tpu.memory_space<vmem>>, %arg23: memref<40x128xf32, #tpu.memory_space<vmem>>, %arg24: memref<40x128xf32, #tpu.memory_space<vmem>>, %arg25: memref<!tpu.dma_semaphore, #tpu.memory_space<semaphore_mem>>, %arg26: memref<!tpu.dma_semaphore, #tpu.memory_space<semaphore_mem>>, %arg27: memref<!tpu.dma_semaphore, #tpu.memory_space<semaphore_mem>>, %arg28: memref<!tpu.dma_semaphore, #tpu.memory_space<semaphore_mem>>, %arg29: memref<!tpu.dma_semaphore, #tpu.memory_space<semaphore_mem>>, %arg30: memref<!tpu.dma_semaphore, #tpu.memory_space<semaphore_mem>>, %arg31: memref<!tpu.dma_semaphore, #tpu.memory_space<semaphore_mem>>, %arg32: memref<!tpu.dma_semaphore, #tpu.memory_space<semaphore_mem>>, %arg33: memref<!tpu.dma_semaphore, #tpu.memory_space<semaphore_mem>>, %arg34: memref<!tpu.dma_semaphore, #tpu.memory_space<semaphore_mem>>, %arg35: memref<!tpu.dma_semaphore, #tpu.memory_space<semaphore_mem>>, %arg36: memref<!tpu.dma_semaphore, #tpu.memory_space<semaphore_mem>>, %arg37: memref<!tpu.dma_semaphore, #tpu.memory_space<semaphore_mem>>, %arg38: memref<!tpu.dma_semaphore, #tpu.memory_space<semaphore_mem>>, %arg39: memref<!tpu.dma_semaphore, #tpu.memory_space<semaphore_mem>>, %arg40: memref<!tpu.dma_semaphore, #tpu.memory_space<semaphore_mem>>, %arg41: memref<!tpu.dma_semaphore, #tpu.memory_space<semaphore_mem>>, %arg42: memref<!tpu.dma_semaphore, #tpu.memory_space<semaphore_mem>>, %arg43: memref<!tpu.dma_semaphore, #tpu.memory_space<semaphore_mem>>, %arg44: memref<!tpu.dma_semaphore, #tpu.memory_space<semaphore_mem>>, %arg45: memref<!tpu.dma_semaphore, #tpu.memory_space<semaphore_mem>>, %arg46: memref<!tpu.dma_semaphore, #tpu.memory_space<semaphore_mem>>, %arg47: memref<!tpu.dma_semaphore, #tpu.memory_space<semaphore_mem>>, %arg48: memref<!tpu.dma_semaphore, #tpu.memory_space<semaphore_mem>>) attributes {dimension_semantics = [#tpu.dimension_semantics<core_parallel>, #tpu.dimension_semantics<subcore_parallel>], iteration_bounds = array<i64: 2, 16>, scalar_prefetch = 0 : i64, scratch_operands = 43 : i64, tpu.core_type = #tpu.core_type<sc_vector_subcore>, window_params = [{transform_indices = #map}, {transform_indices = #map1}, {transform_indices = #map1}, {transform_indices = #map2}]} {
    %mul3A = arith.constant 16 : i32
    %mul3A_0 = arith.muli %arg0, %mul3A : i32
    %add3A = arith.addi %mul3A_0, %arg1 : i32
    %mul3A_1 = arith.constant 640 : i32
    %mul3A_2 = arith.muli %arg1, %mul3A_1 : i32
    %mul3A_3 = arith.constant 10000 : i32
    %mul3A_4 = arith.muli %add3A, %mul3A_3 : i32
    %add3A_5 = arith.constant 0 : i32
    %add3A_6 = arith.addi %mul3A_4, %add3A_5 : i32
    %dma_start3A = tpu.memref_slice %arg3[%add3A_6] : memref<320000xi32, #tpu.memory_space<hbm>> -> memref<40xi32, #tpu.memory_space<hbm>>
    %dma_start3A_7 = tpu.memref_slice %arg3[%add3A_6] : memref<320000xi32, #tpu.memory_space<hbm>> -> memref<40xi32, #tpu.memory_space<hbm>>
    tpu.enqueue_dma source(%dma_start3A_7 : memref<40xi32, #tpu.memory_space<hbm>>) target(%arg7 : memref<40xi32, #tpu.memory_space<vmem>>) target_semaphore(%arg37 : memref<!tpu.dma_semaphore, #tpu.memory_space<semaphore_mem>>)
    %add3A_8 = arith.constant 0 : i32
    %add3A_9 = arith.addi %mul3A_4, %add3A_8 : i32
    %dma_start3A_10 = tpu.memref_slice %arg4[%add3A_9] : memref<320000xi32, #tpu.memory_space<hbm>> -> memref<40xi32, #tpu.memory_space<hbm>>
    %dma_start3A_11 = tpu.memref_slice %arg4[%add3A_9] : memref<320000xi32, #tpu.memory_space<hbm>> -> memref<40xi32, #tpu.memory_space<hbm>>
    tpu.enqueue_dma source(%dma_start3A_11 : memref<40xi32, #tpu.memory_space<hbm>>) target(%arg13 : memref<40xi32, #tpu.memory_space<vmem>>) target_semaphore(%arg43 : memref<!tpu.dma_semaphore, #tpu.memory_space<semaphore_mem>>)
    %add3A_12 = arith.constant 40 : i32
    %add3A_13 = arith.addi %mul3A_4, %add3A_12 : i32
    %dma_start3A_14 = tpu.memref_slice %arg3[%add3A_13] : memref<320000xi32, #tpu.memory_space<hbm>> -> memref<40xi32, #tpu.memory_space<hbm>>
    %dma_start3A_15 = tpu.memref_slice %arg3[%add3A_13] : memref<320000xi32, #tpu.memory_space<hbm>> -> memref<40xi32, #tpu.memory_space<hbm>>
    tpu.enqueue_dma source(%dma_start3A_15 : memref<40xi32, #tpu.memory_space<hbm>>) target(%arg8 : memref<40xi32, #tpu.memory_space<vmem>>) target_semaphore(%arg38 : memref<!tpu.dma_semaphore, #tpu.memory_space<semaphore_mem>>)
    %add3A_16 = arith.constant 40 : i32
    %add3A_17 = arith.addi %mul3A_4, %add3A_16 : i32
    %dma_start3A_18 = tpu.memref_slice %arg4[%add3A_17] : memref<320000xi32, #tpu.memory_space<hbm>> -> memref<40xi32, #tpu.memory_space<hbm>>
    %dma_start3A_19 = tpu.memref_slice %arg4[%add3A_17] : memref<320000xi32, #tpu.memory_space<hbm>> -> memref<40xi32, #tpu.memory_space<hbm>>
    tpu.enqueue_dma source(%dma_start3A_19 : memref<40xi32, #tpu.memory_space<hbm>>) target(%arg14 : memref<40xi32, #tpu.memory_space<vmem>>) target_semaphore(%arg44 : memref<!tpu.dma_semaphore, #tpu.memory_space<semaphore_mem>>)
    %add3A_20 = arith.constant 80 : i32
    %add3A_21 = arith.addi %mul3A_4, %add3A_20 : i32
    %dma_start3A_22 = tpu.memref_slice %arg3[%add3A_21] : memref<320000xi32, #tpu.memory_space<hbm>> -> memref<40xi32, #tpu.memory_space<hbm>>
    %dma_start3A_23 = tpu.memref_slice %arg3[%add3A_21] : memref<320000xi32, #tpu.memory_space<hbm>> -> memref<40xi32, #tpu.memory_space<hbm>>
    tpu.enqueue_dma source(%dma_start3A_23 : memref<40xi32, #tpu.memory_space<hbm>>) target(%arg9 : memref<40xi32, #tpu.memory_space<vmem>>) target_semaphore(%arg39 : memref<!tpu.dma_semaphore, #tpu.memory_space<semaphore_mem>>)
    %add3A_24 = arith.constant 80 : i32
    %add3A_25 = arith.addi %mul3A_4, %add3A_24 : i32
    %dma_start3A_26 = tpu.memref_slice %arg4[%add3A_25] : memref<320000xi32, #tpu.memory_space<hbm>> -> memref<40xi32, #tpu.memory_space<hbm>>
    %dma_start3A_27 = tpu.memref_slice %arg4[%add3A_25] : memref<320000xi32, #tpu.memory_space<hbm>> -> memref<40xi32, #tpu.memory_space<hbm>>
    tpu.enqueue_dma source(%dma_start3A_27 : memref<40xi32, #tpu.memory_space<hbm>>) target(%arg15 : memref<40xi32, #tpu.memory_space<vmem>>) target_semaphore(%arg45 : memref<!tpu.dma_semaphore, #tpu.memory_space<semaphore_mem>>)
    %add3A_28 = arith.constant 120 : i32
    %add3A_29 = arith.addi %mul3A_4, %add3A_28 : i32
    %dma_start3A_30 = tpu.memref_slice %arg3[%add3A_29] : memref<320000xi32, #tpu.memory_space<hbm>> -> memref<40xi32, #tpu.memory_space<hbm>>
    %dma_start3A_31 = tpu.memref_slice %arg3[%add3A_29] : memref<320000xi32, #tpu.memory_space<hbm>> -> memref<40xi32, #tpu.memory_space<hbm>>
    tpu.enqueue_dma source(%dma_start3A_31 : memref<40xi32, #tpu.memory_space<hbm>>) target(%arg10 : memref<40xi32, #tpu.memory_space<vmem>>) target_semaphore(%arg40 : memref<!tpu.dma_semaphore, #tpu.memory_space<semaphore_mem>>)
    %add3A_32 = arith.constant 120 : i32
    %add3A_33 = arith.addi %mul3A_4, %add3A_32 : i32
    %dma_start3A_34 = tpu.memref_slice %arg4[%add3A_33] : memref<320000xi32, #tpu.memory_space<hbm>> -> memref<40xi32, #tpu.memory_space<hbm>>
    %dma_start3A_35 = tpu.memref_slice %arg4[%add3A_33] : memref<320000xi32, #tpu.memory_space<hbm>> -> memref<40xi32, #tpu.memory_space<hbm>>
    tpu.enqueue_dma source(%dma_start3A_35 : memref<40xi32, #tpu.memory_space<hbm>>) target(%arg16 : memref<40xi32, #tpu.memory_space<vmem>>) target_semaphore(%arg46 : memref<!tpu.dma_semaphore, #tpu.memory_space<semaphore_mem>>)
    %add3A_36 = arith.constant 160 : i32
    %add3A_37 = arith.addi %mul3A_4, %add3A_36 : i32
    %dma_start3A_38 = tpu.memref_slice %arg3[%add3A_37] : memref<320000xi32, #tpu.memory_space<hbm>> -> memref<40xi32, #tpu.memory_space<hbm>>
    %dma_start3A_39 = tpu.memref_slice %arg3[%add3A_37] : memref<320000xi32, #tpu.memory_space<hbm>> -> memref<40xi32, #tpu.memory_space<hbm>>
    tpu.enqueue_dma source(%dma_start3A_39 : memref<40xi32, #tpu.memory_space<hbm>>) target(%arg11 : memref<40xi32, #tpu.memory_space<vmem>>) target_semaphore(%arg41 : memref<!tpu.dma_semaphore, #tpu.memory_space<semaphore_mem>>)
    %add3A_40 = arith.constant 160 : i32
    %add3A_41 = arith.addi %mul3A_4, %add3A_40 : i32
    %dma_start3A_42 = tpu.memref_slice %arg4[%add3A_41] : memref<320000xi32, #tpu.memory_space<hbm>> -> memref<40xi32, #tpu.memory_space<hbm>>
    %dma_start3A_43 = tpu.memref_slice %arg4[%add3A_41] : memref<320000xi32, #tpu.memory_space<hbm>> -> memref<40xi32, #tpu.memory_space<hbm>>
    tpu.enqueue_dma source(%dma_start3A_43 : memref<40xi32, #tpu.memory_space<hbm>>) target(%arg17 : memref<40xi32, #tpu.memory_space<vmem>>) target_semaphore(%arg47 : memref<!tpu.dma_semaphore, #tpu.memory_space<semaphore_mem>>)
    %add3A_44 = arith.constant 200 : i32
    %add3A_45 = arith.addi %mul3A_4, %add3A_44 : i32
    %dma_start3A_46 = tpu.memref_slice %arg3[%add3A_45] : memref<320000xi32, #tpu.memory_space<hbm>> -> memref<40xi32, #tpu.memory_space<hbm>>
    %dma_start3A_47 = tpu.memref_slice %arg3[%add3A_45] : memref<320000xi32, #tpu.memory_space<hbm>> -> memref<40xi32, #tpu.memory_space<hbm>>
    tpu.enqueue_dma source(%dma_start3A_47 : memref<40xi32, #tpu.memory_space<hbm>>) target(%arg12 : memref<40xi32, #tpu.memory_space<vmem>>) target_semaphore(%arg42 : memref<!tpu.dma_semaphore, #tpu.memory_space<semaphore_mem>>)
    %add3A_48 = arith.constant 200 : i32
    %add3A_49 = arith.addi %mul3A_4, %add3A_48 : i32
    %dma_start3A_50 = tpu.memref_slice %arg4[%add3A_49] : memref<320000xi32, #tpu.memory_space<hbm>> -> memref<40xi32, #tpu.memory_space<hbm>>
    %dma_start3A_51 = tpu.memref_slice %arg4[%add3A_49] : memref<320000xi32, #tpu.memory_space<hbm>> -> memref<40xi32, #tpu.memory_space<hbm>>
    tpu.enqueue_dma source(%dma_start3A_51 : memref<40xi32, #tpu.memory_space<hbm>>) target(%arg18 : memref<40xi32, #tpu.memory_space<vmem>>) target_semaphore(%arg48 : memref<!tpu.dma_semaphore, #tpu.memory_space<semaphore_mem>>)
    %eq3A = arith.constant 0 : i32
    %eq3A_52 = arith.cmpi eq, %arg0, %eq3A : i32
    %convert_element_type3A = arith.extui %eq3A_52 : i1 to i32
    %cond3A = arith.constant 0 : i32
    %cond3A_53 = arith.cmpi ne, %convert_element_type3A, %cond3A : i32
    scf.if %cond3A_53 {
      "tpu.region"() ({
        %run_scoped3A = tpu.sem_alloc : memref<!tpu.dma_semaphore, #tpu.memory_space<semaphore_mem>>
        %dma_start3A_134 = arith.constant 0 : i32
        %dma_start3A_135 = tpu.memref_slice %arg6[%mul3A_2, %dma_start3A_134] : memref<10240x128xf32, #tpu.memory_space<vmem_shared>> -> memref<640x128xf32, #tpu.memory_space<vmem_shared>>
        %dma_start3A_136 = arith.constant 0 : i32
        %dma_start3A_137 = tpu.memref_slice %arg2[%mul3A_2, %dma_start3A_136] : memref<10240x128xf32, #tpu.memory_space<hbm>> -> memref<640x128xf32, #tpu.memory_space<hbm>>
        tpu.enqueue_dma source(%dma_start3A_137 : memref<640x128xf32, #tpu.memory_space<hbm>>) target(%dma_start3A_135 : memref<640x128xf32, #tpu.memory_space<vmem_shared>>) target_semaphore(%run_scoped3A : memref<!tpu.dma_semaphore, #tpu.memory_space<semaphore_mem>>)
        %dma_wait3A_138 = arith.constant 0 : i32
        %dma_wait3A_139 = tpu.memref_slice %arg6[%mul3A_2, %dma_wait3A_138] : memref<10240x128xf32, #tpu.memory_space<vmem_shared>> -> memref<640x128xf32, #tpu.memory_space<vmem_shared>>
        %dma_wait3A_140 = arith.constant 0 : i32
        %dma_wait3A_141 = tpu.memref_slice %arg2[%mul3A_2, %dma_wait3A_140] : memref<10240x128xf32, #tpu.memory_space<hbm>> -> memref<640x128xf32, #tpu.memory_space<hbm>>
        tpu.wait_dma2 semaphore(%run_scoped3A : memref<!tpu.dma_semaphore, #tpu.memory_space<semaphore_mem>>) src(%dma_wait3A_141 : memref<640x128xf32, #tpu.memory_space<hbm>>) dst(%dma_wait3A_139 : memref<640x128xf32, #tpu.memory_space<vmem_shared>>)
        tpu.yield
      }) : () -> ()
    } else {
    }
    %eq3A_54 = arith.constant 1 : i32
    %eq3A_55 = arith.cmpi eq, %arg0, %eq3A_54 : i32
    %convert_element_type3A_56 = arith.extui %eq3A_55 : i1 to i32
    %cond3A_57 = arith.constant 0 : i32
    %cond3A_58 = arith.cmpi ne, %convert_element_type3A_56, %cond3A_57 : i32
    scf.if %cond3A_58 {
      %scan3A_134 = arith.constant 0 : i32
      %scan3A_135 = arith.constant 0 : i32
      %scan3A_136 = arith.constant 40 : i32
      %scan3A_137 = arith.addi %scan3A_135, %scan3A_136 : i32
      %scan3A_138 = arith.constant 1 : i32
      scf.for %scan3A_146 = %scan3A_135 to %scan3A_137 step %scan3A_138  : i32 {
        %broadcast_in_dim3A = arith.constant 0.000000e+00 : f32
        %broadcast_in_dim3A_147 = vector.broadcast %broadcast_in_dim3A : f32 to vector<16xf32>
        %swap3A = arith.index_cast %scan3A_146 : i32 to index
        %swap3A_148 = arith.constant 0 : index
        %swap3A_149 = tpu.vector_load %arg19[%swap3A, %swap3A_148] {strides = array<i32>} : memref<40x128xf32, #tpu.memory_space<vmem>>, vector<1x16xf32>,
        %swap3A_150 = vector.shape_cast %swap3A_149 : vector<1x16xf32> to vector<16xf32>
        %swap3A_151 = vector.shape_cast %broadcast_in_dim3A_147 : vector<16xf32> to vector<1x16xf32>
        tpu.vector_store %arg19[%swap3A, %swap3A_148], %swap3A_151 {strides = array<i32>} : memref<40x128xf32, #tpu.memory_space<vmem>>, vector<1x16xf32>,
        %broadcast_in_dim3A_152 = arith.constant 0.000000e+00 : f32
        %broadcast_in_dim3A_153 = vector.broadcast %broadcast_in_dim3A_152 : f32 to vector<16xf32>
        %swap3A_154 = arith.index_cast %scan3A_146 : i32 to index
        %swap3A_155 = arith.constant 16 : index
        %swap3A_156 = tpu.vector_load %arg19[%swap3A_154, %swap3A_155] {strides = array<i32>} : memref<40x128xf32, #tpu.memory_space<vmem>>, vector<1x16xf32>,
        %swap3A_157 = vector.shape_cast %swap3A_156 : vector<1x16xf32> to vector<16xf32>
        %swap3A_158 = vector.shape_cast %broadcast_in_dim3A_153 : vector<16xf32> to vector<1x16xf32>
        tpu.vector_store %arg19[%swap3A_154, %swap3A_155], %swap3A_158 {strides = array<i32>} : memref<40x128xf32, #tpu.memory_space<vmem>>, vector<1x16xf32>,
        %broadcast_in_dim3A_159 = arith.constant 0.000000e+00 : f32
        %broadcast_in_dim3A_160 = vector.broadcast %broadcast_in_dim3A_159 : f32 to vector<16xf32>
        %swap3A_161 = arith.index_cast %scan3A_146 : i32 to index
        %swap3A_162 = arith.constant 32 : index
        %swap3A_163 = tpu.vector_load %arg19[%swap3A_161, %swap3A_162] {strides = array<i32>} : memref<40x128xf32, #tpu.memory_space<vmem>>, vector<1x16xf32>,
        %swap3A_164 = vector.shape_cast %swap3A_163 : vector<1x16xf32> to vector<16xf32>
        %swap3A_165 = vector.shape_cast %broadcast_in_dim3A_160 : vector<16xf32> to vector<1x16xf32>
        tpu.vector_store %arg19[%swap3A_161, %swap3A_162], %swap3A_165 {strides = array<i32>} : memref<40x128xf32, #tpu.memory_space<vmem>>, vector<1x16xf32>,
        %broadcast_in_dim3A_166 = arith.constant 0.000000e+00 : f32
        %broadcast_in_dim3A_167 = vector.broadcast %broadcast_in_dim3A_166 : f32 to vector<16xf32>
        %swap3A_168 = arith.index_cast %scan3A_146 : i32 to index
        %swap3A_169 = arith.constant 48 : index
        %swap3A_170 = tpu.vector_load %arg19[%swap3A_168, %swap3A_169] {strides = array<i32>} : memref<40x128xf32, #tpu.memory_space<vmem>>, vector<1x16xf32>,
        %swap3A_171 = vector.shape_cast %swap3A_170 : vector<1x16xf32> to vector<16xf32>
        %swap3A_172 = vector.shape_cast %broadcast_in_dim3A_167 : vector<16xf32> to vector<1x16xf32>
        tpu.vector_store %arg19[%swap3A_168, %swap3A_169], %swap3A_172 {strides = array<i32>} : memref<40x128xf32, #tpu.memory_space<vmem>>, vector<1x16xf32>,
        %broadcast_in_dim3A_173 = arith.constant 0.000000e+00 : f32
        %broadcast_in_dim3A_174 = vector.broadcast %broadcast_in_dim3A_173 : f32 to vector<16xf32>
        %swap3A_175 = arith.index_cast %scan3A_146 : i32 to index
        %swap3A_176 = arith.constant 64 : index
        %swap3A_177 = tpu.vector_load %arg19[%swap3A_175, %swap3A_176] {strides = array<i32>} : memref<40x128xf32, #tpu.memory_space<vmem>>, vector<1x16xf32>,
        %swap3A_178 = vector.shape_cast %swap3A_177 : vector<1x16xf32> to vector<16xf32>
        %swap3A_179 = vector.shape_cast %broadcast_in_dim3A_174 : vector<16xf32> to vector<1x16xf32>
        tpu.vector_store %arg19[%swap3A_175, %swap3A_176], %swap3A_179 {strides = array<i32>} : memref<40x128xf32, #tpu.memory_space<vmem>>, vector<1x16xf32>,
        %broadcast_in_dim3A_180 = arith.constant 0.000000e+00 : f32
        %broadcast_in_dim3A_181 = vector.broadcast %broadcast_in_dim3A_180 : f32 to vector<16xf32>
        %swap3A_182 = arith.index_cast %scan3A_146 : i32 to index
        %swap3A_183 = arith.constant 80 : index
        %swap3A_184 = tpu.vector_load %arg19[%swap3A_182, %swap3A_183] {strides = array<i32>} : memref<40x128xf32, #tpu.memory_space<vmem>>, vector<1x16xf32>,
        %swap3A_185 = vector.shape_cast %swap3A_184 : vector<1x16xf32> to vector<16xf32>
        %swap3A_186 = vector.shape_cast %broadcast_in_dim3A_181 : vector<16xf32> to vector<1x16xf32>
        tpu.vector_store %arg19[%swap3A_182, %swap3A_183], %swap3A_186 {strides = array<i32>} : memref<40x128xf32, #tpu.memory_space<vmem>>, vector<1x16xf32>,
        %broadcast_in_dim3A_187 = arith.constant 0.000000e+00 : f32
        %broadcast_in_dim3A_188 = vector.broadcast %broadcast_in_dim3A_187 : f32 to vector<16xf32>
        %swap3A_189 = arith.index_cast %scan3A_146 : i32 to index
        %swap3A_190 = arith.constant 96 : index
        %swap3A_191 = tpu.vector_load %arg19[%swap3A_189, %swap3A_190] {strides = array<i32>} : memref<40x128xf32, #tpu.memory_space<vmem>>, vector<1x16xf32>,
        %swap3A_192 = vector.shape_cast %swap3A_191 : vector<1x16xf32> to vector<16xf32>
        %swap3A_193 = vector.shape_cast %broadcast_in_dim3A_188 : vector<16xf32> to vector<1x16xf32>
        tpu.vector_store %arg19[%swap3A_189, %swap3A_190], %swap3A_193 {strides = array<i32>} : memref<40x128xf32, #tpu.memory_space<vmem>>, vector<1x16xf32>,
        %broadcast_in_dim3A_194 = arith.constant 0.000000e+00 : f32
        %broadcast_in_dim3A_195 = vector.broadcast %broadcast_in_dim3A_194 : f32 to vector<16xf32>
        %swap3A_196 = arith.index_cast %scan3A_146 : i32 to index
        %swap3A_197 = arith.constant 112 : index
        %swap3A_198 = tpu.vector_load %arg19[%swap3A_196, %swap3A_197] {strides = array<i32>} : memref<40x128xf32, #tpu.memory_space<vmem>>, vector<1x16xf32>,
        %swap3A_199 = vector.shape_cast %swap3A_198 : vector<1x16xf32> to vector<16xf32>
        %swap3A_200 = vector.shape_cast %broadcast_in_dim3A_195 : vector<16xf32> to vector<1x16xf32>
        tpu.vector_store %arg19[%swap3A_196, %swap3A_197], %swap3A_200 {strides = array<i32>} : memref<40x128xf32, #tpu.memory_space<vmem>>, vector<1x16xf32>,
      }
      %scan3A_139 = arith.constant 40 : i32
      %scan3A_140 = arith.constant 0 : i32
      %scan3A_141 = arith.constant 0 : i32
      %scan3A_142 = arith.constant 16 : i32
      %scan3A_143 = arith.addi %scan3A_141, %scan3A_142 : i32
      %scan3A_144 = arith.constant 1 : i32
      scf.for %scan3A_146 = %scan3A_141 to %scan3A_143 step %scan3A_144  : i32 {
        %mul3A_147 = arith.constant 40 : i32
        %mul3A_148 = arith.muli %scan3A_146, %mul3A_147 : i32
        %add3A_149 = arith.addi %mul3A_2, %mul3A_148 : i32
        "tpu.region"() ({
          %run_scoped3A = tpu.sem_alloc : memref<!tpu.dma_semaphore, #tpu.memory_space<semaphore_mem>>
          %dma_start3A_150 = arith.constant 0 : i32
          %dma_start3A_151 = tpu.memref_slice %arg6[%add3A_149, %dma_start3A_150] : memref<10240x128xf32, #tpu.memory_space<vmem_shared>> -> memref<40x128xf32, #tpu.memory_space<vmem_shared>>
          %dma_start3A_152 = arith.constant 0 : i32
          %dma_start3A_153 = tpu.memref_slice %arg6[%add3A_149, %dma_start3A_152] : memref<10240x128xf32, #tpu.memory_space<vmem_shared>> -> memref<40x128xf32, #tpu.memory_space<vmem_shared>>
          tpu.enqueue_dma source(%arg19 : memref<40x128xf32, #tpu.memory_space<vmem>>) target(%dma_start3A_153 : memref<40x128xf32, #tpu.memory_space<vmem_shared>>) target_semaphore(%run_scoped3A : memref<!tpu.dma_semaphore, #tpu.memory_space<semaphore_mem>>)
          %dma_wait3A_154 = arith.constant 0 : i32
          %dma_wait3A_155 = tpu.memref_slice %arg6[%add3A_149, %dma_wait3A_154] : memref<10240x128xf32, #tpu.memory_space<vmem_shared>> -> memref<40x128xf32, #tpu.memory_space<vmem_shared>>
          %dma_wait3A_156 = arith.constant 0 : i32
          %dma_wait3A_157 = tpu.memref_slice %arg6[%add3A_149, %dma_wait3A_156] : memref<10240x128xf32, #tpu.memory_space<vmem_shared>> -> memref<40x128xf32, #tpu.memory_space<vmem_shared>>
          tpu.wait_dma2 semaphore(%run_scoped3A : memref<!tpu.dma_semaphore, #tpu.memory_space<semaphore_mem>>) src(%arg19 : memref<40x128xf32, #tpu.memory_space<vmem>>) dst(%dma_wait3A_157 : memref<40x128xf32, #tpu.memory_space<vmem_shared>>)
          tpu.yield
        }) : () -> ()
      }
      %scan3A_145 = arith.constant 16 : i32
    } else {
    }
    %barrier3A = arith.constant 0 : index
    tpu.barrier barrier_id(%barrier3A)
    %add3A_59 = arith.constant 0 : i32
    %add3A_60 = arith.addi %mul3A_4, %add3A_59 : i32
    %dma_wait3A = tpu.memref_slice %arg3[%add3A_60] : memref<320000xi32, #tpu.memory_space<hbm>> -> memref<40xi32, #tpu.memory_space<hbm>>
    %dma_wait3A_61 = tpu.memref_slice %arg3[%add3A_60] : memref<320000xi32, #tpu.memory_space<hbm>> -> memref<40xi32, #tpu.memory_space<hbm>>
    tpu.wait_dma2 semaphore(%arg37 : memref<!tpu.dma_semaphore, #tpu.memory_space<semaphore_mem>>) src(%dma_wait3A_61 : memref<40xi32, #tpu.memory_space<hbm>>) dst(%arg7 : memref<40xi32, #tpu.memory_space<vmem>>)
    %dma_start3A_62 = arith.constant 0 : i32
    %dma_start3A_63 = arith.constant 0 : i32
    %dma_start3A_64 = tpu.memref_slice %arg2[%dma_start3A_62, %dma_start3A_63] : memref<10240x128xf32, #tpu.memory_space<hbm>> -> memref<10240x128xf32, #tpu.memory_space<hbm>>
    tpu.enqueue_indirect_dma source(%dma_start3A_64 : memref<10240x128xf32, #tpu.memory_space<hbm>>) target(%arg19 : memref<40x128xf32, #tpu.memory_space<vmem>>) offsets(%arg7 : memref<40xi32, #tpu.memory_space<vmem>>) semaphore(%arg25 : memref<!tpu.dma_semaphore, #tpu.memory_space<semaphore_mem>>)
    %add3A_65 = arith.constant 40 : i32
    %add3A_66 = arith.addi %mul3A_4, %add3A_65 : i32
    %dma_wait3A_67 = tpu.memref_slice %arg3[%add3A_66] : memref<320000xi32, #tpu.memory_space<hbm>> -> memref<40xi32, #tpu.memory_space<hbm>>
    %dma_wait3A_68 = tpu.memref_slice %arg3[%add3A_66] : memref<320000xi32, #tpu.memory_space<hbm>> -> memref<40xi32, #tpu.memory_space<hbm>>
    tpu.wait_dma2 semaphore(%arg38 : memref<!tpu.dma_semaphore, #tpu.memory_space<semaphore_mem>>) src(%dma_wait3A_68 : memref<40xi32, #tpu.memory_space<hbm>>) dst(%arg8 : memref<40xi32, #tpu.memory_space<vmem>>)
    %dma_start3A_69 = arith.constant 0 : i32
    %dma_start3A_70 = arith.constant 0 : i32
    %dma_start3A_71 = tpu.memref_slice %arg2[%dma_start3A_69, %dma_start3A_70] : memref<10240x128xf32, #tpu.memory_space<hbm>> -> memref<10240x128xf32, #tpu.memory_space<hbm>>
    tpu.enqueue_indirect_dma source(%dma_start3A_71 : memref<10240x128xf32, #tpu.memory_space<hbm>>) target(%arg20 : memref<40x128xf32, #tpu.memory_space<vmem>>) offsets(%arg8 : memref<40xi32, #tpu.memory_space<vmem>>) semaphore(%arg26 : memref<!tpu.dma_semaphore, #tpu.memory_space<semaphore_mem>>)
    %add3A_72 = arith.constant 80 : i32
    %add3A_73 = arith.addi %mul3A_4, %add3A_72 : i32
    %dma_wait3A_74 = tpu.memref_slice %arg3[%add3A_73] : memref<320000xi32, #tpu.memory_space<hbm>> -> memref<40xi32, #tpu.memory_space<hbm>>
    %dma_wait3A_75 = tpu.memref_slice %arg3[%add3A_73] : memref<320000xi32, #tpu.memory_space<hbm>> -> memref<40xi32, #tpu.memory_space<hbm>>
    tpu.wait_dma2 semaphore(%arg39 : memref<!tpu.dma_semaphore, #tpu.memory_space<semaphore_mem>>) src(%dma_wait3A_75 : memref<40xi32, #tpu.memory_space<hbm>>) dst(%arg9 : memref<40xi32, #tpu.memory_space<vmem>>)
    %dma_start3A_76 = arith.constant 0 : i32
    %dma_start3A_77 = arith.constant 0 : i32
    %dma_start3A_78 = tpu.memref_slice %arg2[%dma_start3A_76, %dma_start3A_77] : memref<10240x128xf32, #tpu.memory_space<hbm>> -> memref<10240x128xf32, #tpu.memory_space<hbm>>
    tpu.enqueue_indirect_dma source(%dma_start3A_78 : memref<10240x128xf32, #tpu.memory_space<hbm>>) target(%arg21 : memref<40x128xf32, #tpu.memory_space<vmem>>) offsets(%arg9 : memref<40xi32, #tpu.memory_space<vmem>>) semaphore(%arg27 : memref<!tpu.dma_semaphore, #tpu.memory_space<semaphore_mem>>)
    %add3A_79 = arith.constant 120 : i32
    %add3A_80 = arith.addi %mul3A_4, %add3A_79 : i32
    %dma_wait3A_81 = tpu.memref_slice %arg3[%add3A_80] : memref<320000xi32, #tpu.memory_space<hbm>> -> memref<40xi32, #tpu.memory_space<hbm>>
    %dma_wait3A_82 = tpu.memref_slice %arg3[%add3A_80] : memref<320000xi32, #tpu.memory_space<hbm>> -> memref<40xi32, #tpu.memory_space<hbm>>
    tpu.wait_dma2 semaphore(%arg40 : memref<!tpu.dma_semaphore, #tpu.memory_space<semaphore_mem>>) src(%dma_wait3A_82 : memref<40xi32, #tpu.memory_space<hbm>>) dst(%arg10 : memref<40xi32, #tpu.memory_space<vmem>>)
    %dma_start3A_83 = arith.constant 0 : i32
    %dma_start3A_84 = arith.constant 0 : i32
    %dma_start3A_85 = tpu.memref_slice %arg2[%dma_start3A_83, %dma_start3A_84] : memref<10240x128xf32, #tpu.memory_space<hbm>> -> memref<10240x128xf32, #tpu.memory_space<hbm>>
    tpu.enqueue_indirect_dma source(%dma_start3A_85 : memref<10240x128xf32, #tpu.memory_space<hbm>>) target(%arg22 : memref<40x128xf32, #tpu.memory_space<vmem>>) offsets(%arg10 : memref<40xi32, #tpu.memory_space<vmem>>) semaphore(%arg28 : memref<!tpu.dma_semaphore, #tpu.memory_space<semaphore_mem>>)
    %add3A_86 = arith.constant 160 : i32
    %add3A_87 = arith.addi %mul3A_4, %add3A_86 : i32
    %dma_wait3A_88 = tpu.memref_slice %arg3[%add3A_87] : memref<320000xi32, #tpu.memory_space<hbm>> -> memref<40xi32, #tpu.memory_space<hbm>>
    %dma_wait3A_89 = tpu.memref_slice %arg3[%add3A_87] : memref<320000xi32, #tpu.memory_space<hbm>> -> memref<40xi32, #tpu.memory_space<hbm>>
    tpu.wait_dma2 semaphore(%arg41 : memref<!tpu.dma_semaphore, #tpu.memory_space<semaphore_mem>>) src(%dma_wait3A_89 : memref<40xi32, #tpu.memory_space<hbm>>) dst(%arg11 : memref<40xi32, #tpu.memory_space<vmem>>)
    %dma_start3A_90 = arith.constant 0 : i32
    %dma_start3A_91 = arith.constant 0 : i32
    %dma_start3A_92 = tpu.memref_slice %arg2[%dma_start3A_90, %dma_start3A_91] : memref<10240x128xf32, #tpu.memory_space<hbm>> -> memref<10240x128xf32, #tpu.memory_space<hbm>>
    tpu.enqueue_indirect_dma source(%dma_start3A_92 : memref<10240x128xf32, #tpu.memory_space<hbm>>) target(%arg23 : memref<40x128xf32, #tpu.memory_space<vmem>>) offsets(%arg11 : memref<40xi32, #tpu.memory_space<vmem>>) semaphore(%arg29 : memref<!tpu.dma_semaphore, #tpu.memory_space<semaphore_mem>>)
    %add3A_93 = arith.constant 200 : i32
    %add3A_94 = arith.addi %mul3A_4, %add3A_93 : i32
    %dma_wait3A_95 = tpu.memref_slice %arg3[%add3A_94] : memref<320000xi32, #tpu.memory_space<hbm>> -> memref<40xi32, #tpu.memory_space<hbm>>
    %dma_wait3A_96 = tpu.memref_slice %arg3[%add3A_94] : memref<320000xi32, #tpu.memory_space<hbm>> -> memref<40xi32, #tpu.memory_space<hbm>>
    tpu.wait_dma2 semaphore(%arg42 : memref<!tpu.dma_semaphore, #tpu.memory_space<semaphore_mem>>) src(%dma_wait3A_96 : memref<40xi32, #tpu.memory_space<hbm>>) dst(%arg12 : memref<40xi32, #tpu.memory_space<vmem>>)
    %dma_start3A_97 = arith.constant 0 : i32
    %dma_start3A_98 = arith.constant 0 : i32
    %dma_start3A_99 = tpu.memref_slice %arg2[%dma_start3A_97, %dma_start3A_98] : memref<10240x128xf32, #tpu.memory_space<hbm>> -> memref<10240x128xf32, #tpu.memory_space<hbm>>
    tpu.enqueue_indirect_dma source(%dma_start3A_99 : memref<10240x128xf32, #tpu.memory_space<hbm>>) target(%arg24 : memref<40x128xf32, #tpu.memory_space<vmem>>) offsets(%arg12 : memref<40xi32, #tpu.memory_space<vmem>>) semaphore(%arg30 : memref<!tpu.dma_semaphore, #tpu.memory_space<semaphore_mem>>)
    %scan3A = arith.constant 0 : i32
    %scan3A_100 = arith.constant 0 : i32
    %scan3A_101 = arith.constant 41 : i32
    %scan3A_102 = arith.addi %scan3A_100, %scan3A_101 : i32
    %scan3A_103 = arith.constant 1 : i32
    scf.for %scan3A_134 = %scan3A_100 to %scan3A_102 step %scan3A_103  : i32 {
      %mul3A_135 = arith.constant 6 : i32
      %mul3A_136 = arith.muli %scan3A_134, %mul3A_135 : i32
      %add3A_137 = arith.constant 0 : i32
      %add3A_138 = arith.addi %mul3A_136, %add3A_137 : i32
      %dma_wait3A_139 = arith.constant 0 : i32
      %dma_wait3A_140 = arith.constant 0 : i32
      %dma_wait3A_141 = tpu.memref_slice %arg2[%dma_wait3A_139, %dma_wait3A_140] : memref<10240x128xf32, #tpu.memory_space<hbm>> -> memref<10240x128xf32, #tpu.memory_space<hbm>>
      tpu.wait_indirect_dma semaphore(%arg25 : memref<!tpu.dma_semaphore, #tpu.memory_space<semaphore_mem>>) src(%dma_wait3A_141 : memref<10240x128xf32, #tpu.memory_space<hbm>>) dst(%arg19 : memref<40x128xf32, #tpu.memory_space<vmem>>)
      %add3A_142 = arith.constant 0 : i32
      %add3A_143 = arith.addi %mul3A_136, %add3A_142 : i32
      %add3A_144 = arith.constant 6 : i32
      %add3A_145 = arith.addi %add3A_143, %add3A_144 : i32
      %lt3A = arith.constant 250 : i32
      %lt3A_146 = arith.cmpi slt, %add3A_145, %lt3A : i32
      %convert_element_type3A_147 = arith.extui %lt3A_146 : i1 to i32
      %cond3A_148 = arith.constant 0 : i32
      %cond3A_149 = arith.cmpi ne, %convert_element_type3A_147, %cond3A_148 : i32
      scf.if %cond3A_149 {
        %add3A_352 = arith.constant 0 : i32
        %add3A_353 = arith.addi %mul3A_136, %add3A_352 : i32
        %add3A_354 = arith.constant 6 : i32
        %add3A_355 = arith.addi %add3A_353, %add3A_354 : i32
        %mul3A_356 = arith.constant 40 : i32
        %mul3A_357 = arith.muli %add3A_355, %mul3A_356 : i32
        %add3A_358 = arith.addi %mul3A_4, %mul3A_357 : i32
        %dma_start3A_359 = tpu.memref_slice %arg3[%add3A_358] : memref<320000xi32, #tpu.memory_space<hbm>> -> memref<40xi32, #tpu.memory_space<hbm>>
        %dma_start3A_360 = tpu.memref_slice %arg3[%add3A_358] : memref<320000xi32, #tpu.memory_space<hbm>> -> memref<40xi32, #tpu.memory_space<hbm>>
        tpu.enqueue_dma source(%dma_start3A_360 : memref<40xi32, #tpu.memory_space<hbm>>) target(%arg7 : memref<40xi32, #tpu.memory_space<vmem>>) target_semaphore(%arg37 : memref<!tpu.dma_semaphore, #tpu.memory_space<semaphore_mem>>)
      } else {
      }
      %add3A_150 = arith.constant 0 : i32
      %add3A_151 = arith.addi %mul3A_136, %add3A_150 : i32
      %mul3A_152 = arith.constant 40 : i32
      %mul3A_153 = arith.muli %add3A_151, %mul3A_152 : i32
      %add3A_154 = arith.addi %mul3A_4, %mul3A_153 : i32
      %dma_wait3A_155 = tpu.memref_slice %arg4[%add3A_154] : memref<320000xi32, #tpu.memory_space<hbm>> -> memref<40xi32, #tpu.memory_space<hbm>>
      %dma_wait3A_156 = tpu.memref_slice %arg4[%add3A_154] : memref<320000xi32, #tpu.memory_space<hbm>> -> memref<40xi32, #tpu.memory_space<hbm>>
      tpu.wait_dma2 semaphore(%arg43 : memref<!tpu.dma_semaphore, #tpu.memory_space<semaphore_mem>>) src(%dma_wait3A_156 : memref<40xi32, #tpu.memory_space<hbm>>) dst(%arg13 : memref<40xi32, #tpu.memory_space<vmem>>)
      %dma_start3A_157 = arith.constant 0 : i32
      %dma_start3A_158 = arith.constant 0 : i32
      %dma_start3A_159 = tpu.memref_slice %arg6[%dma_start3A_157, %dma_start3A_158] : memref<10240x128xf32, #tpu.memory_space<vmem_shared>> -> memref<10240x128xf32, #tpu.memory_space<vmem_shared>>
      tpu.enqueue_indirect_dma source(%arg19 : memref<40x128xf32, #tpu.memory_space<vmem>>) target(%dma_start3A_159 : memref<10240x128xf32, #tpu.memory_space<vmem_shared>>) offsets(%arg13 : memref<40xi32, #tpu.memory_space<vmem>>) semaphore(%arg31 : memref<!tpu.dma_semaphore, #tpu.memory_space<semaphore_mem>>) {add = true}
      %add3A_160 = arith.constant 1 : i32
      %add3A_161 = arith.addi %mul3A_136, %add3A_160 : i32
      %dma_wait3A_162 = arith.constant 0 : i32
      %dma_wait3A_163 = arith.constant 0 : i32
      %dma_wait3A_164 = tpu.memref_slice %arg2[%dma_wait3A_162, %dma_wait3A_163] : memref<10240x128xf32, #tpu.memory_space<hbm>> -> memref<10240x128xf32, #tpu.memory_space<hbm>>
      tpu.wait_indirect_dma semaphore(%arg26 : memref<!tpu.dma_semaphore, #tpu.memory_space<semaphore_mem>>) src(%dma_wait3A_164 : memref<10240x128xf32, #tpu.memory_space<hbm>>) dst(%arg20 : memref<40x128xf32, #tpu.memory_space<vmem>>)
      %add3A_165 = arith.constant 1 : i32
      %add3A_166 = arith.addi %mul3A_136, %add3A_165 : i32
      %add3A_167 = arith.constant 6 : i32
      %add3A_168 = arith.addi %add3A_166, %add3A_167 : i32
      %lt3A_169 = arith.constant 250 : i32
      %lt3A_170 = arith.cmpi slt, %add3A_168, %lt3A_169 : i32
      %convert_element_type3A_171 = arith.extui %lt3A_170 : i1 to i32
      %cond3A_172 = arith.constant 0 : i32
      %cond3A_173 = arith.cmpi ne, %convert_element_type3A_171, %cond3A_172 : i32
      scf.if %cond3A_173 {
        %add3A_352 = arith.constant 1 : i32
        %add3A_353 = arith.addi %mul3A_136, %add3A_352 : i32
        %add3A_354 = arith.constant 6 : i32
        %add3A_355 = arith.addi %add3A_353, %add3A_354 : i32
        %mul3A_356 = arith.constant 40 : i32
        %mul3A_357 = arith.muli %add3A_355, %mul3A_356 : i32
        %add3A_358 = arith.addi %mul3A_4, %mul3A_357 : i32
        %dma_start3A_359 = tpu.memref_slice %arg3[%add3A_358] : memref<320000xi32, #tpu.memory_space<hbm>> -> memref<40xi32, #tpu.memory_space<hbm>>
        %dma_start3A_360 = tpu.memref_slice %arg3[%add3A_358] : memref<320000xi32, #tpu.memory_space<hbm>> -> memref<40xi32, #tpu.memory_space<hbm>>
        tpu.enqueue_dma source(%dma_start3A_360 : memref<40xi32, #tpu.memory_space<hbm>>) target(%arg8 : memref<40xi32, #tpu.memory_space<vmem>>) target_semaphore(%arg38 : memref<!tpu.dma_semaphore, #tpu.memory_space<semaphore_mem>>)
      } else {
      }
      %add3A_174 = arith.constant 1 : i32
      %add3A_175 = arith.addi %mul3A_136, %add3A_174 : i32
      %mul3A_176 = arith.constant 40 : i32
      %mul3A_177 = arith.muli %add3A_175, %mul3A_176 : i32
      %add3A_178 = arith.addi %mul3A_4, %mul3A_177 : i32
      %dma_wait3A_179 = tpu.memref_slice %arg4[%add3A_178] : memref<320000xi32, #tpu.memory_space<hbm>> -> memref<40xi32, #tpu.memory_space<hbm>>
      %dma_wait3A_180 = tpu.memref_slice %arg4[%add3A_178] : memref<320000xi32, #tpu.memory_space<hbm>> -> memref<40xi32, #tpu.memory_space<hbm>>
      tpu.wait_dma2 semaphore(%arg44 : memref<!tpu.dma_semaphore, #tpu.memory_space<semaphore_mem>>) src(%dma_wait3A_180 : memref<40xi32, #tpu.memory_space<hbm>>) dst(%arg14 : memref<40xi32, #tpu.memory_space<vmem>>)
      %dma_start3A_181 = arith.constant 0 : i32
      %dma_start3A_182 = arith.constant 0 : i32
      %dma_start3A_183 = tpu.memref_slice %arg6[%dma_start3A_181, %dma_start3A_182] : memref<10240x128xf32, #tpu.memory_space<vmem_shared>> -> memref<10240x128xf32, #tpu.memory_space<vmem_shared>>
      tpu.enqueue_indirect_dma source(%arg20 : memref<40x128xf32, #tpu.memory_space<vmem>>) target(%dma_start3A_183 : memref<10240x128xf32, #tpu.memory_space<vmem_shared>>) offsets(%arg14 : memref<40xi32, #tpu.memory_space<vmem>>) semaphore(%arg32 : memref<!tpu.dma_semaphore, #tpu.memory_space<semaphore_mem>>) {add = true}
      %add3A_184 = arith.constant 2 : i32
      %add3A_185 = arith.addi %mul3A_136, %add3A_184 : i32
      %dma_wait3A_186 = arith.constant 0 : i32
      %dma_wait3A_187 = arith.constant 0 : i32
      %dma_wait3A_188 = tpu.memref_slice %arg2[%dma_wait3A_186, %dma_wait3A_187] : memref<10240x128xf32, #tpu.memory_space<hbm>> -> memref<10240x128xf32, #tpu.memory_space<hbm>>
      tpu.wait_indirect_dma semaphore(%arg27 : memref<!tpu.dma_semaphore, #tpu.memory_space<semaphore_mem>>) src(%dma_wait3A_188 : memref<10240x128xf32, #tpu.memory_space<hbm>>) dst(%arg21 : memref<40x128xf32, #tpu.memory_space<vmem>>)
      %add3A_189 = arith.constant 2 : i32
      %add3A_190 = arith.addi %mul3A_136, %add3A_189 : i32
      %add3A_191 = arith.constant 6 : i32
      %add3A_192 = arith.addi %add3A_190, %add3A_191 : i32
      %lt3A_193 = arith.constant 250 : i32
      %lt3A_194 = arith.cmpi slt, %add3A_192, %lt3A_193 : i32
      %convert_element_type3A_195 = arith.extui %lt3A_194 : i1 to i32
      %cond3A_196 = arith.constant 0 : i32
      %cond3A_197 = arith.cmpi ne, %convert_element_type3A_195, %cond3A_196 : i32
      scf.if %cond3A_197 {
        %add3A_352 = arith.constant 2 : i32
        %add3A_353 = arith.addi %mul3A_136, %add3A_352 : i32
        %add3A_354 = arith.constant 6 : i32
        %add3A_355 = arith.addi %add3A_353, %add3A_354 : i32
        %mul3A_356 = arith.constant 40 : i32
        %mul3A_357 = arith.muli %add3A_355, %mul3A_356 : i32
        %add3A_358 = arith.addi %mul3A_4, %mul3A_357 : i32
        %dma_start3A_359 = tpu.memref_slice %arg3[%add3A_358] : memref<320000xi32, #tpu.memory_space<hbm>> -> memref<40xi32, #tpu.memory_space<hbm>>
        %dma_start3A_360 = tpu.memref_slice %arg3[%add3A_358] : memref<320000xi32, #tpu.memory_space<hbm>> -> memref<40xi32, #tpu.memory_space<hbm>>
        tpu.enqueue_dma source(%dma_start3A_360 : memref<40xi32, #tpu.memory_space<hbm>>) target(%arg9 : memref<40xi32, #tpu.memory_space<vmem>>) target_semaphore(%arg39 : memref<!tpu.dma_semaphore, #tpu.memory_space<semaphore_mem>>)
      } else {
      }
      %add3A_198 = arith.constant 2 : i32
      %add3A_199 = arith.addi %mul3A_136, %add3A_198 : i32
      %mul3A_200 = arith.constant 40 : i32
      %mul3A_201 = arith.muli %add3A_199, %mul3A_200 : i32
      %add3A_202 = arith.addi %mul3A_4, %mul3A_201 : i32
      %dma_wait3A_203 = tpu.memref_slice %arg4[%add3A_202] : memref<320000xi32, #tpu.memory_space<hbm>> -> memref<40xi32, #tpu.memory_space<hbm>>
      %dma_wait3A_204 = tpu.memref_slice %arg4[%add3A_202] : memref<320000xi32, #tpu.memory_space<hbm>> -> memref<40xi32, #tpu.memory_space<hbm>>
      tpu.wait_dma2 semaphore(%arg45 : memref<!tpu.dma_semaphore, #tpu.memory_space<semaphore_mem>>) src(%dma_wait3A_204 : memref<40xi32, #tpu.memory_space<hbm>>) dst(%arg15 : memref<40xi32, #tpu.memory_space<vmem>>)
      %dma_start3A_205 = arith.constant 0 : i32
      %dma_start3A_206 = arith.constant 0 : i32
      %dma_start3A_207 = tpu.memref_slice %arg6[%dma_start3A_205, %dma_start3A_206] : memref<10240x128xf32, #tpu.memory_space<vmem_shared>> -> memref<10240x128xf32, #tpu.memory_space<vmem_shared>>
      tpu.enqueue_indirect_dma source(%arg21 : memref<40x128xf32, #tpu.memory_space<vmem>>) target(%dma_start3A_207 : memref<10240x128xf32, #tpu.memory_space<vmem_shared>>) offsets(%arg15 : memref<40xi32, #tpu.memory_space<vmem>>) semaphore(%arg33 : memref<!tpu.dma_semaphore, #tpu.memory_space<semaphore_mem>>) {add = true}
      %add3A_208 = arith.constant 3 : i32
      %add3A_209 = arith.addi %mul3A_136, %add3A_208 : i32
      %dma_wait3A_210 = arith.constant 0 : i32
      %dma_wait3A_211 = arith.constant 0 : i32
      %dma_wait3A_212 = tpu.memref_slice %arg2[%dma_wait3A_210, %dma_wait3A_211] : memref<10240x128xf32, #tpu.memory_space<hbm>> -> memref<10240x128xf32, #tpu.memory_space<hbm>>
      tpu.wait_indirect_dma semaphore(%arg28 : memref<!tpu.dma_semaphore, #tpu.memory_space<semaphore_mem>>) src(%dma_wait3A_212 : memref<10240x128xf32, #tpu.memory_space<hbm>>) dst(%arg22 : memref<40x128xf32, #tpu.memory_space<vmem>>)
      %add3A_213 = arith.constant 3 : i32
      %add3A_214 = arith.addi %mul3A_136, %add3A_213 : i32
      %add3A_215 = arith.constant 6 : i32
      %add3A_216 = arith.addi %add3A_214, %add3A_215 : i32
      %lt3A_217 = arith.constant 250 : i32
      %lt3A_218 = arith.cmpi slt, %add3A_216, %lt3A_217 : i32
      %convert_element_type3A_219 = arith.extui %lt3A_218 : i1 to i32
      %cond3A_220 = arith.constant 0 : i32
      %cond3A_221 = arith.cmpi ne, %convert_element_type3A_219, %cond3A_220 : i32
      scf.if %cond3A_221 {
        %add3A_352 = arith.constant 3 : i32
        %add3A_353 = arith.addi %mul3A_136, %add3A_352 : i32
        %add3A_354 = arith.constant 6 : i32
        %add3A_355 = arith.addi %add3A_353, %add3A_354 : i32
        %mul3A_356 = arith.constant 40 : i32
        %mul3A_357 = arith.muli %add3A_355, %mul3A_356 : i32
        %add3A_358 = arith.addi %mul3A_4, %mul3A_357 : i32
        %dma_start3A_359 = tpu.memref_slice %arg3[%add3A_358] : memref<320000xi32, #tpu.memory_space<hbm>> -> memref<40xi32, #tpu.memory_space<hbm>>
        %dma_start3A_360 = tpu.memref_slice %arg3[%add3A_358] : memref<320000xi32, #tpu.memory_space<hbm>> -> memref<40xi32, #tpu.memory_space<hbm>>
        tpu.enqueue_dma source(%dma_start3A_360 : memref<40xi32, #tpu.memory_space<hbm>>) target(%arg10 : memref<40xi32, #tpu.memory_space<vmem>>) target_semaphore(%arg40 : memref<!tpu.dma_semaphore, #tpu.memory_space<semaphore_mem>>)
      } else {
      }
      %add3A_222 = arith.constant 3 : i32
      %add3A_223 = arith.addi %mul3A_136, %add3A_222 : i32
      %mul3A_224 = arith.constant 40 : i32
      %mul3A_225 = arith.muli %add3A_223, %mul3A_224 : i32
      %add3A_226 = arith.addi %mul3A_4, %mul3A_225 : i32
      %dma_wait3A_227 = tpu.memref_slice %arg4[%add3A_226] : memref<320000xi32, #tpu.memory_space<hbm>> -> memref<40xi32, #tpu.memory_space<hbm>>
      %dma_wait3A_228 = tpu.memref_slice %arg4[%add3A_226] : memref<320000xi32, #tpu.memory_space<hbm>> -> memref<40xi32, #tpu.memory_space<hbm>>
      tpu.wait_dma2 semaphore(%arg46 : memref<!tpu.dma_semaphore, #tpu.memory_space<semaphore_mem>>) src(%dma_wait3A_228 : memref<40xi32, #tpu.memory_space<hbm>>) dst(%arg16 : memref<40xi32, #tpu.memory_space<vmem>>)
      %dma_start3A_229 = arith.constant 0 : i32
      %dma_start3A_230 = arith.constant 0 : i32
      %dma_start3A_231 = tpu.memref_slice %arg6[%dma_start3A_229, %dma_start3A_230] : memref<10240x128xf32, #tpu.memory_space<vmem_shared>> -> memref<10240x128xf32, #tpu.memory_space<vmem_shared>>
      tpu.enqueue_indirect_dma source(%arg22 : memref<40x128xf32, #tpu.memory_space<vmem>>) target(%dma_start3A_231 : memref<10240x128xf32, #tpu.memory_space<vmem_shared>>) offsets(%arg16 : memref<40xi32, #tpu.memory_space<vmem>>) semaphore(%arg34 : memref<!tpu.dma_semaphore, #tpu.memory_space<semaphore_mem>>) {add = true}
      %add3A_232 = arith.constant 4 : i32
      %add3A_233 = arith.addi %mul3A_136, %add3A_232 : i32
      %dma_wait3A_234 = arith.constant 0 : i32
      %dma_wait3A_235 = arith.constant 0 : i32
      %dma_wait3A_236 = tpu.memref_slice %arg2[%dma_wait3A_234, %dma_wait3A_235] : memref<10240x128xf32, #tpu.memory_space<hbm>> -> memref<10240x128xf32, #tpu.memory_space<hbm>>
      tpu.wait_indirect_dma semaphore(%arg29 : memref<!tpu.dma_semaphore, #tpu.memory_space<semaphore_mem>>) src(%dma_wait3A_236 : memref<10240x128xf32, #tpu.memory_space<hbm>>) dst(%arg23 : memref<40x128xf32, #tpu.memory_space<vmem>>)
      %add3A_237 = arith.constant 4 : i32
      %add3A_238 = arith.addi %mul3A_136, %add3A_237 : i32
      %add3A_239 = arith.constant 6 : i32
      %add3A_240 = arith.addi %add3A_238, %add3A_239 : i32
      %lt3A_241 = arith.constant 250 : i32
      %lt3A_242 = arith.cmpi slt, %add3A_240, %lt3A_241 : i32
      %convert_element_type3A_243 = arith.extui %lt3A_242 : i1 to i32
      %cond3A_244 = arith.constant 0 : i32
      %cond3A_245 = arith.cmpi ne, %convert_element_type3A_243, %cond3A_244 : i32
      scf.if %cond3A_245 {
        %add3A_352 = arith.constant 4 : i32
        %add3A_353 = arith.addi %mul3A_136, %add3A_352 : i32
        %add3A_354 = arith.constant 6 : i32
        %add3A_355 = arith.addi %add3A_353, %add3A_354 : i32
        %mul3A_356 = arith.constant 40 : i32
        %mul3A_357 = arith.muli %add3A_355, %mul3A_356 : i32
        %add3A_358 = arith.addi %mul3A_4, %mul3A_357 : i32
        %dma_start3A_359 = tpu.memref_slice %arg3[%add3A_358] : memref<320000xi32, #tpu.memory_space<hbm>> -> memref<40xi32, #tpu.memory_space<hbm>>
        %dma_start3A_360 = tpu.memref_slice %arg3[%add3A_358] : memref<320000xi32, #tpu.memory_space<hbm>> -> memref<40xi32, #tpu.memory_space<hbm>>
        tpu.enqueue_dma source(%dma_start3A_360 : memref<40xi32, #tpu.memory_space<hbm>>) target(%arg11 : memref<40xi32, #tpu.memory_space<vmem>>) target_semaphore(%arg41 : memref<!tpu.dma_semaphore, #tpu.memory_space<semaphore_mem>>)
      } else {
      }
      %add3A_246 = arith.constant 4 : i32
      %add3A_247 = arith.addi %mul3A_136, %add3A_246 : i32
      %mul3A_248 = arith.constant 40 : i32
      %mul3A_249 = arith.muli %add3A_247, %mul3A_248 : i32
      %add3A_250 = arith.addi %mul3A_4, %mul3A_249 : i32
      %dma_wait3A_251 = tpu.memref_slice %arg4[%add3A_250] : memref<320000xi32, #tpu.memory_space<hbm>> -> memref<40xi32, #tpu.memory_space<hbm>>
      %dma_wait3A_252 = tpu.memref_slice %arg4[%add3A_250] : memref<320000xi32, #tpu.memory_space<hbm>> -> memref<40xi32, #tpu.memory_space<hbm>>
      tpu.wait_dma2 semaphore(%arg47 : memref<!tpu.dma_semaphore, #tpu.memory_space<semaphore_mem>>) src(%dma_wait3A_252 : memref<40xi32, #tpu.memory_space<hbm>>) dst(%arg17 : memref<40xi32, #tpu.memory_space<vmem>>)
      %dma_start3A_253 = arith.constant 0 : i32
      %dma_start3A_254 = arith.constant 0 : i32
      %dma_start3A_255 = tpu.memref_slice %arg6[%dma_start3A_253, %dma_start3A_254] : memref<10240x128xf32, #tpu.memory_space<vmem_shared>> -> memref<10240x128xf32, #tpu.memory_space<vmem_shared>>
      tpu.enqueue_indirect_dma source(%arg23 : memref<40x128xf32, #tpu.memory_space<vmem>>) target(%dma_start3A_255 : memref<10240x128xf32, #tpu.memory_space<vmem_shared>>) offsets(%arg17 : memref<40xi32, #tpu.memory_space<vmem>>) semaphore(%arg35 : memref<!tpu.dma_semaphore, #tpu.memory_space<semaphore_mem>>) {add = true}
      %add3A_256 = arith.constant 5 : i32
      %add3A_257 = arith.addi %mul3A_136, %add3A_256 : i32
      %dma_wait3A_258 = arith.constant 0 : i32
      %dma_wait3A_259 = arith.constant 0 : i32
      %dma_wait3A_260 = tpu.memref_slice %arg2[%dma_wait3A_258, %dma_wait3A_259] : memref<10240x128xf32, #tpu.memory_space<hbm>> -> memref<10240x128xf32, #tpu.memory_space<hbm>>
      tpu.wait_indirect_dma semaphore(%arg30 : memref<!tpu.dma_semaphore, #tpu.memory_space<semaphore_mem>>) src(%dma_wait3A_260 : memref<10240x128xf32, #tpu.memory_space<hbm>>) dst(%arg24 : memref<40x128xf32, #tpu.memory_space<vmem>>)
      %add3A_261 = arith.constant 5 : i32
      %add3A_262 = arith.addi %mul3A_136, %add3A_261 : i32
      %add3A_263 = arith.constant 6 : i32
      %add3A_264 = arith.addi %add3A_262, %add3A_263 : i32
      %lt3A_265 = arith.constant 250 : i32
      %lt3A_266 = arith.cmpi slt, %add3A_264, %lt3A_265 : i32
      %convert_element_type3A_267 = arith.extui %lt3A_266 : i1 to i32
      %cond3A_268 = arith.constant 0 : i32
      %cond3A_269 = arith.cmpi ne, %convert_element_type3A_267, %cond3A_268 : i32
      scf.if %cond3A_269 {
        %add3A_352 = arith.constant 5 : i32
        %add3A_353 = arith.addi %mul3A_136, %add3A_352 : i32
        %add3A_354 = arith.constant 6 : i32
        %add3A_355 = arith.addi %add3A_353, %add3A_354 : i32
        %mul3A_356 = arith.constant 40 : i32
        %mul3A_357 = arith.muli %add3A_355, %mul3A_356 : i32
        %add3A_358 = arith.addi %mul3A_4, %mul3A_357 : i32
        %dma_start3A_359 = tpu.memref_slice %arg3[%add3A_358] : memref<320000xi32, #tpu.memory_space<hbm>> -> memref<40xi32, #tpu.memory_space<hbm>>
        %dma_start3A_360 = tpu.memref_slice %arg3[%add3A_358] : memref<320000xi32, #tpu.memory_space<hbm>> -> memref<40xi32, #tpu.memory_space<hbm>>
        tpu.enqueue_dma source(%dma_start3A_360 : memref<40xi32, #tpu.memory_space<hbm>>) target(%arg12 : memref<40xi32, #tpu.memory_space<vmem>>) target_semaphore(%arg42 : memref<!tpu.dma_semaphore, #tpu.memory_space<semaphore_mem>>)
      } else {
      }
      %add3A_270 = arith.constant 5 : i32
      %add3A_271 = arith.addi %mul3A_136, %add3A_270 : i32
      %mul3A_272 = arith.constant 40 : i32
      %mul3A_273 = arith.muli %add3A_271, %mul3A_272 : i32
      %add3A_274 = arith.addi %mul3A_4, %mul3A_273 : i32
      %dma_wait3A_275 = tpu.memref_slice %arg4[%add3A_274] : memref<320000xi32, #tpu.memory_space<hbm>> -> memref<40xi32, #tpu.memory_space<hbm>>
      %dma_wait3A_276 = tpu.memref_slice %arg4[%add3A_274] : memref<320000xi32, #tpu.memory_space<hbm>> -> memref<40xi32, #tpu.memory_space<hbm>>
      tpu.wait_dma2 semaphore(%arg48 : memref<!tpu.dma_semaphore, #tpu.memory_space<semaphore_mem>>) src(%dma_wait3A_276 : memref<40xi32, #tpu.memory_space<hbm>>) dst(%arg18 : memref<40xi32, #tpu.memory_space<vmem>>)
      %dma_start3A_277 = arith.constant 0 : i32
      %dma_start3A_278 = arith.constant 0 : i32
      %dma_start3A_279 = tpu.memref_slice %arg6[%dma_start3A_277, %dma_start3A_278] : memref<10240x128xf32, #tpu.memory_space<vmem_shared>> -> memref<10240x128xf32, #tpu.memory_space<vmem_shared>>
      tpu.enqueue_indirect_dma source(%arg24 : memref<40x128xf32, #tpu.memory_space<vmem>>) target(%dma_start3A_279 : memref<10240x128xf32, #tpu.memory_space<vmem_shared>>) offsets(%arg18 : memref<40xi32, #tpu.memory_space<vmem>>) semaphore(%arg36 : memref<!tpu.dma_semaphore, #tpu.memory_space<semaphore_mem>>) {add = true}
      %dma_wait3A_280 = arith.constant 0 : i32
      %dma_wait3A_281 = arith.constant 0 : i32
      %dma_wait3A_282 = tpu.memref_slice %arg6[%dma_wait3A_280, %dma_wait3A_281] : memref<10240x128xf32, #tpu.memory_space<vmem_shared>> -> memref<10240x128xf32, #tpu.memory_space<vmem_shared>>
      tpu.wait_indirect_dma semaphore(%arg31 : memref<!tpu.dma_semaphore, #tpu.memory_space<semaphore_mem>>) src(%arg19 : memref<40x128xf32, #tpu.memory_space<vmem>>) dst(%dma_wait3A_282 : memref<10240x128xf32, #tpu.memory_space<vmem_shared>>)
      %add3A_283 = arith.constant 0 : i32
      %add3A_284 = arith.addi %mul3A_136, %add3A_283 : i32
      %add3A_285 = arith.constant 6 : i32
      %add3A_286 = arith.addi %add3A_284, %add3A_285 : i32
      %lt3A_287 = arith.constant 250 : i32
      %lt3A_288 = arith.cmpi slt, %add3A_286, %lt3A_287 : i32
      %convert_element_type3A_289 = arith.extui %lt3A_288 : i1 to i32
      %cond3A_290 = arith.constant 0 : i32
      %cond3A_291 = arith.cmpi ne, %convert_element_type3A_289, %cond3A_290 : i32
      scf.if %cond3A_291 {
        %add3A_352 = arith.constant 0 : i32
        %add3A_353 = arith.addi %mul3A_136, %add3A_352 : i32
        %add3A_354 = arith.constant 6 : i32
        %add3A_355 = arith.addi %add3A_353, %add3A_354 : i32
        %mul3A_356 = arith.constant 40 : i32
        %mul3A_357 = arith.muli %add3A_355, %mul3A_356 : i32
        %add3A_358 = arith.addi %mul3A_4, %mul3A_357 : i32
        %dma_start3A_359 = tpu.memref_slice %arg4[%add3A_358] : memref<320000xi32, #tpu.memory_space<hbm>> -> memref<40xi32, #tpu.memory_space<hbm>>
        %dma_start3A_360 = tpu.memref_slice %arg4[%add3A_358] : memref<320000xi32, #tpu.memory_space<hbm>> -> memref<40xi32, #tpu.memory_space<hbm>>
        tpu.enqueue_dma source(%dma_start3A_360 : memref<40xi32, #tpu.memory_space<hbm>>) target(%arg13 : memref<40xi32, #tpu.memory_space<vmem>>) target_semaphore(%arg43 : memref<!tpu.dma_semaphore, #tpu.memory_space<semaphore_mem>>)
        %add3A_361 = arith.constant 0 : i32
        %add3A_362 = arith.addi %mul3A_136, %add3A_361 : i32
        %add3A_363 = arith.constant 6 : i32
        %add3A_364 = arith.addi %add3A_362, %add3A_363 : i32
        %mul3A_365 = arith.constant 40 : i32
        %mul3A_366 = arith.muli %add3A_364, %mul3A_365 : i32
        %add3A_367 = arith.addi %mul3A_4, %mul3A_366 : i32
        %dma_wait3A_368 = tpu.memref_slice %arg3[%add3A_367] : memref<320000xi32, #tpu.memory_space<hbm>> -> memref<40xi32, #tpu.memory_space<hbm>>
        %dma_wait3A_369 = tpu.memref_slice %arg3[%add3A_367] : memref<320000xi32, #tpu.memory_space<hbm>> -> memref<40xi32, #tpu.memory_space<hbm>>
        tpu.wait_dma2 semaphore(%arg37 : memref<!tpu.dma_semaphore, #tpu.memory_space<semaphore_mem>>) src(%dma_wait3A_369 : memref<40xi32, #tpu.memory_space<hbm>>) dst(%arg7 : memref<40xi32, #tpu.memory_space<vmem>>)
        %dma_start3A_370 = arith.constant 0 : i32
        %dma_start3A_371 = arith.constant 0 : i32
        %dma_start3A_372 = tpu.memref_slice %arg2[%dma_start3A_370, %dma_start3A_371] : memref<10240x128xf32, #tpu.memory_space<hbm>> -> memref<10240x128xf32, #tpu.memory_space<hbm>>
        tpu.enqueue_indirect_dma source(%dma_start3A_372 : memref<10240x128xf32, #tpu.memory_space<hbm>>) target(%arg19 : memref<40x128xf32, #tpu.memory_space<vmem>>) offsets(%arg7 : memref<40xi32, #tpu.memory_space<vmem>>) semaphore(%arg25 : memref<!tpu.dma_semaphore, #tpu.memory_space<semaphore_mem>>)
      } else {
      }
      %dma_wait3A_292 = arith.constant 0 : i32
      %dma_wait3A_293 = arith.constant 0 : i32
      %dma_wait3A_294 = tpu.memref_slice %arg6[%dma_wait3A_292, %dma_wait3A_293] : memref<10240x128xf32, #tpu.memory_space<vmem_shared>> -> memref<10240x128xf32, #tpu.memory_space<vmem_shared>>
      tpu.wait_indirect_dma semaphore(%arg32 : memref<!tpu.dma_semaphore, #tpu.memory_space<semaphore_mem>>) src(%arg20 : memref<40x128xf32, #tpu.memory_space<vmem>>) dst(%dma_wait3A_294 : memref<10240x128xf32, #tpu.memory_space<vmem_shared>>)
      %add3A_295 = arith.constant 1 : i32
      %add3A_296 = arith.addi %mul3A_136, %add3A_295 : i32
      %add3A_297 = arith.constant 6 : i32
      %add3A_298 = arith.addi %add3A_296, %add3A_297 : i32
      %lt3A_299 = arith.constant 250 : i32
      %lt3A_300 = arith.cmpi slt, %add3A_298, %lt3A_299 : i32
      %convert_element_type3A_301 = arith.extui %lt3A_300 : i1 to i32
      %cond3A_302 = arith.constant 0 : i32
      %cond3A_303 = arith.cmpi ne, %convert_element_type3A_301, %cond3A_302 : i32
      scf.if %cond3A_303 {
        %add3A_352 = arith.constant 1 : i32
        %add3A_353 = arith.addi %mul3A_136, %add3A_352 : i32
        %add3A_354 = arith.constant 6 : i32
        %add3A_355 = arith.addi %add3A_353, %add3A_354 : i32
        %mul3A_356 = arith.constant 40 : i32
        %mul3A_357 = arith.muli %add3A_355, %mul3A_356 : i32
        %add3A_358 = arith.addi %mul3A_4, %mul3A_357 : i32
        %dma_start3A_359 = tpu.memref_slice %arg4[%add3A_358] : memref<320000xi32, #tpu.memory_space<hbm>> -> memref<40xi32, #tpu.memory_space<hbm>>
        %dma_start3A_360 = tpu.memref_slice %arg4[%add3A_358] : memref<320000xi32, #tpu.memory_space<hbm>> -> memref<40xi32, #tpu.memory_space<hbm>>
        tpu.enqueue_dma source(%dma_start3A_360 : memref<40xi32, #tpu.memory_space<hbm>>) target(%arg14 : memref<40xi32, #tpu.memory_space<vmem>>) target_semaphore(%arg44 : memref<!tpu.dma_semaphore, #tpu.memory_space<semaphore_mem>>)
        %add3A_361 = arith.constant 1 : i32
        %add3A_362 = arith.addi %mul3A_136, %add3A_361 : i32
        %add3A_363 = arith.constant 6 : i32
        %add3A_364 = arith.addi %add3A_362, %add3A_363 : i32
        %mul3A_365 = arith.constant 40 : i32
        %mul3A_366 = arith.muli %add3A_364, %mul3A_365 : i32
        %add3A_367 = arith.addi %mul3A_4, %mul3A_366 : i32
        %dma_wait3A_368 = tpu.memref_slice %arg3[%add3A_367] : memref<320000xi32, #tpu.memory_space<hbm>> -> memref<40xi32, #tpu.memory_space<hbm>>
        %dma_wait3A_369 = tpu.memref_slice %arg3[%add3A_367] : memref<320000xi32, #tpu.memory_space<hbm>> -> memref<40xi32, #tpu.memory_space<hbm>>
        tpu.wait_dma2 semaphore(%arg38 : memref<!tpu.dma_semaphore, #tpu.memory_space<semaphore_mem>>) src(%dma_wait3A_369 : memref<40xi32, #tpu.memory_space<hbm>>) dst(%arg8 : memref<40xi32, #tpu.memory_space<vmem>>)
        %dma_start3A_370 = arith.constant 0 : i32
        %dma_start3A_371 = arith.constant 0 : i32
        %dma_start3A_372 = tpu.memref_slice %arg2[%dma_start3A_370, %dma_start3A_371] : memref<10240x128xf32, #tpu.memory_space<hbm>> -> memref<10240x128xf32, #tpu.memory_space<hbm>>
        tpu.enqueue_indirect_dma source(%dma_start3A_372 : memref<10240x128xf32, #tpu.memory_space<hbm>>) target(%arg20 : memref<40x128xf32, #tpu.memory_space<vmem>>) offsets(%arg8 : memref<40xi32, #tpu.memory_space<vmem>>) semaphore(%arg26 : memref<!tpu.dma_semaphore, #tpu.memory_space<semaphore_mem>>)
      } else {
      }
      %dma_wait3A_304 = arith.constant 0 : i32
      %dma_wait3A_305 = arith.constant 0 : i32
      %dma_wait3A_306 = tpu.memref_slice %arg6[%dma_wait3A_304, %dma_wait3A_305] : memref<10240x128xf32, #tpu.memory_space<vmem_shared>> -> memref<10240x128xf32, #tpu.memory_space<vmem_shared>>
      tpu.wait_indirect_dma semaphore(%arg33 : memref<!tpu.dma_semaphore, #tpu.memory_space<semaphore_mem>>) src(%arg21 : memref<40x128xf32, #tpu.memory_space<vmem>>) dst(%dma_wait3A_306 : memref<10240x128xf32, #tpu.memory_space<vmem_shared>>)
      %add3A_307 = arith.constant 2 : i32
      %add3A_308 = arith.addi %mul3A_136, %add3A_307 : i32
      %add3A_309 = arith.constant 6 : i32
      %add3A_310 = arith.addi %add3A_308, %add3A_309 : i32
      %lt3A_311 = arith.constant 250 : i32
      %lt3A_312 = arith.cmpi slt, %add3A_310, %lt3A_311 : i32
      %convert_element_type3A_313 = arith.extui %lt3A_312 : i1 to i32
      %cond3A_314 = arith.constant 0 : i32
      %cond3A_315 = arith.cmpi ne, %convert_element_type3A_313, %cond3A_314 : i32
      scf.if %cond3A_315 {
        %add3A_352 = arith.constant 2 : i32
        %add3A_353 = arith.addi %mul3A_136, %add3A_352 : i32
        %add3A_354 = arith.constant 6 : i32
        %add3A_355 = arith.addi %add3A_353, %add3A_354 : i32
        %mul3A_356 = arith.constant 40 : i32
        %mul3A_357 = arith.muli %add3A_355, %mul3A_356 : i32
        %add3A_358 = arith.addi %mul3A_4, %mul3A_357 : i32
        %dma_start3A_359 = tpu.memref_slice %arg4[%add3A_358] : memref<320000xi32, #tpu.memory_space<hbm>> -> memref<40xi32, #tpu.memory_space<hbm>>
        %dma_start3A_360 = tpu.memref_slice %arg4[%add3A_358] : memref<320000xi32, #tpu.memory_space<hbm>> -> memref<40xi32, #tpu.memory_space<hbm>>
        tpu.enqueue_dma source(%dma_start3A_360 : memref<40xi32, #tpu.memory_space<hbm>>) target(%arg15 : memref<40xi32, #tpu.memory_space<vmem>>) target_semaphore(%arg45 : memref<!tpu.dma_semaphore, #tpu.memory_space<semaphore_mem>>)
        %add3A_361 = arith.constant 2 : i32
        %add3A_362 = arith.addi %mul3A_136, %add3A_361 : i32
        %add3A_363 = arith.constant 6 : i32
        %add3A_364 = arith.addi %add3A_362, %add3A_363 : i32
        %mul3A_365 = arith.constant 40 : i32
        %mul3A_366 = arith.muli %add3A_364, %mul3A_365 : i32
        %add3A_367 = arith.addi %mul3A_4, %mul3A_366 : i32
        %dma_wait3A_368 = tpu.memref_slice %arg3[%add3A_367] : memref<320000xi32, #tpu.memory_space<hbm>> -> memref<40xi32, #tpu.memory_space<hbm>>
        %dma_wait3A_369 = tpu.memref_slice %arg3[%add3A_367] : memref<320000xi32, #tpu.memory_space<hbm>> -> memref<40xi32, #tpu.memory_space<hbm>>
        tpu.wait_dma2 semaphore(%arg39 : memref<!tpu.dma_semaphore, #tpu.memory_space<semaphore_mem>>) src(%dma_wait3A_369 : memref<40xi32, #tpu.memory_space<hbm>>) dst(%arg9 : memref<40xi32, #tpu.memory_space<vmem>>)
        %dma_start3A_370 = arith.constant 0 : i32
        %dma_start3A_371 = arith.constant 0 : i32
        %dma_start3A_372 = tpu.memref_slice %arg2[%dma_start3A_370, %dma_start3A_371] : memref<10240x128xf32, #tpu.memory_space<hbm>> -> memref<10240x128xf32, #tpu.memory_space<hbm>>
        tpu.enqueue_indirect_dma source(%dma_start3A_372 : memref<10240x128xf32, #tpu.memory_space<hbm>>) target(%arg21 : memref<40x128xf32, #tpu.memory_space<vmem>>) offsets(%arg9 : memref<40xi32, #tpu.memory_space<vmem>>) semaphore(%arg27 : memref<!tpu.dma_semaphore, #tpu.memory_space<semaphore_mem>>)
      } else {
      }
      %dma_wait3A_316 = arith.constant 0 : i32
      %dma_wait3A_317 = arith.constant 0 : i32
      %dma_wait3A_318 = tpu.memref_slice %arg6[%dma_wait3A_316, %dma_wait3A_317] : memref<10240x128xf32, #tpu.memory_space<vmem_shared>> -> memref<10240x128xf32, #tpu.memory_space<vmem_shared>>
      tpu.wait_indirect_dma semaphore(%arg34 : memref<!tpu.dma_semaphore, #tpu.memory_space<semaphore_mem>>) src(%arg22 : memref<40x128xf32, #tpu.memory_space<vmem>>) dst(%dma_wait3A_318 : memref<10240x128xf32, #tpu.memory_space<vmem_shared>>)
      %add3A_319 = arith.constant 3 : i32
      %add3A_320 = arith.addi %mul3A_136, %add3A_319 : i32
      %add3A_321 = arith.constant 6 : i32
      %add3A_322 = arith.addi %add3A_320, %add3A_321 : i32
      %lt3A_323 = arith.constant 250 : i32
      %lt3A_324 = arith.cmpi slt, %add3A_322, %lt3A_323 : i32
      %convert_element_type3A_325 = arith.extui %lt3A_324 : i1 to i32
      %cond3A_326 = arith.constant 0 : i32
      %cond3A_327 = arith.cmpi ne, %convert_element_type3A_325, %cond3A_326 : i32
      scf.if %cond3A_327 {
        %add3A_352 = arith.constant 3 : i32
        %add3A_353 = arith.addi %mul3A_136, %add3A_352 : i32
        %add3A_354 = arith.constant 6 : i32
        %add3A_355 = arith.addi %add3A_353, %add3A_354 : i32
        %mul3A_356 = arith.constant 40 : i32
        %mul3A_357 = arith.muli %add3A_355, %mul3A_356 : i32
        %add3A_358 = arith.addi %mul3A_4, %mul3A_357 : i32
        %dma_start3A_359 = tpu.memref_slice %arg4[%add3A_358] : memref<320000xi32, #tpu.memory_space<hbm>> -> memref<40xi32, #tpu.memory_space<hbm>>
        %dma_start3A_360 = tpu.memref_slice %arg4[%add3A_358] : memref<320000xi32, #tpu.memory_space<hbm>> -> memref<40xi32, #tpu.memory_space<hbm>>
        tpu.enqueue_dma source(%dma_start3A_360 : memref<40xi32, #tpu.memory_space<hbm>>) target(%arg16 : memref<40xi32, #tpu.memory_space<vmem>>) target_semaphore(%arg46 : memref<!tpu.dma_semaphore, #tpu.memory_space<semaphore_mem>>)
        %add3A_361 = arith.constant 3 : i32
        %add3A_362 = arith.addi %mul3A_136, %add3A_361 : i32
        %add3A_363 = arith.constant 6 : i32
        %add3A_364 = arith.addi %add3A_362, %add3A_363 : i32
        %mul3A_365 = arith.constant 40 : i32
        %mul3A_366 = arith.muli %add3A_364, %mul3A_365 : i32
        %add3A_367 = arith.addi %mul3A_4, %mul3A_366 : i32
        %dma_wait3A_368 = tpu.memref_slice %arg3[%add3A_367] : memref<320000xi32, #tpu.memory_space<hbm>> -> memref<40xi32, #tpu.memory_space<hbm>>
        %dma_wait3A_369 = tpu.memref_slice %arg3[%add3A_367] : memref<320000xi32, #tpu.memory_space<hbm>> -> memref<40xi32, #tpu.memory_space<hbm>>
        tpu.wait_dma2 semaphore(%arg40 : memref<!tpu.dma_semaphore, #tpu.memory_space<semaphore_mem>>) src(%dma_wait3A_369 : memref<40xi32, #tpu.memory_space<hbm>>) dst(%arg10 : memref<40xi32, #tpu.memory_space<vmem>>)
        %dma_start3A_370 = arith.constant 0 : i32
        %dma_start3A_371 = arith.constant 0 : i32
        %dma_start3A_372 = tpu.memref_slice %arg2[%dma_start3A_370, %dma_start3A_371] : memref<10240x128xf32, #tpu.memory_space<hbm>> -> memref<10240x128xf32, #tpu.memory_space<hbm>>
        tpu.enqueue_indirect_dma source(%dma_start3A_372 : memref<10240x128xf32, #tpu.memory_space<hbm>>) target(%arg22 : memref<40x128xf32, #tpu.memory_space<vmem>>) offsets(%arg10 : memref<40xi32, #tpu.memory_space<vmem>>) semaphore(%arg28 : memref<!tpu.dma_semaphore, #tpu.memory_space<semaphore_mem>>)
      } else {
      }
      %dma_wait3A_328 = arith.constant 0 : i32
      %dma_wait3A_329 = arith.constant 0 : i32
      %dma_wait3A_330 = tpu.memref_slice %arg6[%dma_wait3A_328, %dma_wait3A_329] : memref<10240x128xf32, #tpu.memory_space<vmem_shared>> -> memref<10240x128xf32, #tpu.memory_space<vmem_shared>>
      tpu.wait_indirect_dma semaphore(%arg35 : memref<!tpu.dma_semaphore, #tpu.memory_space<semaphore_mem>>) src(%arg23 : memref<40x128xf32, #tpu.memory_space<vmem>>) dst(%dma_wait3A_330 : memref<10240x128xf32, #tpu.memory_space<vmem_shared>>)
      %add3A_331 = arith.constant 4 : i32
      %add3A_332 = arith.addi %mul3A_136, %add3A_331 : i32
      %add3A_333 = arith.constant 6 : i32
      %add3A_334 = arith.addi %add3A_332, %add3A_333 : i32
      %lt3A_335 = arith.constant 250 : i32
      %lt3A_336 = arith.cmpi slt, %add3A_334, %lt3A_335 : i32
      %convert_element_type3A_337 = arith.extui %lt3A_336 : i1 to i32
      %cond3A_338 = arith.constant 0 : i32
      %cond3A_339 = arith.cmpi ne, %convert_element_type3A_337, %cond3A_338 : i32
      scf.if %cond3A_339 {
        %add3A_352 = arith.constant 4 : i32
        %add3A_353 = arith.addi %mul3A_136, %add3A_352 : i32
        %add3A_354 = arith.constant 6 : i32
        %add3A_355 = arith.addi %add3A_353, %add3A_354 : i32
        %mul3A_356 = arith.constant 40 : i32
        %mul3A_357 = arith.muli %add3A_355, %mul3A_356 : i32
        %add3A_358 = arith.addi %mul3A_4, %mul3A_357 : i32
        %dma_start3A_359 = tpu.memref_slice %arg4[%add3A_358] : memref<320000xi32, #tpu.memory_space<hbm>> -> memref<40xi32, #tpu.memory_space<hbm>>
        %dma_start3A_360 = tpu.memref_slice %arg4[%add3A_358] : memref<320000xi32, #tpu.memory_space<hbm>> -> memref<40xi32, #tpu.memory_space<hbm>>
        tpu.enqueue_dma source(%dma_start3A_360 : memref<40xi32, #tpu.memory_space<hbm>>) target(%arg17 : memref<40xi32, #tpu.memory_space<vmem>>) target_semaphore(%arg47 : memref<!tpu.dma_semaphore, #tpu.memory_space<semaphore_mem>>)
        %add3A_361 = arith.constant 4 : i32
        %add3A_362 = arith.addi %mul3A_136, %add3A_361 : i32
        %add3A_363 = arith.constant 6 : i32
        %add3A_364 = arith.addi %add3A_362, %add3A_363 : i32
        %mul3A_365 = arith.constant 40 : i32
        %mul3A_366 = arith.muli %add3A_364, %mul3A_365 : i32
        %add3A_367 = arith.addi %mul3A_4, %mul3A_366 : i32
        %dma_wait3A_368 = tpu.memref_slice %arg3[%add3A_367] : memref<320000xi32, #tpu.memory_space<hbm>> -> memref<40xi32, #tpu.memory_space<hbm>>
        %dma_wait3A_369 = tpu.memref_slice %arg3[%add3A_367] : memref<320000xi32, #tpu.memory_space<hbm>> -> memref<40xi32, #tpu.memory_space<hbm>>
        tpu.wait_dma2 semaphore(%arg41 : memref<!tpu.dma_semaphore, #tpu.memory_space<semaphore_mem>>) src(%dma_wait3A_369 : memref<40xi32, #tpu.memory_space<hbm>>) dst(%arg11 : memref<40xi32, #tpu.memory_space<vmem>>)
        %dma_start3A_370 = arith.constant 0 : i32
        %dma_start3A_371 = arith.constant 0 : i32
        %dma_start3A_372 = tpu.memref_slice %arg2[%dma_start3A_370, %dma_start3A_371] : memref<10240x128xf32, #tpu.memory_space<hbm>> -> memref<10240x128xf32, #tpu.memory_space<hbm>>
        tpu.enqueue_indirect_dma source(%dma_start3A_372 : memref<10240x128xf32, #tpu.memory_space<hbm>>) target(%arg23 : memref<40x128xf32, #tpu.memory_space<vmem>>) offsets(%arg11 : memref<40xi32, #tpu.memory_space<vmem>>) semaphore(%arg29 : memref<!tpu.dma_semaphore, #tpu.memory_space<semaphore_mem>>)
      } else {
      }
      %dma_wait3A_340 = arith.constant 0 : i32
      %dma_wait3A_341 = arith.constant 0 : i32
      %dma_wait3A_342 = tpu.memref_slice %arg6[%dma_wait3A_340, %dma_wait3A_341] : memref<10240x128xf32, #tpu.memory_space<vmem_shared>> -> memref<10240x128xf32, #tpu.memory_space<vmem_shared>>
      tpu.wait_indirect_dma semaphore(%arg36 : memref<!tpu.dma_semaphore, #tpu.memory_space<semaphore_mem>>) src(%arg24 : memref<40x128xf32, #tpu.memory_space<vmem>>) dst(%dma_wait3A_342 : memref<10240x128xf32, #tpu.memory_space<vmem_shared>>)
      %add3A_343 = arith.constant 5 : i32
      %add3A_344 = arith.addi %mul3A_136, %add3A_343 : i32
      %add3A_345 = arith.constant 6 : i32
      %add3A_346 = arith.addi %add3A_344, %add3A_345 : i32
      %lt3A_347 = arith.constant 250 : i32
      %lt3A_348 = arith.cmpi slt, %add3A_346, %lt3A_347 : i32
      %convert_element_type3A_349 = arith.extui %lt3A_348 : i1 to i32
      %cond3A_350 = arith.constant 0 : i32
      %cond3A_351 = arith.cmpi ne, %convert_element_type3A_349, %cond3A_350 : i32
      scf.if %cond3A_351 {
        %add3A_352 = arith.constant 5 : i32
        %add3A_353 = arith.addi %mul3A_136, %add3A_352 : i32
        %add3A_354 = arith.constant 6 : i32
        %add3A_355 = arith.addi %add3A_353, %add3A_354 : i32
        %mul3A_356 = arith.constant 40 : i32
        %mul3A_357 = arith.muli %add3A_355, %mul3A_356 : i32
        %add3A_358 = arith.addi %mul3A_4, %mul3A_357 : i32
        %dma_start3A_359 = tpu.memref_slice %arg4[%add3A_358] : memref<320000xi32, #tpu.memory_space<hbm>> -> memref<40xi32, #tpu.memory_space<hbm>>
        %dma_start3A_360 = tpu.memref_slice %arg4[%add3A_358] : memref<320000xi32, #tpu.memory_space<hbm>> -> memref<40xi32, #tpu.memory_space<hbm>>
        tpu.enqueue_dma source(%dma_start3A_360 : memref<40xi32, #tpu.memory_space<hbm>>) target(%arg18 : memref<40xi32, #tpu.memory_space<vmem>>) target_semaphore(%arg48 : memref<!tpu.dma_semaphore, #tpu.memory_space<semaphore_mem>>)
        %add3A_361 = arith.constant 5 : i32
        %add3A_362 = arith.addi %mul3A_136, %add3A_361 : i32
        %add3A_363 = arith.constant 6 : i32
        %add3A_364 = arith.addi %add3A_362, %add3A_363 : i32
        %mul3A_365 = arith.constant 40 : i32
        %mul3A_366 = arith.muli %add3A_364, %mul3A_365 : i32
        %add3A_367 = arith.addi %mul3A_4, %mul3A_366 : i32
        %dma_wait3A_368 = tpu.memref_slice %arg3[%add3A_367] : memref<320000xi32, #tpu.memory_space<hbm>> -> memref<40xi32, #tpu.memory_space<hbm>>
        %dma_wait3A_369 = tpu.memref_slice %arg3[%add3A_367] : memref<320000xi32, #tpu.memory_space<hbm>> -> memref<40xi32, #tpu.memory_space<hbm>>
        tpu.wait_dma2 semaphore(%arg42 : memref<!tpu.dma_semaphore, #tpu.memory_space<semaphore_mem>>) src(%dma_wait3A_369 : memref<40xi32, #tpu.memory_space<hbm>>) dst(%arg12 : memref<40xi32, #tpu.memory_space<vmem>>)
        %dma_start3A_370 = arith.constant 0 : i32
        %dma_start3A_371 = arith.constant 0 : i32
        %dma_start3A_372 = tpu.memref_slice %arg2[%dma_start3A_370, %dma_start3A_371] : memref<10240x128xf32, #tpu.memory_space<hbm>> -> memref<10240x128xf32, #tpu.memory_space<hbm>>
        tpu.enqueue_indirect_dma source(%dma_start3A_372 : memref<10240x128xf32, #tpu.memory_space<hbm>>) target(%arg24 : memref<40x128xf32, #tpu.memory_space<vmem>>) offsets(%arg12 : memref<40xi32, #tpu.memory_space<vmem>>) semaphore(%arg30 : memref<!tpu.dma_semaphore, #tpu.memory_space<semaphore_mem>>)
      } else {
      }
    }
    %scan3A_104 = arith.constant 41 : i32
    %dma_wait3A_105 = arith.constant 0 : i32
    %dma_wait3A_106 = arith.constant 0 : i32
    %dma_wait3A_107 = tpu.memref_slice %arg2[%dma_wait3A_105, %dma_wait3A_106] : memref<10240x128xf32, #tpu.memory_space<hbm>> -> memref<10240x128xf32, #tpu.memory_space<hbm>>
    tpu.wait_indirect_dma semaphore(%arg25 : memref<!tpu.dma_semaphore, #tpu.memory_space<semaphore_mem>>) src(%dma_wait3A_107 : memref<10240x128xf32, #tpu.memory_space<hbm>>) dst(%arg19 : memref<40x128xf32, #tpu.memory_space<vmem>>)
    %add3A_108 = arith.constant 9840 : i32
    %add3A_109 = arith.addi %mul3A_4, %add3A_108 : i32
    %dma_wait3A_110 = tpu.memref_slice %arg4[%add3A_109] : memref<320000xi32, #tpu.memory_space<hbm>> -> memref<40xi32, #tpu.memory_space<hbm>>
    %dma_wait3A_111 = tpu.memref_slice %arg4[%add3A_109] : memref<320000xi32, #tpu.memory_space<hbm>> -> memref<40xi32, #tpu.memory_space<hbm>>
    tpu.wait_dma2 semaphore(%arg43 : memref<!tpu.dma_semaphore, #tpu.memory_space<semaphore_mem>>) src(%dma_wait3A_111 : memref<40xi32, #tpu.memory_space<hbm>>) dst(%arg13 : memref<40xi32, #tpu.memory_space<vmem>>)
    "tpu.region"() ({
      %run_scoped3A = tpu.sem_alloc : memref<!tpu.dma_semaphore, #tpu.memory_space<semaphore_mem>>
      %dma_start3A_134 = arith.constant 0 : i32
      %dma_start3A_135 = arith.constant 0 : i32
      %dma_start3A_136 = tpu.memref_slice %arg6[%dma_start3A_134, %dma_start3A_135] : memref<10240x128xf32, #tpu.memory_space<vmem_shared>> -> memref<10240x128xf32, #tpu.memory_space<vmem_shared>>
      tpu.enqueue_indirect_dma source(%arg19 : memref<40x128xf32, #tpu.memory_space<vmem>>) target(%dma_start3A_136 : memref<10240x128xf32, #tpu.memory_space<vmem_shared>>) offsets(%arg13 : memref<40xi32, #tpu.memory_space<vmem>>) semaphore(%run_scoped3A : memref<!tpu.dma_semaphore, #tpu.memory_space<semaphore_mem>>) {add = true}
      %dma_wait3A_137 = arith.constant 0 : i32
      %dma_wait3A_138 = arith.constant 0 : i32
      %dma_wait3A_139 = tpu.memref_slice %arg6[%dma_wait3A_137, %dma_wait3A_138] : memref<10240x128xf32, #tpu.memory_space<vmem_shared>> -> memref<10240x128xf32, #tpu.memory_space<vmem_shared>>
      tpu.wait_indirect_dma semaphore(%run_scoped3A : memref<!tpu.dma_semaphore, #tpu.memory_space<semaphore_mem>>) src(%arg19 : memref<40x128xf32, #tpu.memory_space<vmem>>) dst(%dma_wait3A_139 : memref<10240x128xf32, #tpu.memory_space<vmem_shared>>)
      tpu.yield
    }) : () -> ()
    %dma_wait3A_112 = arith.constant 0 : i32
    %dma_wait3A_113 = arith.constant 0 : i32
    %dma_wait3A_114 = tpu.memref_slice %arg2[%dma_wait3A_112, %dma_wait3A_113] : memref<10240x128xf32, #tpu.memory_space<hbm>> -> memref<10240x128xf32, #tpu.memory_space<hbm>>
    tpu.wait_indirect_dma semaphore(%arg26 : memref<!tpu.dma_semaphore, #tpu.memory_space<semaphore_mem>>) src(%dma_wait3A_114 : memref<10240x128xf32, #tpu.memory_space<hbm>>) dst(%arg20 : memref<40x128xf32, #tpu.memory_space<vmem>>)
    %add3A_115 = arith.constant 9880 : i32
    %add3A_116 = arith.addi %mul3A_4, %add3A_115 : i32
    %dma_wait3A_117 = tpu.memref_slice %arg4[%add3A_116] : memref<320000xi32, #tpu.memory_space<hbm>> -> memref<40xi32, #tpu.memory_space<hbm>>
    %dma_wait3A_118 = tpu.memref_slice %arg4[%add3A_116] : memref<320000xi32, #tpu.memory_space<hbm>> -> memref<40xi32, #tpu.memory_space<hbm>>
    tpu.wait_dma2 semaphore(%arg44 : memref<!tpu.dma_semaphore, #tpu.memory_space<semaphore_mem>>) src(%dma_wait3A_118 : memref<40xi32, #tpu.memory_space<hbm>>) dst(%arg14 : memref<40xi32, #tpu.memory_space<vmem>>)
    "tpu.region"() ({
      %run_scoped3A = tpu.sem_alloc : memref<!tpu.dma_semaphore, #tpu.memory_space<semaphore_mem>>
      %dma_start3A_134 = arith.constant 0 : i32
      %dma_start3A_135 = arith.constant 0 : i32
      %dma_start3A_136 = tpu.memref_slice %arg6[%dma_start3A_134, %dma_start3A_135] : memref<10240x128xf32, #tpu.memory_space<vmem_shared>> -> memref<10240x128xf32, #tpu.memory_space<vmem_shared>>
      tpu.enqueue_indirect_dma source(%arg20 : memref<40x128xf32, #tpu.memory_space<vmem>>) target(%dma_start3A_136 : memref<10240x128xf32, #tpu.memory_space<vmem_shared>>) offsets(%arg14 : memref<40xi32, #tpu.memory_space<vmem>>) semaphore(%run_scoped3A : memref<!tpu.dma_semaphore, #tpu.memory_space<semaphore_mem>>) {add = true}
      %dma_wait3A_137 = arith.constant 0 : i32
      %dma_wait3A_138 = arith.constant 0 : i32
      %dma_wait3A_139 = tpu.memref_slice %arg6[%dma_wait3A_137, %dma_wait3A_138] : memref<10240x128xf32, #tpu.memory_space<vmem_shared>> -> memref<10240x128xf32, #tpu.memory_space<vmem_shared>>
      tpu.wait_indirect_dma semaphore(%run_scoped3A : memref<!tpu.dma_semaphore, #tpu.memory_space<semaphore_mem>>) src(%arg20 : memref<40x128xf32, #tpu.memory_space<vmem>>) dst(%dma_wait3A_139 : memref<10240x128xf32, #tpu.memory_space<vmem_shared>>)
      tpu.yield
    }) : () -> ()
    %dma_wait3A_119 = arith.constant 0 : i32
    %dma_wait3A_120 = arith.constant 0 : i32
    %dma_wait3A_121 = tpu.memref_slice %arg2[%dma_wait3A_119, %dma_wait3A_120] : memref<10240x128xf32, #tpu.memory_space<hbm>> -> memref<10240x128xf32, #tpu.memory_space<hbm>>
    tpu.wait_indirect_dma semaphore(%arg27 : memref<!tpu.dma_semaphore, #tpu.memory_space<semaphore_mem>>) src(%dma_wait3A_121 : memref<10240x128xf32, #tpu.memory_space<hbm>>) dst(%arg21 : memref<40x128xf32, #tpu.memory_space<vmem>>)
    %add3A_122 = arith.constant 9920 : i32
    %add3A_123 = arith.addi %mul3A_4, %add3A_122 : i32
    %dma_wait3A_124 = tpu.memref_slice %arg4[%add3A_123] : memref<320000xi32, #tpu.memory_space<hbm>> -> memref<40xi32, #tpu.memory_space<hbm>>
    %dma_wait3A_125 = tpu.memref_slice %arg4[%add3A_123] : memref<320000xi32, #tpu.memory_space<hbm>> -> memref<40xi32, #tpu.memory_space<hbm>>
    tpu.wait_dma2 semaphore(%arg45 : memref<!tpu.dma_semaphore, #tpu.memory_space<semaphore_mem>>) src(%dma_wait3A_125 : memref<40xi32, #tpu.memory_space<hbm>>) dst(%arg15 : memref<40xi32, #tpu.memory_space<vmem>>)
    "tpu.region"() ({
      %run_scoped3A = tpu.sem_alloc : memref<!tpu.dma_semaphore, #tpu.memory_space<semaphore_mem>>
      %dma_start3A_134 = arith.constant 0 : i32
      %dma_start3A_135 = arith.constant 0 : i32
      %dma_start3A_136 = tpu.memref_slice %arg6[%dma_start3A_134, %dma_start3A_135] : memref<10240x128xf32, #tpu.memory_space<vmem_shared>> -> memref<10240x128xf32, #tpu.memory_space<vmem_shared>>
      tpu.enqueue_indirect_dma source(%arg21 : memref<40x128xf32, #tpu.memory_space<vmem>>) target(%dma_start3A_136 : memref<10240x128xf32, #tpu.memory_space<vmem_shared>>) offsets(%arg15 : memref<40xi32, #tpu.memory_space<vmem>>) semaphore(%run_scoped3A : memref<!tpu.dma_semaphore, #tpu.memory_space<semaphore_mem>>) {add = true}
      %dma_wait3A_137 = arith.constant 0 : i32
      %dma_wait3A_138 = arith.constant 0 : i32
      %dma_wait3A_139 = tpu.memref_slice %arg6[%dma_wait3A_137, %dma_wait3A_138] : memref<10240x128xf32, #tpu.memory_space<vmem_shared>> -> memref<10240x128xf32, #tpu.memory_space<vmem_shared>>
      tpu.wait_indirect_dma semaphore(%run_scoped3A : memref<!tpu.dma_semaphore, #tpu.memory_space<semaphore_mem>>) src(%arg21 : memref<40x128xf32, #tpu.memory_space<vmem>>) dst(%dma_wait3A_139 : memref<10240x128xf32, #tpu.memory_space<vmem_shared>>)
      tpu.yield
    }) : () -> ()
    %dma_wait3A_126 = arith.constant 0 : i32
    %dma_wait3A_127 = arith.constant 0 : i32
    %dma_wait3A_128 = tpu.memref_slice %arg2[%dma_wait3A_126, %dma_wait3A_127] : memref<10240x128xf32, #tpu.memory_space<hbm>> -> memref<10240x128xf32, #tpu.memory_space<hbm>>
    tpu.wait_indirect_dma semaphore(%arg28 : memref<!tpu.dma_semaphore, #tpu.memory_space<semaphore_mem>>) src(%dma_wait3A_128 : memref<10240x128xf32, #tpu.memory_space<hbm>>) dst(%arg22 : memref<40x128xf32, #tpu.memory_space<vmem>>)
    %add3A_129 = arith.constant 9960 : i32
    %add3A_130 = arith.addi %mul3A_4, %add3A_129 : i32
    %dma_wait3A_131 = tpu.memref_slice %arg4[%add3A_130] : memref<320000xi32, #tpu.memory_space<hbm>> -> memref<40xi32, #tpu.memory_space<hbm>>
    %dma_wait3A_132 = tpu.memref_slice %arg4[%add3A_130] : memref<320000xi32, #tpu.memory_space<hbm>> -> memref<40xi32, #tpu.memory_space<hbm>>
    tpu.wait_dma2 semaphore(%arg46 : memref<!tpu.dma_semaphore, #tpu.memory_space<semaphore_mem>>) src(%dma_wait3A_132 : memref<40xi32, #tpu.memory_space<hbm>>) dst(%arg16 : memref<40xi32, #tpu.memory_space<vmem>>)
    "tpu.region"() ({
      %run_scoped3A = tpu.sem_alloc : memref<!tpu.dma_semaphore, #tpu.memory_space<semaphore_mem>>
      %dma_start3A_134 = arith.constant 0 : i32
      %dma_start3A_135 = arith.constant 0 : i32
      %dma_start3A_136 = tpu.memref_slice %arg6[%dma_start3A_134, %dma_start3A_135] : memref<10240x128xf32, #tpu.memory_space<vmem_shared>> -> memref<10240x128xf32, #tpu.memory_space<vmem_shared>>
      tpu.enqueue_indirect_dma source(%arg22 : memref<40x128xf32, #tpu.memory_space<vmem>>) target(%dma_start3A_136 : memref<10240x128xf32, #tpu.memory_space<vmem_shared>>) offsets(%arg16 : memref<40xi32, #tpu.memory_space<vmem>>) semaphore(%run_scoped3A : memref<!tpu.dma_semaphore, #tpu.memory_space<semaphore_mem>>) {add = true}
      %dma_wait3A_137 = arith.constant 0 : i32
      %dma_wait3A_138 = arith.constant 0 : i32
      %dma_wait3A_139 = tpu.memref_slice %arg6[%dma_wait3A_137, %dma_wait3A_138] : memref<10240x128xf32, #tpu.memory_space<vmem_shared>> -> memref<10240x128xf32, #tpu.memory_space<vmem_shared>>
      tpu.wait_indirect_dma semaphore(%run_scoped3A : memref<!tpu.dma_semaphore, #tpu.memory_space<semaphore_mem>>) src(%arg22 : memref<40x128xf32, #tpu.memory_space<vmem>>) dst(%dma_wait3A_139 : memref<10240x128xf32, #tpu.memory_space<vmem_shared>>)
      tpu.yield
    }) : () -> ()
    %barrier3A_133 = arith.constant 0 : index
    tpu.barrier barrier_id(%barrier3A_133)
    "tpu.region"() ({
      %run_scoped3A = tpu.sem_alloc : memref<!tpu.dma_semaphore, #tpu.memory_space<semaphore_mem>>
      %dma_start3A_134 = arith.constant 0 : i32
      %dma_start3A_135 = tpu.memref_slice %arg5[%arg0, %mul3A_2, %dma_start3A_134] : memref<2x10240x128xf32, #tpu.memory_space<hbm>> -> memref<1x640x128xf32, #tpu.memory_space<hbm>>
      %dma_start3A_136 = tpu.memref_squeeze %dma_start3A_135 : memref<1x640x128xf32, #tpu.memory_space<hbm>> -> memref<640x128xf32, #tpu.memory_space<hbm>>
      %dma_start3A_137 = arith.constant 0 : i32
      %dma_start3A_138 = tpu.memref_slice %arg6[%mul3A_2, %dma_start3A_137] : memref<10240x128xf32, #tpu.memory_space<vmem_shared>> -> memref<640x128xf32, #tpu.memory_space<vmem_shared>>
      tpu.enqueue_dma source(%dma_start3A_138 : memref<640x128xf32, #tpu.memory_space<vmem_shared>>) target(%dma_start3A_136 : memref<640x128xf32, #tpu.memory_space<hbm>>) target_semaphore(%run_scoped3A : memref<!tpu.dma_semaphore, #tpu.memory_space<semaphore_mem>>)
      %dma_wait3A_139 = arith.constant 0 : i32
      %dma_wait3A_140 = tpu.memref_slice %arg5[%arg0, %mul3A_2, %dma_wait3A_139] : memref<2x10240x128xf32, #tpu.memory_space<hbm>> -> memref<1x640x128xf32, #tpu.memory_space<hbm>>
      %dma_wait3A_141 = tpu.memref_squeeze %dma_wait3A_140 : memref<1x640x128xf32, #tpu.memory_space<hbm>> -> memref<640x128xf32, #tpu.memory_space<hbm>>
      %dma_wait3A_142 = arith.constant 0 : i32
      %dma_wait3A_143 = tpu.memref_slice %arg6[%mul3A_2, %dma_wait3A_142] : memref<10240x128xf32, #tpu.memory_space<vmem_shared>> -> memref<640x128xf32, #tpu.memory_space<vmem_shared>>
      tpu.wait_dma2 semaphore(%run_scoped3A : memref<!tpu.dma_semaphore, #tpu.memory_space<semaphore_mem>>) src(%dma_wait3A_143 : memref<640x128xf32, #tpu.memory_space<vmem_shared>>) dst(%dma_wait3A_141 : memref<640x128xf32, #tpu.memory_space<hbm>>)
      tpu.yield
    }) : () -> ()
    return
  }
}

#map = affine_map<(d0, d1) -> (0, 0)>
#map1 = affine_map<(d0, d1) -> (0)>
module attributes {stable_mosaic.version = 14 : i64} {
  func.func @_sc_deg_body(%arg0: i32, %arg1: i32, %arg2: memref<2x320000xi32, #tpu.memory_space<hbm>>, %arg3: memref<2x10240xf32, #tpu.memory_space<hbm>>, %arg4: memref<320000xi32, #tpu.memory_space<hbm>>, %arg5: memref<10240xf32, #tpu.memory_space<vmem_shared>>, %arg6: memref<2x128xi32, #tpu.memory_space<vmem>>, %arg7: memref<2x128xi32, #tpu.memory_space<vmem>>, %arg8: memref<2x128xi32, #tpu.memory_space<vmem>>, %arg9: memref<2x128xi32, #tpu.memory_space<vmem>>, %arg10: memref<128xf32, #tpu.memory_space<vmem>>, %arg11: memref<640xf32, #tpu.memory_space<vmem>>, %arg12: memref<!tpu.dma_semaphore, #tpu.memory_space<semaphore_mem>>, %arg13: memref<!tpu.dma_semaphore, #tpu.memory_space<semaphore_mem>>, %arg14: memref<!tpu.dma_semaphore, #tpu.memory_space<semaphore_mem>>, %arg15: memref<!tpu.dma_semaphore, #tpu.memory_space<semaphore_mem>>, %arg16: memref<!tpu.dma_semaphore, #tpu.memory_space<semaphore_mem>>, %arg17: memref<!tpu.dma_semaphore, #tpu.memory_space<semaphore_mem>>, %arg18: memref<!tpu.dma_semaphore, #tpu.memory_space<semaphore_mem>>, %arg19: memref<!tpu.dma_semaphore, #tpu.memory_space<semaphore_mem>>, %arg20: memref<!tpu.dma_semaphore, #tpu.memory_space<semaphore_mem>>, %arg21: memref<!tpu.dma_semaphore, #tpu.memory_space<semaphore_mem>>, %arg22: memref<!tpu.dma_semaphore, #tpu.memory_space<semaphore_mem>>, %arg23: memref<!tpu.dma_semaphore, #tpu.memory_space<semaphore_mem>>) attributes {dimension_semantics = [#tpu.dimension_semantics<core_parallel>, #tpu.dimension_semantics<subcore_parallel>], iteration_bounds = array<i64: 2, 16>, scalar_prefetch = 0 : i64, scratch_operands = 19 : i64, tpu.core_type = #tpu.core_type<sc_vector_subcore>, window_params = [{transform_indices = #map}, {transform_indices = #map}, {transform_indices = #map1}]} {
    %mul3A = arith.constant 16 : i32
    %mul3A_0 = arith.muli %arg0, %mul3A : i32
    %add3A = arith.addi %mul3A_0, %arg1 : i32
    %lt3A = arith.constant 4 : i32
    %lt3A_1 = arith.cmpi slt, %add3A, %lt3A : i32
    %jit3A = arith.constant 1 : i32
    %jit3A_2 = arith.constant 0 : i32
    %select_n3A = arith.select %lt3A_1, %jit3A, %jit3A_2 : i32
    %add3A_3 = arith.constant 78 : i32
    %add3A_4 = arith.addi %add3A_3, %select_n3A : i32
    %mul3A_5 = arith.constant 78 : i32
    %mul3A_6 = arith.muli %add3A, %mul3A_5 : i32
    %min3A = arith.constant 4 : i32
    %min3A_7 = arith.minsi %add3A, %min3A : i32
    %add3A_8 = arith.addi %mul3A_6, %min3A_7 : i32
    %add3A_9 = arith.constant 0 : i32
    %add3A_10 = arith.addi %add3A_8, %add3A_9 : i32
    %mul3A_11 = arith.constant 128 : i32
    %mul3A_12 = arith.muli %add3A_10, %mul3A_11 : i32
    %dma_start3A = arith.constant 0 : i32
    %dma_start3A_13 = tpu.memref_slice %arg2[%dma_start3A, %mul3A_12] : memref<2x320000xi32, #tpu.memory_space<hbm>> -> memref<2x128xi32, #tpu.memory_space<hbm>>
    %dma_start3A_14 = arith.constant 0 : i32
    %dma_start3A_15 = tpu.memref_slice %arg2[%dma_start3A_14, %mul3A_12] : memref<2x320000xi32, #tpu.memory_space<hbm>> -> memref<2x128xi32, #tpu.memory_space<hbm>>
    tpu.enqueue_dma source(%dma_start3A_15 : memref<2x128xi32, #tpu.memory_space<hbm>>) target(%arg6 : memref<2x128xi32, #tpu.memory_space<vmem>>) target_semaphore(%arg12 : memref<!tpu.dma_semaphore, #tpu.memory_space<semaphore_mem>>)
    %add3A_16 = arith.constant 1 : i32
    %add3A_17 = arith.addi %add3A_8, %add3A_16 : i32
    %mul3A_18 = arith.constant 128 : i32
    %mul3A_19 = arith.muli %add3A_17, %mul3A_18 : i32
    %dma_start3A_20 = arith.constant 0 : i32
    %dma_start3A_21 = tpu.memref_slice %arg2[%dma_start3A_20, %mul3A_19] : memref<2x320000xi32, #tpu.memory_space<hbm>> -> memref<2x128xi32, #tpu.memory_space<hbm>>
    %dma_start3A_22 = arith.constant 0 : i32
    %dma_start3A_23 = tpu.memref_slice %arg2[%dma_start3A_22, %mul3A_19] : memref<2x320000xi32, #tpu.memory_space<hbm>> -> memref<2x128xi32, #tpu.memory_space<hbm>>
    tpu.enqueue_dma source(%dma_start3A_23 : memref<2x128xi32, #tpu.memory_space<hbm>>) target(%arg7 : memref<2x128xi32, #tpu.memory_space<vmem>>) target_semaphore(%arg13 : memref<!tpu.dma_semaphore, #tpu.memory_space<semaphore_mem>>)
    %add3A_24 = arith.constant 2 : i32
    %add3A_25 = arith.addi %add3A_8, %add3A_24 : i32
    %mul3A_26 = arith.constant 128 : i32
    %mul3A_27 = arith.muli %add3A_25, %mul3A_26 : i32
    %dma_start3A_28 = arith.constant 0 : i32
    %dma_start3A_29 = tpu.memref_slice %arg2[%dma_start3A_28, %mul3A_27] : memref<2x320000xi32, #tpu.memory_space<hbm>> -> memref<2x128xi32, #tpu.memory_space<hbm>>
    %dma_start3A_30 = arith.constant 0 : i32
    %dma_start3A_31 = tpu.memref_slice %arg2[%dma_start3A_30, %mul3A_27] : memref<2x320000xi32, #tpu.memory_space<hbm>> -> memref<2x128xi32, #tpu.memory_space<hbm>>
    tpu.enqueue_dma source(%dma_start3A_31 : memref<2x128xi32, #tpu.memory_space<hbm>>) target(%arg8 : memref<2x128xi32, #tpu.memory_space<vmem>>) target_semaphore(%arg14 : memref<!tpu.dma_semaphore, #tpu.memory_space<semaphore_mem>>)
    %add3A_32 = arith.constant 3 : i32
    %add3A_33 = arith.addi %add3A_8, %add3A_32 : i32
    %mul3A_34 = arith.constant 128 : i32
    %mul3A_35 = arith.muli %add3A_33, %mul3A_34 : i32
    %dma_start3A_36 = arith.constant 0 : i32
    %dma_start3A_37 = tpu.memref_slice %arg2[%dma_start3A_36, %mul3A_35] : memref<2x320000xi32, #tpu.memory_space<hbm>> -> memref<2x128xi32, #tpu.memory_space<hbm>>
    %dma_start3A_38 = arith.constant 0 : i32
    %dma_start3A_39 = tpu.memref_slice %arg2[%dma_start3A_38, %mul3A_35] : memref<2x320000xi32, #tpu.memory_space<hbm>> -> memref<2x128xi32, #tpu.memory_space<hbm>>
    tpu.enqueue_dma source(%dma_start3A_39 : memref<2x128xi32, #tpu.memory_space<hbm>>) target(%arg9 : memref<2x128xi32, #tpu.memory_space<vmem>>) target_semaphore(%arg15 : memref<!tpu.dma_semaphore, #tpu.memory_space<semaphore_mem>>)
    %broadcast_in_dim3A = arith.constant 1.000000e+00 : f32
    %broadcast_in_dim3A_40 = vector.broadcast %broadcast_in_dim3A : f32 to vector<16xf32>
    %swap3A = arith.constant 0 : index
    %swap3A_41 = tpu.vector_load %arg10[%swap3A] {strides = array<i32>} : memref<128xf32, #tpu.memory_space<vmem>>, vector<16xf32>,
    %swap3A_42 = vector.shape_cast %swap3A_41 : vector<16xf32> to vector<16xf32>
    %swap3A_43 = vector.shape_cast %broadcast_in_dim3A_40 : vector<16xf32> to vector<16xf32>
    tpu.vector_store %arg10[%swap3A], %swap3A_43 {strides = array<i32>} : memref<128xf32, #tpu.memory_space<vmem>>, vector<16xf32>,
    %broadcast_in_dim3A_44 = arith.constant 1.000000e+00 : f32
    %broadcast_in_dim3A_45 = vector.broadcast %broadcast_in_dim3A_44 : f32 to vector<16xf32>
    %swap3A_46 = arith.constant 16 : index
    %swap3A_47 = tpu.vector_load %arg10[%swap3A_46] {strides = array<i32>} : memref<128xf32, #tpu.memory_space<vmem>>, vector<16xf32>,
    %swap3A_48 = vector.shape_cast %swap3A_47 : vector<16xf32> to vector<16xf32>
    %swap3A_49 = vector.shape_cast %broadcast_in_dim3A_45 : vector<16xf32> to vector<16xf32>
    tpu.vector_store %arg10[%swap3A_46], %swap3A_49 {strides = array<i32>} : memref<128xf32, #tpu.memory_space<vmem>>, vector<16xf32>,
    %broadcast_in_dim3A_50 = arith.constant 1.000000e+00 : f32
    %broadcast_in_dim3A_51 = vector.broadcast %broadcast_in_dim3A_50 : f32 to vector<16xf32>
    %swap3A_52 = arith.constant 32 : index
    %swap3A_53 = tpu.vector_load %arg10[%swap3A_52] {strides = array<i32>} : memref<128xf32, #tpu.memory_space<vmem>>, vector<16xf32>,
    %swap3A_54 = vector.shape_cast %swap3A_53 : vector<16xf32> to vector<16xf32>
    %swap3A_55 = vector.shape_cast %broadcast_in_dim3A_51 : vector<16xf32> to vector<16xf32>
    tpu.vector_store %arg10[%swap3A_52], %swap3A_55 {strides = array<i32>} : memref<128xf32, #tpu.memory_space<vmem>>, vector<16xf32>,
    %broadcast_in_dim3A_56 = arith.constant 1.000000e+00 : f32
    %broadcast_in_dim3A_57 = vector.broadcast %broadcast_in_dim3A_56 : f32 to vector<16xf32>
    %swap3A_58 = arith.constant 48 : index
    %swap3A_59 = tpu.vector_load %arg10[%swap3A_58] {strides = array<i32>} : memref<128xf32, #tpu.memory_space<vmem>>, vector<16xf32>,
    %swap3A_60 = vector.shape_cast %swap3A_59 : vector<16xf32> to vector<16xf32>
    %swap3A_61 = vector.shape_cast %broadcast_in_dim3A_57 : vector<16xf32> to vector<16xf32>
    tpu.vector_store %arg10[%swap3A_58], %swap3A_61 {strides = array<i32>} : memref<128xf32, #tpu.memory_space<vmem>>, vector<16xf32>,
    %broadcast_in_dim3A_62 = arith.constant 1.000000e+00 : f32
    %broadcast_in_dim3A_63 = vector.broadcast %broadcast_in_dim3A_62 : f32 to vector<16xf32>
    %swap3A_64 = arith.constant 64 : index
    %swap3A_65 = tpu.vector_load %arg10[%swap3A_64] {strides = array<i32>} : memref<128xf32, #tpu.memory_space<vmem>>, vector<16xf32>,
    %swap3A_66 = vector.shape_cast %swap3A_65 : vector<16xf32> to vector<16xf32>
    %swap3A_67 = vector.shape_cast %broadcast_in_dim3A_63 : vector<16xf32> to vector<16xf32>
    tpu.vector_store %arg10[%swap3A_64], %swap3A_67 {strides = array<i32>} : memref<128xf32, #tpu.memory_space<vmem>>, vector<16xf32>,
    %broadcast_in_dim3A_68 = arith.constant 1.000000e+00 : f32
    %broadcast_in_dim3A_69 = vector.broadcast %broadcast_in_dim3A_68 : f32 to vector<16xf32>
    %swap3A_70 = arith.constant 80 : index
    %swap3A_71 = tpu.vector_load %arg10[%swap3A_70] {strides = array<i32>} : memref<128xf32, #tpu.memory_space<vmem>>, vector<16xf32>,
    %swap3A_72 = vector.shape_cast %swap3A_71 : vector<16xf32> to vector<16xf32>
    %swap3A_73 = vector.shape_cast %broadcast_in_dim3A_69 : vector<16xf32> to vector<16xf32>
    tpu.vector_store %arg10[%swap3A_70], %swap3A_73 {strides = array<i32>} : memref<128xf32, #tpu.memory_space<vmem>>, vector<16xf32>,
    %broadcast_in_dim3A_74 = arith.constant 1.000000e+00 : f32
    %broadcast_in_dim3A_75 = vector.broadcast %broadcast_in_dim3A_74 : f32 to vector<16xf32>
    %swap3A_76 = arith.constant 96 : index
    %swap3A_77 = tpu.vector_load %arg10[%swap3A_76] {strides = array<i32>} : memref<128xf32, #tpu.memory_space<vmem>>, vector<16xf32>,
    %swap3A_78 = vector.shape_cast %swap3A_77 : vector<16xf32> to vector<16xf32>
    %swap3A_79 = vector.shape_cast %broadcast_in_dim3A_75 : vector<16xf32> to vector<16xf32>
    tpu.vector_store %arg10[%swap3A_76], %swap3A_79 {strides = array<i32>} : memref<128xf32, #tpu.memory_space<vmem>>, vector<16xf32>,
    %broadcast_in_dim3A_80 = arith.constant 1.000000e+00 : f32
    %broadcast_in_dim3A_81 = vector.broadcast %broadcast_in_dim3A_80 : f32 to vector<16xf32>
    %swap3A_82 = arith.constant 112 : index
    %swap3A_83 = tpu.vector_load %arg10[%swap3A_82] {strides = array<i32>} : memref<128xf32, #tpu.memory_space<vmem>>, vector<16xf32>,
    %swap3A_84 = vector.shape_cast %swap3A_83 : vector<16xf32> to vector<16xf32>
    %swap3A_85 = vector.shape_cast %broadcast_in_dim3A_81 : vector<16xf32> to vector<16xf32>
    tpu.vector_store %arg10[%swap3A_82], %swap3A_85 {strides = array<i32>} : memref<128xf32, #tpu.memory_space<vmem>>, vector<16xf32>,
    %eq3A = arith.constant 0 : i32
    %eq3A_86 = arith.cmpi eq, %arg0, %eq3A : i32
    %jit3A_87 = arith.constant 1.000000e+00 : f32
    %jit3A_88 = arith.constant 0.000000e+00 : f32
    %select_n3A_89 = arith.select %eq3A_86, %jit3A_87, %jit3A_88 : f32
    %scan3A = arith.constant 0 : i32
    %scan3A_90 = arith.constant 0 : i32
    %scan3A_91 = arith.constant 40 : i32
    %scan3A_92 = arith.addi %scan3A_90, %scan3A_91 : i32
    %scan3A_93 = arith.constant 1 : i32
    scf.for %scan3A_120 = %scan3A_90 to %scan3A_92 step %scan3A_93  : i32 {
      %broadcast_in_dim3A_121 = arith.constant 1.000000e+00 : f32
      %broadcast_in_dim3A_122 = vector.broadcast %broadcast_in_dim3A_121 : f32 to vector<16xf32>
      %mul3A_123 = vector.broadcast %select_n3A_89 : f32 to vector<16xf32>
      %mul3A_124 = arith.mulf %broadcast_in_dim3A_122, %mul3A_123 : vector<16xf32>
      %mul3A_125 = arith.constant 16 : i32
      %mul3A_126 = arith.muli %scan3A_120, %mul3A_125 : i32
      %swap3A_127 = arith.index_cast %mul3A_126 : i32 to index
      %swap3A_128 = tpu.vector_load %arg11[%swap3A_127] {strides = array<i32>} : memref<640xf32, #tpu.memory_space<vmem>>, vector<16xf32>,
      %swap3A_129 = vector.shape_cast %swap3A_128 : vector<16xf32> to vector<16xf32>
      %swap3A_130 = vector.shape_cast %mul3A_124 : vector<16xf32> to vector<16xf32>
      tpu.vector_store %arg11[%swap3A_127], %swap3A_130 {strides = array<i32>} : memref<640xf32, #tpu.memory_space<vmem>>, vector<16xf32>,
    }
    %scan3A_94 = arith.constant 40 : i32
    %mul3A_95 = arith.constant 640 : i32
    %mul3A_96 = arith.muli %arg1, %mul3A_95 : i32
    "tpu.region"() ({
      %run_scoped3A = tpu.sem_alloc : memref<!tpu.dma_semaphore, #tpu.memory_space<semaphore_mem>>
      %dma_start3A_120 = tpu.memref_slice %arg5[%mul3A_96] : memref<10240xf32, #tpu.memory_space<vmem_shared>> -> memref<640xf32, #tpu.memory_space<vmem_shared>>
      %dma_start3A_121 = tpu.memref_slice %arg5[%mul3A_96] : memref<10240xf32, #tpu.memory_space<vmem_shared>> -> memref<640xf32, #tpu.memory_space<vmem_shared>>
      tpu.enqueue_dma source(%arg11 : memref<640xf32, #tpu.memory_space<vmem>>) target(%dma_start3A_121 : memref<640xf32, #tpu.memory_space<vmem_shared>>) target_semaphore(%run_scoped3A : memref<!tpu.dma_semaphore, #tpu.memory_space<semaphore_mem>>)
      %dma_wait3A = tpu.memref_slice %arg5[%mul3A_96] : memref<10240xf32, #tpu.memory_space<vmem_shared>> -> memref<640xf32, #tpu.memory_space<vmem_shared>>
      %dma_wait3A_122 = tpu.memref_slice %arg5[%mul3A_96] : memref<10240xf32, #tpu.memory_space<vmem_shared>> -> memref<640xf32, #tpu.memory_space<vmem_shared>>
      tpu.wait_dma2 semaphore(%run_scoped3A : memref<!tpu.dma_semaphore, #tpu.memory_space<semaphore_mem>>) src(%arg11 : memref<640xf32, #tpu.memory_space<vmem>>) dst(%dma_wait3A_122 : memref<640xf32, #tpu.memory_space<vmem_shared>>)
      tpu.yield
    }) : () -> ()
    %barrier3A = arith.constant 0 : index
    tpu.barrier barrier_id(%barrier3A)
    %scan3A_97 = arith.constant 0 : i32
    %scan3A_98 = arith.constant 0 : i32
    %scan3A_99 = arith.constant 19 : i32
    %scan3A_100 = arith.addi %scan3A_98, %scan3A_99 : i32
    %scan3A_101 = arith.constant 1 : i32
    scf.for %scan3A_120 = %scan3A_98 to %scan3A_100 step %scan3A_101  : i32 {
      %mul3A_121 = arith.constant 4 : i32
      %mul3A_122 = arith.muli %mul3A_121, %scan3A_120 : i32
      %add3A_123 = arith.constant 0 : i32
      %add3A_124 = arith.addi %mul3A_122, %add3A_123 : i32
      %add3A_125 = arith.addi %add3A_8, %add3A_124 : i32
      %mul3A_126 = arith.constant 128 : i32
      %mul3A_127 = arith.muli %add3A_125, %mul3A_126 : i32
      %dma_wait3A = arith.constant 0 : i32
      %dma_wait3A_128 = tpu.memref_slice %arg2[%dma_wait3A, %mul3A_127] : memref<2x320000xi32, #tpu.memory_space<hbm>> -> memref<2x128xi32, #tpu.memory_space<hbm>>
      %dma_wait3A_129 = arith.constant 0 : i32
      %dma_wait3A_130 = tpu.memref_slice %arg2[%dma_wait3A_129, %mul3A_127] : memref<2x320000xi32, #tpu.memory_space<hbm>> -> memref<2x128xi32, #tpu.memory_space<hbm>>
      tpu.wait_dma2 semaphore(%arg12 : memref<!tpu.dma_semaphore, #tpu.memory_space<semaphore_mem>>) src(%dma_wait3A_130 : memref<2x128xi32, #tpu.memory_space<hbm>>) dst(%arg6 : memref<2x128xi32, #tpu.memory_space<vmem>>)
      %mul3A_131 = arith.constant 128 : i32
      %mul3A_132 = arith.muli %add3A_125, %mul3A_131 : i32
      %dma_start3A_133 = arith.constant 1 : i32
      %dma_start3A_134 = arith.constant 0 : i32
      %dma_start3A_135 = tpu.memref_slice %arg6[%dma_start3A_133, %dma_start3A_134] : memref<2x128xi32, #tpu.memory_space<vmem>> -> memref<1x128xi32, #tpu.memory_space<vmem>>
      %dma_start3A_136 = tpu.memref_squeeze %dma_start3A_135 : memref<1x128xi32, #tpu.memory_space<vmem>> -> memref<128xi32, #tpu.memory_space<vmem>>
      %dma_start3A_137 = tpu.memref_slice %arg4[%mul3A_132] : memref<320000xi32, #tpu.memory_space<hbm>> -> memref<128xi32, #tpu.memory_space<hbm>>
      %dma_start3A_138 = tpu.memref_slice %arg4[%mul3A_132] : memref<320000xi32, #tpu.memory_space<hbm>> -> memref<128xi32, #tpu.memory_space<hbm>>
      %dma_start3A_139 = arith.constant 0 : i32
      %dma_start3A_140 = tpu.memref_slice %arg6[%dma_start3A_133, %dma_start3A_139] : memref<2x128xi32, #tpu.memory_space<vmem>> -> memref<1x128xi32, #tpu.memory_space<vmem>>
      %dma_start3A_141 = tpu.memref_squeeze %dma_start3A_140 : memref<1x128xi32, #tpu.memory_space<vmem>> -> memref<128xi32, #tpu.memory_space<vmem>>
      tpu.enqueue_dma source(%dma_start3A_141 : memref<128xi32, #tpu.memory_space<vmem>>) target(%dma_start3A_138 : memref<128xi32, #tpu.memory_space<hbm>>) target_semaphore(%arg16 : memref<!tpu.dma_semaphore, #tpu.memory_space<semaphore_mem>>)
      %dma_start3A_142 = arith.constant 1 : i32
      %dma_start3A_143 = arith.constant 0 : i32
      %dma_start3A_144 = tpu.memref_slice %arg6[%dma_start3A_142, %dma_start3A_143] : memref<2x128xi32, #tpu.memory_space<vmem>> -> memref<1x128xi32, #tpu.memory_space<vmem>>
      %dma_start3A_145 = tpu.memref_squeeze %dma_start3A_144 : memref<1x128xi32, #tpu.memory_space<vmem>> -> memref<128xi32, #tpu.memory_space<vmem>>
      %dma_start3A_146 = arith.constant 0 : i32
      %dma_start3A_147 = tpu.memref_slice %arg5[%dma_start3A_146] : memref<10240xf32, #tpu.memory_space<vmem_shared>> -> memref<10240xf32, #tpu.memory_space<vmem_shared>>
      tpu.enqueue_indirect_dma source(%arg10 : memref<128xf32, #tpu.memory_space<vmem>>) target(%dma_start3A_147 : memref<10240xf32, #tpu.memory_space<vmem_shared>>) offsets(%dma_start3A_145 : memref<128xi32, #tpu.memory_space<vmem>>) semaphore(%arg20 : memref<!tpu.dma_semaphore, #tpu.memory_space<semaphore_mem>>) {add = true}
      %add3A_148 = arith.constant 1 : i32
      %add3A_149 = arith.addi %mul3A_122, %add3A_148 : i32
      %add3A_150 = arith.addi %add3A_8, %add3A_149 : i32
      %mul3A_151 = arith.constant 128 : i32
      %mul3A_152 = arith.muli %add3A_150, %mul3A_151 : i32
      %dma_wait3A_153 = arith.constant 0 : i32
      %dma_wait3A_154 = tpu.memref_slice %arg2[%dma_wait3A_153, %mul3A_152] : memref<2x320000xi32, #tpu.memory_space<hbm>> -> memref<2x128xi32, #tpu.memory_space<hbm>>
      %dma_wait3A_155 = arith.constant 0 : i32
      %dma_wait3A_156 = tpu.memref_slice %arg2[%dma_wait3A_155, %mul3A_152] : memref<2x320000xi32, #tpu.memory_space<hbm>> -> memref<2x128xi32, #tpu.memory_space<hbm>>
      tpu.wait_dma2 semaphore(%arg13 : memref<!tpu.dma_semaphore, #tpu.memory_space<semaphore_mem>>) src(%dma_wait3A_156 : memref<2x128xi32, #tpu.memory_space<hbm>>) dst(%arg7 : memref<2x128xi32, #tpu.memory_space<vmem>>)
      %mul3A_157 = arith.constant 128 : i32
      %mul3A_158 = arith.muli %add3A_150, %mul3A_157 : i32
      %dma_start3A_159 = arith.constant 1 : i32
      %dma_start3A_160 = arith.constant 0 : i32
      %dma_start3A_161 = tpu.memref_slice %arg7[%dma_start3A_159, %dma_start3A_160] : memref<2x128xi32, #tpu.memory_space<vmem>> -> memref<1x128xi32, #tpu.memory_space<vmem>>
      %dma_start3A_162 = tpu.memref_squeeze %dma_start3A_161 : memref<1x128xi32, #tpu.memory_space<vmem>> -> memref<128xi32, #tpu.memory_space<vmem>>
      %dma_start3A_163 = tpu.memref_slice %arg4[%mul3A_158] : memref<320000xi32, #tpu.memory_space<hbm>> -> memref<128xi32, #tpu.memory_space<hbm>>
      %dma_start3A_164 = tpu.memref_slice %arg4[%mul3A_158] : memref<320000xi32, #tpu.memory_space<hbm>> -> memref<128xi32, #tpu.memory_space<hbm>>
      %dma_start3A_165 = arith.constant 0 : i32
      %dma_start3A_166 = tpu.memref_slice %arg7[%dma_start3A_159, %dma_start3A_165] : memref<2x128xi32, #tpu.memory_space<vmem>> -> memref<1x128xi32, #tpu.memory_space<vmem>>
      %dma_start3A_167 = tpu.memref_squeeze %dma_start3A_166 : memref<1x128xi32, #tpu.memory_space<vmem>> -> memref<128xi32, #tpu.memory_space<vmem>>
      tpu.enqueue_dma source(%dma_start3A_167 : memref<128xi32, #tpu.memory_space<vmem>>) target(%dma_start3A_164 : memref<128xi32, #tpu.memory_space<hbm>>) target_semaphore(%arg17 : memref<!tpu.dma_semaphore, #tpu.memory_space<semaphore_mem>>)
      %dma_start3A_168 = arith.constant 1 : i32
      %dma_start3A_169 = arith.constant 0 : i32
      %dma_start3A_170 = tpu.memref_slice %arg7[%dma_start3A_168, %dma_start3A_169] : memref<2x128xi32, #tpu.memory_space<vmem>> -> memref<1x128xi32, #tpu.memory_space<vmem>>
      %dma_start3A_171 = tpu.memref_squeeze %dma_start3A_170 : memref<1x128xi32, #tpu.memory_space<vmem>> -> memref<128xi32, #tpu.memory_space<vmem>>
      %dma_start3A_172 = arith.constant 0 : i32
      %dma_start3A_173 = tpu.memref_slice %arg5[%dma_start3A_172] : memref<10240xf32, #tpu.memory_space<vmem_shared>> -> memref<10240xf32, #tpu.memory_space<vmem_shared>>
      tpu.enqueue_indirect_dma source(%arg10 : memref<128xf32, #tpu.memory_space<vmem>>) target(%dma_start3A_173 : memref<10240xf32, #tpu.memory_space<vmem_shared>>) offsets(%dma_start3A_171 : memref<128xi32, #tpu.memory_space<vmem>>) semaphore(%arg21 : memref<!tpu.dma_semaphore, #tpu.memory_space<semaphore_mem>>) {add = true}
      %add3A_174 = arith.constant 2 : i32
      %add3A_175 = arith.addi %mul3A_122, %add3A_174 : i32
      %add3A_176 = arith.addi %add3A_8, %add3A_175 : i32
      %mul3A_177 = arith.constant 128 : i32
      %mul3A_178 = arith.muli %add3A_176, %mul3A_177 : i32
      %dma_wait3A_179 = arith.constant 0 : i32
      %dma_wait3A_180 = tpu.memref_slice %arg2[%dma_wait3A_179, %mul3A_178] : memref<2x320000xi32, #tpu.memory_space<hbm>> -> memref<2x128xi32, #tpu.memory_space<hbm>>
      %dma_wait3A_181 = arith.constant 0 : i32
      %dma_wait3A_182 = tpu.memref_slice %arg2[%dma_wait3A_181, %mul3A_178] : memref<2x320000xi32, #tpu.memory_space<hbm>> -> memref<2x128xi32, #tpu.memory_space<hbm>>
      tpu.wait_dma2 semaphore(%arg14 : memref<!tpu.dma_semaphore, #tpu.memory_space<semaphore_mem>>) src(%dma_wait3A_182 : memref<2x128xi32, #tpu.memory_space<hbm>>) dst(%arg8 : memref<2x128xi32, #tpu.memory_space<vmem>>)
      %mul3A_183 = arith.constant 128 : i32
      %mul3A_184 = arith.muli %add3A_176, %mul3A_183 : i32
      %dma_start3A_185 = arith.constant 1 : i32
      %dma_start3A_186 = arith.constant 0 : i32
      %dma_start3A_187 = tpu.memref_slice %arg8[%dma_start3A_185, %dma_start3A_186] : memref<2x128xi32, #tpu.memory_space<vmem>> -> memref<1x128xi32, #tpu.memory_space<vmem>>
      %dma_start3A_188 = tpu.memref_squeeze %dma_start3A_187 : memref<1x128xi32, #tpu.memory_space<vmem>> -> memref<128xi32, #tpu.memory_space<vmem>>
      %dma_start3A_189 = tpu.memref_slice %arg4[%mul3A_184] : memref<320000xi32, #tpu.memory_space<hbm>> -> memref<128xi32, #tpu.memory_space<hbm>>
      %dma_start3A_190 = tpu.memref_slice %arg4[%mul3A_184] : memref<320000xi32, #tpu.memory_space<hbm>> -> memref<128xi32, #tpu.memory_space<hbm>>
      %dma_start3A_191 = arith.constant 0 : i32
      %dma_start3A_192 = tpu.memref_slice %arg8[%dma_start3A_185, %dma_start3A_191] : memref<2x128xi32, #tpu.memory_space<vmem>> -> memref<1x128xi32, #tpu.memory_space<vmem>>
      %dma_start3A_193 = tpu.memref_squeeze %dma_start3A_192 : memref<1x128xi32, #tpu.memory_space<vmem>> -> memref<128xi32, #tpu.memory_space<vmem>>
      tpu.enqueue_dma source(%dma_start3A_193 : memref<128xi32, #tpu.memory_space<vmem>>) target(%dma_start3A_190 : memref<128xi32, #tpu.memory_space<hbm>>) target_semaphore(%arg18 : memref<!tpu.dma_semaphore, #tpu.memory_space<semaphore_mem>>)
      %dma_start3A_194 = arith.constant 1 : i32
      %dma_start3A_195 = arith.constant 0 : i32
      %dma_start3A_196 = tpu.memref_slice %arg8[%dma_start3A_194, %dma_start3A_195] : memref<2x128xi32, #tpu.memory_space<vmem>> -> memref<1x128xi32, #tpu.memory_space<vmem>>
      %dma_start3A_197 = tpu.memref_squeeze %dma_start3A_196 : memref<1x128xi32, #tpu.memory_space<vmem>> -> memref<128xi32, #tpu.memory_space<vmem>>
      %dma_start3A_198 = arith.constant 0 : i32
      %dma_start3A_199 = tpu.memref_slice %arg5[%dma_start3A_198] : memref<10240xf32, #tpu.memory_space<vmem_shared>> -> memref<10240xf32, #tpu.memory_space<vmem_shared>>
      tpu.enqueue_indirect_dma source(%arg10 : memref<128xf32, #tpu.memory_space<vmem>>) target(%dma_start3A_199 : memref<10240xf32, #tpu.memory_space<vmem_shared>>) offsets(%dma_start3A_197 : memref<128xi32, #tpu.memory_space<vmem>>) semaphore(%arg22 : memref<!tpu.dma_semaphore, #tpu.memory_space<semaphore_mem>>) {add = true}
      %add3A_200 = arith.constant 3 : i32
      %add3A_201 = arith.addi %mul3A_122, %add3A_200 : i32
      %add3A_202 = arith.addi %add3A_8, %add3A_201 : i32
      %mul3A_203 = arith.constant 128 : i32
      %mul3A_204 = arith.muli %add3A_202, %mul3A_203 : i32
      %dma_wait3A_205 = arith.constant 0 : i32
      %dma_wait3A_206 = tpu.memref_slice %arg2[%dma_wait3A_205, %mul3A_204] : memref<2x320000xi32, #tpu.memory_space<hbm>> -> memref<2x128xi32, #tpu.memory_space<hbm>>
      %dma_wait3A_207 = arith.constant 0 : i32
      %dma_wait3A_208 = tpu.memref_slice %arg2[%dma_wait3A_207, %mul3A_204] : memref<2x320000xi32, #tpu.memory_space<hbm>> -> memref<2x128xi32, #tpu.memory_space<hbm>>
      tpu.wait_dma2 semaphore(%arg15 : memref<!tpu.dma_semaphore, #tpu.memory_space<semaphore_mem>>) src(%dma_wait3A_208 : memref<2x128xi32, #tpu.memory_space<hbm>>) dst(%arg9 : memref<2x128xi32, #tpu.memory_space<vmem>>)
      %mul3A_209 = arith.constant 128 : i32
      %mul3A_210 = arith.muli %add3A_202, %mul3A_209 : i32
      %dma_start3A_211 = arith.constant 1 : i32
      %dma_start3A_212 = arith.constant 0 : i32
      %dma_start3A_213 = tpu.memref_slice %arg9[%dma_start3A_211, %dma_start3A_212] : memref<2x128xi32, #tpu.memory_space<vmem>> -> memref<1x128xi32, #tpu.memory_space<vmem>>
      %dma_start3A_214 = tpu.memref_squeeze %dma_start3A_213 : memref<1x128xi32, #tpu.memory_space<vmem>> -> memref<128xi32, #tpu.memory_space<vmem>>
      %dma_start3A_215 = tpu.memref_slice %arg4[%mul3A_210] : memref<320000xi32, #tpu.memory_space<hbm>> -> memref<128xi32, #tpu.memory_space<hbm>>
      %dma_start3A_216 = tpu.memref_slice %arg4[%mul3A_210] : memref<320000xi32, #tpu.memory_space<hbm>> -> memref<128xi32, #tpu.memory_space<hbm>>
      %dma_start3A_217 = arith.constant 0 : i32
      %dma_start3A_218 = tpu.memref_slice %arg9[%dma_start3A_211, %dma_start3A_217] : memref<2x128xi32, #tpu.memory_space<vmem>> -> memref<1x128xi32, #tpu.memory_space<vmem>>
      %dma_start3A_219 = tpu.memref_squeeze %dma_start3A_218 : memref<1x128xi32, #tpu.memory_space<vmem>> -> memref<128xi32, #tpu.memory_space<vmem>>
      tpu.enqueue_dma source(%dma_start3A_219 : memref<128xi32, #tpu.memory_space<vmem>>) target(%dma_start3A_216 : memref<128xi32, #tpu.memory_space<hbm>>) target_semaphore(%arg19 : memref<!tpu.dma_semaphore, #tpu.memory_space<semaphore_mem>>)
      %dma_start3A_220 = arith.constant 1 : i32
      %dma_start3A_221 = arith.constant 0 : i32
      %dma_start3A_222 = tpu.memref_slice %arg9[%dma_start3A_220, %dma_start3A_221] : memref<2x128xi32, #tpu.memory_space<vmem>> -> memref<1x128xi32, #tpu.memory_space<vmem>>
      %dma_start3A_223 = tpu.memref_squeeze %dma_start3A_222 : memref<1x128xi32, #tpu.memory_space<vmem>> -> memref<128xi32, #tpu.memory_space<vmem>>
      %dma_start3A_224 = arith.constant 0 : i32
      %dma_start3A_225 = tpu.memref_slice %arg5[%dma_start3A_224] : memref<10240xf32, #tpu.memory_space<vmem_shared>> -> memref<10240xf32, #tpu.memory_space<vmem_shared>>
      tpu.enqueue_indirect_dma source(%arg10 : memref<128xf32, #tpu.memory_space<vmem>>) target(%dma_start3A_225 : memref<10240xf32, #tpu.memory_space<vmem_shared>>) offsets(%dma_start3A_223 : memref<128xi32, #tpu.memory_space<vmem>>) semaphore(%arg23 : memref<!tpu.dma_semaphore, #tpu.memory_space<semaphore_mem>>) {add = true}
      %dma_wait3A_226 = arith.constant 1 : i32
      %dma_wait3A_227 = arith.constant 0 : i32
      %dma_wait3A_228 = tpu.memref_slice %arg6[%dma_wait3A_226, %dma_wait3A_227] : memref<2x128xi32, #tpu.memory_space<vmem>> -> memref<1x128xi32, #tpu.memory_space<vmem>>
      %dma_wait3A_229 = tpu.memref_squeeze %dma_wait3A_228 : memref<1x128xi32, #tpu.memory_space<vmem>> -> memref<128xi32, #tpu.memory_space<vmem>>
      %dma_wait3A_230 = tpu.memref_slice %arg4[%mul3A_132] : memref<320000xi32, #tpu.memory_space<hbm>> -> memref<128xi32, #tpu.memory_space<hbm>>
      %dma_wait3A_231 = tpu.memref_slice %arg4[%mul3A_132] : memref<320000xi32, #tpu.memory_space<hbm>> -> memref<128xi32, #tpu.memory_space<hbm>>
      %dma_wait3A_232 = arith.constant 0 : i32
      %dma_wait3A_233 = tpu.memref_slice %arg6[%dma_wait3A_226, %dma_wait3A_232] : memref<2x128xi32, #tpu.memory_space<vmem>> -> memref<1x128xi32, #tpu.memory_space<vmem>>
      %dma_wait3A_234 = tpu.memref_squeeze %dma_wait3A_233 : memref<1x128xi32, #tpu.memory_space<vmem>> -> memref<128xi32, #tpu.memory_space<vmem>>
      tpu.wait_dma2 semaphore(%arg16 : memref<!tpu.dma_semaphore, #tpu.memory_space<semaphore_mem>>) src(%dma_wait3A_234 : memref<128xi32, #tpu.memory_space<vmem>>) dst(%dma_wait3A_231 : memref<128xi32, #tpu.memory_space<hbm>>)
      %dma_wait3A_235 = arith.constant 1 : i32
      %dma_wait3A_236 = arith.constant 0 : i32
      %dma_wait3A_237 = tpu.memref_slice %arg6[%dma_wait3A_235, %dma_wait3A_236] : memref<2x128xi32, #tpu.memory_space<vmem>> -> memref<1x128xi32, #tpu.memory_space<vmem>>
      %dma_wait3A_238 = tpu.memref_squeeze %dma_wait3A_237 : memref<1x128xi32, #tpu.memory_space<vmem>> -> memref<128xi32, #tpu.memory_space<vmem>>
      %dma_wait3A_239 = arith.constant 0 : i32
      %dma_wait3A_240 = tpu.memref_slice %arg5[%dma_wait3A_239] : memref<10240xf32, #tpu.memory_space<vmem_shared>> -> memref<10240xf32, #tpu.memory_space<vmem_shared>>
      tpu.wait_indirect_dma semaphore(%arg20 : memref<!tpu.dma_semaphore, #tpu.memory_space<semaphore_mem>>) src(%arg10 : memref<128xf32, #tpu.memory_space<vmem>>) dst(%dma_wait3A_240 : memref<10240xf32, #tpu.memory_space<vmem_shared>>)
      %add3A_241 = arith.constant 0 : i32
      %add3A_242 = arith.addi %mul3A_122, %add3A_241 : i32
      %add3A_243 = arith.constant 4 : i32
      %add3A_244 = arith.addi %add3A_242, %add3A_243 : i32
      %lt3A_245 = arith.cmpi slt, %add3A_244, %add3A_4 : i32
      %convert_element_type3A_246 = arith.extui %lt3A_245 : i1 to i32
      %cond3A_247 = arith.constant 0 : i32
      %cond3A_248 = arith.cmpi ne, %convert_element_type3A_246, %cond3A_247 : i32
      scf.if %cond3A_248 {
        %add3A_318 = arith.addi %add3A_8, %mul3A_122 : i32
        %add3A_319 = arith.constant 0 : i32
        %add3A_320 = arith.addi %add3A_318, %add3A_319 : i32
        %add3A_321 = arith.constant 4 : i32
        %add3A_322 = arith.addi %add3A_320, %add3A_321 : i32
        %mul3A_323 = arith.constant 128 : i32
        %mul3A_324 = arith.muli %add3A_322, %mul3A_323 : i32
        %dma_start3A_325 = arith.constant 0 : i32
        %dma_start3A_326 = tpu.memref_slice %arg2[%dma_start3A_325, %mul3A_324] : memref<2x320000xi32, #tpu.memory_space<hbm>> -> memref<2x128xi32, #tpu.memory_space<hbm>>
        %dma_start3A_327 = arith.constant 0 : i32
        %dma_start3A_328 = tpu.memref_slice %arg2[%dma_start3A_327, %mul3A_324] : memref<2x320000xi32, #tpu.memory_space<hbm>> -> memref<2x128xi32, #tpu.memory_space<hbm>>
        tpu.enqueue_dma source(%dma_start3A_328 : memref<2x128xi32, #tpu.memory_space<hbm>>) target(%arg6 : memref<2x128xi32, #tpu.memory_space<vmem>>) target_semaphore(%arg12 : memref<!tpu.dma_semaphore, #tpu.memory_space<semaphore_mem>>)
      } else {
      }
      %dma_wait3A_249 = arith.constant 1 : i32
      %dma_wait3A_250 = arith.constant 0 : i32
      %dma_wait3A_251 = tpu.memref_slice %arg7[%dma_wait3A_249, %dma_wait3A_250] : memref<2x128xi32, #tpu.memory_space<vmem>> -> memref<1x128xi32, #tpu.memory_space<vmem>>
      %dma_wait3A_252 = tpu.memref_squeeze %dma_wait3A_251 : memref<1x128xi32, #tpu.memory_space<vmem>> -> memref<128xi32, #tpu.memory_space<vmem>>
      %dma_wait3A_253 = tpu.memref_slice %arg4[%mul3A_158] : memref<320000xi32, #tpu.memory_space<hbm>> -> memref<128xi32, #tpu.memory_space<hbm>>
      %dma_wait3A_254 = tpu.memref_slice %arg4[%mul3A_158] : memref<320000xi32, #tpu.memory_space<hbm>> -> memref<128xi32, #tpu.memory_space<hbm>>
      %dma_wait3A_255 = arith.constant 0 : i32
      %dma_wait3A_256 = tpu.memref_slice %arg7[%dma_wait3A_249, %dma_wait3A_255] : memref<2x128xi32, #tpu.memory_space<vmem>> -> memref<1x128xi32, #tpu.memory_space<vmem>>
      %dma_wait3A_257 = tpu.memref_squeeze %dma_wait3A_256 : memref<1x128xi32, #tpu.memory_space<vmem>> -> memref<128xi32, #tpu.memory_space<vmem>>
      tpu.wait_dma2 semaphore(%arg17 : memref<!tpu.dma_semaphore, #tpu.memory_space<semaphore_mem>>) src(%dma_wait3A_257 : memref<128xi32, #tpu.memory_space<vmem>>) dst(%dma_wait3A_254 : memref<128xi32, #tpu.memory_space<hbm>>)
      %dma_wait3A_258 = arith.constant 1 : i32
      %dma_wait3A_259 = arith.constant 0 : i32
      %dma_wait3A_260 = tpu.memref_slice %arg7[%dma_wait3A_258, %dma_wait3A_259] : memref<2x128xi32, #tpu.memory_space<vmem>> -> memref<1x128xi32, #tpu.memory_space<vmem>>
      %dma_wait3A_261 = tpu.memref_squeeze %dma_wait3A_260 : memref<1x128xi32, #tpu.memory_space<vmem>> -> memref<128xi32, #tpu.memory_space<vmem>>
      %dma_wait3A_262 = arith.constant 0 : i32
      %dma_wait3A_263 = tpu.memref_slice %arg5[%dma_wait3A_262] : memref<10240xf32, #tpu.memory_space<vmem_shared>> -> memref<10240xf32, #tpu.memory_space<vmem_shared>>
      tpu.wait_indirect_dma semaphore(%arg21 : memref<!tpu.dma_semaphore, #tpu.memory_space<semaphore_mem>>) src(%arg10 : memref<128xf32, #tpu.memory_space<vmem>>) dst(%dma_wait3A_263 : memref<10240xf32, #tpu.memory_space<vmem_shared>>)
      %add3A_264 = arith.constant 1 : i32
      %add3A_265 = arith.addi %mul3A_122, %add3A_264 : i32
      %add3A_266 = arith.constant 4 : i32
      %add3A_267 = arith.addi %add3A_265, %add3A_266 : i32
      %lt3A_268 = arith.cmpi slt, %add3A_267, %add3A_4 : i32
      %convert_element_type3A_269 = arith.extui %lt3A_268 : i1 to i32
      %cond3A_270 = arith.constant 0 : i32
      %cond3A_271 = arith.cmpi ne, %convert_element_type3A_269, %cond3A_270 : i32
      scf.if %cond3A_271 {
        %add3A_318 = arith.addi %add3A_8, %mul3A_122 : i32
        %add3A_319 = arith.constant 1 : i32
        %add3A_320 = arith.addi %add3A_318, %add3A_319 : i32
        %add3A_321 = arith.constant 4 : i32
        %add3A_322 = arith.addi %add3A_320, %add3A_321 : i32
        %mul3A_323 = arith.constant 128 : i32
        %mul3A_324 = arith.muli %add3A_322, %mul3A_323 : i32
        %dma_start3A_325 = arith.constant 0 : i32
        %dma_start3A_326 = tpu.memref_slice %arg2[%dma_start3A_325, %mul3A_324] : memref<2x320000xi32, #tpu.memory_space<hbm>> -> memref<2x128xi32, #tpu.memory_space<hbm>>
        %dma_start3A_327 = arith.constant 0 : i32
        %dma_start3A_328 = tpu.memref_slice %arg2[%dma_start3A_327, %mul3A_324] : memref<2x320000xi32, #tpu.memory_space<hbm>> -> memref<2x128xi32, #tpu.memory_space<hbm>>
        tpu.enqueue_dma source(%dma_start3A_328 : memref<2x128xi32, #tpu.memory_space<hbm>>) target(%arg7 : memref<2x128xi32, #tpu.memory_space<vmem>>) target_semaphore(%arg13 : memref<!tpu.dma_semaphore, #tpu.memory_space<semaphore_mem>>)
      } else {
      }
      %dma_wait3A_272 = arith.constant 1 : i32
      %dma_wait3A_273 = arith.constant 0 : i32
      %dma_wait3A_274 = tpu.memref_slice %arg8[%dma_wait3A_272, %dma_wait3A_273] : memref<2x128xi32, #tpu.memory_space<vmem>> -> memref<1x128xi32, #tpu.memory_space<vmem>>
      %dma_wait3A_275 = tpu.memref_squeeze %dma_wait3A_274 : memref<1x128xi32, #tpu.memory_space<vmem>> -> memref<128xi32, #tpu.memory_space<vmem>>
      %dma_wait3A_276 = tpu.memref_slice %arg4[%mul3A_184] : memref<320000xi32, #tpu.memory_space<hbm>> -> memref<128xi32, #tpu.memory_space<hbm>>
      %dma_wait3A_277 = tpu.memref_slice %arg4[%mul3A_184] : memref<320000xi32, #tpu.memory_space<hbm>> -> memref<128xi32, #tpu.memory_space<hbm>>
      %dma_wait3A_278 = arith.constant 0 : i32
      %dma_wait3A_279 = tpu.memref_slice %arg8[%dma_wait3A_272, %dma_wait3A_278] : memref<2x128xi32, #tpu.memory_space<vmem>> -> memref<1x128xi32, #tpu.memory_space<vmem>>
      %dma_wait3A_280 = tpu.memref_squeeze %dma_wait3A_279 : memref<1x128xi32, #tpu.memory_space<vmem>> -> memref<128xi32, #tpu.memory_space<vmem>>
      tpu.wait_dma2 semaphore(%arg18 : memref<!tpu.dma_semaphore, #tpu.memory_space<semaphore_mem>>) src(%dma_wait3A_280 : memref<128xi32, #tpu.memory_space<vmem>>) dst(%dma_wait3A_277 : memref<128xi32, #tpu.memory_space<hbm>>)
      %dma_wait3A_281 = arith.constant 1 : i32
      %dma_wait3A_282 = arith.constant 0 : i32
      %dma_wait3A_283 = tpu.memref_slice %arg8[%dma_wait3A_281, %dma_wait3A_282] : memref<2x128xi32, #tpu.memory_space<vmem>> -> memref<1x128xi32, #tpu.memory_space<vmem>>
      %dma_wait3A_284 = tpu.memref_squeeze %dma_wait3A_283 : memref<1x128xi32, #tpu.memory_space<vmem>> -> memref<128xi32, #tpu.memory_space<vmem>>
      %dma_wait3A_285 = arith.constant 0 : i32
      %dma_wait3A_286 = tpu.memref_slice %arg5[%dma_wait3A_285] : memref<10240xf32, #tpu.memory_space<vmem_shared>> -> memref<10240xf32, #tpu.memory_space<vmem_shared>>
      tpu.wait_indirect_dma semaphore(%arg22 : memref<!tpu.dma_semaphore, #tpu.memory_space<semaphore_mem>>) src(%arg10 : memref<128xf32, #tpu.memory_space<vmem>>) dst(%dma_wait3A_286 : memref<10240xf32, #tpu.memory_space<vmem_shared>>)
      %add3A_287 = arith.constant 2 : i32
      %add3A_288 = arith.addi %mul3A_122, %add3A_287 : i32
      %add3A_289 = arith.constant 4 : i32
      %add3A_290 = arith.addi %add3A_288, %add3A_289 : i32
      %lt3A_291 = arith.cmpi slt, %add3A_290, %add3A_4 : i32
      %convert_element_type3A_292 = arith.extui %lt3A_291 : i1 to i32
      %cond3A_293 = arith.constant 0 : i32
      %cond3A_294 = arith.cmpi ne, %convert_element_type3A_292, %cond3A_293 : i32
      scf.if %cond3A_294 {
        %add3A_318 = arith.addi %add3A_8, %mul3A_122 : i32
        %add3A_319 = arith.constant 2 : i32
        %add3A_320 = arith.addi %add3A_318, %add3A_319 : i32
        %add3A_321 = arith.constant 4 : i32
        %add3A_322 = arith.addi %add3A_320, %add3A_321 : i32
        %mul3A_323 = arith.constant 128 : i32
        %mul3A_324 = arith.muli %add3A_322, %mul3A_323 : i32
        %dma_start3A_325 = arith.constant 0 : i32
        %dma_start3A_326 = tpu.memref_slice %arg2[%dma_start3A_325, %mul3A_324] : memref<2x320000xi32, #tpu.memory_space<hbm>> -> memref<2x128xi32, #tpu.memory_space<hbm>>
        %dma_start3A_327 = arith.constant 0 : i32
        %dma_start3A_328 = tpu.memref_slice %arg2[%dma_start3A_327, %mul3A_324] : memref<2x320000xi32, #tpu.memory_space<hbm>> -> memref<2x128xi32, #tpu.memory_space<hbm>>
        tpu.enqueue_dma source(%dma_start3A_328 : memref<2x128xi32, #tpu.memory_space<hbm>>) target(%arg8 : memref<2x128xi32, #tpu.memory_space<vmem>>) target_semaphore(%arg14 : memref<!tpu.dma_semaphore, #tpu.memory_space<semaphore_mem>>)
      } else {
      }
      %dma_wait3A_295 = arith.constant 1 : i32
      %dma_wait3A_296 = arith.constant 0 : i32
      %dma_wait3A_297 = tpu.memref_slice %arg9[%dma_wait3A_295, %dma_wait3A_296] : memref<2x128xi32, #tpu.memory_space<vmem>> -> memref<1x128xi32, #tpu.memory_space<vmem>>
      %dma_wait3A_298 = tpu.memref_squeeze %dma_wait3A_297 : memref<1x128xi32, #tpu.memory_space<vmem>> -> memref<128xi32, #tpu.memory_space<vmem>>
      %dma_wait3A_299 = tpu.memref_slice %arg4[%mul3A_210] : memref<320000xi32, #tpu.memory_space<hbm>> -> memref<128xi32, #tpu.memory_space<hbm>>
      %dma_wait3A_300 = tpu.memref_slice %arg4[%mul3A_210] : memref<320000xi32, #tpu.memory_space<hbm>> -> memref<128xi32, #tpu.memory_space<hbm>>
      %dma_wait3A_301 = arith.constant 0 : i32
      %dma_wait3A_302 = tpu.memref_slice %arg9[%dma_wait3A_295, %dma_wait3A_301] : memref<2x128xi32, #tpu.memory_space<vmem>> -> memref<1x128xi32, #tpu.memory_space<vmem>>
      %dma_wait3A_303 = tpu.memref_squeeze %dma_wait3A_302 : memref<1x128xi32, #tpu.memory_space<vmem>> -> memref<128xi32, #tpu.memory_space<vmem>>
      tpu.wait_dma2 semaphore(%arg19 : memref<!tpu.dma_semaphore, #tpu.memory_space<semaphore_mem>>) src(%dma_wait3A_303 : memref<128xi32, #tpu.memory_space<vmem>>) dst(%dma_wait3A_300 : memref<128xi32, #tpu.memory_space<hbm>>)
      %dma_wait3A_304 = arith.constant 1 : i32
      %dma_wait3A_305 = arith.constant 0 : i32
      %dma_wait3A_306 = tpu.memref_slice %arg9[%dma_wait3A_304, %dma_wait3A_305] : memref<2x128xi32, #tpu.memory_space<vmem>> -> memref<1x128xi32, #tpu.memory_space<vmem>>
      %dma_wait3A_307 = tpu.memref_squeeze %dma_wait3A_306 : memref<1x128xi32, #tpu.memory_space<vmem>> -> memref<128xi32, #tpu.memory_space<vmem>>
      %dma_wait3A_308 = arith.constant 0 : i32
      %dma_wait3A_309 = tpu.memref_slice %arg5[%dma_wait3A_308] : memref<10240xf32, #tpu.memory_space<vmem_shared>> -> memref<10240xf32, #tpu.memory_space<vmem_shared>>
      tpu.wait_indirect_dma semaphore(%arg23 : memref<!tpu.dma_semaphore, #tpu.memory_space<semaphore_mem>>) src(%arg10 : memref<128xf32, #tpu.memory_space<vmem>>) dst(%dma_wait3A_309 : memref<10240xf32, #tpu.memory_space<vmem_shared>>)
      %add3A_310 = arith.constant 3 : i32
      %add3A_311 = arith.addi %mul3A_122, %add3A_310 : i32
      %add3A_312 = arith.constant 4 : i32
      %add3A_313 = arith.addi %add3A_311, %add3A_312 : i32
      %lt3A_314 = arith.cmpi slt, %add3A_313, %add3A_4 : i32
      %convert_element_type3A_315 = arith.extui %lt3A_314 : i1 to i32
      %cond3A_316 = arith.constant 0 : i32
      %cond3A_317 = arith.cmpi ne, %convert_element_type3A_315, %cond3A_316 : i32
      scf.if %cond3A_317 {
        %add3A_318 = arith.addi %add3A_8, %mul3A_122 : i32
        %add3A_319 = arith.constant 3 : i32
        %add3A_320 = arith.addi %add3A_318, %add3A_319 : i32
        %add3A_321 = arith.constant 4 : i32
        %add3A_322 = arith.addi %add3A_320, %add3A_321 : i32
        %mul3A_323 = arith.constant 128 : i32
        %mul3A_324 = arith.muli %add3A_322, %mul3A_323 : i32
        %dma_start3A_325 = arith.constant 0 : i32
        %dma_start3A_326 = tpu.memref_slice %arg2[%dma_start3A_325, %mul3A_324] : memref<2x320000xi32, #tpu.memory_space<hbm>> -> memref<2x128xi32, #tpu.memory_space<hbm>>
        %dma_start3A_327 = arith.constant 0 : i32
        %dma_start3A_328 = tpu.memref_slice %arg2[%dma_start3A_327, %mul3A_324] : memref<2x320000xi32, #tpu.memory_space<hbm>> -> memref<2x128xi32, #tpu.memory_space<hbm>>
        tpu.enqueue_dma source(%dma_start3A_328 : memref<2x128xi32, #tpu.memory_space<hbm>>) target(%arg9 : memref<2x128xi32, #tpu.memory_space<vmem>>) target_semaphore(%arg15 : memref<!tpu.dma_semaphore, #tpu.memory_space<semaphore_mem>>)
      } else {
      }
    }
    %scan3A_102 = arith.constant 19 : i32
    %gt3A = arith.constant 76 : i32
    %gt3A_103 = arith.cmpi sgt, %add3A_4, %gt3A : i32
    %convert_element_type3A = arith.extui %gt3A_103 : i1 to i32
    %cond3A = arith.constant 0 : i32
    %cond3A_104 = arith.cmpi ne, %convert_element_type3A, %cond3A : i32
    scf.if %cond3A_104 {
      %add3A_120 = arith.constant 76 : i32
      %add3A_121 = arith.addi %add3A_8, %add3A_120 : i32
      %mul3A_122 = arith.constant 128 : i32
      %mul3A_123 = arith.muli %add3A_121, %mul3A_122 : i32
      %dma_wait3A = arith.constant 0 : i32
      %dma_wait3A_124 = tpu.memref_slice %arg2[%dma_wait3A, %mul3A_123] : memref<2x320000xi32, #tpu.memory_space<hbm>> -> memref<2x128xi32, #tpu.memory_space<hbm>>
      %dma_wait3A_125 = arith.constant 0 : i32
      %dma_wait3A_126 = tpu.memref_slice %arg2[%dma_wait3A_125, %mul3A_123] : memref<2x320000xi32, #tpu.memory_space<hbm>> -> memref<2x128xi32, #tpu.memory_space<hbm>>
      tpu.wait_dma2 semaphore(%arg12 : memref<!tpu.dma_semaphore, #tpu.memory_space<semaphore_mem>>) src(%dma_wait3A_126 : memref<2x128xi32, #tpu.memory_space<hbm>>) dst(%arg6 : memref<2x128xi32, #tpu.memory_space<vmem>>)
      %mul3A_127 = arith.constant 128 : i32
      %mul3A_128 = arith.muli %add3A_121, %mul3A_127 : i32
      %dma_start3A_129 = arith.constant 1 : i32
      %dma_start3A_130 = arith.constant 0 : i32
      %dma_start3A_131 = tpu.memref_slice %arg6[%dma_start3A_129, %dma_start3A_130] : memref<2x128xi32, #tpu.memory_space<vmem>> -> memref<1x128xi32, #tpu.memory_space<vmem>>
      %dma_start3A_132 = tpu.memref_squeeze %dma_start3A_131 : memref<1x128xi32, #tpu.memory_space<vmem>> -> memref<128xi32, #tpu.memory_space<vmem>>
      %dma_start3A_133 = tpu.memref_slice %arg4[%mul3A_128] : memref<320000xi32, #tpu.memory_space<hbm>> -> memref<128xi32, #tpu.memory_space<hbm>>
      %dma_start3A_134 = tpu.memref_slice %arg4[%mul3A_128] : memref<320000xi32, #tpu.memory_space<hbm>> -> memref<128xi32, #tpu.memory_space<hbm>>
      %dma_start3A_135 = arith.constant 0 : i32
      %dma_start3A_136 = tpu.memref_slice %arg6[%dma_start3A_129, %dma_start3A_135] : memref<2x128xi32, #tpu.memory_space<vmem>> -> memref<1x128xi32, #tpu.memory_space<vmem>>
      %dma_start3A_137 = tpu.memref_squeeze %dma_start3A_136 : memref<1x128xi32, #tpu.memory_space<vmem>> -> memref<128xi32, #tpu.memory_space<vmem>>
      tpu.enqueue_dma source(%dma_start3A_137 : memref<128xi32, #tpu.memory_space<vmem>>) target(%dma_start3A_134 : memref<128xi32, #tpu.memory_space<hbm>>) target_semaphore(%arg16 : memref<!tpu.dma_semaphore, #tpu.memory_space<semaphore_mem>>)
      %dma_start3A_138 = arith.constant 1 : i32
      %dma_start3A_139 = arith.constant 0 : i32
      %dma_start3A_140 = tpu.memref_slice %arg6[%dma_start3A_138, %dma_start3A_139] : memref<2x128xi32, #tpu.memory_space<vmem>> -> memref<1x128xi32, #tpu.memory_space<vmem>>
      %dma_start3A_141 = tpu.memref_squeeze %dma_start3A_140 : memref<1x128xi32, #tpu.memory_space<vmem>> -> memref<128xi32, #tpu.memory_space<vmem>>
      %dma_start3A_142 = arith.constant 0 : i32
      %dma_start3A_143 = tpu.memref_slice %arg5[%dma_start3A_142] : memref<10240xf32, #tpu.memory_space<vmem_shared>> -> memref<10240xf32, #tpu.memory_space<vmem_shared>>
      tpu.enqueue_indirect_dma source(%arg10 : memref<128xf32, #tpu.memory_space<vmem>>) target(%dma_start3A_143 : memref<10240xf32, #tpu.memory_space<vmem_shared>>) offsets(%dma_start3A_141 : memref<128xi32, #tpu.memory_space<vmem>>) semaphore(%arg20 : memref<!tpu.dma_semaphore, #tpu.memory_space<semaphore_mem>>) {add = true}
      %dma_wait3A_144 = arith.constant 1 : i32
      %dma_wait3A_145 = arith.constant 0 : i32
      %dma_wait3A_146 = tpu.memref_slice %arg6[%dma_wait3A_144, %dma_wait3A_145] : memref<2x128xi32, #tpu.memory_space<vmem>> -> memref<1x128xi32, #tpu.memory_space<vmem>>
      %dma_wait3A_147 = tpu.memref_squeeze %dma_wait3A_146 : memref<1x128xi32, #tpu.memory_space<vmem>> -> memref<128xi32, #tpu.memory_space<vmem>>
      %dma_wait3A_148 = tpu.memref_slice %arg4[%mul3A_128] : memref<320000xi32, #tpu.memory_space<hbm>> -> memref<128xi32, #tpu.memory_space<hbm>>
      %dma_wait3A_149 = tpu.memref_slice %arg4[%mul3A_128] : memref<320000xi32, #tpu.memory_space<hbm>> -> memref<128xi32, #tpu.memory_space<hbm>>
      %dma_wait3A_150 = arith.constant 0 : i32
      %dma_wait3A_151 = tpu.memref_slice %arg6[%dma_wait3A_144, %dma_wait3A_150] : memref<2x128xi32, #tpu.memory_space<vmem>> -> memref<1x128xi32, #tpu.memory_space<vmem>>
      %dma_wait3A_152 = tpu.memref_squeeze %dma_wait3A_151 : memref<1x128xi32, #tpu.memory_space<vmem>> -> memref<128xi32, #tpu.memory_space<vmem>>
      tpu.wait_dma2 semaphore(%arg16 : memref<!tpu.dma_semaphore, #tpu.memory_space<semaphore_mem>>) src(%dma_wait3A_152 : memref<128xi32, #tpu.memory_space<vmem>>) dst(%dma_wait3A_149 : memref<128xi32, #tpu.memory_space<hbm>>)
      %dma_wait3A_153 = arith.constant 1 : i32
      %dma_wait3A_154 = arith.constant 0 : i32
      %dma_wait3A_155 = tpu.memref_slice %arg6[%dma_wait3A_153, %dma_wait3A_154] : memref<2x128xi32, #tpu.memory_space<vmem>> -> memref<1x128xi32, #tpu.memory_space<vmem>>
      %dma_wait3A_156 = tpu.memref_squeeze %dma_wait3A_155 : memref<1x128xi32, #tpu.memory_space<vmem>> -> memref<128xi32, #tpu.memory_space<vmem>>
      %dma_wait3A_157 = arith.constant 0 : i32
      %dma_wait3A_158 = tpu.memref_slice %arg5[%dma_wait3A_157] : memref<10240xf32, #tpu.memory_space<vmem_shared>> -> memref<10240xf32, #tpu.memory_space<vmem_shared>>
      tpu.wait_indirect_dma semaphore(%arg20 : memref<!tpu.dma_semaphore, #tpu.memory_space<semaphore_mem>>) src(%arg10 : memref<128xf32, #tpu.memory_space<vmem>>) dst(%dma_wait3A_158 : memref<10240xf32, #tpu.memory_space<vmem_shared>>)
    } else {
    }
    %gt3A_105 = arith.constant 77 : i32
    %gt3A_106 = arith.cmpi sgt, %add3A_4, %gt3A_105 : i32
    %convert_element_type3A_107 = arith.extui %gt3A_106 : i1 to i32
    %cond3A_108 = arith.constant 0 : i32
    %cond3A_109 = arith.cmpi ne, %convert_element_type3A_107, %cond3A_108 : i32
    scf.if %cond3A_109 {
      %add3A_120 = arith.constant 77 : i32
      %add3A_121 = arith.addi %add3A_8, %add3A_120 : i32
      %mul3A_122 = arith.constant 128 : i32
      %mul3A_123 = arith.muli %add3A_121, %mul3A_122 : i32
      %dma_wait3A = arith.constant 0 : i32
      %dma_wait3A_124 = tpu.memref_slice %arg2[%dma_wait3A, %mul3A_123] : memref<2x320000xi32, #tpu.memory_space<hbm>> -> memref<2x128xi32, #tpu.memory_space<hbm>>
      %dma_wait3A_125 = arith.constant 0 : i32
      %dma_wait3A_126 = tpu.memref_slice %arg2[%dma_wait3A_125, %mul3A_123] : memref<2x320000xi32, #tpu.memory_space<hbm>> -> memref<2x128xi32, #tpu.memory_space<hbm>>
      tpu.wait_dma2 semaphore(%arg13 : memref<!tpu.dma_semaphore, #tpu.memory_space<semaphore_mem>>) src(%dma_wait3A_126 : memref<2x128xi32, #tpu.memory_space<hbm>>) dst(%arg7 : memref<2x128xi32, #tpu.memory_space<vmem>>)
      %mul3A_127 = arith.constant 128 : i32
      %mul3A_128 = arith.muli %add3A_121, %mul3A_127 : i32
      %dma_start3A_129 = arith.constant 1 : i32
      %dma_start3A_130 = arith.constant 0 : i32
      %dma_start3A_131 = tpu.memref_slice %arg7[%dma_start3A_129, %dma_start3A_130] : memref<2x128xi32, #tpu.memory_space<vmem>> -> memref<1x128xi32, #tpu.memory_space<vmem>>
      %dma_start3A_132 = tpu.memref_squeeze %dma_start3A_131 : memref<1x128xi32, #tpu.memory_space<vmem>> -> memref<128xi32, #tpu.memory_space<vmem>>
      %dma_start3A_133 = tpu.memref_slice %arg4[%mul3A_128] : memref<320000xi32, #tpu.memory_space<hbm>> -> memref<128xi32, #tpu.memory_space<hbm>>
      %dma_start3A_134 = tpu.memref_slice %arg4[%mul3A_128] : memref<320000xi32, #tpu.memory_space<hbm>> -> memref<128xi32, #tpu.memory_space<hbm>>
      %dma_start3A_135 = arith.constant 0 : i32
      %dma_start3A_136 = tpu.memref_slice %arg7[%dma_start3A_129, %dma_start3A_135] : memref<2x128xi32, #tpu.memory_space<vmem>> -> memref<1x128xi32, #tpu.memory_space<vmem>>
      %dma_start3A_137 = tpu.memref_squeeze %dma_start3A_136 : memref<1x128xi32, #tpu.memory_space<vmem>> -> memref<128xi32, #tpu.memory_space<vmem>>
      tpu.enqueue_dma source(%dma_start3A_137 : memref<128xi32, #tpu.memory_space<vmem>>) target(%dma_start3A_134 : memref<128xi32, #tpu.memory_space<hbm>>) target_semaphore(%arg17 : memref<!tpu.dma_semaphore, #tpu.memory_space<semaphore_mem>>)
      %dma_start3A_138 = arith.constant 1 : i32
      %dma_start3A_139 = arith.constant 0 : i32
      %dma_start3A_140 = tpu.memref_slice %arg7[%dma_start3A_138, %dma_start3A_139] : memref<2x128xi32, #tpu.memory_space<vmem>> -> memref<1x128xi32, #tpu.memory_space<vmem>>
      %dma_start3A_141 = tpu.memref_squeeze %dma_start3A_140 : memref<1x128xi32, #tpu.memory_space<vmem>> -> memref<128xi32, #tpu.memory_space<vmem>>
      %dma_start3A_142 = arith.constant 0 : i32
      %dma_start3A_143 = tpu.memref_slice %arg5[%dma_start3A_142] : memref<10240xf32, #tpu.memory_space<vmem_shared>> -> memref<10240xf32, #tpu.memory_space<vmem_shared>>
      tpu.enqueue_indirect_dma source(%arg10 : memref<128xf32, #tpu.memory_space<vmem>>) target(%dma_start3A_143 : memref<10240xf32, #tpu.memory_space<vmem_shared>>) offsets(%dma_start3A_141 : memref<128xi32, #tpu.memory_space<vmem>>) semaphore(%arg21 : memref<!tpu.dma_semaphore, #tpu.memory_space<semaphore_mem>>) {add = true}
      %dma_wait3A_144 = arith.constant 1 : i32
      %dma_wait3A_145 = arith.constant 0 : i32
      %dma_wait3A_146 = tpu.memref_slice %arg7[%dma_wait3A_144, %dma_wait3A_145] : memref<2x128xi32, #tpu.memory_space<vmem>> -> memref<1x128xi32, #tpu.memory_space<vmem>>
      %dma_wait3A_147 = tpu.memref_squeeze %dma_wait3A_146 : memref<1x128xi32, #tpu.memory_space<vmem>> -> memref<128xi32, #tpu.memory_space<vmem>>
      %dma_wait3A_148 = tpu.memref_slice %arg4[%mul3A_128] : memref<320000xi32, #tpu.memory_space<hbm>> -> memref<128xi32, #tpu.memory_space<hbm>>
      %dma_wait3A_149 = tpu.memref_slice %arg4[%mul3A_128] : memref<320000xi32, #tpu.memory_space<hbm>> -> memref<128xi32, #tpu.memory_space<hbm>>
      %dma_wait3A_150 = arith.constant 0 : i32
      %dma_wait3A_151 = tpu.memref_slice %arg7[%dma_wait3A_144, %dma_wait3A_150] : memref<2x128xi32, #tpu.memory_space<vmem>> -> memref<1x128xi32, #tpu.memory_space<vmem>>
      %dma_wait3A_152 = tpu.memref_squeeze %dma_wait3A_151 : memref<1x128xi32, #tpu.memory_space<vmem>> -> memref<128xi32, #tpu.memory_space<vmem>>
      tpu.wait_dma2 semaphore(%arg17 : memref<!tpu.dma_semaphore, #tpu.memory_space<semaphore_mem>>) src(%dma_wait3A_152 : memref<128xi32, #tpu.memory_space<vmem>>) dst(%dma_wait3A_149 : memref<128xi32, #tpu.memory_space<hbm>>)
      %dma_wait3A_153 = arith.constant 1 : i32
      %dma_wait3A_154 = arith.constant 0 : i32
      %dma_wait3A_155 = tpu.memref_slice %arg7[%dma_wait3A_153, %dma_wait3A_154] : memref<2x128xi32, #tpu.memory_space<vmem>> -> memref<1x128xi32, #tpu.memory_space<vmem>>
      %dma_wait3A_156 = tpu.memref_squeeze %dma_wait3A_155 : memref<1x128xi32, #tpu.memory_space<vmem>> -> memref<128xi32, #tpu.memory_space<vmem>>
      %dma_wait3A_157 = arith.constant 0 : i32
      %dma_wait3A_158 = tpu.memref_slice %arg5[%dma_wait3A_157] : memref<10240xf32, #tpu.memory_space<vmem_shared>> -> memref<10240xf32, #tpu.memory_space<vmem_shared>>
      tpu.wait_indirect_dma semaphore(%arg21 : memref<!tpu.dma_semaphore, #tpu.memory_space<semaphore_mem>>) src(%arg10 : memref<128xf32, #tpu.memory_space<vmem>>) dst(%dma_wait3A_158 : memref<10240xf32, #tpu.memory_space<vmem_shared>>)
    } else {
    }
    %gt3A_110 = arith.constant 78 : i32
    %gt3A_111 = arith.cmpi sgt, %add3A_4, %gt3A_110 : i32
    %convert_element_type3A_112 = arith.extui %gt3A_111 : i1 to i32
    %cond3A_113 = arith.constant 0 : i32
    %cond3A_114 = arith.cmpi ne, %convert_element_type3A_112, %cond3A_113 : i32
    scf.if %cond3A_114 {
      %add3A_120 = arith.constant 78 : i32
      %add3A_121 = arith.addi %add3A_8, %add3A_120 : i32
      %mul3A_122 = arith.constant 128 : i32
      %mul3A_123 = arith.muli %add3A_121, %mul3A_122 : i32
      %dma_wait3A = arith.constant 0 : i32
      %dma_wait3A_124 = tpu.memref_slice %arg2[%dma_wait3A, %mul3A_123] : memref<2x320000xi32, #tpu.memory_space<hbm>> -> memref<2x128xi32, #tpu.memory_space<hbm>>
      %dma_wait3A_125 = arith.constant 0 : i32
      %dma_wait3A_126 = tpu.memref_slice %arg2[%dma_wait3A_125, %mul3A_123] : memref<2x320000xi32, #tpu.memory_space<hbm>> -> memref<2x128xi32, #tpu.memory_space<hbm>>
      tpu.wait_dma2 semaphore(%arg14 : memref<!tpu.dma_semaphore, #tpu.memory_space<semaphore_mem>>) src(%dma_wait3A_126 : memref<2x128xi32, #tpu.memory_space<hbm>>) dst(%arg8 : memref<2x128xi32, #tpu.memory_space<vmem>>)
      %mul3A_127 = arith.constant 128 : i32
      %mul3A_128 = arith.muli %add3A_121, %mul3A_127 : i32
      %dma_start3A_129 = arith.constant 1 : i32
      %dma_start3A_130 = arith.constant 0 : i32
      %dma_start3A_131 = tpu.memref_slice %arg8[%dma_start3A_129, %dma_start3A_130] : memref<2x128xi32, #tpu.memory_space<vmem>> -> memref<1x128xi32, #tpu.memory_space<vmem>>
      %dma_start3A_132 = tpu.memref_squeeze %dma_start3A_131 : memref<1x128xi32, #tpu.memory_space<vmem>> -> memref<128xi32, #tpu.memory_space<vmem>>
      %dma_start3A_133 = tpu.memref_slice %arg4[%mul3A_128] : memref<320000xi32, #tpu.memory_space<hbm>> -> memref<128xi32, #tpu.memory_space<hbm>>
      %dma_start3A_134 = tpu.memref_slice %arg4[%mul3A_128] : memref<320000xi32, #tpu.memory_space<hbm>> -> memref<128xi32, #tpu.memory_space<hbm>>
      %dma_start3A_135 = arith.constant 0 : i32
      %dma_start3A_136 = tpu.memref_slice %arg8[%dma_start3A_129, %dma_start3A_135] : memref<2x128xi32, #tpu.memory_space<vmem>> -> memref<1x128xi32, #tpu.memory_space<vmem>>
      %dma_start3A_137 = tpu.memref_squeeze %dma_start3A_136 : memref<1x128xi32, #tpu.memory_space<vmem>> -> memref<128xi32, #tpu.memory_space<vmem>>
      tpu.enqueue_dma source(%dma_start3A_137 : memref<128xi32, #tpu.memory_space<vmem>>) target(%dma_start3A_134 : memref<128xi32, #tpu.memory_space<hbm>>) target_semaphore(%arg18 : memref<!tpu.dma_semaphore, #tpu.memory_space<semaphore_mem>>)
      %dma_start3A_138 = arith.constant 1 : i32
      %dma_start3A_139 = arith.constant 0 : i32
      %dma_start3A_140 = tpu.memref_slice %arg8[%dma_start3A_138, %dma_start3A_139] : memref<2x128xi32, #tpu.memory_space<vmem>> -> memref<1x128xi32, #tpu.memory_space<vmem>>
      %dma_start3A_141 = tpu.memref_squeeze %dma_start3A_140 : memref<1x128xi32, #tpu.memory_space<vmem>> -> memref<128xi32, #tpu.memory_space<vmem>>
      %dma_start3A_142 = arith.constant 0 : i32
      %dma_start3A_143 = tpu.memref_slice %arg5[%dma_start3A_142] : memref<10240xf32, #tpu.memory_space<vmem_shared>> -> memref<10240xf32, #tpu.memory_space<vmem_shared>>
      tpu.enqueue_indirect_dma source(%arg10 : memref<128xf32, #tpu.memory_space<vmem>>) target(%dma_start3A_143 : memref<10240xf32, #tpu.memory_space<vmem_shared>>) offsets(%dma_start3A_141 : memref<128xi32, #tpu.memory_space<vmem>>) semaphore(%arg22 : memref<!tpu.dma_semaphore, #tpu.memory_space<semaphore_mem>>) {add = true}
      %dma_wait3A_144 = arith.constant 1 : i32
      %dma_wait3A_145 = arith.constant 0 : i32
      %dma_wait3A_146 = tpu.memref_slice %arg8[%dma_wait3A_144, %dma_wait3A_145] : memref<2x128xi32, #tpu.memory_space<vmem>> -> memref<1x128xi32, #tpu.memory_space<vmem>>
      %dma_wait3A_147 = tpu.memref_squeeze %dma_wait3A_146 : memref<1x128xi32, #tpu.memory_space<vmem>> -> memref<128xi32, #tpu.memory_space<vmem>>
      %dma_wait3A_148 = tpu.memref_slice %arg4[%mul3A_128] : memref<320000xi32, #tpu.memory_space<hbm>> -> memref<128xi32, #tpu.memory_space<hbm>>
      %dma_wait3A_149 = tpu.memref_slice %arg4[%mul3A_128] : memref<320000xi32, #tpu.memory_space<hbm>> -> memref<128xi32, #tpu.memory_space<hbm>>
      %dma_wait3A_150 = arith.constant 0 : i32
      %dma_wait3A_151 = tpu.memref_slice %arg8[%dma_wait3A_144, %dma_wait3A_150] : memref<2x128xi32, #tpu.memory_space<vmem>> -> memref<1x128xi32, #tpu.memory_space<vmem>>
      %dma_wait3A_152 = tpu.memref_squeeze %dma_wait3A_151 : memref<1x128xi32, #tpu.memory_space<vmem>> -> memref<128xi32, #tpu.memory_space<vmem>>
      tpu.wait_dma2 semaphore(%arg18 : memref<!tpu.dma_semaphore, #tpu.memory_space<semaphore_mem>>) src(%dma_wait3A_152 : memref<128xi32, #tpu.memory_space<vmem>>) dst(%dma_wait3A_149 : memref<128xi32, #tpu.memory_space<hbm>>)
      %dma_wait3A_153 = arith.constant 1 : i32
      %dma_wait3A_154 = arith.constant 0 : i32
      %dma_wait3A_155 = tpu.memref_slice %arg8[%dma_wait3A_153, %dma_wait3A_154] : memref<2x128xi32, #tpu.memory_space<vmem>> -> memref<1x128xi32, #tpu.memory_space<vmem>>
      %dma_wait3A_156 = tpu.memref_squeeze %dma_wait3A_155 : memref<1x128xi32, #tpu.memory_space<vmem>> -> memref<128xi32, #tpu.memory_space<vmem>>
      %dma_wait3A_157 = arith.constant 0 : i32
      %dma_wait3A_158 = tpu.memref_slice %arg5[%dma_wait3A_157] : memref<10240xf32, #tpu.memory_space<vmem_shared>> -> memref<10240xf32, #tpu.memory_space<vmem_shared>>
      tpu.wait_indirect_dma semaphore(%arg22 : memref<!tpu.dma_semaphore, #tpu.memory_space<semaphore_mem>>) src(%arg10 : memref<128xf32, #tpu.memory_space<vmem>>) dst(%dma_wait3A_158 : memref<10240xf32, #tpu.memory_space<vmem_shared>>)
    } else {
    }
    %barrier3A_115 = arith.constant 0 : index
    tpu.barrier barrier_id(%barrier3A_115)
    %mul3A_116 = arith.constant 640 : i32
    %mul3A_117 = arith.muli %arg1, %mul3A_116 : i32
    %mul3A_118 = arith.constant 640 : i32
    %mul3A_119 = arith.muli %arg1, %mul3A_118 : i32
    "tpu.region"() ({
      %run_scoped3A = tpu.sem_alloc : memref<!tpu.dma_semaphore, #tpu.memory_space<semaphore_mem>>
      %dma_start3A_120 = tpu.memref_slice %arg3[%arg0, %mul3A_119] : memref<2x10240xf32, #tpu.memory_space<hbm>> -> memref<1x640xf32, #tpu.memory_space<hbm>>
      %dma_start3A_121 = tpu.memref_squeeze %dma_start3A_120 : memref<1x640xf32, #tpu.memory_space<hbm>> -> memref<640xf32, #tpu.memory_space<hbm>>
      %dma_start3A_122 = tpu.memref_slice %arg5[%mul3A_117] : memref<10240xf32, #tpu.memory_space<vmem_shared>> -> memref<640xf32, #tpu.memory_space<vmem_shared>>
      tpu.enqueue_dma source(%dma_start3A_122 : memref<640xf32, #tpu.memory_space<vmem_shared>>) target(%dma_start3A_121 : memref<640xf32, #tpu.memory_space<hbm>>) target_semaphore(%run_scoped3A : memref<!tpu.dma_semaphore, #tpu.memory_space<semaphore_mem>>)
      %dma_wait3A = tpu.memref_slice %arg3[%arg0, %mul3A_119] : memref<2x10240xf32, #tpu.memory_space<hbm>> -> memref<1x640xf32, #tpu.memory_space<hbm>>
      %dma_wait3A_123 = tpu.memref_squeeze %dma_wait3A : memref<1x640xf32, #tpu.memory_space<hbm>> -> memref<640xf32, #tpu.memory_space<hbm>>
      %dma_wait3A_124 = tpu.memref_slice %arg5[%mul3A_117] : memref<10240xf32, #tpu.memory_space<vmem_shared>> -> memref<640xf32, #tpu.memory_space<vmem_shared>>
      tpu.wait_dma2 semaphore(%run_scoped3A : memref<!tpu.dma_semaphore, #tpu.memory_space<semaphore_mem>>) src(%dma_wait3A_124 : memref<640xf32, #tpu.memory_space<vmem_shared>>) dst(%dma_wait3A_123 : memref<640xf32, #tpu.memory_space<hbm>>)
      tpu.yield
    }) : () -> ()
    return
  }
}

#map = affine_map<(d0, d1) -> (0, 0)>
#map1 = affine_map<(d0, d1) -> (0)>
#map2 = affine_map<(d0, d1) -> (0, 0, 0)>
module attributes {stable_mosaic.version = 14 : i64} {
  func.func @_sc_agg_entry(%arg0: i32, %arg1: i32, %arg2: memref<10240x128xf32, #tpu.memory_space<hbm>>, %arg3: memref<320000xi32, #tpu.memory_space<hbm>>, %arg4: memref<320000xi32, #tpu.memory_space<hbm>>, %arg5: memref<2x10240x128xf32, #tpu.memory_space<hbm>>, %arg6: memref<10240x128xf32, #tpu.memory_space<vmem_shared>>, %arg7: memref<40xi32, #tpu.memory_space<vmem>>, %arg8: memref<40xi32, #tpu.memory_space<vmem>>, %arg9: memref<40xi32, #tpu.memory_space<vmem>>, %arg10: memref<40xi32, #tpu.memory_space<vmem>>, %arg11: memref<40xi32, #tpu.memory_space<vmem>>, %arg12: memref<40xi32, #tpu.memory_space<vmem>>, %arg13: memref<40xi32, #tpu.memory_space<vmem>>, %arg14: memref<40xi32, #tpu.memory_space<vmem>>, %arg15: memref<40xi32, #tpu.memory_space<vmem>>, %arg16: memref<40xi32, #tpu.memory_space<vmem>>, %arg17: memref<40xi32, #tpu.memory_space<vmem>>, %arg18: memref<40xi32, #tpu.memory_space<vmem>>, %arg19: memref<40x128xf32, #tpu.memory_space<vmem>>, %arg20: memref<40x128xf32, #tpu.memory_space<vmem>>, %arg21: memref<40x128xf32, #tpu.memory_space<vmem>>, %arg22: memref<40x128xf32, #tpu.memory_space<vmem>>, %arg23: memref<40x128xf32, #tpu.memory_space<vmem>>, %arg24: memref<40x128xf32, #tpu.memory_space<vmem>>, %arg25: memref<!tpu.dma_semaphore, #tpu.memory_space<semaphore_mem>>, %arg26: memref<!tpu.dma_semaphore, #tpu.memory_space<semaphore_mem>>, %arg27: memref<!tpu.dma_semaphore, #tpu.memory_space<semaphore_mem>>, %arg28: memref<!tpu.dma_semaphore, #tpu.memory_space<semaphore_mem>>, %arg29: memref<!tpu.dma_semaphore, #tpu.memory_space<semaphore_mem>>, %arg30: memref<!tpu.dma_semaphore, #tpu.memory_space<semaphore_mem>>, %arg31: memref<!tpu.dma_semaphore, #tpu.memory_space<semaphore_mem>>, %arg32: memref<!tpu.dma_semaphore, #tpu.memory_space<semaphore_mem>>, %arg33: memref<!tpu.dma_semaphore, #tpu.memory_space<semaphore_mem>>, %arg34: memref<!tpu.dma_semaphore, #tpu.memory_space<semaphore_mem>>, %arg35: memref<!tpu.dma_semaphore, #tpu.memory_space<semaphore_mem>>, %arg36: memref<!tpu.dma_semaphore, #tpu.memory_space<semaphore_mem>>, %arg37: memref<!tpu.dma_semaphore, #tpu.memory_space<semaphore_mem>>, %arg38: memref<!tpu.dma_semaphore, #tpu.memory_space<semaphore_mem>>, %arg39: memref<!tpu.dma_semaphore, #tpu.memory_space<semaphore_mem>>, %arg40: memref<!tpu.dma_semaphore, #tpu.memory_space<semaphore_mem>>, %arg41: memref<!tpu.dma_semaphore, #tpu.memory_space<semaphore_mem>>, %arg42: memref<!tpu.dma_semaphore, #tpu.memory_space<semaphore_mem>>, %arg43: memref<!tpu.dma_semaphore, #tpu.memory_space<semaphore_mem>>, %arg44: memref<!tpu.dma_semaphore, #tpu.memory_space<semaphore_mem>>, %arg45: memref<!tpu.dma_semaphore, #tpu.memory_space<semaphore_mem>>, %arg46: memref<!tpu.dma_semaphore, #tpu.memory_space<semaphore_mem>>, %arg47: memref<!tpu.dma_semaphore, #tpu.memory_space<semaphore_mem>>, %arg48: memref<!tpu.dma_semaphore, #tpu.memory_space<semaphore_mem>>) attributes {dimension_semantics = [#tpu.dimension_semantics<core_parallel>, #tpu.dimension_semantics<subcore_parallel>], iteration_bounds = array<i64: 2, 16>, scalar_prefetch = 0 : i64, scratch_operands = 43 : i64, tpu.core_type = #tpu.core_type<sc_vector_subcore>, window_params = [{transform_indices = #map}, {transform_indices = #map1}, {transform_indices = #map1}, {transform_indices = #map2}]} {
    %mul3A = arith.constant 16 : i32
    %mul3A_0 = arith.muli %arg0, %mul3A : i32
    %add3A = arith.addi %mul3A_0, %arg1 : i32
    %mul3A_1 = arith.constant 640 : i32
    %mul3A_2 = arith.muli %arg1, %mul3A_1 : i32
    %mul3A_3 = arith.constant 10000 : i32
    %mul3A_4 = arith.muli %add3A, %mul3A_3 : i32
    %add3A_5 = arith.constant 0 : i32
    %add3A_6 = arith.addi %mul3A_4, %add3A_5 : i32
    %dma_start3A = tpu.memref_slice %arg3[%add3A_6] : memref<320000xi32, #tpu.memory_space<hbm>> -> memref<40xi32, #tpu.memory_space<hbm>>
    %dma_start3A_7 = tpu.memref_slice %arg3[%add3A_6] : memref<320000xi32, #tpu.memory_space<hbm>> -> memref<40xi32, #tpu.memory_space<hbm>>
    tpu.enqueue_dma source(%dma_start3A_7 : memref<40xi32, #tpu.memory_space<hbm>>) target(%arg7 : memref<40xi32, #tpu.memory_space<vmem>>) target_semaphore(%arg37 : memref<!tpu.dma_semaphore, #tpu.memory_space<semaphore_mem>>)
    %add3A_8 = arith.constant 0 : i32
    %add3A_9 = arith.addi %mul3A_4, %add3A_8 : i32
    %dma_start3A_10 = tpu.memref_slice %arg4[%add3A_9] : memref<320000xi32, #tpu.memory_space<hbm>> -> memref<40xi32, #tpu.memory_space<hbm>>
    %dma_start3A_11 = tpu.memref_slice %arg4[%add3A_9] : memref<320000xi32, #tpu.memory_space<hbm>> -> memref<40xi32, #tpu.memory_space<hbm>>
    tpu.enqueue_dma source(%dma_start3A_11 : memref<40xi32, #tpu.memory_space<hbm>>) target(%arg13 : memref<40xi32, #tpu.memory_space<vmem>>) target_semaphore(%arg43 : memref<!tpu.dma_semaphore, #tpu.memory_space<semaphore_mem>>)
    %add3A_12 = arith.constant 40 : i32
    %add3A_13 = arith.addi %mul3A_4, %add3A_12 : i32
    %dma_start3A_14 = tpu.memref_slice %arg3[%add3A_13] : memref<320000xi32, #tpu.memory_space<hbm>> -> memref<40xi32, #tpu.memory_space<hbm>>
    %dma_start3A_15 = tpu.memref_slice %arg3[%add3A_13] : memref<320000xi32, #tpu.memory_space<hbm>> -> memref<40xi32, #tpu.memory_space<hbm>>
    tpu.enqueue_dma source(%dma_start3A_15 : memref<40xi32, #tpu.memory_space<hbm>>) target(%arg8 : memref<40xi32, #tpu.memory_space<vmem>>) target_semaphore(%arg38 : memref<!tpu.dma_semaphore, #tpu.memory_space<semaphore_mem>>)
    %add3A_16 = arith.constant 40 : i32
    %add3A_17 = arith.addi %mul3A_4, %add3A_16 : i32
    %dma_start3A_18 = tpu.memref_slice %arg4[%add3A_17] : memref<320000xi32, #tpu.memory_space<hbm>> -> memref<40xi32, #tpu.memory_space<hbm>>
    %dma_start3A_19 = tpu.memref_slice %arg4[%add3A_17] : memref<320000xi32, #tpu.memory_space<hbm>> -> memref<40xi32, #tpu.memory_space<hbm>>
    tpu.enqueue_dma source(%dma_start3A_19 : memref<40xi32, #tpu.memory_space<hbm>>) target(%arg14 : memref<40xi32, #tpu.memory_space<vmem>>) target_semaphore(%arg44 : memref<!tpu.dma_semaphore, #tpu.memory_space<semaphore_mem>>)
    %add3A_20 = arith.constant 80 : i32
    %add3A_21 = arith.addi %mul3A_4, %add3A_20 : i32
    %dma_start3A_22 = tpu.memref_slice %arg3[%add3A_21] : memref<320000xi32, #tpu.memory_space<hbm>> -> memref<40xi32, #tpu.memory_space<hbm>>
    %dma_start3A_23 = tpu.memref_slice %arg3[%add3A_21] : memref<320000xi32, #tpu.memory_space<hbm>> -> memref<40xi32, #tpu.memory_space<hbm>>
    tpu.enqueue_dma source(%dma_start3A_23 : memref<40xi32, #tpu.memory_space<hbm>>) target(%arg9 : memref<40xi32, #tpu.memory_space<vmem>>) target_semaphore(%arg39 : memref<!tpu.dma_semaphore, #tpu.memory_space<semaphore_mem>>)
    %add3A_24 = arith.constant 80 : i32
    %add3A_25 = arith.addi %mul3A_4, %add3A_24 : i32
    %dma_start3A_26 = tpu.memref_slice %arg4[%add3A_25] : memref<320000xi32, #tpu.memory_space<hbm>> -> memref<40xi32, #tpu.memory_space<hbm>>
    %dma_start3A_27 = tpu.memref_slice %arg4[%add3A_25] : memref<320000xi32, #tpu.memory_space<hbm>> -> memref<40xi32, #tpu.memory_space<hbm>>
    tpu.enqueue_dma source(%dma_start3A_27 : memref<40xi32, #tpu.memory_space<hbm>>) target(%arg15 : memref<40xi32, #tpu.memory_space<vmem>>) target_semaphore(%arg45 : memref<!tpu.dma_semaphore, #tpu.memory_space<semaphore_mem>>)
    %add3A_28 = arith.constant 120 : i32
    %add3A_29 = arith.addi %mul3A_4, %add3A_28 : i32
    %dma_start3A_30 = tpu.memref_slice %arg3[%add3A_29] : memref<320000xi32, #tpu.memory_space<hbm>> -> memref<40xi32, #tpu.memory_space<hbm>>
    %dma_start3A_31 = tpu.memref_slice %arg3[%add3A_29] : memref<320000xi32, #tpu.memory_space<hbm>> -> memref<40xi32, #tpu.memory_space<hbm>>
    tpu.enqueue_dma source(%dma_start3A_31 : memref<40xi32, #tpu.memory_space<hbm>>) target(%arg10 : memref<40xi32, #tpu.memory_space<vmem>>) target_semaphore(%arg40 : memref<!tpu.dma_semaphore, #tpu.memory_space<semaphore_mem>>)
    %add3A_32 = arith.constant 120 : i32
    %add3A_33 = arith.addi %mul3A_4, %add3A_32 : i32
    %dma_start3A_34 = tpu.memref_slice %arg4[%add3A_33] : memref<320000xi32, #tpu.memory_space<hbm>> -> memref<40xi32, #tpu.memory_space<hbm>>
    %dma_start3A_35 = tpu.memref_slice %arg4[%add3A_33] : memref<320000xi32, #tpu.memory_space<hbm>> -> memref<40xi32, #tpu.memory_space<hbm>>
    tpu.enqueue_dma source(%dma_start3A_35 : memref<40xi32, #tpu.memory_space<hbm>>) target(%arg16 : memref<40xi32, #tpu.memory_space<vmem>>) target_semaphore(%arg46 : memref<!tpu.dma_semaphore, #tpu.memory_space<semaphore_mem>>)
    %add3A_36 = arith.constant 160 : i32
    %add3A_37 = arith.addi %mul3A_4, %add3A_36 : i32
    %dma_start3A_38 = tpu.memref_slice %arg3[%add3A_37] : memref<320000xi32, #tpu.memory_space<hbm>> -> memref<40xi32, #tpu.memory_space<hbm>>
    %dma_start3A_39 = tpu.memref_slice %arg3[%add3A_37] : memref<320000xi32, #tpu.memory_space<hbm>> -> memref<40xi32, #tpu.memory_space<hbm>>
    tpu.enqueue_dma source(%dma_start3A_39 : memref<40xi32, #tpu.memory_space<hbm>>) target(%arg11 : memref<40xi32, #tpu.memory_space<vmem>>) target_semaphore(%arg41 : memref<!tpu.dma_semaphore, #tpu.memory_space<semaphore_mem>>)
    %add3A_40 = arith.constant 160 : i32
    %add3A_41 = arith.addi %mul3A_4, %add3A_40 : i32
    %dma_start3A_42 = tpu.memref_slice %arg4[%add3A_41] : memref<320000xi32, #tpu.memory_space<hbm>> -> memref<40xi32, #tpu.memory_space<hbm>>
    %dma_start3A_43 = tpu.memref_slice %arg4[%add3A_41] : memref<320000xi32, #tpu.memory_space<hbm>> -> memref<40xi32, #tpu.memory_space<hbm>>
    tpu.enqueue_dma source(%dma_start3A_43 : memref<40xi32, #tpu.memory_space<hbm>>) target(%arg17 : memref<40xi32, #tpu.memory_space<vmem>>) target_semaphore(%arg47 : memref<!tpu.dma_semaphore, #tpu.memory_space<semaphore_mem>>)
    %add3A_44 = arith.constant 200 : i32
    %add3A_45 = arith.addi %mul3A_4, %add3A_44 : i32
    %dma_start3A_46 = tpu.memref_slice %arg3[%add3A_45] : memref<320000xi32, #tpu.memory_space<hbm>> -> memref<40xi32, #tpu.memory_space<hbm>>
    %dma_start3A_47 = tpu.memref_slice %arg3[%add3A_45] : memref<320000xi32, #tpu.memory_space<hbm>> -> memref<40xi32, #tpu.memory_space<hbm>>
    tpu.enqueue_dma source(%dma_start3A_47 : memref<40xi32, #tpu.memory_space<hbm>>) target(%arg12 : memref<40xi32, #tpu.memory_space<vmem>>) target_semaphore(%arg42 : memref<!tpu.dma_semaphore, #tpu.memory_space<semaphore_mem>>)
    %add3A_48 = arith.constant 200 : i32
    %add3A_49 = arith.addi %mul3A_4, %add3A_48 : i32
    %dma_start3A_50 = tpu.memref_slice %arg4[%add3A_49] : memref<320000xi32, #tpu.memory_space<hbm>> -> memref<40xi32, #tpu.memory_space<hbm>>
    %dma_start3A_51 = tpu.memref_slice %arg4[%add3A_49] : memref<320000xi32, #tpu.memory_space<hbm>> -> memref<40xi32, #tpu.memory_space<hbm>>
    tpu.enqueue_dma source(%dma_start3A_51 : memref<40xi32, #tpu.memory_space<hbm>>) target(%arg18 : memref<40xi32, #tpu.memory_space<vmem>>) target_semaphore(%arg48 : memref<!tpu.dma_semaphore, #tpu.memory_space<semaphore_mem>>)
    %eq3A = arith.constant 0 : i32
    %eq3A_52 = arith.cmpi eq, %arg0, %eq3A : i32
    %convert_element_type3A = arith.extui %eq3A_52 : i1 to i32
    %cond3A = arith.constant 0 : i32
    %cond3A_53 = arith.cmpi ne, %convert_element_type3A, %cond3A : i32
    scf.if %cond3A_53 {
      "tpu.region"() ({
        %run_scoped3A = tpu.sem_alloc : memref<!tpu.dma_semaphore, #tpu.memory_space<semaphore_mem>>
        %dma_start3A_134 = arith.constant 0 : i32
        %dma_start3A_135 = tpu.memref_slice %arg6[%mul3A_2, %dma_start3A_134] : memref<10240x128xf32, #tpu.memory_space<vmem_shared>> -> memref<640x128xf32, #tpu.memory_space<vmem_shared>>
        %dma_start3A_136 = arith.constant 0 : i32
        %dma_start3A_137 = tpu.memref_slice %arg2[%mul3A_2, %dma_start3A_136] : memref<10240x128xf32, #tpu.memory_space<hbm>> -> memref<640x128xf32, #tpu.memory_space<hbm>>
        tpu.enqueue_dma source(%dma_start3A_137 : memref<640x128xf32, #tpu.memory_space<hbm>>) target(%dma_start3A_135 : memref<640x128xf32, #tpu.memory_space<vmem_shared>>) target_semaphore(%run_scoped3A : memref<!tpu.dma_semaphore, #tpu.memory_space<semaphore_mem>>)
        %dma_wait3A_138 = arith.constant 0 : i32
        %dma_wait3A_139 = tpu.memref_slice %arg6[%mul3A_2, %dma_wait3A_138] : memref<10240x128xf32, #tpu.memory_space<vmem_shared>> -> memref<640x128xf32, #tpu.memory_space<vmem_shared>>
        %dma_wait3A_140 = arith.constant 0 : i32
        %dma_wait3A_141 = tpu.memref_slice %arg2[%mul3A_2, %dma_wait3A_140] : memref<10240x128xf32, #tpu.memory_space<hbm>> -> memref<640x128xf32, #tpu.memory_space<hbm>>
        tpu.wait_dma2 semaphore(%run_scoped3A : memref<!tpu.dma_semaphore, #tpu.memory_space<semaphore_mem>>) src(%dma_wait3A_141 : memref<640x128xf32, #tpu.memory_space<hbm>>) dst(%dma_wait3A_139 : memref<640x128xf32, #tpu.memory_space<vmem_shared>>)
        tpu.yield
      }) : () -> ()
    } else {
    }
    %eq3A_54 = arith.constant 1 : i32
    %eq3A_55 = arith.cmpi eq, %arg0, %eq3A_54 : i32
    %convert_element_type3A_56 = arith.extui %eq3A_55 : i1 to i32
    %cond3A_57 = arith.constant 0 : i32
    %cond3A_58 = arith.cmpi ne, %convert_element_type3A_56, %cond3A_57 : i32
    scf.if %cond3A_58 {
      %scan3A_134 = arith.constant 0 : i32
      %scan3A_135 = arith.constant 0 : i32
      %scan3A_136 = arith.constant 40 : i32
      %scan3A_137 = arith.addi %scan3A_135, %scan3A_136 : i32
      %scan3A_138 = arith.constant 1 : i32
      scf.for %scan3A_146 = %scan3A_135 to %scan3A_137 step %scan3A_138  : i32 {
        %broadcast_in_dim3A = arith.constant 0.000000e+00 : f32
        %broadcast_in_dim3A_147 = vector.broadcast %broadcast_in_dim3A : f32 to vector<16xf32>
        %swap3A = arith.index_cast %scan3A_146 : i32 to index
        %swap3A_148 = arith.constant 0 : index
        %swap3A_149 = tpu.vector_load %arg19[%swap3A, %swap3A_148] {strides = array<i32>} : memref<40x128xf32, #tpu.memory_space<vmem>>, vector<1x16xf32>,
        %swap3A_150 = vector.shape_cast %swap3A_149 : vector<1x16xf32> to vector<16xf32>
        %swap3A_151 = vector.shape_cast %broadcast_in_dim3A_147 : vector<16xf32> to vector<1x16xf32>
        tpu.vector_store %arg19[%swap3A, %swap3A_148], %swap3A_151 {strides = array<i32>} : memref<40x128xf32, #tpu.memory_space<vmem>>, vector<1x16xf32>,
        %broadcast_in_dim3A_152 = arith.constant 0.000000e+00 : f32
        %broadcast_in_dim3A_153 = vector.broadcast %broadcast_in_dim3A_152 : f32 to vector<16xf32>
        %swap3A_154 = arith.index_cast %scan3A_146 : i32 to index
        %swap3A_155 = arith.constant 16 : index
        %swap3A_156 = tpu.vector_load %arg19[%swap3A_154, %swap3A_155] {strides = array<i32>} : memref<40x128xf32, #tpu.memory_space<vmem>>, vector<1x16xf32>,
        %swap3A_157 = vector.shape_cast %swap3A_156 : vector<1x16xf32> to vector<16xf32>
        %swap3A_158 = vector.shape_cast %broadcast_in_dim3A_153 : vector<16xf32> to vector<1x16xf32>
        tpu.vector_store %arg19[%swap3A_154, %swap3A_155], %swap3A_158 {strides = array<i32>} : memref<40x128xf32, #tpu.memory_space<vmem>>, vector<1x16xf32>,
        %broadcast_in_dim3A_159 = arith.constant 0.000000e+00 : f32
        %broadcast_in_dim3A_160 = vector.broadcast %broadcast_in_dim3A_159 : f32 to vector<16xf32>
        %swap3A_161 = arith.index_cast %scan3A_146 : i32 to index
        %swap3A_162 = arith.constant 32 : index
        %swap3A_163 = tpu.vector_load %arg19[%swap3A_161, %swap3A_162] {strides = array<i32>} : memref<40x128xf32, #tpu.memory_space<vmem>>, vector<1x16xf32>,
        %swap3A_164 = vector.shape_cast %swap3A_163 : vector<1x16xf32> to vector<16xf32>
        %swap3A_165 = vector.shape_cast %broadcast_in_dim3A_160 : vector<16xf32> to vector<1x16xf32>
        tpu.vector_store %arg19[%swap3A_161, %swap3A_162], %swap3A_165 {strides = array<i32>} : memref<40x128xf32, #tpu.memory_space<vmem>>, vector<1x16xf32>,
        %broadcast_in_dim3A_166 = arith.constant 0.000000e+00 : f32
        %broadcast_in_dim3A_167 = vector.broadcast %broadcast_in_dim3A_166 : f32 to vector<16xf32>
        %swap3A_168 = arith.index_cast %scan3A_146 : i32 to index
        %swap3A_169 = arith.constant 48 : index
        %swap3A_170 = tpu.vector_load %arg19[%swap3A_168, %swap3A_169] {strides = array<i32>} : memref<40x128xf32, #tpu.memory_space<vmem>>, vector<1x16xf32>,
        %swap3A_171 = vector.shape_cast %swap3A_170 : vector<1x16xf32> to vector<16xf32>
        %swap3A_172 = vector.shape_cast %broadcast_in_dim3A_167 : vector<16xf32> to vector<1x16xf32>
        tpu.vector_store %arg19[%swap3A_168, %swap3A_169], %swap3A_172 {strides = array<i32>} : memref<40x128xf32, #tpu.memory_space<vmem>>, vector<1x16xf32>,
        %broadcast_in_dim3A_173 = arith.constant 0.000000e+00 : f32
        %broadcast_in_dim3A_174 = vector.broadcast %broadcast_in_dim3A_173 : f32 to vector<16xf32>
        %swap3A_175 = arith.index_cast %scan3A_146 : i32 to index
        %swap3A_176 = arith.constant 64 : index
        %swap3A_177 = tpu.vector_load %arg19[%swap3A_175, %swap3A_176] {strides = array<i32>} : memref<40x128xf32, #tpu.memory_space<vmem>>, vector<1x16xf32>,
        %swap3A_178 = vector.shape_cast %swap3A_177 : vector<1x16xf32> to vector<16xf32>
        %swap3A_179 = vector.shape_cast %broadcast_in_dim3A_174 : vector<16xf32> to vector<1x16xf32>
        tpu.vector_store %arg19[%swap3A_175, %swap3A_176], %swap3A_179 {strides = array<i32>} : memref<40x128xf32, #tpu.memory_space<vmem>>, vector<1x16xf32>,
        %broadcast_in_dim3A_180 = arith.constant 0.000000e+00 : f32
        %broadcast_in_dim3A_181 = vector.broadcast %broadcast_in_dim3A_180 : f32 to vector<16xf32>
        %swap3A_182 = arith.index_cast %scan3A_146 : i32 to index
        %swap3A_183 = arith.constant 80 : index
        %swap3A_184 = tpu.vector_load %arg19[%swap3A_182, %swap3A_183] {strides = array<i32>} : memref<40x128xf32, #tpu.memory_space<vmem>>, vector<1x16xf32>,
        %swap3A_185 = vector.shape_cast %swap3A_184 : vector<1x16xf32> to vector<16xf32>
        %swap3A_186 = vector.shape_cast %broadcast_in_dim3A_181 : vector<16xf32> to vector<1x16xf32>
        tpu.vector_store %arg19[%swap3A_182, %swap3A_183], %swap3A_186 {strides = array<i32>} : memref<40x128xf32, #tpu.memory_space<vmem>>, vector<1x16xf32>,
        %broadcast_in_dim3A_187 = arith.constant 0.000000e+00 : f32
        %broadcast_in_dim3A_188 = vector.broadcast %broadcast_in_dim3A_187 : f32 to vector<16xf32>
        %swap3A_189 = arith.index_cast %scan3A_146 : i32 to index
        %swap3A_190 = arith.constant 96 : index
        %swap3A_191 = tpu.vector_load %arg19[%swap3A_189, %swap3A_190] {strides = array<i32>} : memref<40x128xf32, #tpu.memory_space<vmem>>, vector<1x16xf32>,
        %swap3A_192 = vector.shape_cast %swap3A_191 : vector<1x16xf32> to vector<16xf32>
        %swap3A_193 = vector.shape_cast %broadcast_in_dim3A_188 : vector<16xf32> to vector<1x16xf32>
        tpu.vector_store %arg19[%swap3A_189, %swap3A_190], %swap3A_193 {strides = array<i32>} : memref<40x128xf32, #tpu.memory_space<vmem>>, vector<1x16xf32>,
        %broadcast_in_dim3A_194 = arith.constant 0.000000e+00 : f32
        %broadcast_in_dim3A_195 = vector.broadcast %broadcast_in_dim3A_194 : f32 to vector<16xf32>
        %swap3A_196 = arith.index_cast %scan3A_146 : i32 to index
        %swap3A_197 = arith.constant 112 : index
        %swap3A_198 = tpu.vector_load %arg19[%swap3A_196, %swap3A_197] {strides = array<i32>} : memref<40x128xf32, #tpu.memory_space<vmem>>, vector<1x16xf32>,
        %swap3A_199 = vector.shape_cast %swap3A_198 : vector<1x16xf32> to vector<16xf32>
        %swap3A_200 = vector.shape_cast %broadcast_in_dim3A_195 : vector<16xf32> to vector<1x16xf32>
        tpu.vector_store %arg19[%swap3A_196, %swap3A_197], %swap3A_200 {strides = array<i32>} : memref<40x128xf32, #tpu.memory_space<vmem>>, vector<1x16xf32>,
      }
      %scan3A_139 = arith.constant 40 : i32
      %scan3A_140 = arith.constant 0 : i32
      %scan3A_141 = arith.constant 0 : i32
      %scan3A_142 = arith.constant 16 : i32
      %scan3A_143 = arith.addi %scan3A_141, %scan3A_142 : i32
      %scan3A_144 = arith.constant 1 : i32
      scf.for %scan3A_146 = %scan3A_141 to %scan3A_143 step %scan3A_144  : i32 {
        %mul3A_147 = arith.constant 40 : i32
        %mul3A_148 = arith.muli %scan3A_146, %mul3A_147 : i32
        %add3A_149 = arith.addi %mul3A_2, %mul3A_148 : i32
        "tpu.region"() ({
          %run_scoped3A = tpu.sem_alloc : memref<!tpu.dma_semaphore, #tpu.memory_space<semaphore_mem>>
          %dma_start3A_150 = arith.constant 0 : i32
          %dma_start3A_151 = tpu.memref_slice %arg6[%add3A_149, %dma_start3A_150] : memref<10240x128xf32, #tpu.memory_space<vmem_shared>> -> memref<40x128xf32, #tpu.memory_space<vmem_shared>>
          %dma_start3A_152 = arith.constant 0 : i32
          %dma_start3A_153 = tpu.memref_slice %arg6[%add3A_149, %dma_start3A_152] : memref<10240x128xf32, #tpu.memory_space<vmem_shared>> -> memref<40x128xf32, #tpu.memory_space<vmem_shared>>
          tpu.enqueue_dma source(%arg19 : memref<40x128xf32, #tpu.memory_space<vmem>>) target(%dma_start3A_153 : memref<40x128xf32, #tpu.memory_space<vmem_shared>>) target_semaphore(%run_scoped3A : memref<!tpu.dma_semaphore, #tpu.memory_space<semaphore_mem>>)
          %dma_wait3A_154 = arith.constant 0 : i32
          %dma_wait3A_155 = tpu.memref_slice %arg6[%add3A_149, %dma_wait3A_154] : memref<10240x128xf32, #tpu.memory_space<vmem_shared>> -> memref<40x128xf32, #tpu.memory_space<vmem_shared>>
          %dma_wait3A_156 = arith.constant 0 : i32
          %dma_wait3A_157 = tpu.memref_slice %arg6[%add3A_149, %dma_wait3A_156] : memref<10240x128xf32, #tpu.memory_space<vmem_shared>> -> memref<40x128xf32, #tpu.memory_space<vmem_shared>>
          tpu.wait_dma2 semaphore(%run_scoped3A : memref<!tpu.dma_semaphore, #tpu.memory_space<semaphore_mem>>) src(%arg19 : memref<40x128xf32, #tpu.memory_space<vmem>>) dst(%dma_wait3A_157 : memref<40x128xf32, #tpu.memory_space<vmem_shared>>)
          tpu.yield
        }) : () -> ()
      }
      %scan3A_145 = arith.constant 16 : i32
    } else {
    }
    %barrier3A = arith.constant 0 : index
    tpu.barrier barrier_id(%barrier3A)
    %add3A_59 = arith.constant 0 : i32
    %add3A_60 = arith.addi %mul3A_4, %add3A_59 : i32
    %dma_wait3A = tpu.memref_slice %arg3[%add3A_60] : memref<320000xi32, #tpu.memory_space<hbm>> -> memref<40xi32, #tpu.memory_space<hbm>>
    %dma_wait3A_61 = tpu.memref_slice %arg3[%add3A_60] : memref<320000xi32, #tpu.memory_space<hbm>> -> memref<40xi32, #tpu.memory_space<hbm>>
    tpu.wait_dma2 semaphore(%arg37 : memref<!tpu.dma_semaphore, #tpu.memory_space<semaphore_mem>>) src(%dma_wait3A_61 : memref<40xi32, #tpu.memory_space<hbm>>) dst(%arg7 : memref<40xi32, #tpu.memory_space<vmem>>)
    %dma_start3A_62 = arith.constant 0 : i32
    %dma_start3A_63 = arith.constant 0 : i32
    %dma_start3A_64 = tpu.memref_slice %arg2[%dma_start3A_62, %dma_start3A_63] : memref<10240x128xf32, #tpu.memory_space<hbm>> -> memref<10240x128xf32, #tpu.memory_space<hbm>>
    tpu.enqueue_indirect_dma source(%dma_start3A_64 : memref<10240x128xf32, #tpu.memory_space<hbm>>) target(%arg19 : memref<40x128xf32, #tpu.memory_space<vmem>>) offsets(%arg7 : memref<40xi32, #tpu.memory_space<vmem>>) semaphore(%arg25 : memref<!tpu.dma_semaphore, #tpu.memory_space<semaphore_mem>>)
    %add3A_65 = arith.constant 40 : i32
    %add3A_66 = arith.addi %mul3A_4, %add3A_65 : i32
    %dma_wait3A_67 = tpu.memref_slice %arg3[%add3A_66] : memref<320000xi32, #tpu.memory_space<hbm>> -> memref<40xi32, #tpu.memory_space<hbm>>
    %dma_wait3A_68 = tpu.memref_slice %arg3[%add3A_66] : memref<320000xi32, #tpu.memory_space<hbm>> -> memref<40xi32, #tpu.memory_space<hbm>>
    tpu.wait_dma2 semaphore(%arg38 : memref<!tpu.dma_semaphore, #tpu.memory_space<semaphore_mem>>) src(%dma_wait3A_68 : memref<40xi32, #tpu.memory_space<hbm>>) dst(%arg8 : memref<40xi32, #tpu.memory_space<vmem>>)
    %dma_start3A_69 = arith.constant 0 : i32
    %dma_start3A_70 = arith.constant 0 : i32
    %dma_start3A_71 = tpu.memref_slice %arg2[%dma_start3A_69, %dma_start3A_70] : memref<10240x128xf32, #tpu.memory_space<hbm>> -> memref<10240x128xf32, #tpu.memory_space<hbm>>
    tpu.enqueue_indirect_dma source(%dma_start3A_71 : memref<10240x128xf32, #tpu.memory_space<hbm>>) target(%arg20 : memref<40x128xf32, #tpu.memory_space<vmem>>) offsets(%arg8 : memref<40xi32, #tpu.memory_space<vmem>>) semaphore(%arg26 : memref<!tpu.dma_semaphore, #tpu.memory_space<semaphore_mem>>)
    %add3A_72 = arith.constant 80 : i32
    %add3A_73 = arith.addi %mul3A_4, %add3A_72 : i32
    %dma_wait3A_74 = tpu.memref_slice %arg3[%add3A_73] : memref<320000xi32, #tpu.memory_space<hbm>> -> memref<40xi32, #tpu.memory_space<hbm>>
    %dma_wait3A_75 = tpu.memref_slice %arg3[%add3A_73] : memref<320000xi32, #tpu.memory_space<hbm>> -> memref<40xi32, #tpu.memory_space<hbm>>
    tpu.wait_dma2 semaphore(%arg39 : memref<!tpu.dma_semaphore, #tpu.memory_space<semaphore_mem>>) src(%dma_wait3A_75 : memref<40xi32, #tpu.memory_space<hbm>>) dst(%arg9 : memref<40xi32, #tpu.memory_space<vmem>>)
    %dma_start3A_76 = arith.constant 0 : i32
    %dma_start3A_77 = arith.constant 0 : i32
    %dma_start3A_78 = tpu.memref_slice %arg2[%dma_start3A_76, %dma_start3A_77] : memref<10240x128xf32, #tpu.memory_space<hbm>> -> memref<10240x128xf32, #tpu.memory_space<hbm>>
    tpu.enqueue_indirect_dma source(%dma_start3A_78 : memref<10240x128xf32, #tpu.memory_space<hbm>>) target(%arg21 : memref<40x128xf32, #tpu.memory_space<vmem>>) offsets(%arg9 : memref<40xi32, #tpu.memory_space<vmem>>) semaphore(%arg27 : memref<!tpu.dma_semaphore, #tpu.memory_space<semaphore_mem>>)
    %add3A_79 = arith.constant 120 : i32
    %add3A_80 = arith.addi %mul3A_4, %add3A_79 : i32
    %dma_wait3A_81 = tpu.memref_slice %arg3[%add3A_80] : memref<320000xi32, #tpu.memory_space<hbm>> -> memref<40xi32, #tpu.memory_space<hbm>>
    %dma_wait3A_82 = tpu.memref_slice %arg3[%add3A_80] : memref<320000xi32, #tpu.memory_space<hbm>> -> memref<40xi32, #tpu.memory_space<hbm>>
    tpu.wait_dma2 semaphore(%arg40 : memref<!tpu.dma_semaphore, #tpu.memory_space<semaphore_mem>>) src(%dma_wait3A_82 : memref<40xi32, #tpu.memory_space<hbm>>) dst(%arg10 : memref<40xi32, #tpu.memory_space<vmem>>)
    %dma_start3A_83 = arith.constant 0 : i32
    %dma_start3A_84 = arith.constant 0 : i32
    %dma_start3A_85 = tpu.memref_slice %arg2[%dma_start3A_83, %dma_start3A_84] : memref<10240x128xf32, #tpu.memory_space<hbm>> -> memref<10240x128xf32, #tpu.memory_space<hbm>>
    tpu.enqueue_indirect_dma source(%dma_start3A_85 : memref<10240x128xf32, #tpu.memory_space<hbm>>) target(%arg22 : memref<40x128xf32, #tpu.memory_space<vmem>>) offsets(%arg10 : memref<40xi32, #tpu.memory_space<vmem>>) semaphore(%arg28 : memref<!tpu.dma_semaphore, #tpu.memory_space<semaphore_mem>>)
    %add3A_86 = arith.constant 160 : i32
    %add3A_87 = arith.addi %mul3A_4, %add3A_86 : i32
    %dma_wait3A_88 = tpu.memref_slice %arg3[%add3A_87] : memref<320000xi32, #tpu.memory_space<hbm>> -> memref<40xi32, #tpu.memory_space<hbm>>
    %dma_wait3A_89 = tpu.memref_slice %arg3[%add3A_87] : memref<320000xi32, #tpu.memory_space<hbm>> -> memref<40xi32, #tpu.memory_space<hbm>>
    tpu.wait_dma2 semaphore(%arg41 : memref<!tpu.dma_semaphore, #tpu.memory_space<semaphore_mem>>) src(%dma_wait3A_89 : memref<40xi32, #tpu.memory_space<hbm>>) dst(%arg11 : memref<40xi32, #tpu.memory_space<vmem>>)
    %dma_start3A_90 = arith.constant 0 : i32
    %dma_start3A_91 = arith.constant 0 : i32
    %dma_start3A_92 = tpu.memref_slice %arg2[%dma_start3A_90, %dma_start3A_91] : memref<10240x128xf32, #tpu.memory_space<hbm>> -> memref<10240x128xf32, #tpu.memory_space<hbm>>
    tpu.enqueue_indirect_dma source(%dma_start3A_92 : memref<10240x128xf32, #tpu.memory_space<hbm>>) target(%arg23 : memref<40x128xf32, #tpu.memory_space<vmem>>) offsets(%arg11 : memref<40xi32, #tpu.memory_space<vmem>>) semaphore(%arg29 : memref<!tpu.dma_semaphore, #tpu.memory_space<semaphore_mem>>)
    %add3A_93 = arith.constant 200 : i32
    %add3A_94 = arith.addi %mul3A_4, %add3A_93 : i32
    %dma_wait3A_95 = tpu.memref_slice %arg3[%add3A_94] : memref<320000xi32, #tpu.memory_space<hbm>> -> memref<40xi32, #tpu.memory_space<hbm>>
    %dma_wait3A_96 = tpu.memref_slice %arg3[%add3A_94] : memref<320000xi32, #tpu.memory_space<hbm>> -> memref<40xi32, #tpu.memory_space<hbm>>
    tpu.wait_dma2 semaphore(%arg42 : memref<!tpu.dma_semaphore, #tpu.memory_space<semaphore_mem>>) src(%dma_wait3A_96 : memref<40xi32, #tpu.memory_space<hbm>>) dst(%arg12 : memref<40xi32, #tpu.memory_space<vmem>>)
    %dma_start3A_97 = arith.constant 0 : i32
    %dma_start3A_98 = arith.constant 0 : i32
    %dma_start3A_99 = tpu.memref_slice %arg2[%dma_start3A_97, %dma_start3A_98] : memref<10240x128xf32, #tpu.memory_space<hbm>> -> memref<10240x128xf32, #tpu.memory_space<hbm>>
    tpu.enqueue_indirect_dma source(%dma_start3A_99 : memref<10240x128xf32, #tpu.memory_space<hbm>>) target(%arg24 : memref<40x128xf32, #tpu.memory_space<vmem>>) offsets(%arg12 : memref<40xi32, #tpu.memory_space<vmem>>) semaphore(%arg30 : memref<!tpu.dma_semaphore, #tpu.memory_space<semaphore_mem>>)
    %scan3A = arith.constant 0 : i32
    %scan3A_100 = arith.constant 0 : i32
    %scan3A_101 = arith.constant 41 : i32
    %scan3A_102 = arith.addi %scan3A_100, %scan3A_101 : i32
    %scan3A_103 = arith.constant 1 : i32
    scf.for %scan3A_134 = %scan3A_100 to %scan3A_102 step %scan3A_103  : i32 {
      %mul3A_135 = arith.constant 6 : i32
      %mul3A_136 = arith.muli %scan3A_134, %mul3A_135 : i32
      %add3A_137 = arith.constant 0 : i32
      %add3A_138 = arith.addi %mul3A_136, %add3A_137 : i32
      %dma_wait3A_139 = arith.constant 0 : i32
      %dma_wait3A_140 = arith.constant 0 : i32
      %dma_wait3A_141 = tpu.memref_slice %arg2[%dma_wait3A_139, %dma_wait3A_140] : memref<10240x128xf32, #tpu.memory_space<hbm>> -> memref<10240x128xf32, #tpu.memory_space<hbm>>
      tpu.wait_indirect_dma semaphore(%arg25 : memref<!tpu.dma_semaphore, #tpu.memory_space<semaphore_mem>>) src(%dma_wait3A_141 : memref<10240x128xf32, #tpu.memory_space<hbm>>) dst(%arg19 : memref<40x128xf32, #tpu.memory_space<vmem>>)
      %add3A_142 = arith.constant 0 : i32
      %add3A_143 = arith.addi %mul3A_136, %add3A_142 : i32
      %add3A_144 = arith.constant 6 : i32
      %add3A_145 = arith.addi %add3A_143, %add3A_144 : i32
      %lt3A = arith.constant 250 : i32
      %lt3A_146 = arith.cmpi slt, %add3A_145, %lt3A : i32
      %convert_element_type3A_147 = arith.extui %lt3A_146 : i1 to i32
      %cond3A_148 = arith.constant 0 : i32
      %cond3A_149 = arith.cmpi ne, %convert_element_type3A_147, %cond3A_148 : i32
      scf.if %cond3A_149 {
        %add3A_352 = arith.constant 0 : i32
        %add3A_353 = arith.addi %mul3A_136, %add3A_352 : i32
        %add3A_354 = arith.constant 6 : i32
        %add3A_355 = arith.addi %add3A_353, %add3A_354 : i32
        %mul3A_356 = arith.constant 40 : i32
        %mul3A_357 = arith.muli %add3A_355, %mul3A_356 : i32
        %add3A_358 = arith.addi %mul3A_4, %mul3A_357 : i32
        %dma_start3A_359 = tpu.memref_slice %arg3[%add3A_358] : memref<320000xi32, #tpu.memory_space<hbm>> -> memref<40xi32, #tpu.memory_space<hbm>>
        %dma_start3A_360 = tpu.memref_slice %arg3[%add3A_358] : memref<320000xi32, #tpu.memory_space<hbm>> -> memref<40xi32, #tpu.memory_space<hbm>>
        tpu.enqueue_dma source(%dma_start3A_360 : memref<40xi32, #tpu.memory_space<hbm>>) target(%arg7 : memref<40xi32, #tpu.memory_space<vmem>>) target_semaphore(%arg37 : memref<!tpu.dma_semaphore, #tpu.memory_space<semaphore_mem>>)
      } else {
      }
      %add3A_150 = arith.constant 0 : i32
      %add3A_151 = arith.addi %mul3A_136, %add3A_150 : i32
      %mul3A_152 = arith.constant 40 : i32
      %mul3A_153 = arith.muli %add3A_151, %mul3A_152 : i32
      %add3A_154 = arith.addi %mul3A_4, %mul3A_153 : i32
      %dma_wait3A_155 = tpu.memref_slice %arg4[%add3A_154] : memref<320000xi32, #tpu.memory_space<hbm>> -> memref<40xi32, #tpu.memory_space<hbm>>
      %dma_wait3A_156 = tpu.memref_slice %arg4[%add3A_154] : memref<320000xi32, #tpu.memory_space<hbm>> -> memref<40xi32, #tpu.memory_space<hbm>>
      tpu.wait_dma2 semaphore(%arg43 : memref<!tpu.dma_semaphore, #tpu.memory_space<semaphore_mem>>) src(%dma_wait3A_156 : memref<40xi32, #tpu.memory_space<hbm>>) dst(%arg13 : memref<40xi32, #tpu.memory_space<vmem>>)
      %dma_start3A_157 = arith.constant 0 : i32
      %dma_start3A_158 = arith.constant 0 : i32
      %dma_start3A_159 = tpu.memref_slice %arg6[%dma_start3A_157, %dma_start3A_158] : memref<10240x128xf32, #tpu.memory_space<vmem_shared>> -> memref<10240x128xf32, #tpu.memory_space<vmem_shared>>
      tpu.enqueue_indirect_dma source(%arg19 : memref<40x128xf32, #tpu.memory_space<vmem>>) target(%dma_start3A_159 : memref<10240x128xf32, #tpu.memory_space<vmem_shared>>) offsets(%arg13 : memref<40xi32, #tpu.memory_space<vmem>>) semaphore(%arg31 : memref<!tpu.dma_semaphore, #tpu.memory_space<semaphore_mem>>) {add = true}
      %add3A_160 = arith.constant 1 : i32
      %add3A_161 = arith.addi %mul3A_136, %add3A_160 : i32
      %dma_wait3A_162 = arith.constant 0 : i32
      %dma_wait3A_163 = arith.constant 0 : i32
      %dma_wait3A_164 = tpu.memref_slice %arg2[%dma_wait3A_162, %dma_wait3A_163] : memref<10240x128xf32, #tpu.memory_space<hbm>> -> memref<10240x128xf32, #tpu.memory_space<hbm>>
      tpu.wait_indirect_dma semaphore(%arg26 : memref<!tpu.dma_semaphore, #tpu.memory_space<semaphore_mem>>) src(%dma_wait3A_164 : memref<10240x128xf32, #tpu.memory_space<hbm>>) dst(%arg20 : memref<40x128xf32, #tpu.memory_space<vmem>>)
      %add3A_165 = arith.constant 1 : i32
      %add3A_166 = arith.addi %mul3A_136, %add3A_165 : i32
      %add3A_167 = arith.constant 6 : i32
      %add3A_168 = arith.addi %add3A_166, %add3A_167 : i32
      %lt3A_169 = arith.constant 250 : i32
      %lt3A_170 = arith.cmpi slt, %add3A_168, %lt3A_169 : i32
      %convert_element_type3A_171 = arith.extui %lt3A_170 : i1 to i32
      %cond3A_172 = arith.constant 0 : i32
      %cond3A_173 = arith.cmpi ne, %convert_element_type3A_171, %cond3A_172 : i32
      scf.if %cond3A_173 {
        %add3A_352 = arith.constant 1 : i32
        %add3A_353 = arith.addi %mul3A_136, %add3A_352 : i32
        %add3A_354 = arith.constant 6 : i32
        %add3A_355 = arith.addi %add3A_353, %add3A_354 : i32
        %mul3A_356 = arith.constant 40 : i32
        %mul3A_357 = arith.muli %add3A_355, %mul3A_356 : i32
        %add3A_358 = arith.addi %mul3A_4, %mul3A_357 : i32
        %dma_start3A_359 = tpu.memref_slice %arg3[%add3A_358] : memref<320000xi32, #tpu.memory_space<hbm>> -> memref<40xi32, #tpu.memory_space<hbm>>
        %dma_start3A_360 = tpu.memref_slice %arg3[%add3A_358] : memref<320000xi32, #tpu.memory_space<hbm>> -> memref<40xi32, #tpu.memory_space<hbm>>
        tpu.enqueue_dma source(%dma_start3A_360 : memref<40xi32, #tpu.memory_space<hbm>>) target(%arg8 : memref<40xi32, #tpu.memory_space<vmem>>) target_semaphore(%arg38 : memref<!tpu.dma_semaphore, #tpu.memory_space<semaphore_mem>>)
      } else {
      }
      %add3A_174 = arith.constant 1 : i32
      %add3A_175 = arith.addi %mul3A_136, %add3A_174 : i32
      %mul3A_176 = arith.constant 40 : i32
      %mul3A_177 = arith.muli %add3A_175, %mul3A_176 : i32
      %add3A_178 = arith.addi %mul3A_4, %mul3A_177 : i32
      %dma_wait3A_179 = tpu.memref_slice %arg4[%add3A_178] : memref<320000xi32, #tpu.memory_space<hbm>> -> memref<40xi32, #tpu.memory_space<hbm>>
      %dma_wait3A_180 = tpu.memref_slice %arg4[%add3A_178] : memref<320000xi32, #tpu.memory_space<hbm>> -> memref<40xi32, #tpu.memory_space<hbm>>
      tpu.wait_dma2 semaphore(%arg44 : memref<!tpu.dma_semaphore, #tpu.memory_space<semaphore_mem>>) src(%dma_wait3A_180 : memref<40xi32, #tpu.memory_space<hbm>>) dst(%arg14 : memref<40xi32, #tpu.memory_space<vmem>>)
      %dma_start3A_181 = arith.constant 0 : i32
      %dma_start3A_182 = arith.constant 0 : i32
      %dma_start3A_183 = tpu.memref_slice %arg6[%dma_start3A_181, %dma_start3A_182] : memref<10240x128xf32, #tpu.memory_space<vmem_shared>> -> memref<10240x128xf32, #tpu.memory_space<vmem_shared>>
      tpu.enqueue_indirect_dma source(%arg20 : memref<40x128xf32, #tpu.memory_space<vmem>>) target(%dma_start3A_183 : memref<10240x128xf32, #tpu.memory_space<vmem_shared>>) offsets(%arg14 : memref<40xi32, #tpu.memory_space<vmem>>) semaphore(%arg32 : memref<!tpu.dma_semaphore, #tpu.memory_space<semaphore_mem>>) {add = true}
      %add3A_184 = arith.constant 2 : i32
      %add3A_185 = arith.addi %mul3A_136, %add3A_184 : i32
      %dma_wait3A_186 = arith.constant 0 : i32
      %dma_wait3A_187 = arith.constant 0 : i32
      %dma_wait3A_188 = tpu.memref_slice %arg2[%dma_wait3A_186, %dma_wait3A_187] : memref<10240x128xf32, #tpu.memory_space<hbm>> -> memref<10240x128xf32, #tpu.memory_space<hbm>>
      tpu.wait_indirect_dma semaphore(%arg27 : memref<!tpu.dma_semaphore, #tpu.memory_space<semaphore_mem>>) src(%dma_wait3A_188 : memref<10240x128xf32, #tpu.memory_space<hbm>>) dst(%arg21 : memref<40x128xf32, #tpu.memory_space<vmem>>)
      %add3A_189 = arith.constant 2 : i32
      %add3A_190 = arith.addi %mul3A_136, %add3A_189 : i32
      %add3A_191 = arith.constant 6 : i32
      %add3A_192 = arith.addi %add3A_190, %add3A_191 : i32
      %lt3A_193 = arith.constant 250 : i32
      %lt3A_194 = arith.cmpi slt, %add3A_192, %lt3A_193 : i32
      %convert_element_type3A_195 = arith.extui %lt3A_194 : i1 to i32
      %cond3A_196 = arith.constant 0 : i32
      %cond3A_197 = arith.cmpi ne, %convert_element_type3A_195, %cond3A_196 : i32
      scf.if %cond3A_197 {
        %add3A_352 = arith.constant 2 : i32
        %add3A_353 = arith.addi %mul3A_136, %add3A_352 : i32
        %add3A_354 = arith.constant 6 : i32
        %add3A_355 = arith.addi %add3A_353, %add3A_354 : i32
        %mul3A_356 = arith.constant 40 : i32
        %mul3A_357 = arith.muli %add3A_355, %mul3A_356 : i32
        %add3A_358 = arith.addi %mul3A_4, %mul3A_357 : i32
        %dma_start3A_359 = tpu.memref_slice %arg3[%add3A_358] : memref<320000xi32, #tpu.memory_space<hbm>> -> memref<40xi32, #tpu.memory_space<hbm>>
        %dma_start3A_360 = tpu.memref_slice %arg3[%add3A_358] : memref<320000xi32, #tpu.memory_space<hbm>> -> memref<40xi32, #tpu.memory_space<hbm>>
        tpu.enqueue_dma source(%dma_start3A_360 : memref<40xi32, #tpu.memory_space<hbm>>) target(%arg9 : memref<40xi32, #tpu.memory_space<vmem>>) target_semaphore(%arg39 : memref<!tpu.dma_semaphore, #tpu.memory_space<semaphore_mem>>)
      } else {
      }
      %add3A_198 = arith.constant 2 : i32
      %add3A_199 = arith.addi %mul3A_136, %add3A_198 : i32
      %mul3A_200 = arith.constant 40 : i32
      %mul3A_201 = arith.muli %add3A_199, %mul3A_200 : i32
      %add3A_202 = arith.addi %mul3A_4, %mul3A_201 : i32
      %dma_wait3A_203 = tpu.memref_slice %arg4[%add3A_202] : memref<320000xi32, #tpu.memory_space<hbm>> -> memref<40xi32, #tpu.memory_space<hbm>>
      %dma_wait3A_204 = tpu.memref_slice %arg4[%add3A_202] : memref<320000xi32, #tpu.memory_space<hbm>> -> memref<40xi32, #tpu.memory_space<hbm>>
      tpu.wait_dma2 semaphore(%arg45 : memref<!tpu.dma_semaphore, #tpu.memory_space<semaphore_mem>>) src(%dma_wait3A_204 : memref<40xi32, #tpu.memory_space<hbm>>) dst(%arg15 : memref<40xi32, #tpu.memory_space<vmem>>)
      %dma_start3A_205 = arith.constant 0 : i32
      %dma_start3A_206 = arith.constant 0 : i32
      %dma_start3A_207 = tpu.memref_slice %arg6[%dma_start3A_205, %dma_start3A_206] : memref<10240x128xf32, #tpu.memory_space<vmem_shared>> -> memref<10240x128xf32, #tpu.memory_space<vmem_shared>>
      tpu.enqueue_indirect_dma source(%arg21 : memref<40x128xf32, #tpu.memory_space<vmem>>) target(%dma_start3A_207 : memref<10240x128xf32, #tpu.memory_space<vmem_shared>>) offsets(%arg15 : memref<40xi32, #tpu.memory_space<vmem>>) semaphore(%arg33 : memref<!tpu.dma_semaphore, #tpu.memory_space<semaphore_mem>>) {add = true}
      %add3A_208 = arith.constant 3 : i32
      %add3A_209 = arith.addi %mul3A_136, %add3A_208 : i32
      %dma_wait3A_210 = arith.constant 0 : i32
      %dma_wait3A_211 = arith.constant 0 : i32
      %dma_wait3A_212 = tpu.memref_slice %arg2[%dma_wait3A_210, %dma_wait3A_211] : memref<10240x128xf32, #tpu.memory_space<hbm>> -> memref<10240x128xf32, #tpu.memory_space<hbm>>
      tpu.wait_indirect_dma semaphore(%arg28 : memref<!tpu.dma_semaphore, #tpu.memory_space<semaphore_mem>>) src(%dma_wait3A_212 : memref<10240x128xf32, #tpu.memory_space<hbm>>) dst(%arg22 : memref<40x128xf32, #tpu.memory_space<vmem>>)
      %add3A_213 = arith.constant 3 : i32
      %add3A_214 = arith.addi %mul3A_136, %add3A_213 : i32
      %add3A_215 = arith.constant 6 : i32
      %add3A_216 = arith.addi %add3A_214, %add3A_215 : i32
      %lt3A_217 = arith.constant 250 : i32
      %lt3A_218 = arith.cmpi slt, %add3A_216, %lt3A_217 : i32
      %convert_element_type3A_219 = arith.extui %lt3A_218 : i1 to i32
      %cond3A_220 = arith.constant 0 : i32
      %cond3A_221 = arith.cmpi ne, %convert_element_type3A_219, %cond3A_220 : i32
      scf.if %cond3A_221 {
        %add3A_352 = arith.constant 3 : i32
        %add3A_353 = arith.addi %mul3A_136, %add3A_352 : i32
        %add3A_354 = arith.constant 6 : i32
        %add3A_355 = arith.addi %add3A_353, %add3A_354 : i32
        %mul3A_356 = arith.constant 40 : i32
        %mul3A_357 = arith.muli %add3A_355, %mul3A_356 : i32
        %add3A_358 = arith.addi %mul3A_4, %mul3A_357 : i32
        %dma_start3A_359 = tpu.memref_slice %arg3[%add3A_358] : memref<320000xi32, #tpu.memory_space<hbm>> -> memref<40xi32, #tpu.memory_space<hbm>>
        %dma_start3A_360 = tpu.memref_slice %arg3[%add3A_358] : memref<320000xi32, #tpu.memory_space<hbm>> -> memref<40xi32, #tpu.memory_space<hbm>>
        tpu.enqueue_dma source(%dma_start3A_360 : memref<40xi32, #tpu.memory_space<hbm>>) target(%arg10 : memref<40xi32, #tpu.memory_space<vmem>>) target_semaphore(%arg40 : memref<!tpu.dma_semaphore, #tpu.memory_space<semaphore_mem>>)
      } else {
      }
      %add3A_222 = arith.constant 3 : i32
      %add3A_223 = arith.addi %mul3A_136, %add3A_222 : i32
      %mul3A_224 = arith.constant 40 : i32
      %mul3A_225 = arith.muli %add3A_223, %mul3A_224 : i32
      %add3A_226 = arith.addi %mul3A_4, %mul3A_225 : i32
      %dma_wait3A_227 = tpu.memref_slice %arg4[%add3A_226] : memref<320000xi32, #tpu.memory_space<hbm>> -> memref<40xi32, #tpu.memory_space<hbm>>
      %dma_wait3A_228 = tpu.memref_slice %arg4[%add3A_226] : memref<320000xi32, #tpu.memory_space<hbm>> -> memref<40xi32, #tpu.memory_space<hbm>>
      tpu.wait_dma2 semaphore(%arg46 : memref<!tpu.dma_semaphore, #tpu.memory_space<semaphore_mem>>) src(%dma_wait3A_228 : memref<40xi32, #tpu.memory_space<hbm>>) dst(%arg16 : memref<40xi32, #tpu.memory_space<vmem>>)
      %dma_start3A_229 = arith.constant 0 : i32
      %dma_start3A_230 = arith.constant 0 : i32
      %dma_start3A_231 = tpu.memref_slice %arg6[%dma_start3A_229, %dma_start3A_230] : memref<10240x128xf32, #tpu.memory_space<vmem_shared>> -> memref<10240x128xf32, #tpu.memory_space<vmem_shared>>
      tpu.enqueue_indirect_dma source(%arg22 : memref<40x128xf32, #tpu.memory_space<vmem>>) target(%dma_start3A_231 : memref<10240x128xf32, #tpu.memory_space<vmem_shared>>) offsets(%arg16 : memref<40xi32, #tpu.memory_space<vmem>>) semaphore(%arg34 : memref<!tpu.dma_semaphore, #tpu.memory_space<semaphore_mem>>) {add = true}
      %add3A_232 = arith.constant 4 : i32
      %add3A_233 = arith.addi %mul3A_136, %add3A_232 : i32
      %dma_wait3A_234 = arith.constant 0 : i32
      %dma_wait3A_235 = arith.constant 0 : i32
      %dma_wait3A_236 = tpu.memref_slice %arg2[%dma_wait3A_234, %dma_wait3A_235] : memref<10240x128xf32, #tpu.memory_space<hbm>> -> memref<10240x128xf32, #tpu.memory_space<hbm>>
      tpu.wait_indirect_dma semaphore(%arg29 : memref<!tpu.dma_semaphore, #tpu.memory_space<semaphore_mem>>) src(%dma_wait3A_236 : memref<10240x128xf32, #tpu.memory_space<hbm>>) dst(%arg23 : memref<40x128xf32, #tpu.memory_space<vmem>>)
      %add3A_237 = arith.constant 4 : i32
      %add3A_238 = arith.addi %mul3A_136, %add3A_237 : i32
      %add3A_239 = arith.constant 6 : i32
      %add3A_240 = arith.addi %add3A_238, %add3A_239 : i32
      %lt3A_241 = arith.constant 250 : i32
      %lt3A_242 = arith.cmpi slt, %add3A_240, %lt3A_241 : i32
      %convert_element_type3A_243 = arith.extui %lt3A_242 : i1 to i32
      %cond3A_244 = arith.constant 0 : i32
      %cond3A_245 = arith.cmpi ne, %convert_element_type3A_243, %cond3A_244 : i32
      scf.if %cond3A_245 {
        %add3A_352 = arith.constant 4 : i32
        %add3A_353 = arith.addi %mul3A_136, %add3A_352 : i32
        %add3A_354 = arith.constant 6 : i32
        %add3A_355 = arith.addi %add3A_353, %add3A_354 : i32
        %mul3A_356 = arith.constant 40 : i32
        %mul3A_357 = arith.muli %add3A_355, %mul3A_356 : i32
        %add3A_358 = arith.addi %mul3A_4, %mul3A_357 : i32
        %dma_start3A_359 = tpu.memref_slice %arg3[%add3A_358] : memref<320000xi32, #tpu.memory_space<hbm>> -> memref<40xi32, #tpu.memory_space<hbm>>
        %dma_start3A_360 = tpu.memref_slice %arg3[%add3A_358] : memref<320000xi32, #tpu.memory_space<hbm>> -> memref<40xi32, #tpu.memory_space<hbm>>
        tpu.enqueue_dma source(%dma_start3A_360 : memref<40xi32, #tpu.memory_space<hbm>>) target(%arg11 : memref<40xi32, #tpu.memory_space<vmem>>) target_semaphore(%arg41 : memref<!tpu.dma_semaphore, #tpu.memory_space<semaphore_mem>>)
      } else {
      }
      %add3A_246 = arith.constant 4 : i32
      %add3A_247 = arith.addi %mul3A_136, %add3A_246 : i32
      %mul3A_248 = arith.constant 40 : i32
      %mul3A_249 = arith.muli %add3A_247, %mul3A_248 : i32
      %add3A_250 = arith.addi %mul3A_4, %mul3A_249 : i32
      %dma_wait3A_251 = tpu.memref_slice %arg4[%add3A_250] : memref<320000xi32, #tpu.memory_space<hbm>> -> memref<40xi32, #tpu.memory_space<hbm>>
      %dma_wait3A_252 = tpu.memref_slice %arg4[%add3A_250] : memref<320000xi32, #tpu.memory_space<hbm>> -> memref<40xi32, #tpu.memory_space<hbm>>
      tpu.wait_dma2 semaphore(%arg47 : memref<!tpu.dma_semaphore, #tpu.memory_space<semaphore_mem>>) src(%dma_wait3A_252 : memref<40xi32, #tpu.memory_space<hbm>>) dst(%arg17 : memref<40xi32, #tpu.memory_space<vmem>>)
      %dma_start3A_253 = arith.constant 0 : i32
      %dma_start3A_254 = arith.constant 0 : i32
      %dma_start3A_255 = tpu.memref_slice %arg6[%dma_start3A_253, %dma_start3A_254] : memref<10240x128xf32, #tpu.memory_space<vmem_shared>> -> memref<10240x128xf32, #tpu.memory_space<vmem_shared>>
      tpu.enqueue_indirect_dma source(%arg23 : memref<40x128xf32, #tpu.memory_space<vmem>>) target(%dma_start3A_255 : memref<10240x128xf32, #tpu.memory_space<vmem_shared>>) offsets(%arg17 : memref<40xi32, #tpu.memory_space<vmem>>) semaphore(%arg35 : memref<!tpu.dma_semaphore, #tpu.memory_space<semaphore_mem>>) {add = true}
      %add3A_256 = arith.constant 5 : i32
      %add3A_257 = arith.addi %mul3A_136, %add3A_256 : i32
      %dma_wait3A_258 = arith.constant 0 : i32
      %dma_wait3A_259 = arith.constant 0 : i32
      %dma_wait3A_260 = tpu.memref_slice %arg2[%dma_wait3A_258, %dma_wait3A_259] : memref<10240x128xf32, #tpu.memory_space<hbm>> -> memref<10240x128xf32, #tpu.memory_space<hbm>>
      tpu.wait_indirect_dma semaphore(%arg30 : memref<!tpu.dma_semaphore, #tpu.memory_space<semaphore_mem>>) src(%dma_wait3A_260 : memref<10240x128xf32, #tpu.memory_space<hbm>>) dst(%arg24 : memref<40x128xf32, #tpu.memory_space<vmem>>)
      %add3A_261 = arith.constant 5 : i32
      %add3A_262 = arith.addi %mul3A_136, %add3A_261 : i32
      %add3A_263 = arith.constant 6 : i32
      %add3A_264 = arith.addi %add3A_262, %add3A_263 : i32
      %lt3A_265 = arith.constant 250 : i32
      %lt3A_266 = arith.cmpi slt, %add3A_264, %lt3A_265 : i32
      %convert_element_type3A_267 = arith.extui %lt3A_266 : i1 to i32
      %cond3A_268 = arith.constant 0 : i32
      %cond3A_269 = arith.cmpi ne, %convert_element_type3A_267, %cond3A_268 : i32
      scf.if %cond3A_269 {
        %add3A_352 = arith.constant 5 : i32
        %add3A_353 = arith.addi %mul3A_136, %add3A_352 : i32
        %add3A_354 = arith.constant 6 : i32
        %add3A_355 = arith.addi %add3A_353, %add3A_354 : i32
        %mul3A_356 = arith.constant 40 : i32
        %mul3A_357 = arith.muli %add3A_355, %mul3A_356 : i32
        %add3A_358 = arith.addi %mul3A_4, %mul3A_357 : i32
        %dma_start3A_359 = tpu.memref_slice %arg3[%add3A_358] : memref<320000xi32, #tpu.memory_space<hbm>> -> memref<40xi32, #tpu.memory_space<hbm>>
        %dma_start3A_360 = tpu.memref_slice %arg3[%add3A_358] : memref<320000xi32, #tpu.memory_space<hbm>> -> memref<40xi32, #tpu.memory_space<hbm>>
        tpu.enqueue_dma source(%dma_start3A_360 : memref<40xi32, #tpu.memory_space<hbm>>) target(%arg12 : memref<40xi32, #tpu.memory_space<vmem>>) target_semaphore(%arg42 : memref<!tpu.dma_semaphore, #tpu.memory_space<semaphore_mem>>)
      } else {
      }
      %add3A_270 = arith.constant 5 : i32
      %add3A_271 = arith.addi %mul3A_136, %add3A_270 : i32
      %mul3A_272 = arith.constant 40 : i32
      %mul3A_273 = arith.muli %add3A_271, %mul3A_272 : i32
      %add3A_274 = arith.addi %mul3A_4, %mul3A_273 : i32
      %dma_wait3A_275 = tpu.memref_slice %arg4[%add3A_274] : memref<320000xi32, #tpu.memory_space<hbm>> -> memref<40xi32, #tpu.memory_space<hbm>>
      %dma_wait3A_276 = tpu.memref_slice %arg4[%add3A_274] : memref<320000xi32, #tpu.memory_space<hbm>> -> memref<40xi32, #tpu.memory_space<hbm>>
      tpu.wait_dma2 semaphore(%arg48 : memref<!tpu.dma_semaphore, #tpu.memory_space<semaphore_mem>>) src(%dma_wait3A_276 : memref<40xi32, #tpu.memory_space<hbm>>) dst(%arg18 : memref<40xi32, #tpu.memory_space<vmem>>)
      %dma_start3A_277 = arith.constant 0 : i32
      %dma_start3A_278 = arith.constant 0 : i32
      %dma_start3A_279 = tpu.memref_slice %arg6[%dma_start3A_277, %dma_start3A_278] : memref<10240x128xf32, #tpu.memory_space<vmem_shared>> -> memref<10240x128xf32, #tpu.memory_space<vmem_shared>>
      tpu.enqueue_indirect_dma source(%arg24 : memref<40x128xf32, #tpu.memory_space<vmem>>) target(%dma_start3A_279 : memref<10240x128xf32, #tpu.memory_space<vmem_shared>>) offsets(%arg18 : memref<40xi32, #tpu.memory_space<vmem>>) semaphore(%arg36 : memref<!tpu.dma_semaphore, #tpu.memory_space<semaphore_mem>>) {add = true}
      %dma_wait3A_280 = arith.constant 0 : i32
      %dma_wait3A_281 = arith.constant 0 : i32
      %dma_wait3A_282 = tpu.memref_slice %arg6[%dma_wait3A_280, %dma_wait3A_281] : memref<10240x128xf32, #tpu.memory_space<vmem_shared>> -> memref<10240x128xf32, #tpu.memory_space<vmem_shared>>
      tpu.wait_indirect_dma semaphore(%arg31 : memref<!tpu.dma_semaphore, #tpu.memory_space<semaphore_mem>>) src(%arg19 : memref<40x128xf32, #tpu.memory_space<vmem>>) dst(%dma_wait3A_282 : memref<10240x128xf32, #tpu.memory_space<vmem_shared>>)
      %add3A_283 = arith.constant 0 : i32
      %add3A_284 = arith.addi %mul3A_136, %add3A_283 : i32
      %add3A_285 = arith.constant 6 : i32
      %add3A_286 = arith.addi %add3A_284, %add3A_285 : i32
      %lt3A_287 = arith.constant 250 : i32
      %lt3A_288 = arith.cmpi slt, %add3A_286, %lt3A_287 : i32
      %convert_element_type3A_289 = arith.extui %lt3A_288 : i1 to i32
      %cond3A_290 = arith.constant 0 : i32
      %cond3A_291 = arith.cmpi ne, %convert_element_type3A_289, %cond3A_290 : i32
      scf.if %cond3A_291 {
        %add3A_352 = arith.constant 0 : i32
        %add3A_353 = arith.addi %mul3A_136, %add3A_352 : i32
        %add3A_354 = arith.constant 6 : i32
        %add3A_355 = arith.addi %add3A_353, %add3A_354 : i32
        %mul3A_356 = arith.constant 40 : i32
        %mul3A_357 = arith.muli %add3A_355, %mul3A_356 : i32
        %add3A_358 = arith.addi %mul3A_4, %mul3A_357 : i32
        %dma_start3A_359 = tpu.memref_slice %arg4[%add3A_358] : memref<320000xi32, #tpu.memory_space<hbm>> -> memref<40xi32, #tpu.memory_space<hbm>>
        %dma_start3A_360 = tpu.memref_slice %arg4[%add3A_358] : memref<320000xi32, #tpu.memory_space<hbm>> -> memref<40xi32, #tpu.memory_space<hbm>>
        tpu.enqueue_dma source(%dma_start3A_360 : memref<40xi32, #tpu.memory_space<hbm>>) target(%arg13 : memref<40xi32, #tpu.memory_space<vmem>>) target_semaphore(%arg43 : memref<!tpu.dma_semaphore, #tpu.memory_space<semaphore_mem>>)
        %add3A_361 = arith.constant 0 : i32
        %add3A_362 = arith.addi %mul3A_136, %add3A_361 : i32
        %add3A_363 = arith.constant 6 : i32
        %add3A_364 = arith.addi %add3A_362, %add3A_363 : i32
        %mul3A_365 = arith.constant 40 : i32
        %mul3A_366 = arith.muli %add3A_364, %mul3A_365 : i32
        %add3A_367 = arith.addi %mul3A_4, %mul3A_366 : i32
        %dma_wait3A_368 = tpu.memref_slice %arg3[%add3A_367] : memref<320000xi32, #tpu.memory_space<hbm>> -> memref<40xi32, #tpu.memory_space<hbm>>
        %dma_wait3A_369 = tpu.memref_slice %arg3[%add3A_367] : memref<320000xi32, #tpu.memory_space<hbm>> -> memref<40xi32, #tpu.memory_space<hbm>>
        tpu.wait_dma2 semaphore(%arg37 : memref<!tpu.dma_semaphore, #tpu.memory_space<semaphore_mem>>) src(%dma_wait3A_369 : memref<40xi32, #tpu.memory_space<hbm>>) dst(%arg7 : memref<40xi32, #tpu.memory_space<vmem>>)
        %dma_start3A_370 = arith.constant 0 : i32
        %dma_start3A_371 = arith.constant 0 : i32
        %dma_start3A_372 = tpu.memref_slice %arg2[%dma_start3A_370, %dma_start3A_371] : memref<10240x128xf32, #tpu.memory_space<hbm>> -> memref<10240x128xf32, #tpu.memory_space<hbm>>
        tpu.enqueue_indirect_dma source(%dma_start3A_372 : memref<10240x128xf32, #tpu.memory_space<hbm>>) target(%arg19 : memref<40x128xf32, #tpu.memory_space<vmem>>) offsets(%arg7 : memref<40xi32, #tpu.memory_space<vmem>>) semaphore(%arg25 : memref<!tpu.dma_semaphore, #tpu.memory_space<semaphore_mem>>)
      } else {
      }
      %dma_wait3A_292 = arith.constant 0 : i32
      %dma_wait3A_293 = arith.constant 0 : i32
      %dma_wait3A_294 = tpu.memref_slice %arg6[%dma_wait3A_292, %dma_wait3A_293] : memref<10240x128xf32, #tpu.memory_space<vmem_shared>> -> memref<10240x128xf32, #tpu.memory_space<vmem_shared>>
      tpu.wait_indirect_dma semaphore(%arg32 : memref<!tpu.dma_semaphore, #tpu.memory_space<semaphore_mem>>) src(%arg20 : memref<40x128xf32, #tpu.memory_space<vmem>>) dst(%dma_wait3A_294 : memref<10240x128xf32, #tpu.memory_space<vmem_shared>>)
      %add3A_295 = arith.constant 1 : i32
      %add3A_296 = arith.addi %mul3A_136, %add3A_295 : i32
      %add3A_297 = arith.constant 6 : i32
      %add3A_298 = arith.addi %add3A_296, %add3A_297 : i32
      %lt3A_299 = arith.constant 250 : i32
      %lt3A_300 = arith.cmpi slt, %add3A_298, %lt3A_299 : i32
      %convert_element_type3A_301 = arith.extui %lt3A_300 : i1 to i32
      %cond3A_302 = arith.constant 0 : i32
      %cond3A_303 = arith.cmpi ne, %convert_element_type3A_301, %cond3A_302 : i32
      scf.if %cond3A_303 {
        %add3A_352 = arith.constant 1 : i32
        %add3A_353 = arith.addi %mul3A_136, %add3A_352 : i32
        %add3A_354 = arith.constant 6 : i32
        %add3A_355 = arith.addi %add3A_353, %add3A_354 : i32
        %mul3A_356 = arith.constant 40 : i32
        %mul3A_357 = arith.muli %add3A_355, %mul3A_356 : i32
        %add3A_358 = arith.addi %mul3A_4, %mul3A_357 : i32
        %dma_start3A_359 = tpu.memref_slice %arg4[%add3A_358] : memref<320000xi32, #tpu.memory_space<hbm>> -> memref<40xi32, #tpu.memory_space<hbm>>
        %dma_start3A_360 = tpu.memref_slice %arg4[%add3A_358] : memref<320000xi32, #tpu.memory_space<hbm>> -> memref<40xi32, #tpu.memory_space<hbm>>
        tpu.enqueue_dma source(%dma_start3A_360 : memref<40xi32, #tpu.memory_space<hbm>>) target(%arg14 : memref<40xi32, #tpu.memory_space<vmem>>) target_semaphore(%arg44 : memref<!tpu.dma_semaphore, #tpu.memory_space<semaphore_mem>>)
        %add3A_361 = arith.constant 1 : i32
        %add3A_362 = arith.addi %mul3A_136, %add3A_361 : i32
        %add3A_363 = arith.constant 6 : i32
        %add3A_364 = arith.addi %add3A_362, %add3A_363 : i32
        %mul3A_365 = arith.constant 40 : i32
        %mul3A_366 = arith.muli %add3A_364, %mul3A_365 : i32
        %add3A_367 = arith.addi %mul3A_4, %mul3A_366 : i32
        %dma_wait3A_368 = tpu.memref_slice %arg3[%add3A_367] : memref<320000xi32, #tpu.memory_space<hbm>> -> memref<40xi32, #tpu.memory_space<hbm>>
        %dma_wait3A_369 = tpu.memref_slice %arg3[%add3A_367] : memref<320000xi32, #tpu.memory_space<hbm>> -> memref<40xi32, #tpu.memory_space<hbm>>
        tpu.wait_dma2 semaphore(%arg38 : memref<!tpu.dma_semaphore, #tpu.memory_space<semaphore_mem>>) src(%dma_wait3A_369 : memref<40xi32, #tpu.memory_space<hbm>>) dst(%arg8 : memref<40xi32, #tpu.memory_space<vmem>>)
        %dma_start3A_370 = arith.constant 0 : i32
        %dma_start3A_371 = arith.constant 0 : i32
        %dma_start3A_372 = tpu.memref_slice %arg2[%dma_start3A_370, %dma_start3A_371] : memref<10240x128xf32, #tpu.memory_space<hbm>> -> memref<10240x128xf32, #tpu.memory_space<hbm>>
        tpu.enqueue_indirect_dma source(%dma_start3A_372 : memref<10240x128xf32, #tpu.memory_space<hbm>>) target(%arg20 : memref<40x128xf32, #tpu.memory_space<vmem>>) offsets(%arg8 : memref<40xi32, #tpu.memory_space<vmem>>) semaphore(%arg26 : memref<!tpu.dma_semaphore, #tpu.memory_space<semaphore_mem>>)
      } else {
      }
      %dma_wait3A_304 = arith.constant 0 : i32
      %dma_wait3A_305 = arith.constant 0 : i32
      %dma_wait3A_306 = tpu.memref_slice %arg6[%dma_wait3A_304, %dma_wait3A_305] : memref<10240x128xf32, #tpu.memory_space<vmem_shared>> -> memref<10240x128xf32, #tpu.memory_space<vmem_shared>>
      tpu.wait_indirect_dma semaphore(%arg33 : memref<!tpu.dma_semaphore, #tpu.memory_space<semaphore_mem>>) src(%arg21 : memref<40x128xf32, #tpu.memory_space<vmem>>) dst(%dma_wait3A_306 : memref<10240x128xf32, #tpu.memory_space<vmem_shared>>)
      %add3A_307 = arith.constant 2 : i32
      %add3A_308 = arith.addi %mul3A_136, %add3A_307 : i32
      %add3A_309 = arith.constant 6 : i32
      %add3A_310 = arith.addi %add3A_308, %add3A_309 : i32
      %lt3A_311 = arith.constant 250 : i32
      %lt3A_312 = arith.cmpi slt, %add3A_310, %lt3A_311 : i32
      %convert_element_type3A_313 = arith.extui %lt3A_312 : i1 to i32
      %cond3A_314 = arith.constant 0 : i32
      %cond3A_315 = arith.cmpi ne, %convert_element_type3A_313, %cond3A_314 : i32
      scf.if %cond3A_315 {
        %add3A_352 = arith.constant 2 : i32
        %add3A_353 = arith.addi %mul3A_136, %add3A_352 : i32
        %add3A_354 = arith.constant 6 : i32
        %add3A_355 = arith.addi %add3A_353, %add3A_354 : i32
        %mul3A_356 = arith.constant 40 : i32
        %mul3A_357 = arith.muli %add3A_355, %mul3A_356 : i32
        %add3A_358 = arith.addi %mul3A_4, %mul3A_357 : i32
        %dma_start3A_359 = tpu.memref_slice %arg4[%add3A_358] : memref<320000xi32, #tpu.memory_space<hbm>> -> memref<40xi32, #tpu.memory_space<hbm>>
        %dma_start3A_360 = tpu.memref_slice %arg4[%add3A_358] : memref<320000xi32, #tpu.memory_space<hbm>> -> memref<40xi32, #tpu.memory_space<hbm>>
        tpu.enqueue_dma source(%dma_start3A_360 : memref<40xi32, #tpu.memory_space<hbm>>) target(%arg15 : memref<40xi32, #tpu.memory_space<vmem>>) target_semaphore(%arg45 : memref<!tpu.dma_semaphore, #tpu.memory_space<semaphore_mem>>)
        %add3A_361 = arith.constant 2 : i32
        %add3A_362 = arith.addi %mul3A_136, %add3A_361 : i32
        %add3A_363 = arith.constant 6 : i32
        %add3A_364 = arith.addi %add3A_362, %add3A_363 : i32
        %mul3A_365 = arith.constant 40 : i32
        %mul3A_366 = arith.muli %add3A_364, %mul3A_365 : i32
        %add3A_367 = arith.addi %mul3A_4, %mul3A_366 : i32
        %dma_wait3A_368 = tpu.memref_slice %arg3[%add3A_367] : memref<320000xi32, #tpu.memory_space<hbm>> -> memref<40xi32, #tpu.memory_space<hbm>>
        %dma_wait3A_369 = tpu.memref_slice %arg3[%add3A_367] : memref<320000xi32, #tpu.memory_space<hbm>> -> memref<40xi32, #tpu.memory_space<hbm>>
        tpu.wait_dma2 semaphore(%arg39 : memref<!tpu.dma_semaphore, #tpu.memory_space<semaphore_mem>>) src(%dma_wait3A_369 : memref<40xi32, #tpu.memory_space<hbm>>) dst(%arg9 : memref<40xi32, #tpu.memory_space<vmem>>)
        %dma_start3A_370 = arith.constant 0 : i32
        %dma_start3A_371 = arith.constant 0 : i32
        %dma_start3A_372 = tpu.memref_slice %arg2[%dma_start3A_370, %dma_start3A_371] : memref<10240x128xf32, #tpu.memory_space<hbm>> -> memref<10240x128xf32, #tpu.memory_space<hbm>>
        tpu.enqueue_indirect_dma source(%dma_start3A_372 : memref<10240x128xf32, #tpu.memory_space<hbm>>) target(%arg21 : memref<40x128xf32, #tpu.memory_space<vmem>>) offsets(%arg9 : memref<40xi32, #tpu.memory_space<vmem>>) semaphore(%arg27 : memref<!tpu.dma_semaphore, #tpu.memory_space<semaphore_mem>>)
      } else {
      }
      %dma_wait3A_316 = arith.constant 0 : i32
      %dma_wait3A_317 = arith.constant 0 : i32
      %dma_wait3A_318 = tpu.memref_slice %arg6[%dma_wait3A_316, %dma_wait3A_317] : memref<10240x128xf32, #tpu.memory_space<vmem_shared>> -> memref<10240x128xf32, #tpu.memory_space<vmem_shared>>
      tpu.wait_indirect_dma semaphore(%arg34 : memref<!tpu.dma_semaphore, #tpu.memory_space<semaphore_mem>>) src(%arg22 : memref<40x128xf32, #tpu.memory_space<vmem>>) dst(%dma_wait3A_318 : memref<10240x128xf32, #tpu.memory_space<vmem_shared>>)
      %add3A_319 = arith.constant 3 : i32
      %add3A_320 = arith.addi %mul3A_136, %add3A_319 : i32
      %add3A_321 = arith.constant 6 : i32
      %add3A_322 = arith.addi %add3A_320, %add3A_321 : i32
      %lt3A_323 = arith.constant 250 : i32
      %lt3A_324 = arith.cmpi slt, %add3A_322, %lt3A_323 : i32
      %convert_element_type3A_325 = arith.extui %lt3A_324 : i1 to i32
      %cond3A_326 = arith.constant 0 : i32
      %cond3A_327 = arith.cmpi ne, %convert_element_type3A_325, %cond3A_326 : i32
      scf.if %cond3A_327 {
        %add3A_352 = arith.constant 3 : i32
        %add3A_353 = arith.addi %mul3A_136, %add3A_352 : i32
        %add3A_354 = arith.constant 6 : i32
        %add3A_355 = arith.addi %add3A_353, %add3A_354 : i32
        %mul3A_356 = arith.constant 40 : i32
        %mul3A_357 = arith.muli %add3A_355, %mul3A_356 : i32
        %add3A_358 = arith.addi %mul3A_4, %mul3A_357 : i32
        %dma_start3A_359 = tpu.memref_slice %arg4[%add3A_358] : memref<320000xi32, #tpu.memory_space<hbm>> -> memref<40xi32, #tpu.memory_space<hbm>>
        %dma_start3A_360 = tpu.memref_slice %arg4[%add3A_358] : memref<320000xi32, #tpu.memory_space<hbm>> -> memref<40xi32, #tpu.memory_space<hbm>>
        tpu.enqueue_dma source(%dma_start3A_360 : memref<40xi32, #tpu.memory_space<hbm>>) target(%arg16 : memref<40xi32, #tpu.memory_space<vmem>>) target_semaphore(%arg46 : memref<!tpu.dma_semaphore, #tpu.memory_space<semaphore_mem>>)
        %add3A_361 = arith.constant 3 : i32
        %add3A_362 = arith.addi %mul3A_136, %add3A_361 : i32
        %add3A_363 = arith.constant 6 : i32
        %add3A_364 = arith.addi %add3A_362, %add3A_363 : i32
        %mul3A_365 = arith.constant 40 : i32
        %mul3A_366 = arith.muli %add3A_364, %mul3A_365 : i32
        %add3A_367 = arith.addi %mul3A_4, %mul3A_366 : i32
        %dma_wait3A_368 = tpu.memref_slice %arg3[%add3A_367] : memref<320000xi32, #tpu.memory_space<hbm>> -> memref<40xi32, #tpu.memory_space<hbm>>
        %dma_wait3A_369 = tpu.memref_slice %arg3[%add3A_367] : memref<320000xi32, #tpu.memory_space<hbm>> -> memref<40xi32, #tpu.memory_space<hbm>>
        tpu.wait_dma2 semaphore(%arg40 : memref<!tpu.dma_semaphore, #tpu.memory_space<semaphore_mem>>) src(%dma_wait3A_369 : memref<40xi32, #tpu.memory_space<hbm>>) dst(%arg10 : memref<40xi32, #tpu.memory_space<vmem>>)
        %dma_start3A_370 = arith.constant 0 : i32
        %dma_start3A_371 = arith.constant 0 : i32
        %dma_start3A_372 = tpu.memref_slice %arg2[%dma_start3A_370, %dma_start3A_371] : memref<10240x128xf32, #tpu.memory_space<hbm>> -> memref<10240x128xf32, #tpu.memory_space<hbm>>
        tpu.enqueue_indirect_dma source(%dma_start3A_372 : memref<10240x128xf32, #tpu.memory_space<hbm>>) target(%arg22 : memref<40x128xf32, #tpu.memory_space<vmem>>) offsets(%arg10 : memref<40xi32, #tpu.memory_space<vmem>>) semaphore(%arg28 : memref<!tpu.dma_semaphore, #tpu.memory_space<semaphore_mem>>)
      } else {
      }
      %dma_wait3A_328 = arith.constant 0 : i32
      %dma_wait3A_329 = arith.constant 0 : i32
      %dma_wait3A_330 = tpu.memref_slice %arg6[%dma_wait3A_328, %dma_wait3A_329] : memref<10240x128xf32, #tpu.memory_space<vmem_shared>> -> memref<10240x128xf32, #tpu.memory_space<vmem_shared>>
      tpu.wait_indirect_dma semaphore(%arg35 : memref<!tpu.dma_semaphore, #tpu.memory_space<semaphore_mem>>) src(%arg23 : memref<40x128xf32, #tpu.memory_space<vmem>>) dst(%dma_wait3A_330 : memref<10240x128xf32, #tpu.memory_space<vmem_shared>>)
      %add3A_331 = arith.constant 4 : i32
      %add3A_332 = arith.addi %mul3A_136, %add3A_331 : i32
      %add3A_333 = arith.constant 6 : i32
      %add3A_334 = arith.addi %add3A_332, %add3A_333 : i32
      %lt3A_335 = arith.constant 250 : i32
      %lt3A_336 = arith.cmpi slt, %add3A_334, %lt3A_335 : i32
      %convert_element_type3A_337 = arith.extui %lt3A_336 : i1 to i32
      %cond3A_338 = arith.constant 0 : i32
      %cond3A_339 = arith.cmpi ne, %convert_element_type3A_337, %cond3A_338 : i32
      scf.if %cond3A_339 {
        %add3A_352 = arith.constant 4 : i32
        %add3A_353 = arith.addi %mul3A_136, %add3A_352 : i32
        %add3A_354 = arith.constant 6 : i32
        %add3A_355 = arith.addi %add3A_353, %add3A_354 : i32
        %mul3A_356 = arith.constant 40 : i32
        %mul3A_357 = arith.muli %add3A_355, %mul3A_356 : i32
        %add3A_358 = arith.addi %mul3A_4, %mul3A_357 : i32
        %dma_start3A_359 = tpu.memref_slice %arg4[%add3A_358] : memref<320000xi32, #tpu.memory_space<hbm>> -> memref<40xi32, #tpu.memory_space<hbm>>
        %dma_start3A_360 = tpu.memref_slice %arg4[%add3A_358] : memref<320000xi32, #tpu.memory_space<hbm>> -> memref<40xi32, #tpu.memory_space<hbm>>
        tpu.enqueue_dma source(%dma_start3A_360 : memref<40xi32, #tpu.memory_space<hbm>>) target(%arg17 : memref<40xi32, #tpu.memory_space<vmem>>) target_semaphore(%arg47 : memref<!tpu.dma_semaphore, #tpu.memory_space<semaphore_mem>>)
        %add3A_361 = arith.constant 4 : i32
        %add3A_362 = arith.addi %mul3A_136, %add3A_361 : i32
        %add3A_363 = arith.constant 6 : i32
        %add3A_364 = arith.addi %add3A_362, %add3A_363 : i32
        %mul3A_365 = arith.constant 40 : i32
        %mul3A_366 = arith.muli %add3A_364, %mul3A_365 : i32
        %add3A_367 = arith.addi %mul3A_4, %mul3A_366 : i32
        %dma_wait3A_368 = tpu.memref_slice %arg3[%add3A_367] : memref<320000xi32, #tpu.memory_space<hbm>> -> memref<40xi32, #tpu.memory_space<hbm>>
        %dma_wait3A_369 = tpu.memref_slice %arg3[%add3A_367] : memref<320000xi32, #tpu.memory_space<hbm>> -> memref<40xi32, #tpu.memory_space<hbm>>
        tpu.wait_dma2 semaphore(%arg41 : memref<!tpu.dma_semaphore, #tpu.memory_space<semaphore_mem>>) src(%dma_wait3A_369 : memref<40xi32, #tpu.memory_space<hbm>>) dst(%arg11 : memref<40xi32, #tpu.memory_space<vmem>>)
        %dma_start3A_370 = arith.constant 0 : i32
        %dma_start3A_371 = arith.constant 0 : i32
        %dma_start3A_372 = tpu.memref_slice %arg2[%dma_start3A_370, %dma_start3A_371] : memref<10240x128xf32, #tpu.memory_space<hbm>> -> memref<10240x128xf32, #tpu.memory_space<hbm>>
        tpu.enqueue_indirect_dma source(%dma_start3A_372 : memref<10240x128xf32, #tpu.memory_space<hbm>>) target(%arg23 : memref<40x128xf32, #tpu.memory_space<vmem>>) offsets(%arg11 : memref<40xi32, #tpu.memory_space<vmem>>) semaphore(%arg29 : memref<!tpu.dma_semaphore, #tpu.memory_space<semaphore_mem>>)
      } else {
      }
      %dma_wait3A_340 = arith.constant 0 : i32
      %dma_wait3A_341 = arith.constant 0 : i32
      %dma_wait3A_342 = tpu.memref_slice %arg6[%dma_wait3A_340, %dma_wait3A_341] : memref<10240x128xf32, #tpu.memory_space<vmem_shared>> -> memref<10240x128xf32, #tpu.memory_space<vmem_shared>>
      tpu.wait_indirect_dma semaphore(%arg36 : memref<!tpu.dma_semaphore, #tpu.memory_space<semaphore_mem>>) src(%arg24 : memref<40x128xf32, #tpu.memory_space<vmem>>) dst(%dma_wait3A_342 : memref<10240x128xf32, #tpu.memory_space<vmem_shared>>)
      %add3A_343 = arith.constant 5 : i32
      %add3A_344 = arith.addi %mul3A_136, %add3A_343 : i32
      %add3A_345 = arith.constant 6 : i32
      %add3A_346 = arith.addi %add3A_344, %add3A_345 : i32
      %lt3A_347 = arith.constant 250 : i32
      %lt3A_348 = arith.cmpi slt, %add3A_346, %lt3A_347 : i32
      %convert_element_type3A_349 = arith.extui %lt3A_348 : i1 to i32
      %cond3A_350 = arith.constant 0 : i32
      %cond3A_351 = arith.cmpi ne, %convert_element_type3A_349, %cond3A_350 : i32
      scf.if %cond3A_351 {
        %add3A_352 = arith.constant 5 : i32
        %add3A_353 = arith.addi %mul3A_136, %add3A_352 : i32
        %add3A_354 = arith.constant 6 : i32
        %add3A_355 = arith.addi %add3A_353, %add3A_354 : i32
        %mul3A_356 = arith.constant 40 : i32
        %mul3A_357 = arith.muli %add3A_355, %mul3A_356 : i32
        %add3A_358 = arith.addi %mul3A_4, %mul3A_357 : i32
        %dma_start3A_359 = tpu.memref_slice %arg4[%add3A_358] : memref<320000xi32, #tpu.memory_space<hbm>> -> memref<40xi32, #tpu.memory_space<hbm>>
        %dma_start3A_360 = tpu.memref_slice %arg4[%add3A_358] : memref<320000xi32, #tpu.memory_space<hbm>> -> memref<40xi32, #tpu.memory_space<hbm>>
        tpu.enqueue_dma source(%dma_start3A_360 : memref<40xi32, #tpu.memory_space<hbm>>) target(%arg18 : memref<40xi32, #tpu.memory_space<vmem>>) target_semaphore(%arg48 : memref<!tpu.dma_semaphore, #tpu.memory_space<semaphore_mem>>)
        %add3A_361 = arith.constant 5 : i32
        %add3A_362 = arith.addi %mul3A_136, %add3A_361 : i32
        %add3A_363 = arith.constant 6 : i32
        %add3A_364 = arith.addi %add3A_362, %add3A_363 : i32
        %mul3A_365 = arith.constant 40 : i32
        %mul3A_366 = arith.muli %add3A_364, %mul3A_365 : i32
        %add3A_367 = arith.addi %mul3A_4, %mul3A_366 : i32
        %dma_wait3A_368 = tpu.memref_slice %arg3[%add3A_367] : memref<320000xi32, #tpu.memory_space<hbm>> -> memref<40xi32, #tpu.memory_space<hbm>>
        %dma_wait3A_369 = tpu.memref_slice %arg3[%add3A_367] : memref<320000xi32, #tpu.memory_space<hbm>> -> memref<40xi32, #tpu.memory_space<hbm>>
        tpu.wait_dma2 semaphore(%arg42 : memref<!tpu.dma_semaphore, #tpu.memory_space<semaphore_mem>>) src(%dma_wait3A_369 : memref<40xi32, #tpu.memory_space<hbm>>) dst(%arg12 : memref<40xi32, #tpu.memory_space<vmem>>)
        %dma_start3A_370 = arith.constant 0 : i32
        %dma_start3A_371 = arith.constant 0 : i32
        %dma_start3A_372 = tpu.memref_slice %arg2[%dma_start3A_370, %dma_start3A_371] : memref<10240x128xf32, #tpu.memory_space<hbm>> -> memref<10240x128xf32, #tpu.memory_space<hbm>>
        tpu.enqueue_indirect_dma source(%dma_start3A_372 : memref<10240x128xf32, #tpu.memory_space<hbm>>) target(%arg24 : memref<40x128xf32, #tpu.memory_space<vmem>>) offsets(%arg12 : memref<40xi32, #tpu.memory_space<vmem>>) semaphore(%arg30 : memref<!tpu.dma_semaphore, #tpu.memory_space<semaphore_mem>>)
      } else {
      }
    }
    %scan3A_104 = arith.constant 41 : i32
    %dma_wait3A_105 = arith.constant 0 : i32
    %dma_wait3A_106 = arith.constant 0 : i32
    %dma_wait3A_107 = tpu.memref_slice %arg2[%dma_wait3A_105, %dma_wait3A_106] : memref<10240x128xf32, #tpu.memory_space<hbm>> -> memref<10240x128xf32, #tpu.memory_space<hbm>>
    tpu.wait_indirect_dma semaphore(%arg25 : memref<!tpu.dma_semaphore, #tpu.memory_space<semaphore_mem>>) src(%dma_wait3A_107 : memref<10240x128xf32, #tpu.memory_space<hbm>>) dst(%arg19 : memref<40x128xf32, #tpu.memory_space<vmem>>)
    %add3A_108 = arith.constant 9840 : i32
    %add3A_109 = arith.addi %mul3A_4, %add3A_108 : i32
    %dma_wait3A_110 = tpu.memref_slice %arg4[%add3A_109] : memref<320000xi32, #tpu.memory_space<hbm>> -> memref<40xi32, #tpu.memory_space<hbm>>
    %dma_wait3A_111 = tpu.memref_slice %arg4[%add3A_109] : memref<320000xi32, #tpu.memory_space<hbm>> -> memref<40xi32, #tpu.memory_space<hbm>>
    tpu.wait_dma2 semaphore(%arg43 : memref<!tpu.dma_semaphore, #tpu.memory_space<semaphore_mem>>) src(%dma_wait3A_111 : memref<40xi32, #tpu.memory_space<hbm>>) dst(%arg13 : memref<40xi32, #tpu.memory_space<vmem>>)
    "tpu.region"() ({
      %run_scoped3A = tpu.sem_alloc : memref<!tpu.dma_semaphore, #tpu.memory_space<semaphore_mem>>
      %dma_start3A_134 = arith.constant 0 : i32
      %dma_start3A_135 = arith.constant 0 : i32
      %dma_start3A_136 = tpu.memref_slice %arg6[%dma_start3A_134, %dma_start3A_135] : memref<10240x128xf32, #tpu.memory_space<vmem_shared>> -> memref<10240x128xf32, #tpu.memory_space<vmem_shared>>
      tpu.enqueue_indirect_dma source(%arg19 : memref<40x128xf32, #tpu.memory_space<vmem>>) target(%dma_start3A_136 : memref<10240x128xf32, #tpu.memory_space<vmem_shared>>) offsets(%arg13 : memref<40xi32, #tpu.memory_space<vmem>>) semaphore(%run_scoped3A : memref<!tpu.dma_semaphore, #tpu.memory_space<semaphore_mem>>) {add = true}
      %dma_wait3A_137 = arith.constant 0 : i32
      %dma_wait3A_138 = arith.constant 0 : i32
      %dma_wait3A_139 = tpu.memref_slice %arg6[%dma_wait3A_137, %dma_wait3A_138] : memref<10240x128xf32, #tpu.memory_space<vmem_shared>> -> memref<10240x128xf32, #tpu.memory_space<vmem_shared>>
      tpu.wait_indirect_dma semaphore(%run_scoped3A : memref<!tpu.dma_semaphore, #tpu.memory_space<semaphore_mem>>) src(%arg19 : memref<40x128xf32, #tpu.memory_space<vmem>>) dst(%dma_wait3A_139 : memref<10240x128xf32, #tpu.memory_space<vmem_shared>>)
      tpu.yield
    }) : () -> ()
    %dma_wait3A_112 = arith.constant 0 : i32
    %dma_wait3A_113 = arith.constant 0 : i32
    %dma_wait3A_114 = tpu.memref_slice %arg2[%dma_wait3A_112, %dma_wait3A_113] : memref<10240x128xf32, #tpu.memory_space<hbm>> -> memref<10240x128xf32, #tpu.memory_space<hbm>>
    tpu.wait_indirect_dma semaphore(%arg26 : memref<!tpu.dma_semaphore, #tpu.memory_space<semaphore_mem>>) src(%dma_wait3A_114 : memref<10240x128xf32, #tpu.memory_space<hbm>>) dst(%arg20 : memref<40x128xf32, #tpu.memory_space<vmem>>)
    %add3A_115 = arith.constant 9880 : i32
    %add3A_116 = arith.addi %mul3A_4, %add3A_115 : i32
    %dma_wait3A_117 = tpu.memref_slice %arg4[%add3A_116] : memref<320000xi32, #tpu.memory_space<hbm>> -> memref<40xi32, #tpu.memory_space<hbm>>
    %dma_wait3A_118 = tpu.memref_slice %arg4[%add3A_116] : memref<320000xi32, #tpu.memory_space<hbm>> -> memref<40xi32, #tpu.memory_space<hbm>>
    tpu.wait_dma2 semaphore(%arg44 : memref<!tpu.dma_semaphore, #tpu.memory_space<semaphore_mem>>) src(%dma_wait3A_118 : memref<40xi32, #tpu.memory_space<hbm>>) dst(%arg14 : memref<40xi32, #tpu.memory_space<vmem>>)
    "tpu.region"() ({
      %run_scoped3A = tpu.sem_alloc : memref<!tpu.dma_semaphore, #tpu.memory_space<semaphore_mem>>
      %dma_start3A_134 = arith.constant 0 : i32
      %dma_start3A_135 = arith.constant 0 : i32
      %dma_start3A_136 = tpu.memref_slice %arg6[%dma_start3A_134, %dma_start3A_135] : memref<10240x128xf32, #tpu.memory_space<vmem_shared>> -> memref<10240x128xf32, #tpu.memory_space<vmem_shared>>
      tpu.enqueue_indirect_dma source(%arg20 : memref<40x128xf32, #tpu.memory_space<vmem>>) target(%dma_start3A_136 : memref<10240x128xf32, #tpu.memory_space<vmem_shared>>) offsets(%arg14 : memref<40xi32, #tpu.memory_space<vmem>>) semaphore(%run_scoped3A : memref<!tpu.dma_semaphore, #tpu.memory_space<semaphore_mem>>) {add = true}
      %dma_wait3A_137 = arith.constant 0 : i32
      %dma_wait3A_138 = arith.constant 0 : i32
      %dma_wait3A_139 = tpu.memref_slice %arg6[%dma_wait3A_137, %dma_wait3A_138] : memref<10240x128xf32, #tpu.memory_space<vmem_shared>> -> memref<10240x128xf32, #tpu.memory_space<vmem_shared>>
      tpu.wait_indirect_dma semaphore(%run_scoped3A : memref<!tpu.dma_semaphore, #tpu.memory_space<semaphore_mem>>) src(%arg20 : memref<40x128xf32, #tpu.memory_space<vmem>>) dst(%dma_wait3A_139 : memref<10240x128xf32, #tpu.memory_space<vmem_shared>>)
      tpu.yield
    }) : () -> ()
    %dma_wait3A_119 = arith.constant 0 : i32
    %dma_wait3A_120 = arith.constant 0 : i32
    %dma_wait3A_121 = tpu.memref_slice %arg2[%dma_wait3A_119, %dma_wait3A_120] : memref<10240x128xf32, #tpu.memory_space<hbm>> -> memref<10240x128xf32, #tpu.memory_space<hbm>>
    tpu.wait_indirect_dma semaphore(%arg27 : memref<!tpu.dma_semaphore, #tpu.memory_space<semaphore_mem>>) src(%dma_wait3A_121 : memref<10240x128xf32, #tpu.memory_space<hbm>>) dst(%arg21 : memref<40x128xf32, #tpu.memory_space<vmem>>)
    %add3A_122 = arith.constant 9920 : i32
    %add3A_123 = arith.addi %mul3A_4, %add3A_122 : i32
    %dma_wait3A_124 = tpu.memref_slice %arg4[%add3A_123] : memref<320000xi32, #tpu.memory_space<hbm>> -> memref<40xi32, #tpu.memory_space<hbm>>
    %dma_wait3A_125 = tpu.memref_slice %arg4[%add3A_123] : memref<320000xi32, #tpu.memory_space<hbm>> -> memref<40xi32, #tpu.memory_space<hbm>>
    tpu.wait_dma2 semaphore(%arg45 : memref<!tpu.dma_semaphore, #tpu.memory_space<semaphore_mem>>) src(%dma_wait3A_125 : memref<40xi32, #tpu.memory_space<hbm>>) dst(%arg15 : memref<40xi32, #tpu.memory_space<vmem>>)
    "tpu.region"() ({
      %run_scoped3A = tpu.sem_alloc : memref<!tpu.dma_semaphore, #tpu.memory_space<semaphore_mem>>
      %dma_start3A_134 = arith.constant 0 : i32
      %dma_start3A_135 = arith.constant 0 : i32
      %dma_start3A_136 = tpu.memref_slice %arg6[%dma_start3A_134, %dma_start3A_135] : memref<10240x128xf32, #tpu.memory_space<vmem_shared>> -> memref<10240x128xf32, #tpu.memory_space<vmem_shared>>
      tpu.enqueue_indirect_dma source(%arg21 : memref<40x128xf32, #tpu.memory_space<vmem>>) target(%dma_start3A_136 : memref<10240x128xf32, #tpu.memory_space<vmem_shared>>) offsets(%arg15 : memref<40xi32, #tpu.memory_space<vmem>>) semaphore(%run_scoped3A : memref<!tpu.dma_semaphore, #tpu.memory_space<semaphore_mem>>) {add = true}
      %dma_wait3A_137 = arith.constant 0 : i32
      %dma_wait3A_138 = arith.constant 0 : i32
      %dma_wait3A_139 = tpu.memref_slice %arg6[%dma_wait3A_137, %dma_wait3A_138] : memref<10240x128xf32, #tpu.memory_space<vmem_shared>> -> memref<10240x128xf32, #tpu.memory_space<vmem_shared>>
      tpu.wait_indirect_dma semaphore(%run_scoped3A : memref<!tpu.dma_semaphore, #tpu.memory_space<semaphore_mem>>) src(%arg21 : memref<40x128xf32, #tpu.memory_space<vmem>>) dst(%dma_wait3A_139 : memref<10240x128xf32, #tpu.memory_space<vmem_shared>>)
      tpu.yield
    }) : () -> ()
    %dma_wait3A_126 = arith.constant 0 : i32
    %dma_wait3A_127 = arith.constant 0 : i32
    %dma_wait3A_128 = tpu.memref_slice %arg2[%dma_wait3A_126, %dma_wait3A_127] : memref<10240x128xf32, #tpu.memory_space<hbm>> -> memref<10240x128xf32, #tpu.memory_space<hbm>>
    tpu.wait_indirect_dma semaphore(%arg28 : memref<!tpu.dma_semaphore, #tpu.memory_space<semaphore_mem>>) src(%dma_wait3A_128 : memref<10240x128xf32, #tpu.memory_space<hbm>>) dst(%arg22 : memref<40x128xf32, #tpu.memory_space<vmem>>)
    %add3A_129 = arith.constant 9960 : i32
    %add3A_130 = arith.addi %mul3A_4, %add3A_129 : i32
    %dma_wait3A_131 = tpu.memref_slice %arg4[%add3A_130] : memref<320000xi32, #tpu.memory_space<hbm>> -> memref<40xi32, #tpu.memory_space<hbm>>
    %dma_wait3A_132 = tpu.memref_slice %arg4[%add3A_130] : memref<320000xi32, #tpu.memory_space<hbm>> -> memref<40xi32, #tpu.memory_space<hbm>>
    tpu.wait_dma2 semaphore(%arg46 : memref<!tpu.dma_semaphore, #tpu.memory_space<semaphore_mem>>) src(%dma_wait3A_132 : memref<40xi32, #tpu.memory_space<hbm>>) dst(%arg16 : memref<40xi32, #tpu.memory_space<vmem>>)
    "tpu.region"() ({
      %run_scoped3A = tpu.sem_alloc : memref<!tpu.dma_semaphore, #tpu.memory_space<semaphore_mem>>
      %dma_start3A_134 = arith.constant 0 : i32
      %dma_start3A_135 = arith.constant 0 : i32
      %dma_start3A_136 = tpu.memref_slice %arg6[%dma_start3A_134, %dma_start3A_135] : memref<10240x128xf32, #tpu.memory_space<vmem_shared>> -> memref<10240x128xf32, #tpu.memory_space<vmem_shared>>
      tpu.enqueue_indirect_dma source(%arg22 : memref<40x128xf32, #tpu.memory_space<vmem>>) target(%dma_start3A_136 : memref<10240x128xf32, #tpu.memory_space<vmem_shared>>) offsets(%arg16 : memref<40xi32, #tpu.memory_space<vmem>>) semaphore(%run_scoped3A : memref<!tpu.dma_semaphore, #tpu.memory_space<semaphore_mem>>) {add = true}
      %dma_wait3A_137 = arith.constant 0 : i32
      %dma_wait3A_138 = arith.constant 0 : i32
      %dma_wait3A_139 = tpu.memref_slice %arg6[%dma_wait3A_137, %dma_wait3A_138] : memref<10240x128xf32, #tpu.memory_space<vmem_shared>> -> memref<10240x128xf32, #tpu.memory_space<vmem_shared>>
      tpu.wait_indirect_dma semaphore(%run_scoped3A : memref<!tpu.dma_semaphore, #tpu.memory_space<semaphore_mem>>) src(%arg22 : memref<40x128xf32, #tpu.memory_space<vmem>>) dst(%dma_wait3A_139 : memref<10240x128xf32, #tpu.memory_space<vmem_shared>>)
      tpu.yield
    }) : () -> ()
    %barrier3A_133 = arith.constant 0 : index
    tpu.barrier barrier_id(%barrier3A_133)
    "tpu.region"() ({
      %run_scoped3A = tpu.sem_alloc : memref<!tpu.dma_semaphore, #tpu.memory_space<semaphore_mem>>
      %dma_start3A_134 = arith.constant 0 : i32
      %dma_start3A_135 = tpu.memref_slice %arg5[%arg0, %mul3A_2, %dma_start3A_134] : memref<2x10240x128xf32, #tpu.memory_space<hbm>> -> memref<1x640x128xf32, #tpu.memory_space<hbm>>
      %dma_start3A_136 = tpu.memref_squeeze %dma_start3A_135 : memref<1x640x128xf32, #tpu.memory_space<hbm>> -> memref<640x128xf32, #tpu.memory_space<hbm>>
      %dma_start3A_137 = arith.constant 0 : i32
      %dma_start3A_138 = tpu.memref_slice %arg6[%mul3A_2, %dma_start3A_137] : memref<10240x128xf32, #tpu.memory_space<vmem_shared>> -> memref<640x128xf32, #tpu.memory_space<vmem_shared>>
      tpu.enqueue_dma source(%dma_start3A_138 : memref<640x128xf32, #tpu.memory_space<vmem_shared>>) target(%dma_start3A_136 : memref<640x128xf32, #tpu.memory_space<hbm>>) target_semaphore(%run_scoped3A : memref<!tpu.dma_semaphore, #tpu.memory_space<semaphore_mem>>)
      %dma_wait3A_139 = arith.constant 0 : i32
      %dma_wait3A_140 = tpu.memref_slice %arg5[%arg0, %mul3A_2, %dma_wait3A_139] : memref<2x10240x128xf32, #tpu.memory_space<hbm>> -> memref<1x640x128xf32, #tpu.memory_space<hbm>>
      %dma_wait3A_141 = tpu.memref_squeeze %dma_wait3A_140 : memref<1x640x128xf32, #tpu.memory_space<hbm>> -> memref<640x128xf32, #tpu.memory_space<hbm>>
      %dma_wait3A_142 = arith.constant 0 : i32
      %dma_wait3A_143 = tpu.memref_slice %arg6[%mul3A_2, %dma_wait3A_142] : memref<10240x128xf32, #tpu.memory_space<vmem_shared>> -> memref<640x128xf32, #tpu.memory_space<vmem_shared>>
      tpu.wait_dma2 semaphore(%run_scoped3A : memref<!tpu.dma_semaphore, #tpu.memory_space<semaphore_mem>>) src(%dma_wait3A_143 : memref<640x128xf32, #tpu.memory_space<vmem_shared>>) dst(%dma_wait3A_141 : memref<640x128xf32, #tpu.memory_space<hbm>>)
      tpu.yield
    }) : () -> ()
    return
  }
}

module attributes {stable_mosaic.version = 14 : i64} {
  func.func @_tc_rsqrt_body(%arg0: memref<2x80x128xf32, #tpu.memory_space<vmem>>, %arg1: memref<80x128xf32, #tpu.memory_space<vmem>>) attributes {dimension_semantics = [], scalar_prefetch = 0 : i64, scratch_operands = 0 : i64, tpu.core_type = #tpu.core_type<tc>} {
    %get3A = arith.constant 0 : index
    %get3A_0 = arith.constant 0 : index
    %get3A_1 = arith.constant 0 : index
    %get3A_2 = vector.load %arg0[%get3A, %get3A_0, %get3A_1] : memref<2x80x128xf32, #tpu.memory_space<vmem>>, vector<1x80x128xf32>
    %get3A_3 = vector.shape_cast %get3A_2 : vector<1x80x128xf32> to vector<80x128xf32>
    %get3A_4 = arith.constant 1 : index
    %get3A_5 = arith.constant 0 : index
    %get3A_6 = arith.constant 0 : index
    %get3A_7 = vector.load %arg0[%get3A_4, %get3A_5, %get3A_6] : memref<2x80x128xf32, #tpu.memory_space<vmem>>, vector<1x80x128xf32>
    %get3A_8 = vector.shape_cast %get3A_7 : vector<1x80x128xf32> to vector<80x128xf32>
    %add3A = arith.addf %get3A_3, %get3A_8 : vector<80x128xf32>
    %rsqrt3A = math.rsqrt %add3A : vector<80x128xf32>
    %swap3A = arith.constant 0 : index
    %swap3A_9 = arith.constant 0 : index
    %swap3A_10 = vector.load %arg1[%swap3A, %swap3A_9] : memref<80x128xf32, #tpu.memory_space<vmem>>, vector<80x128xf32>
    tpu.vector_store %arg1[%swap3A, %swap3A_9], %rsqrt3A {strides = array<i32>} : memref<80x128xf32, #tpu.memory_space<vmem>>, vector<80x128xf32>,
    return
  }
}

module attributes {stable_mosaic.version = 14 : i64} {
  func.func @_tc_mm1_body(%arg0: memref<10000x128xf32, #tpu.memory_space<vmem>>, %arg1: memref<128x128xf32, #tpu.memory_space<vmem>>, %arg2: memref<10000x1xf32, #tpu.memory_space<vmem>>, %arg3: memref<10240x128xf32, #tpu.memory_space<vmem>>) attributes {dimension_semantics = [], scalar_prefetch = 0 : i64, scratch_operands = 0 : i64, tpu.core_type = #tpu.core_type<tc>} {
    %broadcast_in_dim3A = arith.constant 0.000000e+00 : f32
    %broadcast_in_dim3A_0 = vector.broadcast %broadcast_in_dim3A : f32 to vector<240x128xf32>
    %swap3A = arith.constant 10000 : index
    %swap3A_1 = arith.constant 0 : index
    %swap3A_2 = vector.load %arg3[%swap3A, %swap3A_1] : memref<10240x128xf32, #tpu.memory_space<vmem>>, vector<240x128xf32>
    tpu.vector_store %arg3[%swap3A, %swap3A_1], %broadcast_in_dim3A_0 {strides = array<i32>} : memref<10240x128xf32, #tpu.memory_space<vmem>>, vector<240x128xf32>,
    %get3A = arith.constant 0 : index
    %get3A_3 = arith.constant 0 : index
    %get3A_4 = vector.load %arg0[%get3A, %get3A_3] : memref<10000x128xf32, #tpu.memory_space<vmem>>, vector<10000x128xf32>
    %get3A_5 = arith.constant 0 : index
    %get3A_6 = arith.constant 0 : index
    %get3A_7 = vector.load %arg1[%get3A_5, %get3A_6] : memref<128x128xf32, #tpu.memory_space<vmem>>, vector<128x128xf32>
    %dot_general3A = arith.constant dense<0.000000e+00> : vector<10000x128xf32>
    %dot_general3A_8 = tpu.matmul %get3A_4, %get3A_7, %dot_general3A {dimension_numbers = #tpu.dot_dimension_numbers<[1], [0], [0], [1], [0, 0, 1, 1], [], []>, transpose_lhs_hint = false} : vector<10000x128xf32>, vector<128x128xf32>, vector<10000x128xf32> -> vector<10000x128xf32>
    %get3A_9 = arith.constant 0 : index
    %get3A_10 = arith.constant 0 : index
    %get3A_11 = vector.load %arg2[%get3A_9, %get3A_10] : memref<10000x1xf32, #tpu.memory_space<vmem>>, vector<10000x1xf32>
    %mul3A = vector.broadcast %get3A_11 : vector<10000x1xf32> to vector<10000x128xf32>
    %mul3A_12 = arith.mulf %dot_general3A_8, %mul3A : vector<10000x128xf32>
    %swap3A_13 = arith.constant 0 : index
    %swap3A_14 = arith.constant 0 : index
    %swap3A_15 = vector.load %arg3[%swap3A_13, %swap3A_14] : memref<10240x128xf32, #tpu.memory_space<vmem>>, vector<10000x128xf32>
    tpu.vector_store %arg3[%swap3A_13, %swap3A_14], %mul3A_12 {strides = array<i32>} : memref<10240x128xf32, #tpu.memory_space<vmem>>, vector<10000x128xf32>,
    return
  }
}

module attributes {stable_mosaic.version = 14 : i64} {
  func.func @_tc_mid_body(%arg0: memref<2x10240x128xf32, #tpu.memory_space<vmem>>, %arg1: memref<10000x1xf32, #tpu.memory_space<vmem>>, %arg2: memref<1x128xf32, #tpu.memory_space<vmem>>, %arg3: memref<128x128xf32, #tpu.memory_space<vmem>>, %arg4: memref<10240x128xf32, #tpu.memory_space<vmem>>) attributes {dimension_semantics = [], scalar_prefetch = 0 : i64, scratch_operands = 0 : i64, tpu.core_type = #tpu.core_type<tc>} {
    %get3A = arith.constant 0 : index
    %get3A_0 = arith.constant 0 : index
    %get3A_1 = arith.constant 0 : index
    %get3A_2 = vector.load %arg0[%get3A, %get3A_0, %get3A_1] : memref<2x10240x128xf32, #tpu.memory_space<vmem>>, vector<1x10000x128xf32>
    %get3A_3 = vector.shape_cast %get3A_2 : vector<1x10000x128xf32> to vector<10000x128xf32>
    %get3A_4 = arith.constant 1 : index
    %get3A_5 = arith.constant 0 : index
    %get3A_6 = arith.constant 0 : index
    %get3A_7 = vector.load %arg0[%get3A_4, %get3A_5, %get3A_6] : memref<2x10240x128xf32, #tpu.memory_space<vmem>>, vector<1x10000x128xf32>
    %get3A_8 = vector.shape_cast %get3A_7 : vector<1x10000x128xf32> to vector<10000x128xf32>
    %add3A = arith.addf %get3A_3, %get3A_8 : vector<10000x128xf32>
    %get3A_9 = arith.constant 0 : index
    %get3A_10 = arith.constant 0 : index
    %get3A_11 = vector.load %arg1[%get3A_9, %get3A_10] : memref<10000x1xf32, #tpu.memory_space<vmem>>, vector<10000x1xf32>
    %mul3A = vector.broadcast %get3A_11 : vector<10000x1xf32> to vector<10000x128xf32>
    %mul3A_12 = arith.mulf %add3A, %mul3A : vector<10000x128xf32>
    %get3A_13 = arith.constant 0 : index
    %get3A_14 = arith.constant 0 : index
    %get3A_15 = vector.load %arg2[%get3A_13, %get3A_14] : memref<1x128xf32, #tpu.memory_space<vmem>>, vector<1x128xf32>
    %add3A_16 = vector.broadcast %get3A_15 : vector<1x128xf32> to vector<10000x128xf32>
    %add3A_17 = arith.addf %mul3A_12, %add3A_16 : vector<10000x128xf32>
    %max3A = arith.constant 0.000000e+00 : f32
    %max3A_18 = vector.broadcast %max3A : f32 to vector<10000x128xf32>
    %max3A_19 = arith.maximumf %add3A_17, %max3A_18 : vector<10000x128xf32>
    %broadcast_in_dim3A = arith.constant 0.000000e+00 : f32
    %broadcast_in_dim3A_20 = vector.broadcast %broadcast_in_dim3A : f32 to vector<240x128xf32>
    %swap3A = arith.constant 10000 : index
    %swap3A_21 = arith.constant 0 : index
    %swap3A_22 = vector.load %arg4[%swap3A, %swap3A_21] : memref<10240x128xf32, #tpu.memory_space<vmem>>, vector<240x128xf32>
    tpu.vector_store %arg4[%swap3A, %swap3A_21], %broadcast_in_dim3A_20 {strides = array<i32>} : memref<10240x128xf32, #tpu.memory_space<vmem>>, vector<240x128xf32>,
    %get3A_23 = arith.constant 0 : index
    %get3A_24 = arith.constant 0 : index
    %get3A_25 = vector.load %arg3[%get3A_23, %get3A_24] : memref<128x128xf32, #tpu.memory_space<vmem>>, vector<128x128xf32>
    %dot_general3A = arith.constant dense<0.000000e+00> : vector<10000x128xf32>
    %dot_general3A_26 = tpu.matmul %max3A_19, %get3A_25, %dot_general3A {dimension_numbers = #tpu.dot_dimension_numbers<[1], [0], [0], [1], [0, 0, 1, 1], [], []>, transpose_lhs_hint = false} : vector<10000x128xf32>, vector<128x128xf32>, vector<10000x128xf32> -> vector<10000x128xf32>
    %get3A_27 = arith.constant 0 : index
    %get3A_28 = arith.constant 0 : index
    %get3A_29 = vector.load %arg1[%get3A_27, %get3A_28] : memref<10000x1xf32, #tpu.memory_space<vmem>>, vector<10000x1xf32>
    %mul3A_30 = vector.broadcast %get3A_29 : vector<10000x1xf32> to vector<10000x128xf32>
    %mul3A_31 = arith.mulf %dot_general3A_26, %mul3A_30 : vector<10000x128xf32>
    %swap3A_32 = arith.constant 0 : index
    %swap3A_33 = arith.constant 0 : index
    %swap3A_34 = vector.load %arg4[%swap3A_32, %swap3A_33] : memref<10240x128xf32, #tpu.memory_space<vmem>>, vector<10000x128xf32>
    tpu.vector_store %arg4[%swap3A_32, %swap3A_33], %mul3A_31 {strides = array<i32>} : memref<10240x128xf32, #tpu.memory_space<vmem>>, vector<10000x128xf32>,
    return
  }
}

module attributes {stable_mosaic.version = 14 : i64} {
  func.func @_tc_out_body(%arg0: memref<2x10240x128xf32, #tpu.memory_space<vmem>>, %arg1: memref<10000x1xf32, #tpu.memory_space<vmem>>, %arg2: memref<1x128xf32, #tpu.memory_space<vmem>>, %arg3: memref<10000x128xf32, #tpu.memory_space<vmem>>) attributes {dimension_semantics = [], scalar_prefetch = 0 : i64, scratch_operands = 0 : i64, tpu.core_type = #tpu.core_type<tc>} {
    %get3A = arith.constant 0 : index
    %get3A_0 = arith.constant 0 : index
    %get3A_1 = arith.constant 0 : index
    %get3A_2 = vector.load %arg0[%get3A, %get3A_0, %get3A_1] : memref<2x10240x128xf32, #tpu.memory_space<vmem>>, vector<1x10000x128xf32>
    %get3A_3 = vector.shape_cast %get3A_2 : vector<1x10000x128xf32> to vector<10000x128xf32>
    %get3A_4 = arith.constant 1 : index
    %get3A_5 = arith.constant 0 : index
    %get3A_6 = arith.constant 0 : index
    %get3A_7 = vector.load %arg0[%get3A_4, %get3A_5, %get3A_6] : memref<2x10240x128xf32, #tpu.memory_space<vmem>>, vector<1x10000x128xf32>
    %get3A_8 = vector.shape_cast %get3A_7 : vector<1x10000x128xf32> to vector<10000x128xf32>
    %add3A = arith.addf %get3A_3, %get3A_8 : vector<10000x128xf32>
    %get3A_9 = arith.constant 0 : index
    %get3A_10 = arith.constant 0 : index
    %get3A_11 = vector.load %arg1[%get3A_9, %get3A_10] : memref<10000x1xf32, #tpu.memory_space<vmem>>, vector<10000x1xf32>
    %mul3A = vector.broadcast %get3A_11 : vector<10000x1xf32> to vector<10000x128xf32>
    %mul3A_12 = arith.mulf %add3A, %mul3A : vector<10000x128xf32>
    %get3A_13 = arith.constant 0 : index
    %get3A_14 = arith.constant 0 : index
    %get3A_15 = vector.load %arg2[%get3A_13, %get3A_14] : memref<1x128xf32, #tpu.memory_space<vmem>>, vector<1x128xf32>
    %add3A_16 = vector.broadcast %get3A_15 : vector<1x128xf32> to vector<10000x128xf32>
    %add3A_17 = arith.addf %mul3A_12, %add3A_16 : vector<10000x128xf32>
    %swap3A = arith.constant 0 : index
    %swap3A_18 = arith.constant 0 : index
    %swap3A_19 = vector.load %arg3[%swap3A, %swap3A_18] : memref<10000x128xf32, #tpu.memory_space<vmem>>, vector<10000x128xf32>
    tpu.vector_store %arg3[%swap3A, %swap3A_18], %add3A_17 {strides = array<i32>} : memref<10000x128xf32, #tpu.memory_space<vmem>>, vector<10000x128xf32>,
    return
  }
}

</mosaic_0001>

<sc_bundles>
// kernel: kernel.12.cloned.1.call-start
scs
__scs_entry_jumppad:
0x0: {  	(pc) =	sbr.rel $0x88, $3  }
0x1: {  	(tag) =	ssettag $0x0;
	lr =	simm.s32 $0x1  }
0x2: {  	[smem:$0x3F9B] =	sst lr;
	_ =	strace $0xD0000000  }
0x3: {  	_ = 	snop  }
0x4: {  	_ = 	snop  }
0x5: {  	_ = 	snop  }
0x6: {  	_ = 	snop  }
0x7: {  	_ = 	snop  }
__scs_overlays_trampoline_lowered:
0x8: {  	[smem:$0x3FAA] =	sst s0  }
0x9: {  	[smem:$0x3FAB] =	sst s1  }
0xa: {  	[smem:$0x3FAC] =	sst s2  }
0xb: {  	[smem:$0x3FAD] =	sst s3  }
0xc: {  	[smem:$0x3FAE] =	sst s4  }
0xd: {  	[smem:$0x3FAF] =	sst s5  }
0xe: {  	[smem:$0x3FB0] =	sst s6  }
0xf: {  	[smem:$0x3FB1] =	sst s7  }
0x10: {  	[smem:$0x3FB2] =	sst s8  }
0x11: {  	[smem:$0x3FB3] =	sst s9;
	s0 =	simm.s32 @!p0 $0x0  }
0x12: {  	s1 =	sld [smem:$0x3F99];
	s0 =	simm.s32 @p0 $0x1  }
0x13: {  	[smem:$0x3FB4] =	sst s0;
	s0 =	simm.s32 @!p1 $0x0  }
0x14: {  	s2 =	sld [smem:$0x3F98];
	s0 =	simm.s32 @p1 $0x1  }
0x15: {  	[smem:$0x3FB5] =	sst s0;
	s0 =	simm.s32 @!p2 $0x0  }
0x16: {  	s3 =	sld [smem:$0x3FDB];
	s0 =	simm.s32 @p2 $0x1  }
0x17: {  	s4 =	simm.s32 $0x1BF5;
	[smem:$0x3FB7] =	sst s0  }
0x18: {  	s0 =	sld [smem:$0x3F9A];
	_ =	swait.ge [sflag:s4], $0x0  }
0x19: {  	s7 =	sld [smem:$0x3F9B]  }
0x1a: {  	s8 =	sadd.s32 $0xFFFFE003, lr  }
0x1b: {  	s9 =	sadd.s32 $0xFFFFFEF7, lr;
	s5 =	simm.s32 $0xFFFFFFFF;
	p2 =	slt.u32 s8, $0xFFFFF086  }
0x1c: {  	p1 =	slt.u32 s9, $0xF7A;
	s5 =	simm.s32 @!p2 $0x0  }
0x1d: {  	s5 =	simm.s32 @p1 $0x1;
	p0 =	seq.s32 s7, s2  }
0x1e: {  	s7 =	smul.u32 @!p0 $0xF7A, s2;
	p2 =	seq.s32 @!p0 s5, $0x0  }
0x1f: {  	s9 =	smul.u32 $0xF7A, s1;
	s8 =	simm.s32 @!p0 $0x1BF5;
	p2 =	por !p2, p0  }
0x20: {  	[sflag:s8] =	ssyncset.s32 @!p0 $0xFFFFF086;
	s6 =	sadd.s32 @!p0 s3, s7;
	s7 =	simm.s32 @!p0 $0x108  }
0x21: {  	s3 =	sadd.s32 s3, s9;
	s6 =	sadd.s32 @!p0 $0x88, s6;
	s7 =	simm.s32 @p2 $0x1082  }
0x22: {  	[simem:s7], [sflag:s8] =	dma.local @!p0 [hbm:s6], $0xF7A  }
0x23: {  	s9 =	sor.u32 $0xD0000000, s2;
	s6 =	simm.s32 $0x108;
	_ =	swait.ge @!p0 [sflag:s8], $0x0  }
0x24: {  	s3 =	sadd.s32 $0x88, s3;
	s6 =	simm.s32 @!p1 $0x1082;
	[sflag:s4] =	ssyncset.s32 $0xFFFFF086  }
0x25: {  	[simem:s6], [sflag:s4] =	dma.local [hbm:s3], $0xF7A  }
0x26: {  	[smem:$0x3F9B] =	sst s1;
	(tag) =	ssettag s2;
	_ =	strace s9  }
0x27: {  	s1 =	sld [smem:$0x3FAB]  }
0x28: {  	s2 =	sld [smem:$0x3FAC]  }
0x29: {  	s4 =	sld [smem:$0x3FAE]  }
0x2a: {  	p0 =	seq.s32 s5, $0x0;
	s5 =	sld [smem:$0x3FAF]  }
0x2b: {  	s6 =	sld [smem:$0x3FB0]  }
0x2c: {  	s7 =	sld [smem:$0x3FB1]  }
0x2d: {  	s3 =	simm.s32 $0x108;
	s8 =	sld [smem:$0x3FB2]  }
0x2e: {  	s3 =	simm.s32 @!p0 $0x1082;
	s9 =	sld [smem:$0x3FB3]  }
0x2f: {  	lr =	sadd.s32 s0, s3;
	s0 =	sld [smem:$0x3FAA]  }
0x30: {  	s3 =	sld [smem:$0x3FAD]  }
0x31: {  	[smem:$0x3FB6] =	sst s10  }
0x32: {  	s10 =	sld [smem:$0x3FB4];
	_ =	sdelay $0x3  }
0x33: {  	p0 =	seq.s32 s10, $0x1;
	s10 =	sld [smem:$0x3FB6];
	_ =	sdelay $0x3  }
0x34: {  	[smem:$0x3FB6] =	sst s10  }
0x35: {  	s10 =	sld [smem:$0x3FB5];
	_ =	sdelay $0x3  }
0x36: {  	p1 =	seq.s32 s10, $0x1;
	s10 =	sld [smem:$0x3FB6];
	_ =	sdelay $0x3  }
0x37: {  	[smem:$0x3FB6] =	sst s10  }
0x38: {  	s10 =	sld [smem:$0x3FB7]  }
0x39: {  	_ = 	snop;
	(pc) =	sbr.ind lr, $3  }
0x3a: {  	_ = 	snop  }
0x3b: {  	_ = 	snop  }
0x3c: {  	p2 =	seq.s32 s10, $0x1;
	s10 =	sld [smem:$0x3FB6]  }
0x3d: {  	_ =	shalt  }
0x3e: {  	_ =	shalt  }
0x3f: {  	_ =	shalt  }
0x40: {  	_ =	shalt  }
0x41: {  	_ =	shalt  }
0x42: {  	_ =	shalt  }
0x43: {  	_ =	shalt  }
0x44: {  	_ =	shalt  }
0x45: {  	_ =	shalt  }
0x46: {  	_ =	shalt  }
0x47: {  	_ =	shalt  }
0x48: {  	_ =	shalt  }
0x49: {  	_ =	shalt  }
0x4a: {  	_ =	shalt  }
0x4b: {  	_ =	shalt  }
0x4c: {  	_ =	shalt  }
0x4d: {  	_ =	shalt  }
0x4e: {  	_ =	shalt  }
0x4f: {  	_ =	shalt  }
0x50: {  	_ =	shalt  }
0x51: {  	_ =	shalt  }
0x52: {  	_ =	shalt  }
0x53: {  	_ =	shalt  }
0x54: {  	_ =	shalt  }
0x55: {  	_ =	shalt  }
0x56: {  	_ =	shalt  }
0x57: {  	_ =	shalt  }
0x58: {  	_ =	shalt  }
0x59: {  	_ =	shalt  }
0x5a: {  	_ =	shalt  }
0x5b: {  	_ =	shalt  }
0x5c: {  	_ =	shalt  }
0x5d: {  	_ =	shalt  }
0x5e: {  	_ =	shalt  }
0x5f: {  	_ =	shalt  }
0x60: {  	_ =	shalt  }
0x61: {  	_ =	shalt  }
0x62: {  	_ =	shalt  }
0x63: {  	_ =	shalt  }
0x64: {  	_ =	shalt  }
0x65: {  	_ =	shalt  }
0x66: {  	_ =	shalt  }
0x67: {  	_ =	shalt  }
0x68: {  	_ =	shalt  }
0x69: {  	_ =	shalt  }
0x6a: {  	_ =	shalt  }
0x6b: {  	_ =	shalt  }
0x6c: {  	_ =	shalt  }
0x6d: {  	_ =	shalt  }
0x6e: {  	_ =	shalt  }
0x6f: {  	_ =	shalt  }
0x70: {  	_ =	shalt  }
0x71: {  	_ =	shalt  }
0x72: {  	_ =	shalt  }
0x73: {  	_ =	shalt  }
0x74: {  	_ =	shalt  }
0x75: {  	_ =	shalt  }
0x76: {  	_ =	shalt  }
0x77: {  	_ =	shalt  }
0x78: {  	_ =	shalt  }
0x79: {  	_ =	shalt  }
0x7a: {  	_ =	shalt  }
0x7b: {  	_ =	shalt  }
0x7c: {  	_ =	shalt  }
0x7d: {  	_ =	shalt  }
0x7e: {  	_ =	shalt  }
0x7f: {  	_ =	shalt  }
0x80: {  	_ =	shalt  }
0x81: {  	_ =	shalt  }
0x82: {  	_ =	shalt  }
0x83: {  	_ =	shalt  }
0x84: {  	_ =	shalt  }
0x85: {  	_ =	shalt  }
0x86: {  	_ =	shalt  }
0x87: {  	_ =	shalt  }
.Lfunc_end0:
.L_simem_size_0:
called_computation.1_lowered:
.L_overlay_start_0:
0x88: {  	s2 =	sld [smem:$0x3FD9]  }
0x89: {  	s3 =	sld [smem:$0x3FFE];
	_ =	sdelay $0x1  }
0x8a: {  	s1 =	srdreg.scid  }
0x8b: {  	s0 =	sand.u32 $0x1, s1  }
0x8c: {  	s17 =	sshll.u32 s0, $0xA;
	s2 =	sadd.s32 s3, s2  }
0x8d: {  	s2 =	sadd.s32 s2, s17  }
0x8e: {  	[smem:$0x3FC2] =	sst s2  }
0x8f: {  	_ = 	snop  }
0x90: {  	s2 =	sld [smem:$0x3FD0];
	(tm) =	ssettm $0x1  }
0x91: {  	s18 =	sld [smem:$0x3FFB];
	_ =	sdelay $0x3  }
0x92: {  	_ =	strace s18  }
0x93: {  	s3 =	sld [smem:$0x3FFC];
	_ =	sdelay $0x3  }
0x94: {  	_ =	strace s3  }
0x95: {  	s3 =	sld [smem:$0x3FFD];
	_ =	sdelay $0x3  }
0x96: {  	_ =	strace s3  }
0x97: {  	_ =	strace $0x8FFFFFFF  }
0x98: {  	s19 =	sld [smem:$0x3FDB];
	_ =	sdelay $0x1  }
0x99: {  	s4 =	simm.s32 $_scs_section_size  }
0x9a: {  	s5 =	simm.s32 $_size__tile_overlayer_lowered;
	s6 =	simm.s32 $_tile_overlayer_lowered  }
0x9b: {  	s22 =	simm.s32 $0x1BFF;
	s21 =	sshll.u32 s6, $0x1;
	s3 =	sadd.s32 s4, s19  }
0x9c: {  	s7 =	simm.s32 $0x0;
	s20 =	sshll.u32 s5, $0x1;
	s5 =	sadd.s32 s21, s3  }
0x9d: {  	[timem:s7], [sflag:s22] =	dma.local [hbm:s5], s20  }
0x9e: {  	_ =	swait.ge [sflag:s22], s20  }
0x9f: {  	s4 =	ssub.s32 $0x0, s20;
	[sflag:s22] =	ssyncset.done $0x0  }
0xa0: {  	[sflag:s22] =	ssyncadd.s32 s4;
	_ =	sdelay $0x1  }
0xa1: {  	s23 =	simm.s32 $0x1B8B  }
0xa2: {  	_ =	swait.ge [sflag:s23], $0x1  }
0xa3: {  	[sflag:s23] =	ssyncset.done $0x0  }
0xa4: {  	s25 =	simm.s32 $0x1B8E;
	s24 =	sld [smem:$0x3FFE];
	[sflag:s23] =	ssyncadd.s32 $0xFFFFFFFF  }
0xa5: {  	s26 =	simm.s32 $execute0_lowered;
	[smem:$0x3FD2] =	sst s25  }
0xa6: {  	s5 =	sshll.u32 s26, $0x1;
	_ =	strace $0x80000049;
	[dreg:$0x1] =	wrdreg $0xFFFFFFFF  }
0xa7: {  	s28 =	simm.s32 $_size_execute0_lowered;
	s3 =	sadd.s32 s3, s5;
	[dreg:$0x0] =	wrdreg $0x0  }
0xa8: {  	s5 =	sshll.u32 s28, $0x1;
	[dreg:$0x2] =	wrdreg s3  }
0xa9: {  	[dreg:$0x3] =	wrdreg s5  }
0xaa: {  	[dreg:$0x4] =	wrdreg $0xC0  }
0xab: {  	_ =	task [dreg:s7], $0x5FFFF  }
0xac: {  	[dreg:$0x1] =	wrdreg $0xFFFFFFFF  }
0xad: {  	[dreg:$0x0] =	wrdreg $0x60  }
0xae: {  	[dreg:$0x2] =	wrdreg s24  }
0xaf: {  	[dreg:$0x3] =	wrdreg s2  }
0xb0: {  	[dreg:$0x4] =	wrdreg $0x0  }
0xb1: {  	[dreg:$0x5] =	wrdreg $0x9  }
0xb2: {  	_ =	task.clear_ibuf [dreg:s7], $0x6FFFF;
	_ =	strace $0x90000049  }
0xb3: {  	s29 =	simm.s32 $0x9;
	_ =	strace $0x8000004B  }
0xb4: {  	_ =	swait.ge [sflag:s29], $0x1  }
0xb5: {  	[sflag:s29] =	ssyncadd.s32 $0xFFFFFFFF  }
0xb6: {  	_ =	strace $0x9000004B  }
0xb7: {  	_ =	sfence  }
0xb8: {  	s30 =	sld [smem:$0x0];
	_ =	sdelay $0x2  }
0xb9: {  	s31 =	sshll.u32 s1, $0xD;
	s1 =	sshrl.u32 s1, $0x2  }
0xba: {  	s3 =	sand.u32 $0x4000, s31;
	s1 =	sadd.s32 s1, s30  }
0xbb: {  	s0 =	sor.u32 s3, s0;
	s1 =	sshll.u32 s1, $0x11  }
0xbc: {  	s0 =	sor.u32 s1, s0  }
0xbd: {  	s0 =	sadd.s32 $0x8F2B, s0  }
0xbe: {  	[sflag:s0] =	ssyncadd.remote.s32 $0x1  }
0xbf: {  	_ =	sfence.sel $0xFFFF  }
0xc0: {  	[dreg:$0x0] =	wrdreg $0xFFFFFFFF;
	(pc) =	sbr.abs _section_cstart, $3  }
0xc1: {  	[dreg:$0x1] =	wrdreg $0xFFFFFFFF  }
0xc2: {  	_ =	task.clear_ibuf [dreg:s7], $0x2FFFF;
	_ =	strace $0x9FFFFFFF  }
0xc3: {  	(tm) =	ssettm $0x7FFFFFFF  }
tec
execute0_lowered:
.L_overlay_start_1:
0x0: {  	(tag) =	ssettag $0x1  }
0x1: {  	s0 =	rddreg [dreg:$0x0]  }
0x2: {  	s11 =	rddreg [dreg:$0x1]  }
0x3: {  	s2 =	rddreg [dreg:$0x2];
	s1 =	srdreg.scid;
	s4 =	simm.s32 $0x0  }
0x4: {  	s12 =	stileid.u32;
	s30 =	simm.s32 $0x15A00;
	s31 =	simm.s32 $0x16E00  }
0x5: {  	s28 =	simm.s32 $0xB;
	s1 =	sand.u32 $0x1, s1;
	s6 =	smul.u32 $0x14000, s12  }
0x6: {  	s29 =	simm.s32 $0x14480;
	s3 =	smul.u32 $0x140000, s1;
	s7 =	sshll.u32 s1, $0x4  }
0x7: {  	[smem:$0x7FF] =	sst s4;
	s5 =	sadd.s32 $0xCE00, s0;
	s9 =	sor.u32 s12, s7  }
0x8: {  	s13 =	sadd.s32 $0x3000, s0;
	s3 =	sadd.s32 s6, s3;
	s6 =	smul.u32 $0x2710, s9  }
0x9: {  	s22 =	smul.u32 $0x50000, s12;
	_ =	strace $0x8000004A;
	s10 =	ssub.s32 $0x2, s1  }
0xa: {  	[dreg:$0x4] =	wrdreg s13;
	s3 =	sshrl.u32 s3, $0x3;
	s15 =	sshrl.u32 s6, $0x3  }
0xb: {  	s14 =	sshrl.u32 s10, $0x1;
	s0 =	sadd.s32 s3, s0;
	s9 =	sadd.s32 s11, s15  }
0xc: {  	s3 =	ssub.s32 s10, s14;
	s16 =	sadd.s32 s13, s15;
	[dreg:$0x5] =	wrdreg s9  }
0xd: {  	s8 =	sadd.s32 $0x28, s6;
	s0 =	sadd.s32 $0x34E00, s0;
	[dreg:$0x6] =	wrdreg s16  }
0xe: {  	s14 =	sshrl.u32 s22, $0x2;
	s3 =	smax.u32 s3, $0x1;
	[dreg:$0x13] =	wrdreg s0  }
0xf: {  	s8 =	sshrl.u32 s8, $0x3;
	s25 =	sadd.s32 s14, s2;
	[dreg:$0x14] =	wrdreg s3  }
0x10: {  	s24 =	smul.u32 $0x27100, s1;
	s17 =	sadd.s32 s11, s8;
	[dreg:$0x11] =	wrdreg s25  }
0x11: {  	s18 =	sadd.s32 $0xA, s15;
	s8 =	sadd.s32 s13, s8;
	[dreg:$0x7] =	wrdreg s17  }
0x12: {  	s10 =	sadd.s32 $0x78, s6;
	s19 =	sadd.s32 s11, s18;
	[dreg:$0x8] =	wrdreg s8  }
0x13: {  	s20 =	sshrl.u32 s10, $0x3;
	s9 =	sadd.s32 s13, s18;
	[dreg:$0x9] =	wrdreg s19  }
0x14: {  	s7 =	sadd.s32 $0x14, s15;
	s21 =	sadd.s32 s11, s20;
	[dreg:$0xa] =	wrdreg s9  }
0x15: {  	s6 =	sadd.s32 $0xC8, s6;
	s23 =	sadd.s32 s11, s7;
	[dreg:$0xb] =	wrdreg s21  }
0x16: {  	s6 =	sshrl.u32 s6, $0x3;
	s7 =	sadd.s32 s13, s7;
	[dreg:$0xd] =	wrdreg s23  }
0x17: {  	p0 =	seq.s32 s1, $0x1;
	s26 =	sadd.s32 s11, s6;
	[dreg:$0xe] =	wrdreg s7  }
0x18: {  	s10 =	smul.u32 $0x2710, s12;
	s6 =	sadd.s32 s13, s6;
	[dreg:$0xf] =	wrdreg s26  }
0x19: {  	s15 =	smul.u32 $0x2800, s12;
	s12 =	sadd.s32 $0x2800, s25;
	[dreg:$0x10] =	wrdreg s6  }
0x1a: {  	s1 =	simm.s32 $0x14300;
	s14 =	sadd.s32 $0x5000, s25;
	[smem:$0x7F0] =	sst s12  }
0x1b: {  	s8 =	sadd.s32 s13, s20;
	s16 =	sadd.s32 s10, s24;
	[smem:$0x7F2] =	sst s14  }
0x1c: {  	s17 =	sadd.s32 s5, s15;
	s15 =	sadd.s32 $0x6400, s25;
	[dreg:$0xc] =	wrdreg s8  }
0x1d: {  	s6 =	simm.s32 $0x14380;
	s12 =	simm.s32 $0x14500;
	[dreg:$0x12] =	wrdreg s17  }
0x1e: {  	s18 =	sadd.s32 $0x1B8, s16;
	s19 =	sadd.s32 $0x190, s16;
	s21 =	sadd.s32 $0x168, s16  }
0x1f: {  	s26 =	sadd.s32 $0x140, s16;
	s10 =	sadd.s32 $0xF0, s16;
	[smem:$0x7F3] =	sst s15  }
0x20: {  	s7 =	sadd.s32 $0x118, s16;
	s16 =	sadd.s32 $0x7800, s25;
	[dreg:$0x1f] =	wrdreg s10  }
0x21: {  	s14 =	simm.s32 $0x18200;
	s17 =	sadd.s32 $0x8C00, s25;
	[smem:$0x7F4] =	sst s16  }
0x22: {  	s0 =	sshrl.u32 s18, $0x3;
	[smem:$0x7F5] =	sst s17;
	s18 =	sadd.s32 $0xA000, s25  }
0x23: {  	s3 =	sshrl.u32 s19, $0x3;
	s19 =	sadd.s32 $0xB400, s25;
	[smem:$0x7F6] =	sst s18  }
0x24: {  	s22 =	sshrl.u32 s21, $0x3;
	s21 =	sadd.s32 $0xDC00, s25;
	[smem:$0x7F7] =	sst s19  }
0x25: {  	s15 =	simm.s32 $0xC;
	s20 =	sadd.s32 s0, s13;
	[smem:$0x7F9] =	sst s21  }
0x26: {  	s9 =	sshrl.u32 s7, $0x3;
	s0 =	sadd.s32 s0, s11;
	[dreg:$0x15] =	wrdreg s20  }
0x27: {  	s17 =	simm.s32 $0x14080;
	s23 =	sadd.s32 s3, s13;
	[dreg:$0x16] =	wrdreg s0  }
0x28: {  	s10 =	simm.s32 $0x14180;
	s3 =	sadd.s32 s3, s11;
	[dreg:$0x17] =	wrdreg s23  }
0x29: {  	s16 =	simm.s32 $0x15;
	s24 =	sadd.s32 s22, s13;
	[dreg:$0x18] =	wrdreg s3  }
0x2a: {  	s7 =	simm.s32 $0x16;
	[dreg:$0x19] =	wrdreg s24;
	s0 =	sadd.s32 s22, s11  }
0x2b: {  	s19 =	simm.s32 $0x28;
	s20 =	sadd.s32 $0xC800, s25;
	[dreg:$0x1a] =	wrdreg s0  }
0x2c: {  	s21 =	simm.s32 $0x19600;
	s22 =	sadd.s32 $0xF000, s25;
	[smem:$0x7F8] =	sst s20  }
0x2d: {  	s18 =	simm.s32 $0x4;
	s23 =	sadd.s32 $0x10400, s25;
	[smem:$0x7FA] =	sst s22  }
0x2e: {  	s3 =	sshrl.u32 s26, $0x3;
	s24 =	sadd.s32 $0x11800, s25;
	[smem:$0x7FB] =	sst s23  }
0x2f: {  	s26 =	sadd.s32 $0x12C00, s25;
	s8 =	sadd.s32 s3, s13;
	[smem:$0x7FC] =	sst s24  }
0x30: {  	s0 =	sadd.s32 s3, s11;
	s3 =	sadd.s32 s9, s13;
	[smem:$0x7FD] =	sst s26  }
0x31: {  	s13 =	sadd.s32 $0x3C00, s25;
	s26 =	simm.s32 $0x14000;
	[dreg:$0x1b] =	wrdreg s8  }
.Ltmp0:
0x32: {  	s23 =	simm.s32 $0x14580;
	[dreg:$0x1c] =	wrdreg s0;
	(pc) =	sbr.rel .LBB2_1-.Ltmp0, $4  }
0x33: {  	s24 =	simm.s32 $0x19600;
	[dreg:$0x1d] =	wrdreg s3;
	s0 =	sadd.s32 s9, s11  }
0x34: {  	s11 =	sadd.s32 $0x1400, s25;
	[smem:$0x7F1] =	sst s13;
	s8 =	simm.s32 $0x14100  }
0x35: {  	s9 =	simm.s32 $0x14400;
	s13 =	simm.s32 $0x19;
	[dreg:$0x1e] =	wrdreg s0  }
0x36: {  	v0 =	vimm.f32 $0.0e+00;
	[smem:$0x7EF] =	sst s11;
	s11 =	simm.s32 $0x14480;
	s0 =	simm.s32 $0x0  }
.LBB2_9:
0x37: {  	_ =	swait.ge [sflag:s15], $0x1400  }
0x38: {  	[sflag:s15] =	ssyncset.done $0x0  }
0x39: {  	s0 =	simm.s32 $0x1;
	[sflag:s15] =	ssyncadd.s32 $0xFFFFEC00  }
0x3a: {  	_ =	swait.ge [sflag:s0], $0x1400  }
0x3b: {  	[sflag:s0] =	ssyncset.done $0x0  }
0x3c: {  	s6 =	simm.s32 $0x13;
	[sflag:s0] =	ssyncadd.s32 $0xFFFFEC00  }
0x3d: {  	_ =	swait.ge [sflag:s6], $0x28  }
0x3e: {  	[sflag:s6] =	ssyncset.done $0x0  }
0x3f: {  	s1 =	simm.s32 $0x14300;
	s13 =	simm.s32 $0x19;
	[sflag:s6] =	ssyncadd.s32 $0xFFFFFFD8  }
0x40: {  	[spmem:s2] =	stream.indirect.scatter.add.f32 [tilespmem:s21], [sflag:$0x19], $0x80, s1, s19, $0xb8;
	[tilespmem:$0x1BE00] =	vst v63  }
0x41: {  	_ =	swait.ge [sflag:s13], $0x1400  }
0x42: {  	[sflag:s13] =	ssyncset.done $0x0  }
0x43: {  	s9 =	simm.s32 $0x2;
	[sflag:s13] =	ssyncadd.s32 $0xFFFFEC00  }
0x44: {  	_ =	swait.ge [sflag:s9], $0x1400  }
0x45: {  	[sflag:s9] =	ssyncset.done $0x0  }
0x46: {  	s11 =	simm.s32 $0x14;
	[sflag:s9] =	ssyncadd.s32 $0xFFFFEC00  }
0x47: {  	_ =	swait.ge [sflag:s11], $0x28  }
0x48: {  	[sflag:s11] =	ssyncset.done $0x0  }
0x49: {  	s6 =	simm.s32 $0x14380;
	[sflag:s11] =	ssyncadd.s32 $0xFFFFFFD8  }
0x4a: {  	[spmem:s2] =	stream.indirect.scatter.add.f32 [tilespmem:s30], [sflag:$0x19], $0x80, s6, s19, $0xb8;
	[tilespmem:$0x1BE00] =	vst v63  }
0x4b: {  	_ =	swait.ge [sflag:s13], $0x1400  }
0x4c: {  	[sflag:s13] =	ssyncset.done $0x0  }
0x4d: {  	s12 =	simm.s32 $0x3;
	[sflag:s13] =	ssyncadd.s32 $0xFFFFEC00  }
0x4e: {  	_ =	swait.ge [sflag:s12], $0x1400  }
0x4f: {  	[sflag:s12] =	ssyncset.done $0x0  }
0x50: {  	[sflag:s12] =	ssyncadd.s32 $0xFFFFEC00  }
0x51: {  	_ =	swait.ge [sflag:s16], $0x28  }
0x52: {  	[sflag:s16] =	ssyncset.done $0x0  }
0x53: {  	s9 =	simm.s32 $0x14400;
	[sflag:s16] =	ssyncadd.s32 $0xFFFFFFD8  }
0x54: {  	[spmem:s2] =	stream.indirect.scatter.add.f32 [tilespmem:s31], [sflag:$0x19], $0x80, s9, s19, $0xb8;
	[tilespmem:$0x1BE00] =	vst v63  }
0x55: {  	_ =	swait.ge [sflag:s13], $0x1400  }
0x56: {  	[sflag:s13] =	ssyncset.done $0x0  }
0x57: {  	[sflag:s13] =	ssyncadd.s32 $0xFFFFEC00  }
0x58: {  	_ =	swait.ge [sflag:s18], $0x1400  }
0x59: {  	[sflag:s18] =	ssyncset.done $0x0  }
0x5a: {  	[sflag:s18] =	ssyncadd.s32 $0xFFFFEC00  }
0x5b: {  	_ =	swait.ge [sflag:s7], $0x28  }
0x5c: {  	[sflag:s7] =	ssyncset.done $0x0  }
0x5d: {  	s11 =	simm.s32 $0x14480;
	[sflag:s7] =	ssyncadd.s32 $0xFFFFFFD8  }
0x5e: {  	[spmem:s2] =	stream.indirect.scatter.add.f32 [tilespmem:s14], [sflag:$0x19], $0x80, s11, s19, $0xb8;
	[tilespmem:$0x1BE00] =	vst v63  }
0x5f: {  	_ =	swait.ge [sflag:s13], $0x1400  }
0x60: {  	[sflag:s13] =	ssyncset.done $0x0  }
0x61: {  	[sflag:s13] =	ssyncadd.s32 $0xFFFFEC00  }
0x62: {  	s3 =	stileid.u32;
	[bflag:$0x0] =	sbarrier.arrive $0xFFFF  }
0x63: {  	s3 =	sshll.u32 s3, $0x6;
	s25 =	rddreg [dreg:$0x11]  }
0x64: {  	s3 =	sor.u32 $0x1C19, s3;
	s22 =	rddreg [dreg:$0x13];
	s20 =	sshrl.u32 s25, $0x3  }
0x65: {  	[hbm:s22], [sflag:s3] =	dma.local [spmem:s20], $0x2800  }
0x66: {  	_ =	swait.ge [sflag:s13], $0x2800  }
0x67: {  	s21 =	sld [smem:$0x7EE];
	_ =	sdelay $0x2  }
0x68: {  	s22 =	rddreg [dreg:$0x14];
	s0 =	sadd.s32 $0x1, s21  }
0x69: {  	p1 =	sne.s32 s0, s22  }
.Ltmp1:
0x6a: {  	_ = 	snop;
	(pc) =	sbr.rel @!p1 .LBB2_10-.Ltmp1, $3  }
0x6b: {  	_ =	sdelay $0x1  }
0x6c: {  	s23 =	simm.s32 $0x14580;
	[sflag:s13] =	ssyncset.done $0x0  }
0x6d: {  	s12 =	simm.s32 $0x14500;
	[sflag:s13] =	ssyncadd.s32 $0xFFFFD800;
	s21 =	simm.s32 $0x19600  }
.LBB2_1:
0x6e: {  	s3 =	rddreg [dreg:$0x5]  }
0x6f: {  	[tilespmem:s26], [sflag:$0xD] =	stream.linear.gather [hbm4b:s3+s4], $0x28, $0x38;
	[tilespmem:$0x1BE00] =	vst v63  }
0x70: {  	s20 =	rddreg [dreg:$0x6]  }
0x71: {  	[tilespmem:s1], [sflag:$0x13] =	stream.linear.gather [hbm4b:s20+s4], $0x28, $0x38;
	[tilespmem:$0x1BE00] =	vst v63  }
0x72: {  	s22 =	rddreg [dreg:$0x7]  }
0x73: {  	[tilespmem:s17], [sflag:$0xE] =	stream.linear.gather [hbm4b:s22+s4], $0x28, $0x38;
	[tilespmem:$0x1BE00] =	vst v63  }
0x74: {  	s1 =	rddreg [dreg:$0x8]  }
0x75: {  	[tilespmem:s6], [sflag:$0x14] =	stream.linear.gather [hbm4b:s1+s4], $0x28, $0x38;
	[tilespmem:$0x1BE00] =	vst v63  }
0x76: {  	s6 =	rddreg [dreg:$0x9]  }
0x77: {  	[tilespmem:s8], [sflag:$0xF] =	stream.linear.gather [hbm4b:s6+s4], $0x28, $0x38;
	[tilespmem:$0x1BE00] =	vst v63  }
0x78: {  	s20 =	rddreg [dreg:$0xa]  }
0x79: {  	[tilespmem:s9], [sflag:$0x15] =	stream.linear.gather [hbm4b:s20+s4], $0x28, $0x38;
	[tilespmem:$0x1BE00] =	vst v63  }
0x7a: {  	s22 =	rddreg [dreg:$0xb]  }
0x7b: {  	[tilespmem:s10], [sflag:$0x10] =	stream.linear.gather [hbm4b:s22+s4], $0x28, $0x38;
	[tilespmem:$0x1BE00] =	vst v63  }
0x7c: {  	s1 =	rddreg [dreg:$0xc]  }
0x7d: {  	[tilespmem:s11], [sflag:$0x16] =	stream.linear.gather [hbm4b:s1+s4], $0x28, $0x38;
	[tilespmem:$0x1BE00] =	vst v63  }
0x7e: {  	s6 =	rddreg [dreg:$0xd];
	s9 =	simm.s32 $0x14200  }
0x7f: {  	[tilespmem:s9], [sflag:$0x11] =	stream.linear.gather [hbm4b:s6+s4], $0x28, $0x38;
	[tilespmem:$0x1BE00] =	vst v63  }
0x80: {  	s11 =	rddreg [dreg:$0xe]  }
0x81: {  	[tilespmem:s12], [sflag:$0x17] =	stream.linear.gather [hbm4b:s11+s4], $0x28, $0x38;
	[tilespmem:$0x1BE00] =	vst v63  }
.Ltmp2:
0x82: {  	[smem:$0x7EE] =	sst s0;
	(pc) =	sbr.rel @!p0 .LBB2_2-.Ltmp2, $4  }
0x83: {  	s20 =	simm.s32 $0x14280;
	s12 =	rddreg [dreg:$0xf]  }
0x84: {  	[tilespmem:s20], [sflag:$0x12] =	stream.linear.gather [hbm4b:s12+s4], $0x28, $0x38;
	[tilespmem:$0x1BE00] =	vst v63  }
0x85: {  	s22 =	rddreg [dreg:$0x10]  }
0x86: {  	[tilespmem:s23], [sflag:$0x18] =	stream.linear.gather [hbm4b:s22+s4], $0x28, $0x38;
	[tilespmem:$0x1BE00] =	vst v63  }
0x87: {  	s22 =	sshra.s32 s4, $0x2;
	s23 =	sadd.s32 $0x200, s4;
	s1 =	simm.s32 $0x14600  }
.LBB2_4:
0x88: {  	p1 =	seq.s32 s23, $0x4E00;
	[tilespmem:s22+$0x14670] =	vst v0  }
0x89: {  	[tilespmem:s22+$0x14600] =	vst v0  }
0x8a: {  	[tilespmem:s22+$0x14610] =	vst v0  }
.Ltmp3:
0x8b: {  	[tilespmem:s22+$0x14620] =	vst v0;
	(pc) =	sbr.rel @!p1 .LBB2_4-.Ltmp3, $4  }
0x8c: {  	[tilespmem:s22+$0x14630] =	vst v0  }
0x8d: {  	[tilespmem:s22+$0x14640] =	vst v0  }
0x8e: {  	[tilespmem:s22+$0x14650] =	vst v0  }
0x8f: {  	[tilespmem:s22+$0x14660] =	vst v0;
	s22 =	sshra.s32 s23, $0x2;
	s23 =	sadd.s32 $0x200, s23  }
0x90: {  	[tilespmem:s22+$0x14670] =	vst v0  }
0x91: {  	[tilespmem:s22+$0x14600] =	vst v0  }
0x92: {  	[tilespmem:s22+$0x14610] =	vst v0  }
0x93: {  	[tilespmem:s22+$0x14620] =	vst v0  }
0x94: {  	[tilespmem:s22+$0x14630] =	vst v0  }
0x95: {  	[tilespmem:s22+$0x14640] =	vst v0  }
0x96: {  	[tilespmem:s22+$0x14650] =	vst v0  }
0x97: {  	[tilespmem:s22+$0x14660] =	vst v0  }
0x98: {  	[spmem:s25] =	stream.linear.scatter [tilespmem:s1], [sflag:$0x19], $0x1400, $0x38;
	[tilespmem:$0x1BE00] =	vst v63  }
0x99: {  	_ =	swait.ge [sflag:s13], $0x1400  }
0x9a: {  	s3 =	sld [smem:$0x7EF]  }
0x9b: {  	[sflag:s13] =	ssyncset.done $0x0  }
0x9c: {  	[sflag:s13] =	ssyncadd.s32 $0xFFFFEC00  }
0x9d: {  	[spmem:s3] =	stream.linear.scatter [tilespmem:s1], [sflag:$0x19], $0x1400, $0x38;
	[tilespmem:$0x1BE00] =	vst v63  }
0x9e: {  	_ =	swait.ge [sflag:s13], $0x1400  }
0x9f: {  	s12 =	sld [smem:$0x7F0]  }
0xa0: {  	[sflag:s13] =	ssyncset.done $0x0  }
0xa1: {  	[sflag:s13] =	ssyncadd.s32 $0xFFFFEC00  }
0xa2: {  	[spmem:s12] =	stream.linear.scatter [tilespmem:s1], [sflag:$0x19], $0x1400, $0x38;
	[tilespmem:$0x1BE00] =	vst v63  }
0xa3: {  	_ =	swait.ge [sflag:s13], $0x1400  }
0xa4: {  	s20 =	sld [smem:$0x7F1]  }
0xa5: {  	[sflag:s13] =	ssyncset.done $0x0  }
0xa6: {  	[sflag:s13] =	ssyncadd.s32 $0xFFFFEC00  }
0xa7: {  	[spmem:s20] =	stream.linear.scatter [tilespmem:s1], [sflag:$0x19], $0x1400, $0x38;
	[tilespmem:$0x1BE00] =	vst v63  }
0xa8: {  	_ =	swait.ge [sflag:s13], $0x1400  }
0xa9: {  	s22 =	sld [smem:$0x7F2]  }
0xaa: {  	[sflag:s13] =	ssyncset.done $0x0  }
0xab: {  	[sflag:s13] =	ssyncadd.s32 $0xFFFFEC00  }
0xac: {  	[spmem:s22] =	stream.linear.scatter [tilespmem:s1], [sflag:$0x19], $0x1400, $0x38;
	[tilespmem:$0x1BE00] =	vst v63  }
0xad: {  	_ =	swait.ge [sflag:s13], $0x1400  }
0xae: {  	s23 =	sld [smem:$0x7F3]  }
0xaf: {  	[sflag:s13] =	ssyncset.done $0x0  }
0xb0: {  	[sflag:s13] =	ssyncadd.s32 $0xFFFFEC00  }
0xb1: {  	[spmem:s23] =	stream.linear.scatter [tilespmem:s1], [sflag:$0x19], $0x1400, $0x38;
	[tilespmem:$0x1BE00] =	vst v63  }
0xb2: {  	_ =	swait.ge [sflag:s13], $0x1400  }
0xb3: {  	s25 =	sld [smem:$0x7F4]  }
0xb4: {  	[sflag:s13] =	ssyncset.done $0x0  }
0xb5: {  	[sflag:s13] =	ssyncadd.s32 $0xFFFFEC00  }
0xb6: {  	[spmem:s25] =	stream.linear.scatter [tilespmem:s1], [sflag:$0x19], $0x1400, $0x38;
	[tilespmem:$0x1BE00] =	vst v63  }
0xb7: {  	_ =	swait.ge [sflag:s13], $0x1400  }
0xb8: {  	s0 =	sld [smem:$0x7F5]  }
0xb9: {  	[sflag:s13] =	ssyncset.done $0x0  }
0xba: {  	[sflag:s13] =	ssyncadd.s32 $0xFFFFEC00  }
0xbb: {  	[spmem:s0] =	stream.linear.scatter [tilespmem:s1], [sflag:$0x19], $0x1400, $0x38;
	[tilespmem:$0x1BE00] =	vst v63  }
0xbc: {  	_ =	swait.ge [sflag:s13], $0x1400  }
0xbd: {  	s6 =	sld [smem:$0x7F6]  }
0xbe: {  	[sflag:s13] =	ssyncset.done $0x0  }
0xbf: {  	[sflag:s13] =	ssyncadd.s32 $0xFFFFEC00  }
0xc0: {  	[spmem:s6] =	stream.linear.scatter [tilespmem:s1], [sflag:$0x19], $0x1400, $0x38;
	[tilespmem:$0x1BE00] =	vst v63  }
0xc1: {  	_ =	swait.ge [sflag:s13], $0x1400  }
0xc2: {  	s9 =	sld [smem:$0x7F7]  }
0xc3: {  	[sflag:s13] =	ssyncset.done $0x0  }
0xc4: {  	[sflag:s13] =	ssyncadd.s32 $0xFFFFEC00  }
0xc5: {  	[spmem:s9] =	stream.linear.scatter [tilespmem:s1], [sflag:$0x19], $0x1400, $0x38;
	[tilespmem:$0x1BE00] =	vst v63  }
0xc6: {  	_ =	swait.ge [sflag:s13], $0x1400  }
0xc7: {  	s11 =	sld [smem:$0x7F8]  }
0xc8: {  	[sflag:s13] =	ssyncset.done $0x0  }
0xc9: {  	[sflag:s13] =	ssyncadd.s32 $0xFFFFEC00  }
0xca: {  	[spmem:s11] =	stream.linear.scatter [tilespmem:s1], [sflag:$0x19], $0x1400, $0x38;
	[tilespmem:$0x1BE00] =	vst v63  }
0xcb: {  	_ =	swait.ge [sflag:s13], $0x1400  }
0xcc: {  	s12 =	sld [smem:$0x7F9]  }
0xcd: {  	[sflag:s13] =	ssyncset.done $0x0  }
0xce: {  	[sflag:s13] =	ssyncadd.s32 $0xFFFFEC00  }
0xcf: {  	[spmem:s12] =	stream.linear.scatter [tilespmem:s1], [sflag:$0x19], $0x1400, $0x38;
	[tilespmem:$0x1BE00] =	vst v63  }
0xd0: {  	_ =	swait.ge [sflag:s13], $0x1400  }
0xd1: {  	s20 =	sld [smem:$0x7FA]  }
0xd2: {  	[sflag:s13] =	ssyncset.done $0x0  }
0xd3: {  	[sflag:s13] =	ssyncadd.s32 $0xFFFFEC00  }
0xd4: {  	[spmem:s20] =	stream.linear.scatter [tilespmem:s1], [sflag:$0x19], $0x1400, $0x38;
	[tilespmem:$0x1BE00] =	vst v63  }
0xd5: {  	_ =	swait.ge [sflag:s13], $0x1400  }
0xd6: {  	s22 =	sld [smem:$0x7FB]  }
0xd7: {  	[sflag:s13] =	ssyncset.done $0x0  }
0xd8: {  	[sflag:s13] =	ssyncadd.s32 $0xFFFFEC00  }
0xd9: {  	[spmem:s22] =	stream.linear.scatter [tilespmem:s1], [sflag:$0x19], $0x1400, $0x38;
	[tilespmem:$0x1BE00] =	vst v63  }
0xda: {  	_ =	swait.ge [sflag:s13], $0x1400  }
0xdb: {  	s23 =	sld [smem:$0x7FC]  }
0xdc: {  	[sflag:s13] =	ssyncset.done $0x0  }
0xdd: {  	[sflag:s13] =	ssyncadd.s32 $0xFFFFEC00  }
0xde: {  	[spmem:s23] =	stream.linear.scatter [tilespmem:s1], [sflag:$0x19], $0x1400, $0x38;
	[tilespmem:$0x1BE00] =	vst v63  }
0xdf: {  	_ =	swait.ge [sflag:s13], $0x1400  }
0xe0: {  	s25 =	sld [smem:$0x7FD]  }
0xe1: {  	[sflag:s13] =	ssyncset.done $0x0  }
.Ltmp4:
0xe2: {  	[sflag:s13] =	ssyncadd.s32 $0xFFFFEC00;
	(pc) =	sbr.rel .LBB2_6-.Ltmp4, $4  }
0xe3: {  	[spmem:s25] =	stream.linear.scatter [tilespmem:s1], [sflag:$0x19], $0x1400, $0x38;
	[tilespmem:$0x1BE00] =	vst v63  }
0xe4: {  	_ =	swait.ge [sflag:s13], $0x1400  }
0xe5: {  	[sflag:s13] =	ssyncset.done $0x0  }
0xe6: {  	[sflag:s13] =	ssyncadd.s32 $0xFFFFEC00  }
.LBB2_2:
0xe7: {  	s3 =	stileid.u32  }
0xe8: {  	s22 =	sshll.u32 s3, $0x6  }
0xe9: {  	s23 =	sshrl.u32 s25, $0x3;
	s25 =	rddreg [dreg:$0x12];
	s22 =	sor.u32 $0x1C19, s22  }
0xea: {  	[spmem:s23], [sflag:s22] =	dma.local [hbm:s25], $0x2800  }
0xeb: {  	_ =	swait.ge [sflag:s13], $0x2800  }
0xec: {  	[sflag:s13] =	ssyncset.done $0x0  }
0xed: {  	s1 =	simm.s32 $0x14600;
	[sflag:s13] =	ssyncadd.s32 $0xFFFFD800  }
.LBB2_6:
0xee: {  	[bflag:$0x0] =	sbarrier.arrive $0xFFFF;
	s3 =	simm.s32 $0xD  }
0xef: {  	_ =	swait.ge [sflag:s3], $0x28  }
0xf0: {  	[sflag:s3] =	ssyncset.done $0x0  }
0xf1: {  	s20 =	simm.s32 $0xE;
	[sflag:s3] =	ssyncadd.s32 $0xFFFFFFD8  }
0xf2: {  	[tilespmem:s1], [sflag:$0x1] =	stream.indirect.gather [hbm4b:s5+s19], $0x80, s26, s19, $0xb8;
	[tilespmem:$0x1BE00] =	vst v63  }
0xf3: {  	_ =	swait.ge [sflag:s20], $0x28  }
0xf4: {  	[sflag:s20] =	ssyncset.done $0x0  }
0xf5: {  	s22 =	simm.s32 $0xF;
	[sflag:s20] =	ssyncadd.s32 $0xFFFFFFD8  }
0xf6: {  	[tilespmem:s30], [sflag:$0x2] =	stream.indirect.gather [hbm4b:s5+s19], $0x80, s17, s19, $0xb8;
	[tilespmem:$0x1BE00] =	vst v63  }
0xf7: {  	_ =	swait.ge [sflag:s22], $0x28  }
0xf8: {  	[sflag:s22] =	ssyncset.done $0x0  }
0xf9: {  	s23 =	simm.s32 $0x10;
	[sflag:s22] =	ssyncadd.s32 $0xFFFFFFD8  }
0xfa: {  	[tilespmem:s31], [sflag:$0x3] =	stream.indirect.gather [hbm4b:s5+s19], $0x80, s8, s19, $0xb8;
	[tilespmem:$0x1BE00] =	vst v63  }
0xfb: {  	_ =	swait.ge [sflag:s23], $0x28  }
0xfc: {  	[sflag:s23] =	ssyncset.done $0x0  }
0xfd: {  	s0 =	simm.s32 $0x11;
	[sflag:s23] =	ssyncadd.s32 $0xFFFFFFD8  }
0xfe: {  	[tilespmem:s14], [sflag:$0x4] =	stream.indirect.gather [hbm4b:s5+s19], $0x80, s10, s19, $0xb8;
	[tilespmem:$0x1BE00] =	vst v63  }
0xff: {  	_ =	swait.ge [sflag:s0], $0x28  }
0x100: {  	[sflag:s0] =	ssyncset.done $0x0  }
0x101: {  	s25 =	simm.s32 $0x14200;
	s26 =	simm.s32 $0x12;
	[sflag:s0] =	ssyncadd.s32 $0xFFFFFFD8  }
0x102: {  	[tilespmem:s21], [sflag:$0x5] =	stream.indirect.gather [hbm4b:s5+s19], $0x80, s25, s19, $0xb8;
	[tilespmem:$0x1BE00] =	vst v63  }
0x103: {  	s12 =	simm.s32 $0x14500;
	s20 =	simm.s32 $0x1AA00;
	_ =	swait.ge [sflag:s26], $0x28  }
0x104: {  	s30 =	simm.s32 $0x14580;
	s22 =	simm.s32 $0x0;
	[sflag:s26] =	ssyncset.done $0x0  }
0x105: {  	s31 =	simm.s32 $0x14280;
	s23 =	rddreg [dreg:$0x1f];
	[sflag:s26] =	ssyncadd.s32 $0xFFFFFFD8  }
0x106: {  	[tilespmem:s20], [sflag:$0x6] =	stream.indirect.gather [hbm4b:s5+s19], $0x80, s31, s19, $0xb8;
	[tilespmem:$0x1BE00] =	vst v63  }
.LBB2_7:
0x107: {  	s0 =	simm.s32 $0x1  }
0x108: {  	_ =	swait.ge [sflag:s0], $0x1400  }
0x109: {  	[sflag:s0] =	ssyncset.done $0x0  }
0x10a: {  	[sflag:s0] =	ssyncadd.s32 $0xFFFFEC00  }
0x10b: {  	s21 =	sshrl.u32 s23, $0x3;
	s3 =	rddreg [dreg:$0x1]  }
0x10c: {  	s1 =	simm.s32 $0x14000;
	s6 =	simm.s32 $0x13;
	s25 =	sadd.s32 s3, s21  }
0x10d: {  	[tilespmem:s1], [sflag:$0xD] =	stream.linear.gather [hbm4b:s25+s4], $0x28, $0x38;
	[tilespmem:$0x1BE00] =	vst v63  }
0x10e: {  	_ =	swait.ge [sflag:s6], $0x28  }
0x10f: {  	s17 =	simm.s32 $0x14300;
	[sflag:s6] =	ssyncset.done $0x0  }
0x110: {  	s13 =	simm.s32 $0x14600;
	s8 =	simm.s32 $0x2;
	[sflag:s6] =	ssyncadd.s32 $0xFFFFFFD8  }
0x111: {  	[spmem:s2] =	stream.indirect.scatter.add.f32 [tilespmem:s13], [sflag:$0x7], $0x80, s17, s19, $0xb8;
	[tilespmem:$0x1BE00] =	vst v63  }
0x112: {  	_ =	swait.ge [sflag:s8], $0x1400  }
0x113: {  	s11 =	simm.s32 $0x14;
	[sflag:s8] =	ssyncset.done $0x0;
	s9 =	rddreg [dreg:$0x1e]  }
0x114: {  	s6 =	simm.s32 $0x14080;
	[sflag:s8] =	ssyncadd.s32 $0xFFFFEC00;
	s10 =	sadd.s32 s22, s9  }
0x115: {  	[tilespmem:s6], [sflag:$0xE] =	stream.linear.gather [hbm4b:s10+s4], $0x28, $0x38;
	[tilespmem:$0x1BE00] =	vst v63  }
0x116: {  	_ =	swait.ge [sflag:s11], $0x28  }
0x117: {  	s31 =	simm.s32 $0x15A00;
	[sflag:s11] =	ssyncset.done $0x0  }
0x118: {  	s14 =	simm.s32 $0x3;
	s8 =	simm.s32 $0x14380;
	[sflag:s11] =	ssyncadd.s32 $0xFFFFFFD8  }
0x119: {  	[spmem:s2] =	stream.indirect.scatter.add.f32 [tilespmem:s31], [sflag:$0x8], $0x80, s8, s19, $0xb8;
	[tilespmem:$0x1BE00] =	vst v63  }
0x11a: {  	_ =	swait.ge [sflag:s14], $0x1400  }
0x11b: {  	[sflag:s14] =	ssyncset.done $0x0;
	s25 =	rddreg [dreg:$0x1c]  }
0x11c: {  	s9 =	simm.s32 $0x14100;
	[sflag:s14] =	ssyncadd.s32 $0xFFFFEC00;
	s26 =	sadd.s32 s22, s25  }
0x11d: {  	[tilespmem:s9], [sflag:$0xF] =	stream.linear.gather [hbm4b:s26+s4], $0x28, $0x38;
	[tilespmem:$0x1BE00] =	vst v63  }
0x11e: {  	_ =	swait.ge [sflag:s16], $0x28  }
0x11f: {  	[sflag:s16] =	ssyncset.done $0x0  }
0x120: {  	s10 =	simm.s32 $0x14400;
	s14 =	simm.s32 $0x16E00;
	[sflag:s16] =	ssyncadd.s32 $0xFFFFFFD8  }
0x121: {  	[spmem:s2] =	stream.indirect.scatter.add.f32 [tilespmem:s14], [sflag:$0x9], $0x80, s10, s19, $0xb8;
	[tilespmem:$0x1BE00] =	vst v63  }
0x122: {  	_ =	swait.ge [sflag:s18], $0x1400  }
0x123: {  	[sflag:s18] =	ssyncset.done $0x0;
	s0 =	rddreg [dreg:$0x1a]  }
0x124: {  	s11 =	simm.s32 $0x14180;
	[sflag:s18] =	ssyncadd.s32 $0xFFFFEC00;
	s3 =	sadd.s32 s22, s0  }
0x125: {  	[tilespmem:s11], [sflag:$0x10] =	stream.linear.gather [hbm4b:s3+s4], $0x28, $0x38;
	[tilespmem:$0x1BE00] =	vst v63  }
0x126: {  	_ =	swait.ge [sflag:s7], $0x28  }
0x127: {  	[sflag:s7] =	ssyncset.done $0x0  }
0x128: {  	s26 =	simm.s32 $0x5;
	s0 =	simm.s32 $0x18200;
	[sflag:s7] =	ssyncadd.s32 $0xFFFFFFD8  }
0x129: {  	[spmem:s2] =	stream.indirect.scatter.add.f32 [tilespmem:s0], [sflag:$0xA], $0x80, s29, s19, $0xb8;
	[tilespmem:$0x1BE00] =	vst v63  }
0x12a: {  	_ =	swait.ge [sflag:s26], $0x1400  }
0x12b: {  	[sflag:s26] =	ssyncset.done $0x0  }
0x12c: {  	p1 =	seq.s32 s22, $0x4B0;
	s3 =	rddreg [dreg:$0x18];
	[sflag:s26] =	ssyncadd.s32 $0xFFFFEC00  }
0x12d: {  	s25 =	sadd.s32 @!p1 s22, s3;
	s26 =	simm.s32 @!p1 $0x0;
	s3 =	simm.s32 @!p1 $0x14200  }
0x12e: {  	[tilespmem:s3], [sflag:$0x11] =	stream.linear.gather @!p1 [hbm4b:s25+s26], $0x28, $0x38;
	[tilespmem:$0x1BE00] =	vst v63  }
0x12f: {  	s25 =	simm.s32 $0x17  }
0x130: {  	_ =	swait.ge [sflag:s25], $0x28  }
0x131: {  	[sflag:s25] =	ssyncset.done $0x0  }
0x132: {  	[sflag:s25] =	ssyncadd.s32 $0xFFFFFFD8;
	s25 =	simm.s32 $0x6  }
0x133: {  	[spmem:s2] =	stream.indirect.scatter.add.f32 [tilespmem:s24], [sflag:$0xB], $0x80, s12, s19, $0xb8;
	[tilespmem:$0x1BE00] =	vst v63  }
0x134: {  	_ =	swait.ge [sflag:s25], $0x1400  }
0x135: {  	[sflag:s25] =	ssyncset.done $0x0;
	s3 =	rddreg [dreg:$0x16]  }
0x136: {  	[sflag:s25] =	ssyncadd.s32 $0xFFFFEC00;
	s3 =	sadd.s32 @!p1 s22, s3;
	s25 =	simm.s32 @!p1 $0x14280  }
0x137: {  	[tilespmem:s25], [sflag:$0x12] =	stream.linear.gather @!p1 [hbm4b:s3+s26], $0x28, $0x38;
	[tilespmem:$0x1BE00] =	vst v63  }
0x138: {  	s25 =	simm.s32 $0x18  }
0x139: {  	_ =	swait.ge [sflag:s25], $0x28  }
0x13a: {  	[sflag:s25] =	ssyncset.done $0x0  }
0x13b: {  	s26 =	simm.s32 $0x7;
	[sflag:s25] =	ssyncadd.s32 $0xFFFFFFD8  }
0x13c: {  	[spmem:s2] =	stream.indirect.scatter.add.f32 [tilespmem:s20], [sflag:$0xC], $0x80, s30, s19, $0xb8;
	[tilespmem:$0x1BE00] =	vst v63  }
0x13d: {  	_ =	swait.ge [sflag:s26], $0x1400  }
0x13e: {  	[sflag:s26] =	ssyncset.done $0x0;
	s20 =	rddreg [dreg:$0x4]  }
0x13f: {  	[sflag:s26] =	ssyncadd.s32 $0xFFFFEC00;
	s3 =	sadd.s32 s20, s21;
	s21 =	simm.s32 $0xD  }
0x140: {  	[tilespmem:s17], [sflag:$0x13] =	stream.linear.gather [hbm4b:s3+s4], $0x28, $0x38;
	[tilespmem:$0x1BE00] =	vst v63  }
0x141: {  	_ =	swait.ge [sflag:s21], $0x28  }
0x142: {  	[sflag:s21] =	ssyncset.done $0x0  }
0x143: {  	s25 =	simm.s32 $0x8;
	[sflag:s21] =	ssyncadd.s32 $0xFFFFFFD8  }
0x144: {  	[tilespmem:s13], [sflag:$0x1] =	stream.indirect.gather [hbm4b:s5+s19], $0x80, s1, s19, $0xb8;
	[tilespmem:$0x1BE00] =	vst v63  }
0x145: {  	_ =	swait.ge [sflag:s25], $0x1400  }
0x146: {  	[sflag:s25] =	ssyncset.done $0x0;
	s1 =	rddreg [dreg:$0x1d]  }
0x147: {  	[sflag:s25] =	ssyncadd.s32 $0xFFFFEC00;
	s3 =	sadd.s32 s22, s1  }
0x148: {  	[tilespmem:s8], [sflag:$0x14] =	stream.linear.gather [hbm4b:s3+s4], $0x28, $0x38;
	[tilespmem:$0x1BE00] =	vst v63  }
0x149: {  	s3 =	simm.s32 $0xE  }
0x14a: {  	_ =	swait.ge [sflag:s3], $0x28  }
0x14b: {  	[sflag:s3] =	ssyncset.done $0x0  }
0x14c: {  	[sflag:s3] =	ssyncadd.s32 $0xFFFFFFD8  }
0x14d: {  	[tilespmem:s31], [sflag:$0x2] =	stream.indirect.gather [hbm4b:s5+s19], $0x80, s6, s19, $0xb8;
	[tilespmem:$0x1BE00] =	vst v63  }
0x14e: {  	s6 =	simm.s32 $0x9  }
0x14f: {  	_ =	swait.ge [sflag:s6], $0x1400  }
0x150: {  	[sflag:s6] =	ssyncset.done $0x0;
	s8 =	rddreg [dreg:$0x1b]  }
0x151: {  	s13 =	simm.s32 $0xF;
	[sflag:s6] =	ssyncadd.s32 $0xFFFFEC00;
	s3 =	sadd.s32 s22, s8  }
0x152: {  	[tilespmem:s10], [sflag:$0x15] =	stream.linear.gather [hbm4b:s3+s4], $0x28, $0x38;
	[tilespmem:$0x1BE00] =	vst v63  }
0x153: {  	_ =	swait.ge [sflag:s13], $0x28  }
0x154: {  	[sflag:s13] =	ssyncset.done $0x0  }
0x155: {  	[sflag:s13] =	ssyncadd.s32 $0xFFFFFFD8  }
0x156: {  	[tilespmem:s14], [sflag:$0x3] =	stream.indirect.gather [hbm4b:s5+s19], $0x80, s9, s19, $0xb8;
	[tilespmem:$0x1BE00] =	vst v63  }
0x157: {  	s14 =	simm.s32 $0xA  }
0x158: {  	_ =	swait.ge [sflag:s14], $0x1400  }
0x159: {  	[sflag:s14] =	ssyncset.done $0x0;
	s20 =	rddreg [dreg:$0x19]  }
0x15a: {  	s25 =	simm.s32 $0x10;
	[sflag:s14] =	ssyncadd.s32 $0xFFFFEC00;
	s3 =	sadd.s32 s22, s20  }
0x15b: {  	[tilespmem:s29], [sflag:$0x16] =	stream.linear.gather [hbm4b:s3+s4], $0x28, $0x38;
	[tilespmem:$0x1BE00] =	vst v63  }
0x15c: {  	s30 =	simm.s32 $0x15A00;
	_ =	swait.ge [sflag:s25], $0x28  }
0x15d: {  	s26 =	simm.s32 $0x14000;
	s17 =	simm.s32 $0x14080;
	[sflag:s25] =	ssyncset.done $0x0  }
.Ltmp5:
0x15e: {  	s21 =	simm.s32 $0x14600;
	[sflag:s25] =	ssyncadd.s32 $0xFFFFFFD8;
	(pc) =	sbr.rel @p1 .LBB2_9-.Ltmp5, $4  }
0x15f: {  	[tilespmem:s0], [sflag:$0x4] =	stream.indirect.gather [hbm4b:s5+s19], $0x80, s11, s19, $0xb8;
	[tilespmem:$0x1BE00] =	vst v63  }
0x160: {  	s31 =	simm.s32 $0x16E00;
	s8 =	simm.s32 $0x14100;
	_ =	swait.ge [sflag:s28], $0x1400  }
0x161: {  	s6 =	simm.s32 $0x14580;
	s10 =	simm.s32 $0x14180;
	[sflag:s28] =	ssyncset.done $0x0  }
0x162: {  	s9 =	simm.s32 $0x1AA00;
	s14 =	simm.s32 $0x18200;
	[sflag:s28] =	ssyncadd.s32 $0xFFFFEC00  }
0x163: {  	s3 =	rddreg [dreg:$0x17]  }
0x164: {  	s0 =	simm.s32 $0x11;
	s3 =	sadd.s32 s22, s3  }
0x165: {  	[tilespmem:s12], [sflag:$0x17] =	stream.linear.gather [hbm4b:s3+s4], $0x28, $0x38;
	[tilespmem:$0x1BE00] =	vst v63  }
0x166: {  	_ =	swait.ge [sflag:s0], $0x28  }
0x167: {  	[sflag:s0] =	ssyncset.done $0x0  }
0x168: {  	s1 =	simm.s32 $0x14200;
	[sflag:s0] =	ssyncadd.s32 $0xFFFFFFD8  }
0x169: {  	[tilespmem:s24], [sflag:$0x5] =	stream.indirect.gather [hbm4b:s5+s19], $0x80, s1, s19, $0xb8;
	[tilespmem:$0x1BE00] =	vst v63  }
0x16a: {  	_ =	swait.ge [sflag:s15], $0x1400  }
0x16b: {  	[sflag:s15] =	ssyncset.done $0x0;
	s25 =	rddreg [dreg:$0x15]  }
0x16c: {  	[sflag:s15] =	ssyncadd.s32 $0xFFFFEC00;
	s3 =	sadd.s32 s22, s25  }
0x16d: {  	[tilespmem:s6], [sflag:$0x18] =	stream.linear.gather [hbm4b:s3+s4], $0x28, $0x38;
	[tilespmem:$0x1BE00] =	vst v63  }
.Ltmp6:
0x16e: {  	s26 =	simm.s32 $0x12;
	(pc) =	sbr.rel .LBB2_7-.Ltmp6, $4  }
0x16f: {  	s31 =	simm.s32 $0x14280;
	_ =	swait.ge [sflag:s26], $0x28  }
0x170: {  	s23 =	sadd.s32 $0xF0, s23;
	s30 =	simm.s32 $0x14580;
	[sflag:s26] =	ssyncset.done $0x0  }
0x171: {  	s20 =	simm.s32 $0x1AA00;
	s22 =	sadd.s32 $0x1E, s22;
	[sflag:s26] =	ssyncadd.s32 $0xFFFFFFD8  }
0x172: {  	[tilespmem:s9], [sflag:$0x6] =	stream.indirect.gather [hbm4b:s5+s19], $0x80, s31, s19, $0xb8;
	[tilespmem:$0x1BE00] =	vst v63  }
.LBB2_10:
0x173: {  	_ =	sfence.sel $0x180000  }
0x174: {  	[bflag:$0x0] =	sbarrier.arrive $0xFFFF  }
0x175: {  	_ =	strace $0x9000004A  }
0x176: {  	s0 =	stileid.u32;
	[bflag:$0x2] =	sbarrier.arrive $0xFFFF  }
0x177: {  	p0 =	sne.s32 s0, $0x0;
	s0 =	rddreg [dreg:$0x3]  }
0x178: {  	s0 =	sadd.s32 @!p0 $0x100000, s0  }
0x179: {  	[sflag:s0] =	ssyncadd.tile.s32 @!p0 $0x1;
	_ =	shalt  }
.Lfunc_end2:
_tile_overlayer_lowered:
.L_overlay_start_2:
0x17a: {  	(tag) =	ssettag $0x2  }
0x17b: {  	s0 =	rddreg [dreg:$0x0];
	s2 =	stileid.u32  }
0x17c: {  	s1 =	rddreg [dreg:$0x1];
	p0 =	sne.s32 s2, $0x0  }
0x17d: {  	s3 =	rddreg [dreg:$0x2];
	[bflag:$0x3] =	sbarrier.arrive $0xFFFF;
	s2 =	simm.s32 @!p0 $0x1C19  }
0x17e: {  	[timem:s3], [sflag:s2] =	dma.local @!p0 [hbm:s0], s1  }
0x17f: {  	s0 =	simm.s32 @!p0 $0x19  }
0x180: {  	_ =	swait.ge @!p0 [sflag:s0], s1  }
0x181: {  	s1 =	ssub.s32 @!p0 $0x0, s1;
	[sflag:s0] =	ssyncset.done @!p0 $0x0  }
0x182: {  	[sflag:s0] =	ssyncadd.s32 @!p0 s1  }
0x183: {  	[bflag:$0x3] =	sbarrier.arrive $0xFFFF  }
0x184: {  	_ =	shalt  }

// kernel: kernel.15.cloned.1.call-start
scs
__scs_entry_jumppad:
0x0: {  	(pc) =	sbr.rel $0x88, $3  }
0x1: {  	(tag) =	ssettag $0x0;
	lr =	simm.s32 $0x1  }
0x2: {  	[smem:$0x3F9B] =	sst lr;
	_ =	strace $0xD0000000  }
0x3: {  	_ = 	snop  }
0x4: {  	_ = 	snop  }
0x5: {  	_ = 	snop  }
0x6: {  	_ = 	snop  }
0x7: {  	_ = 	snop  }
__scs_overlays_trampoline_lowered:
0x8: {  	[smem:$0x3FAA] =	sst s0  }
0x9: {  	[smem:$0x3FAB] =	sst s1  }
0xa: {  	[smem:$0x3FAC] =	sst s2  }
0xb: {  	[smem:$0x3FAD] =	sst s3  }
0xc: {  	[smem:$0x3FAE] =	sst s4  }
0xd: {  	[smem:$0x3FAF] =	sst s5  }
0xe: {  	[smem:$0x3FB0] =	sst s6  }
0xf: {  	[smem:$0x3FB1] =	sst s7  }
0x10: {  	[smem:$0x3FB2] =	sst s8  }
0x11: {  	[smem:$0x3FB3] =	sst s9;
	s0 =	simm.s32 @!p0 $0x0  }
0x12: {  	s1 =	sld [smem:$0x3F99];
	s0 =	simm.s32 @p0 $0x1  }
0x13: {  	[smem:$0x3FB4] =	sst s0;
	s0 =	simm.s32 @!p1 $0x0  }
0x14: {  	s2 =	sld [smem:$0x3F98];
	s0 =	simm.s32 @p1 $0x1  }
0x15: {  	[smem:$0x3FB5] =	sst s0;
	s0 =	simm.s32 @!p2 $0x0  }
0x16: {  	s3 =	sld [smem:$0x3FDB];
	s0 =	simm.s32 @p2 $0x1  }
0x17: {  	s4 =	simm.s32 $0x1BF5;
	[smem:$0x3FB7] =	sst s0  }
0x18: {  	s0 =	sld [smem:$0x3F9A];
	_ =	swait.ge [sflag:s4], $0x0  }
0x19: {  	s7 =	sld [smem:$0x3F9B]  }
0x1a: {  	s8 =	sadd.s32 $0xFFFFE003, lr  }
0x1b: {  	s9 =	sadd.s32 $0xFFFFFEF7, lr;
	s5 =	simm.s32 $0xFFFFFFFF;
	p2 =	slt.u32 s8, $0xFFFFF086  }
0x1c: {  	p1 =	slt.u32 s9, $0xF7A;
	s5 =	simm.s32 @!p2 $0x0  }
0x1d: {  	s5 =	simm.s32 @p1 $0x1;
	p0 =	seq.s32 s7, s2  }
0x1e: {  	s7 =	smul.u32 @!p0 $0xF7A, s2;
	p2 =	seq.s32 @!p0 s5, $0x0  }
0x1f: {  	s9 =	smul.u32 $0xF7A, s1;
	s8 =	simm.s32 @!p0 $0x1BF5;
	p2 =	por !p2, p0  }
0x20: {  	[sflag:s8] =	ssyncset.s32 @!p0 $0xFFFFF086;
	s6 =	sadd.s32 @!p0 s3, s7;
	s7 =	simm.s32 @!p0 $0x108  }
0x21: {  	s3 =	sadd.s32 s3, s9;
	s6 =	sadd.s32 @!p0 $0x88, s6;
	s7 =	simm.s32 @p2 $0x1082  }
0x22: {  	[simem:s7], [sflag:s8] =	dma.local @!p0 [hbm:s6], $0xF7A  }
0x23: {  	s9 =	sor.u32 $0xD0000000, s2;
	s6 =	simm.s32 $0x108;
	_ =	swait.ge @!p0 [sflag:s8], $0x0  }
0x24: {  	s3 =	sadd.s32 $0x88, s3;
	s6 =	simm.s32 @!p1 $0x1082;
	[sflag:s4] =	ssyncset.s32 $0xFFFFF086  }
0x25: {  	[simem:s6], [sflag:s4] =	dma.local [hbm:s3], $0xF7A  }
0x26: {  	[smem:$0x3F9B] =	sst s1;
	(tag) =	ssettag s2;
	_ =	strace s9  }
0x27: {  	s1 =	sld [smem:$0x3FAB]  }
0x28: {  	s2 =	sld [smem:$0x3FAC]  }
0x29: {  	s4 =	sld [smem:$0x3FAE]  }
0x2a: {  	p0 =	seq.s32 s5, $0x0;
	s5 =	sld [smem:$0x3FAF]  }
0x2b: {  	s6 =	sld [smem:$0x3FB0]  }
0x2c: {  	s7 =	sld [smem:$0x3FB1]  }
0x2d: {  	s3 =	simm.s32 $0x108;
	s8 =	sld [smem:$0x3FB2]  }
0x2e: {  	s3 =	simm.s32 @!p0 $0x1082;
	s9 =	sld [smem:$0x3FB3]  }
0x2f: {  	lr =	sadd.s32 s0, s3;
	s0 =	sld [smem:$0x3FAA]  }
0x30: {  	s3 =	sld [smem:$0x3FAD]  }
0x31: {  	[smem:$0x3FB6] =	sst s10  }
0x32: {  	s10 =	sld [smem:$0x3FB4];
	_ =	sdelay $0x3  }
0x33: {  	p0 =	seq.s32 s10, $0x1;
	s10 =	sld [smem:$0x3FB6];
	_ =	sdelay $0x3  }
0x34: {  	[smem:$0x3FB6] =	sst s10  }
0x35: {  	s10 =	sld [smem:$0x3FB5];
	_ =	sdelay $0x3  }
0x36: {  	p1 =	seq.s32 s10, $0x1;
	s10 =	sld [smem:$0x3FB6];
	_ =	sdelay $0x3  }
0x37: {  	[smem:$0x3FB6] =	sst s10  }
0x38: {  	s10 =	sld [smem:$0x3FB7]  }
0x39: {  	_ = 	snop;
	(pc) =	sbr.ind lr, $3  }
0x3a: {  	_ = 	snop  }
0x3b: {  	_ = 	snop  }
0x3c: {  	p2 =	seq.s32 s10, $0x1;
	s10 =	sld [smem:$0x3FB6]  }
0x3d: {  	_ =	shalt  }
0x3e: {  	_ =	shalt  }
0x3f: {  	_ =	shalt  }
0x40: {  	_ =	shalt  }
0x41: {  	_ =	shalt  }
0x42: {  	_ =	shalt  }
0x43: {  	_ =	shalt  }
0x44: {  	_ =	shalt  }
0x45: {  	_ =	shalt  }
0x46: {  	_ =	shalt  }
0x47: {  	_ =	shalt  }
0x48: {  	_ =	shalt  }
0x49: {  	_ =	shalt  }
0x4a: {  	_ =	shalt  }
0x4b: {  	_ =	shalt  }
0x4c: {  	_ =	shalt  }
0x4d: {  	_ =	shalt  }
0x4e: {  	_ =	shalt  }
0x4f: {  	_ =	shalt  }
0x50: {  	_ =	shalt  }
0x51: {  	_ =	shalt  }
0x52: {  	_ =	shalt  }
0x53: {  	_ =	shalt  }
0x54: {  	_ =	shalt  }
0x55: {  	_ =	shalt  }
0x56: {  	_ =	shalt  }
0x57: {  	_ =	shalt  }
0x58: {  	_ =	shalt  }
0x59: {  	_ =	shalt  }
0x5a: {  	_ =	shalt  }
0x5b: {  	_ =	shalt  }
0x5c: {  	_ =	shalt  }
0x5d: {  	_ =	shalt  }
0x5e: {  	_ =	shalt  }
0x5f: {  	_ =	shalt  }
0x60: {  	_ =	shalt  }
0x61: {  	_ =	shalt  }
0x62: {  	_ =	shalt  }
0x63: {  	_ =	shalt  }
0x64: {  	_ =	shalt  }
0x65: {  	_ =	shalt  }
0x66: {  	_ =	shalt  }
0x67: {  	_ =	shalt  }
0x68: {  	_ =	shalt  }
0x69: {  	_ =	shalt  }
0x6a: {  	_ =	shalt  }
0x6b: {  	_ =	shalt  }
0x6c: {  	_ =	shalt  }
0x6d: {  	_ =	shalt  }
0x6e: {  	_ =	shalt  }
0x6f: {  	_ =	shalt  }
0x70: {  	_ =	shalt  }
0x71: {  	_ =	shalt  }
0x72: {  	_ =	shalt  }
0x73: {  	_ =	shalt  }
0x74: {  	_ =	shalt  }
0x75: {  	_ =	shalt  }
0x76: {  	_ =	shalt  }
0x77: {  	_ =	shalt  }
0x78: {  	_ =	shalt  }
0x79: {  	_ =	shalt  }
0x7a: {  	_ =	shalt  }
0x7b: {  	_ =	shalt  }
0x7c: {  	_ =	shalt  }
0x7d: {  	_ =	shalt  }
0x7e: {  	_ =	shalt  }
0x7f: {  	_ =	shalt  }
0x80: {  	_ =	shalt  }
0x81: {  	_ =	shalt  }
0x82: {  	_ =	shalt  }
0x83: {  	_ =	shalt  }
0x84: {  	_ =	shalt  }
0x85: {  	_ =	shalt  }
0x86: {  	_ =	shalt  }
0x87: {  	_ =	shalt  }
.Lfunc_end0:
.L_simem_size_0:
called_computation.2_lowered:
.L_overlay_start_0:
0x88: {  	s2 =	sld [smem:$0x3FD9]  }
0x89: {  	s3 =	sld [smem:$0x3FFE];
	_ =	sdelay $0x1  }
0x8a: {  	s1 =	srdreg.scid  }
0x8b: {  	s0 =	sand.u32 $0x1, s1  }
0x8c: {  	s17 =	sshll.u32 s0, $0xA;
	s2 =	sadd.s32 s3, s2  }
0x8d: {  	s2 =	sadd.s32 s2, s17  }
0x8e: {  	[smem:$0x3FC2] =	sst s2  }
0x8f: {  	_ = 	snop  }
0x90: {  	s2 =	sld [smem:$0x3FD0];
	(tm) =	ssettm $0x1  }
0x91: {  	s18 =	sld [smem:$0x3FFB];
	_ =	sdelay $0x3  }
0x92: {  	_ =	strace s18  }
0x93: {  	s3 =	sld [smem:$0x3FFC];
	_ =	sdelay $0x3  }
0x94: {  	_ =	strace s3  }
0x95: {  	s3 =	sld [smem:$0x3FFD];
	_ =	sdelay $0x3  }
0x96: {  	_ =	strace s3  }
0x97: {  	_ =	strace $0x8FFFFFFF  }
0x98: {  	s19 =	sld [smem:$0x3FDB];
	_ =	sdelay $0x1  }
0x99: {  	s4 =	simm.s32 $_scs_section_size  }
0x9a: {  	s5 =	simm.s32 $_size__tile_overlayer_lowered;
	s6 =	simm.s32 $_tile_overlayer_lowered  }
0x9b: {  	s22 =	simm.s32 $0x1BFF;
	s21 =	sshll.u32 s6, $0x1;
	s3 =	sadd.s32 s4, s19  }
0x9c: {  	s7 =	simm.s32 $0x0;
	s20 =	sshll.u32 s5, $0x1;
	s5 =	sadd.s32 s21, s3  }
0x9d: {  	[timem:s7], [sflag:s22] =	dma.local [hbm:s5], s20  }
0x9e: {  	_ =	swait.ge [sflag:s22], s20  }
0x9f: {  	s4 =	ssub.s32 $0x0, s20;
	[sflag:s22] =	ssyncset.done $0x0  }
0xa0: {  	[sflag:s22] =	ssyncadd.s32 s4;
	_ =	sdelay $0x1  }
0xa1: {  	s23 =	simm.s32 $0x1B8B  }
0xa2: {  	_ =	swait.ge [sflag:s23], $0x1  }
0xa3: {  	[sflag:s23] =	ssyncset.done $0x0  }
0xa4: {  	s25 =	simm.s32 $0x1B8E;
	s24 =	sld [smem:$0x3FFE];
	[sflag:s23] =	ssyncadd.s32 $0xFFFFFFFF  }
0xa5: {  	s26 =	simm.s32 $execute0_lowered;
	[smem:$0x3FD2] =	sst s25  }
0xa6: {  	s5 =	sshll.u32 s26, $0x1;
	_ =	strace $0x8000004C;
	[dreg:$0x1] =	wrdreg $0xFFFFFFFF  }
0xa7: {  	s28 =	simm.s32 $_size_execute0_lowered;
	s3 =	sadd.s32 s3, s5;
	[dreg:$0x0] =	wrdreg $0x0  }
0xa8: {  	s5 =	sshll.u32 s28, $0x1;
	[dreg:$0x2] =	wrdreg s3  }
0xa9: {  	[dreg:$0x3] =	wrdreg s5  }
0xaa: {  	[dreg:$0x4] =	wrdreg $0xC0  }
0xab: {  	_ =	task [dreg:s7], $0x5FFFF  }
0xac: {  	[dreg:$0x1] =	wrdreg $0xFFFFFFFF  }
0xad: {  	[dreg:$0x0] =	wrdreg $0x60  }
0xae: {  	[dreg:$0x2] =	wrdreg s24  }
0xaf: {  	[dreg:$0x3] =	wrdreg s2  }
0xb0: {  	[dreg:$0x4] =	wrdreg $0x0  }
0xb1: {  	[dreg:$0x5] =	wrdreg $0x9  }
0xb2: {  	_ =	task.clear_ibuf [dreg:s7], $0x6FFFF;
	_ =	strace $0x9000004C  }
0xb3: {  	s29 =	simm.s32 $0x9;
	_ =	strace $0x8000004E  }
0xb4: {  	_ =	swait.ge [sflag:s29], $0x1  }
0xb5: {  	[sflag:s29] =	ssyncadd.s32 $0xFFFFFFFF  }
0xb6: {  	_ =	strace $0x9000004E  }
0xb7: {  	_ =	sfence  }
0xb8: {  	s30 =	sld [smem:$0x0];
	_ =	sdelay $0x2  }
0xb9: {  	s31 =	sshll.u32 s1, $0xD;
	s1 =	sshrl.u32 s1, $0x2  }
0xba: {  	s3 =	sand.u32 $0x4000, s31;
	s1 =	sadd.s32 s1, s30  }
0xbb: {  	s0 =	sor.u32 s3, s0;
	s1 =	sshll.u32 s1, $0x11  }
0xbc: {  	s0 =	sor.u32 s1, s0  }
0xbd: {  	s0 =	sadd.s32 $0x8F2B, s0  }
0xbe: {  	[sflag:s0] =	ssyncadd.remote.s32 $0x1  }
0xbf: {  	_ =	sfence.sel $0xFFFF  }
0xc0: {  	[dreg:$0x0] =	wrdreg $0xFFFFFFFF;
	(pc) =	sbr.abs _section_cstart, $3  }
0xc1: {  	[dreg:$0x1] =	wrdreg $0xFFFFFFFF  }
0xc2: {  	_ =	task.clear_ibuf [dreg:s7], $0x2FFFF;
	_ =	strace $0x9FFFFFFF  }
0xc3: {  	(tm) =	ssettm $0x7FFFFFFF  }
tec
execute0_lowered:
.L_overlay_start_1:
0x0: {  	(tag) =	ssettag $0x1  }
0x1: {  	s0 =	rddreg [dreg:$0x0]  }
0x2: {  	s11 =	rddreg [dreg:$0x1]  }
0x3: {  	s2 =	rddreg [dreg:$0x2];
	s1 =	srdreg.scid;
	s4 =	simm.s32 $0x0  }
0x4: {  	s12 =	stileid.u32;
	s30 =	simm.s32 $0x15A00;
	s31 =	simm.s32 $0x16E00  }
0x5: {  	s28 =	simm.s32 $0xB;
	s1 =	sand.u32 $0x1, s1;
	s6 =	smul.u32 $0x14000, s12  }
0x6: {  	s29 =	simm.s32 $0x14480;
	s3 =	smul.u32 $0x140000, s1;
	s7 =	sshll.u32 s1, $0x4  }
0x7: {  	[smem:$0x7FF] =	sst s4;
	s5 =	sadd.s32 $0xCE00, s0;
	s9 =	sor.u32 s12, s7  }
0x8: {  	s13 =	sadd.s32 $0x3000, s0;
	s3 =	sadd.s32 s6, s3;
	s6 =	smul.u32 $0x2710, s9  }
0x9: {  	s22 =	smul.u32 $0x50000, s12;
	_ =	strace $0x8000004D;
	s10 =	ssub.s32 $0x2, s1  }
0xa: {  	[dreg:$0x4] =	wrdreg s13;
	s3 =	sshrl.u32 s3, $0x3;
	s15 =	sshrl.u32 s6, $0x3  }
0xb: {  	s14 =	sshrl.u32 s10, $0x1;
	s0 =	sadd.s32 s3, s0;
	s9 =	sadd.s32 s11, s15  }
0xc: {  	s3 =	ssub.s32 s10, s14;
	s16 =	sadd.s32 s13, s15;
	[dreg:$0x5] =	wrdreg s9  }
0xd: {  	s8 =	sadd.s32 $0x28, s6;
	s0 =	sadd.s32 $0x34E00, s0;
	[dreg:$0x6] =	wrdreg s16  }
0xe: {  	s14 =	sshrl.u32 s22, $0x2;
	s3 =	smax.u32 s3, $0x1;
	[dreg:$0x13] =	wrdreg s0  }
0xf: {  	s8 =	sshrl.u32 s8, $0x3;
	s25 =	sadd.s32 s14, s2;
	[dreg:$0x14] =	wrdreg s3  }
0x10: {  	s24 =	smul.u32 $0x27100, s1;
	s17 =	sadd.s32 s11, s8;
	[dreg:$0x11] =	wrdreg s25  }
0x11: {  	s18 =	sadd.s32 $0xA, s15;
	s8 =	sadd.s32 s13, s8;
	[dreg:$0x7] =	wrdreg s17  }
0x12: {  	s10 =	sadd.s32 $0x78, s6;
	s19 =	sadd.s32 s11, s18;
	[dreg:$0x8] =	wrdreg s8  }
0x13: {  	s20 =	sshrl.u32 s10, $0x3;
	s9 =	sadd.s32 s13, s18;
	[dreg:$0x9] =	wrdreg s19  }
0x14: {  	s7 =	sadd.s32 $0x14, s15;
	s21 =	sadd.s32 s11, s20;
	[dreg:$0xa] =	wrdreg s9  }
0x15: {  	s6 =	sadd.s32 $0xC8, s6;
	s23 =	sadd.s32 s11, s7;
	[dreg:$0xb] =	wrdreg s21  }
0x16: {  	s6 =	sshrl.u32 s6, $0x3;
	s7 =	sadd.s32 s13, s7;
	[dreg:$0xd] =	wrdreg s23  }
0x17: {  	p0 =	seq.s32 s1, $0x1;
	s26 =	sadd.s32 s11, s6;
	[dreg:$0xe] =	wrdreg s7  }
0x18: {  	s10 =	smul.u32 $0x2710, s12;
	s6 =	sadd.s32 s13, s6;
	[dreg:$0xf] =	wrdreg s26  }
0x19: {  	s15 =	smul.u32 $0x2800, s12;
	s12 =	sadd.s32 $0x2800, s25;
	[dreg:$0x10] =	wrdreg s6  }
0x1a: {  	s1 =	simm.s32 $0x14300;
	s14 =	sadd.s32 $0x5000, s25;
	[smem:$0x7F0] =	sst s12  }
0x1b: {  	s8 =	sadd.s32 s13, s20;
	s16 =	sadd.s32 s10, s24;
	[smem:$0x7F2] =	sst s14  }
0x1c: {  	s17 =	sadd.s32 s5, s15;
	s15 =	sadd.s32 $0x6400, s25;
	[dreg:$0xc] =	wrdreg s8  }
0x1d: {  	s6 =	simm.s32 $0x14380;
	s12 =	simm.s32 $0x14500;
	[dreg:$0x12] =	wrdreg s17  }
0x1e: {  	s18 =	sadd.s32 $0x1B8, s16;
	s19 =	sadd.s32 $0x190, s16;
	s21 =	sadd.s32 $0x168, s16  }
0x1f: {  	s26 =	sadd.s32 $0x140, s16;
	s10 =	sadd.s32 $0xF0, s16;
	[smem:$0x7F3] =	sst s15  }
0x20: {  	s7 =	sadd.s32 $0x118, s16;
	s16 =	sadd.s32 $0x7800, s25;
	[dreg:$0x1f] =	wrdreg s10  }
0x21: {  	s14 =	simm.s32 $0x18200;
	s17 =	sadd.s32 $0x8C00, s25;
	[smem:$0x7F4] =	sst s16  }
0x22: {  	s0 =	sshrl.u32 s18, $0x3;
	[smem:$0x7F5] =	sst s17;
	s18 =	sadd.s32 $0xA000, s25  }
0x23: {  	s3 =	sshrl.u32 s19, $0x3;
	s19 =	sadd.s32 $0xB400, s25;
	[smem:$0x7F6] =	sst s18  }
0x24: {  	s22 =	sshrl.u32 s21, $0x3;
	s21 =	sadd.s32 $0xDC00, s25;
	[smem:$0x7F7] =	sst s19  }
0x25: {  	s15 =	simm.s32 $0xC;
	s20 =	sadd.s32 s0, s13;
	[smem:$0x7F9] =	sst s21  }
0x26: {  	s9 =	sshrl.u32 s7, $0x3;
	s0 =	sadd.s32 s0, s11;
	[dreg:$0x15] =	wrdreg s20  }
0x27: {  	s17 =	simm.s32 $0x14080;
	s23 =	sadd.s32 s3, s13;
	[dreg:$0x16] =	wrdreg s0  }
0x28: {  	s10 =	simm.s32 $0x14180;
	s3 =	sadd.s32 s3, s11;
	[dreg:$0x17] =	wrdreg s23  }
0x29: {  	s16 =	simm.s32 $0x15;
	s24 =	sadd.s32 s22, s13;
	[dreg:$0x18] =	wrdreg s3  }
0x2a: {  	s7 =	simm.s32 $0x16;
	[dreg:$0x19] =	wrdreg s24;
	s0 =	sadd.s32 s22, s11  }
0x2b: {  	s19 =	simm.s32 $0x28;
	s20 =	sadd.s32 $0xC800, s25;
	[dreg:$0x1a] =	wrdreg s0  }
0x2c: {  	s21 =	simm.s32 $0x19600;
	s22 =	sadd.s32 $0xF000, s25;
	[smem:$0x7F8] =	sst s20  }
0x2d: {  	s18 =	simm.s32 $0x4;
	s23 =	sadd.s32 $0x10400, s25;
	[smem:$0x7FA] =	sst s22  }
0x2e: {  	s3 =	sshrl.u32 s26, $0x3;
	s24 =	sadd.s32 $0x11800, s25;
	[smem:$0x7FB] =	sst s23  }
0x2f: {  	s26 =	sadd.s32 $0x12C00, s25;
	s8 =	sadd.s32 s3, s13;
	[smem:$0x7FC] =	sst s24  }
0x30: {  	s0 =	sadd.s32 s3, s11;
	s3 =	sadd.s32 s9, s13;
	[smem:$0x7FD] =	sst s26  }
0x31: {  	s13 =	sadd.s32 $0x3C00, s25;
	s26 =	simm.s32 $0x14000;
	[dreg:$0x1b] =	wrdreg s8  }
.Ltmp0:
0x32: {  	s23 =	simm.s32 $0x14580;
	[dreg:$0x1c] =	wrdreg s0;
	(pc) =	sbr.rel .LBB2_1-.Ltmp0, $4  }
0x33: {  	s24 =	simm.s32 $0x19600;
	[dreg:$0x1d] =	wrdreg s3;
	s0 =	sadd.s32 s9, s11  }
0x34: {  	s11 =	sadd.s32 $0x1400, s25;
	[smem:$0x7F1] =	sst s13;
	s8 =	simm.s32 $0x14100  }
0x35: {  	s9 =	simm.s32 $0x14400;
	s13 =	simm.s32 $0x19;
	[dreg:$0x1e] =	wrdreg s0  }
0x36: {  	v0 =	vimm.f32 $0.0e+00;
	[smem:$0x7EF] =	sst s11;
	s11 =	simm.s32 $0x14480;
	s0 =	simm.s32 $0x0  }
.LBB2_9:
0x37: {  	_ =	swait.ge [sflag:s15], $0x1400  }
0x38: {  	[sflag:s15] =	ssyncset.done $0x0  }
0x39: {  	s0 =	simm.s32 $0x1;
	[sflag:s15] =	ssyncadd.s32 $0xFFFFEC00  }
0x3a: {  	_ =	swait.ge [sflag:s0], $0x1400  }
0x3b: {  	[sflag:s0] =	ssyncset.done $0x0  }
0x3c: {  	s6 =	simm.s32 $0x13;
	[sflag:s0] =	ssyncadd.s32 $0xFFFFEC00  }
0x3d: {  	_ =	swait.ge [sflag:s6], $0x28  }
0x3e: {  	[sflag:s6] =	ssyncset.done $0x0  }
0x3f: {  	s1 =	simm.s32 $0x14300;
	s13 =	simm.s32 $0x19;
	[sflag:s6] =	ssyncadd.s32 $0xFFFFFFD8  }
0x40: {  	[spmem:s2] =	stream.indirect.scatter.add.f32 [tilespmem:s21], [sflag:$0x19], $0x80, s1, s19, $0xb8;
	[tilespmem:$0x1BE00] =	vst v63  }
0x41: {  	_ =	swait.ge [sflag:s13], $0x1400  }
0x42: {  	[sflag:s13] =	ssyncset.done $0x0  }
0x43: {  	s9 =	simm.s32 $0x2;
	[sflag:s13] =	ssyncadd.s32 $0xFFFFEC00  }
0x44: {  	_ =	swait.ge [sflag:s9], $0x1400  }
0x45: {  	[sflag:s9] =	ssyncset.done $0x0  }
0x46: {  	s11 =	simm.s32 $0x14;
	[sflag:s9] =	ssyncadd.s32 $0xFFFFEC00  }
0x47: {  	_ =	swait.ge [sflag:s11], $0x28  }
0x48: {  	[sflag:s11] =	ssyncset.done $0x0  }
0x49: {  	s6 =	simm.s32 $0x14380;
	[sflag:s11] =	ssyncadd.s32 $0xFFFFFFD8  }
0x4a: {  	[spmem:s2] =	stream.indirect.scatter.add.f32 [tilespmem:s30], [sflag:$0x19], $0x80, s6, s19, $0xb8;
	[tilespmem:$0x1BE00] =	vst v63  }
0x4b: {  	_ =	swait.ge [sflag:s13], $0x1400  }
0x4c: {  	[sflag:s13] =	ssyncset.done $0x0  }
0x4d: {  	s12 =	simm.s32 $0x3;
	[sflag:s13] =	ssyncadd.s32 $0xFFFFEC00  }
0x4e: {  	_ =	swait.ge [sflag:s12], $0x1400  }
0x4f: {  	[sflag:s12] =	ssyncset.done $0x0  }
0x50: {  	[sflag:s12] =	ssyncadd.s32 $0xFFFFEC00  }
0x51: {  	_ =	swait.ge [sflag:s16], $0x28  }
0x52: {  	[sflag:s16] =	ssyncset.done $0x0  }
0x53: {  	s9 =	simm.s32 $0x14400;
	[sflag:s16] =	ssyncadd.s32 $0xFFFFFFD8  }
0x54: {  	[spmem:s2] =	stream.indirect.scatter.add.f32 [tilespmem:s31], [sflag:$0x19], $0x80, s9, s19, $0xb8;
	[tilespmem:$0x1BE00] =	vst v63  }
0x55: {  	_ =	swait.ge [sflag:s13], $0x1400  }
0x56: {  	[sflag:s13] =	ssyncset.done $0x0  }
0x57: {  	[sflag:s13] =	ssyncadd.s32 $0xFFFFEC00  }
0x58: {  	_ =	swait.ge [sflag:s18], $0x1400  }
0x59: {  	[sflag:s18] =	ssyncset.done $0x0  }
0x5a: {  	[sflag:s18] =	ssyncadd.s32 $0xFFFFEC00  }
0x5b: {  	_ =	swait.ge [sflag:s7], $0x28  }
0x5c: {  	[sflag:s7] =	ssyncset.done $0x0  }
0x5d: {  	s11 =	simm.s32 $0x14480;
	[sflag:s7] =	ssyncadd.s32 $0xFFFFFFD8  }
0x5e: {  	[spmem:s2] =	stream.indirect.scatter.add.f32 [tilespmem:s14], [sflag:$0x19], $0x80, s11, s19, $0xb8;
	[tilespmem:$0x1BE00] =	vst v63  }
0x5f: {  	_ =	swait.ge [sflag:s13], $0x1400  }
0x60: {  	[sflag:s13] =	ssyncset.done $0x0  }
0x61: {  	[sflag:s13] =	ssyncadd.s32 $0xFFFFEC00  }
0x62: {  	s3 =	stileid.u32;
	[bflag:$0x0] =	sbarrier.arrive $0xFFFF  }
0x63: {  	s3 =	sshll.u32 s3, $0x6;
	s25 =	rddreg [dreg:$0x11]  }
0x64: {  	s3 =	sor.u32 $0x1C19, s3;
	s22 =	rddreg [dreg:$0x13];
	s20 =	sshrl.u32 s25, $0x3  }
0x65: {  	[hbm:s22], [sflag:s3] =	dma.local [spmem:s20], $0x2800  }
0x66: {  	_ =	swait.ge [sflag:s13], $0x2800  }
0x67: {  	s21 =	sld [smem:$0x7EE];
	_ =	sdelay $0x2  }
0x68: {  	s22 =	rddreg [dreg:$0x14];
	s0 =	sadd.s32 $0x1, s21  }
0x69: {  	p1 =	sne.s32 s0, s22  }
.Ltmp1:
0x6a: {  	_ = 	snop;
	(pc) =	sbr.rel @!p1 .LBB2_10-.Ltmp1, $3  }
0x6b: {  	_ =	sdelay $0x1  }
0x6c: {  	s23 =	simm.s32 $0x14580;
	[sflag:s13] =	ssyncset.done $0x0  }
0x6d: {  	s12 =	simm.s32 $0x14500;
	[sflag:s13] =	ssyncadd.s32 $0xFFFFD800;
	s21 =	simm.s32 $0x19600  }
.LBB2_1:
0x6e: {  	s3 =	rddreg [dreg:$0x5]  }
0x6f: {  	[tilespmem:s26], [sflag:$0xD] =	stream.linear.gather [hbm4b:s3+s4], $0x28, $0x38;
	[tilespmem:$0x1BE00] =	vst v63  }
0x70: {  	s20 =	rddreg [dreg:$0x6]  }
0x71: {  	[tilespmem:s1], [sflag:$0x13] =	stream.linear.gather [hbm4b:s20+s4], $0x28, $0x38;
	[tilespmem:$0x1BE00] =	vst v63  }
0x72: {  	s22 =	rddreg [dreg:$0x7]  }
0x73: {  	[tilespmem:s17], [sflag:$0xE] =	stream.linear.gather [hbm4b:s22+s4], $0x28, $0x38;
	[tilespmem:$0x1BE00] =	vst v63  }
0x74: {  	s1 =	rddreg [dreg:$0x8]  }
0x75: {  	[tilespmem:s6], [sflag:$0x14] =	stream.linear.gather [hbm4b:s1+s4], $0x28, $0x38;
	[tilespmem:$0x1BE00] =	vst v63  }
0x76: {  	s6 =	rddreg [dreg:$0x9]  }
0x77: {  	[tilespmem:s8], [sflag:$0xF] =	stream.linear.gather [hbm4b:s6+s4], $0x28, $0x38;
	[tilespmem:$0x1BE00] =	vst v63  }
0x78: {  	s20 =	rddreg [dreg:$0xa]  }
0x79: {  	[tilespmem:s9], [sflag:$0x15] =	stream.linear.gather [hbm4b:s20+s4], $0x28, $0x38;
	[tilespmem:$0x1BE00] =	vst v63  }
0x7a: {  	s22 =	rddreg [dreg:$0xb]  }
0x7b: {  	[tilespmem:s10], [sflag:$0x10] =	stream.linear.gather [hbm4b:s22+s4], $0x28, $0x38;
	[tilespmem:$0x1BE00] =	vst v63  }
0x7c: {  	s1 =	rddreg [dreg:$0xc]  }
0x7d: {  	[tilespmem:s11], [sflag:$0x16] =	stream.linear.gather [hbm4b:s1+s4], $0x28, $0x38;
	[tilespmem:$0x1BE00] =	vst v63  }
0x7e: {  	s6 =	rddreg [dreg:$0xd];
	s9 =	simm.s32 $0x14200  }
0x7f: {  	[tilespmem:s9], [sflag:$0x11] =	stream.linear.gather [hbm4b:s6+s4], $0x28, $0x38;
	[tilespmem:$0x1BE00] =	vst v63  }
0x80: {  	s11 =	rddreg [dreg:$0xe]  }
0x81: {  	[tilespmem:s12], [sflag:$0x17] =	stream.linear.gather [hbm4b:s11+s4], $0x28, $0x38;
	[tilespmem:$0x1BE00] =	vst v63  }
.Ltmp2:
0x82: {  	[smem:$0x7EE] =	sst s0;
	(pc) =	sbr.rel @!p0 .LBB2_2-.Ltmp2, $4  }
0x83: {  	s20 =	simm.s32 $0x14280;
	s12 =	rddreg [dreg:$0xf]  }
0x84: {  	[tilespmem:s20], [sflag:$0x12] =	stream.linear.gather [hbm4b:s12+s4], $0x28, $0x38;
	[tilespmem:$0x1BE00] =	vst v63  }
0x85: {  	s22 =	rddreg [dreg:$0x10]  }
0x86: {  	[tilespmem:s23], [sflag:$0x18] =	stream.linear.gather [hbm4b:s22+s4], $0x28, $0x38;
	[tilespmem:$0x1BE00] =	vst v63  }
0x87: {  	s22 =	sshra.s32 s4, $0x2;
	s23 =	sadd.s32 $0x200, s4;
	s1 =	simm.s32 $0x14600  }
.LBB2_4:
0x88: {  	p1 =	seq.s32 s23, $0x4E00;
	[tilespmem:s22+$0x14670] =	vst v0  }
0x89: {  	[tilespmem:s22+$0x14600] =	vst v0  }
0x8a: {  	[tilespmem:s22+$0x14610] =	vst v0  }
.Ltmp3:
0x8b: {  	[tilespmem:s22+$0x14620] =	vst v0;
	(pc) =	sbr.rel @!p1 .LBB2_4-.Ltmp3, $4  }
0x8c: {  	[tilespmem:s22+$0x14630] =	vst v0  }
0x8d: {  	[tilespmem:s22+$0x14640] =	vst v0  }
0x8e: {  	[tilespmem:s22+$0x14650] =	vst v0  }
0x8f: {  	[tilespmem:s22+$0x14660] =	vst v0;
	s22 =	sshra.s32 s23, $0x2;
	s23 =	sadd.s32 $0x200, s23  }
0x90: {  	[tilespmem:s22+$0x14670] =	vst v0  }
0x91: {  	[tilespmem:s22+$0x14600] =	vst v0  }
0x92: {  	[tilespmem:s22+$0x14610] =	vst v0  }
0x93: {  	[tilespmem:s22+$0x14620] =	vst v0  }
0x94: {  	[tilespmem:s22+$0x14630] =	vst v0  }
0x95: {  	[tilespmem:s22+$0x14640] =	vst v0  }
0x96: {  	[tilespmem:s22+$0x14650] =	vst v0  }
0x97: {  	[tilespmem:s22+$0x14660] =	vst v0  }
0x98: {  	[spmem:s25] =	stream.linear.scatter [tilespmem:s1], [sflag:$0x19], $0x1400, $0x38;
	[tilespmem:$0x1BE00] =	vst v63  }
0x99: {  	_ =	swait.ge [sflag:s13], $0x1400  }
0x9a: {  	s3 =	sld [smem:$0x7EF]  }
0x9b: {  	[sflag:s13] =	ssyncset.done $0x0  }
0x9c: {  	[sflag:s13] =	ssyncadd.s32 $0xFFFFEC00  }
0x9d: {  	[spmem:s3] =	stream.linear.scatter [tilespmem:s1], [sflag:$0x19], $0x1400, $0x38;
	[tilespmem:$0x1BE00] =	vst v63  }
0x9e: {  	_ =	swait.ge [sflag:s13], $0x1400  }
0x9f: {  	s12 =	sld [smem:$0x7F0]  }
0xa0: {  	[sflag:s13] =	ssyncset.done $0x0  }
0xa1: {  	[sflag:s13] =	ssyncadd.s32 $0xFFFFEC00  }
0xa2: {  	[spmem:s12] =	stream.linear.scatter [tilespmem:s1], [sflag:$0x19], $0x1400, $0x38;
	[tilespmem:$0x1BE00] =	vst v63  }
0xa3: {  	_ =	swait.ge [sflag:s13], $0x1400  }
0xa4: {  	s20 =	sld [smem:$0x7F1]  }
0xa5: {  	[sflag:s13] =	ssyncset.done $0x0  }
0xa6: {  	[sflag:s13] =	ssyncadd.s32 $0xFFFFEC00  }
0xa7: {  	[spmem:s20] =	stream.linear.scatter [tilespmem:s1], [sflag:$0x19], $0x1400, $0x38;
	[tilespmem:$0x1BE00] =	vst v63  }
0xa8: {  	_ =	swait.ge [sflag:s13], $0x1400  }
0xa9: {  	s22 =	sld [smem:$0x7F2]  }
0xaa: {  	[sflag:s13] =	ssyncset.done $0x0  }
0xab: {  	[sflag:s13] =	ssyncadd.s32 $0xFFFFEC00  }
0xac: {  	[spmem:s22] =	stream.linear.scatter [tilespmem:s1], [sflag:$0x19], $0x1400, $0x38;
	[tilespmem:$0x1BE00] =	vst v63  }
0xad: {  	_ =	swait.ge [sflag:s13], $0x1400  }
0xae: {  	s23 =	sld [smem:$0x7F3]  }
0xaf: {  	[sflag:s13] =	ssyncset.done $0x0  }
0xb0: {  	[sflag:s13] =	ssyncadd.s32 $0xFFFFEC00  }
0xb1: {  	[spmem:s23] =	stream.linear.scatter [tilespmem:s1], [sflag:$0x19], $0x1400, $0x38;
	[tilespmem:$0x1BE00] =	vst v63  }
0xb2: {  	_ =	swait.ge [sflag:s13], $0x1400  }
0xb3: {  	s25 =	sld [smem:$0x7F4]  }
0xb4: {  	[sflag:s13] =	ssyncset.done $0x0  }
0xb5: {  	[sflag:s13] =	ssyncadd.s32 $0xFFFFEC00  }
0xb6: {  	[spmem:s25] =	stream.linear.scatter [tilespmem:s1], [sflag:$0x19], $0x1400, $0x38;
	[tilespmem:$0x1BE00] =	vst v63  }
0xb7: {  	_ =	swait.ge [sflag:s13], $0x1400  }
0xb8: {  	s0 =	sld [smem:$0x7F5]  }
0xb9: {  	[sflag:s13] =	ssyncset.done $0x0  }
0xba: {  	[sflag:s13] =	ssyncadd.s32 $0xFFFFEC00  }
0xbb: {  	[spmem:s0] =	stream.linear.scatter [tilespmem:s1], [sflag:$0x19], $0x1400, $0x38;
	[tilespmem:$0x1BE00] =	vst v63  }
0xbc: {  	_ =	swait.ge [sflag:s13], $0x1400  }
0xbd: {  	s6 =	sld [smem:$0x7F6]  }
0xbe: {  	[sflag:s13] =	ssyncset.done $0x0  }
0xbf: {  	[sflag:s13] =	ssyncadd.s32 $0xFFFFEC00  }
0xc0: {  	[spmem:s6] =	stream.linear.scatter [tilespmem:s1], [sflag:$0x19], $0x1400, $0x38;
	[tilespmem:$0x1BE00] =	vst v63  }
0xc1: {  	_ =	swait.ge [sflag:s13], $0x1400  }
0xc2: {  	s9 =	sld [smem:$0x7F7]  }
0xc3: {  	[sflag:s13] =	ssyncset.done $0x0  }
0xc4: {  	[sflag:s13] =	ssyncadd.s32 $0xFFFFEC00  }
0xc5: {  	[spmem:s9] =	stream.linear.scatter [tilespmem:s1], [sflag:$0x19], $0x1400, $0x38;
	[tilespmem:$0x1BE00] =	vst v63  }
0xc6: {  	_ =	swait.ge [sflag:s13], $0x1400  }
0xc7: {  	s11 =	sld [smem:$0x7F8]  }
0xc8: {  	[sflag:s13] =	ssyncset.done $0x0  }
0xc9: {  	[sflag:s13] =	ssyncadd.s32 $0xFFFFEC00  }
0xca: {  	[spmem:s11] =	stream.linear.scatter [tilespmem:s1], [sflag:$0x19], $0x1400, $0x38;
	[tilespmem:$0x1BE00] =	vst v63  }
0xcb: {  	_ =	swait.ge [sflag:s13], $0x1400  }
0xcc: {  	s12 =	sld [smem:$0x7F9]  }
0xcd: {  	[sflag:s13] =	ssyncset.done $0x0  }
0xce: {  	[sflag:s13] =	ssyncadd.s32 $0xFFFFEC00  }
0xcf: {  	[spmem:s12] =	stream.linear.scatter [tilespmem:s1], [sflag:$0x19], $0x1400, $0x38;
	[tilespmem:$0x1BE00] =	vst v63  }
0xd0: {  	_ =	swait.ge [sflag:s13], $0x1400  }
0xd1: {  	s20 =	sld [smem:$0x7FA]  }
0xd2: {  	[sflag:s13] =	ssyncset.done $0x0  }
0xd3: {  	[sflag:s13] =	ssyncadd.s32 $0xFFFFEC00  }
0xd4: {  	[spmem:s20] =	stream.linear.scatter [tilespmem:s1], [sflag:$0x19], $0x1400, $0x38;
	[tilespmem:$0x1BE00] =	vst v63  }
0xd5: {  	_ =	swait.ge [sflag:s13], $0x1400  }
0xd6: {  	s22 =	sld [smem:$0x7FB]  }
0xd7: {  	[sflag:s13] =	ssyncset.done $0x0  }
0xd8: {  	[sflag:s13] =	ssyncadd.s32 $0xFFFFEC00  }
0xd9: {  	[spmem:s22] =	stream.linear.scatter [tilespmem:s1], [sflag:$0x19], $0x1400, $0x38;
	[tilespmem:$0x1BE00] =	vst v63  }
0xda: {  	_ =	swait.ge [sflag:s13], $0x1400  }
0xdb: {  	s23 =	sld [smem:$0x7FC]  }
0xdc: {  	[sflag:s13] =	ssyncset.done $0x0  }
0xdd: {  	[sflag:s13] =	ssyncadd.s32 $0xFFFFEC00  }
0xde: {  	[spmem:s23] =	stream.linear.scatter [tilespmem:s1], [sflag:$0x19], $0x1400, $0x38;
	[tilespmem:$0x1BE00] =	vst v63  }
0xdf: {  	_ =	swait.ge [sflag:s13], $0x1400  }
0xe0: {  	s25 =	sld [smem:$0x7FD]  }
0xe1: {  	[sflag:s13] =	ssyncset.done $0x0  }
.Ltmp4:
0xe2: {  	[sflag:s13] =	ssyncadd.s32 $0xFFFFEC00;
	(pc) =	sbr.rel .LBB2_6-.Ltmp4, $4  }
0xe3: {  	[spmem:s25] =	stream.linear.scatter [tilespmem:s1], [sflag:$0x19], $0x1400, $0x38;
	[tilespmem:$0x1BE00] =	vst v63  }
0xe4: {  	_ =	swait.ge [sflag:s13], $0x1400  }
0xe5: {  	[sflag:s13] =	ssyncset.done $0x0  }
0xe6: {  	[sflag:s13] =	ssyncadd.s32 $0xFFFFEC00  }
.LBB2_2:
0xe7: {  	s3 =	stileid.u32  }
0xe8: {  	s22 =	sshll.u32 s3, $0x6  }
0xe9: {  	s23 =	sshrl.u32 s25, $0x3;
	s25 =	rddreg [dreg:$0x12];
	s22 =	sor.u32 $0x1C19, s22  }
0xea: {  	[spmem:s23], [sflag:s22] =	dma.local [hbm:s25], $0x2800  }
0xeb: {  	_ =	swait.ge [sflag:s13], $0x2800  }
0xec: {  	[sflag:s13] =	ssyncset.done $0x0  }
0xed: {  	s1 =	simm.s32 $0x14600;
	[sflag:s13] =	ssyncadd.s32 $0xFFFFD800  }
.LBB2_6:
0xee: {  	[bflag:$0x0] =	sbarrier.arrive $0xFFFF;
	s3 =	simm.s32 $0xD  }
0xef: {  	_ =	swait.ge [sflag:s3], $0x28  }
0xf0: {  	[sflag:s3] =	ssyncset.done $0x0  }
0xf1: {  	s20 =	simm.s32 $0xE;
	[sflag:s3] =	ssyncadd.s32 $0xFFFFFFD8  }
0xf2: {  	[tilespmem:s1], [sflag:$0x1] =	stream.indirect.gather [hbm4b:s5+s19], $0x80, s26, s19, $0xb8;
	[tilespmem:$0x1BE00] =	vst v63  }
0xf3: {  	_ =	swait.ge [sflag:s20], $0x28  }
0xf4: {  	[sflag:s20] =	ssyncset.done $0x0  }
0xf5: {  	s22 =	simm.s32 $0xF;
	[sflag:s20] =	ssyncadd.s32 $0xFFFFFFD8  }
0xf6: {  	[tilespmem:s30], [sflag:$0x2] =	stream.indirect.gather [hbm4b:s5+s19], $0x80, s17, s19, $0xb8;
	[tilespmem:$0x1BE00] =	vst v63  }
0xf7: {  	_ =	swait.ge [sflag:s22], $0x28  }
0xf8: {  	[sflag:s22] =	ssyncset.done $0x0  }
0xf9: {  	s23 =	simm.s32 $0x10;
	[sflag:s22] =	ssyncadd.s32 $0xFFFFFFD8  }
0xfa: {  	[tilespmem:s31], [sflag:$0x3] =	stream.indirect.gather [hbm4b:s5+s19], $0x80, s8, s19, $0xb8;
	[tilespmem:$0x1BE00] =	vst v63  }
0xfb: {  	_ =	swait.ge [sflag:s23], $0x28  }
0xfc: {  	[sflag:s23] =	ssyncset.done $0x0  }
0xfd: {  	s0 =	simm.s32 $0x11;
	[sflag:s23] =	ssyncadd.s32 $0xFFFFFFD8  }
0xfe: {  	[tilespmem:s14], [sflag:$0x4] =	stream.indirect.gather [hbm4b:s5+s19], $0x80, s10, s19, $0xb8;
	[tilespmem:$0x1BE00] =	vst v63  }
0xff: {  	_ =	swait.ge [sflag:s0], $0x28  }
0x100: {  	[sflag:s0] =	ssyncset.done $0x0  }
0x101: {  	s25 =	simm.s32 $0x14200;
	s26 =	simm.s32 $0x12;
	[sflag:s0] =	ssyncadd.s32 $0xFFFFFFD8  }
0x102: {  	[tilespmem:s21], [sflag:$0x5] =	stream.indirect.gather [hbm4b:s5+s19], $0x80, s25, s19, $0xb8;
	[tilespmem:$0x1BE00] =	vst v63  }
0x103: {  	s12 =	simm.s32 $0x14500;
	s20 =	simm.s32 $0x1AA00;
	_ =	swait.ge [sflag:s26], $0x28  }
0x104: {  	s30 =	simm.s32 $0x14580;
	s22 =	simm.s32 $0x0;
	[sflag:s26] =	ssyncset.done $0x0  }
0x105: {  	s31 =	simm.s32 $0x14280;
	s23 =	rddreg [dreg:$0x1f];
	[sflag:s26] =	ssyncadd.s32 $0xFFFFFFD8  }
0x106: {  	[tilespmem:s20], [sflag:$0x6] =	stream.indirect.gather [hbm4b:s5+s19], $0x80, s31, s19, $0xb8;
	[tilespmem:$0x1BE00] =	vst v63  }
.LBB2_7:
0x107: {  	s0 =	simm.s32 $0x1  }
0x108: {  	_ =	swait.ge [sflag:s0], $0x1400  }
0x109: {  	[sflag:s0] =	ssyncset.done $0x0  }
0x10a: {  	[sflag:s0] =	ssyncadd.s32 $0xFFFFEC00  }
0x10b: {  	s21 =	sshrl.u32 s23, $0x3;
	s3 =	rddreg [dreg:$0x1]  }
0x10c: {  	s1 =	simm.s32 $0x14000;
	s6 =	simm.s32 $0x13;
	s25 =	sadd.s32 s3, s21  }
0x10d: {  	[tilespmem:s1], [sflag:$0xD] =	stream.linear.gather [hbm4b:s25+s4], $0x28, $0x38;
	[tilespmem:$0x1BE00] =	vst v63  }
0x10e: {  	_ =	swait.ge [sflag:s6], $0x28  }
0x10f: {  	s17 =	simm.s32 $0x14300;
	[sflag:s6] =	ssyncset.done $0x0  }
0x110: {  	s13 =	simm.s32 $0x14600;
	s8 =	simm.s32 $0x2;
	[sflag:s6] =	ssyncadd.s32 $0xFFFFFFD8  }
0x111: {  	[spmem:s2] =	stream.indirect.scatter.add.f32 [tilespmem:s13], [sflag:$0x7], $0x80, s17, s19, $0xb8;
	[tilespmem:$0x1BE00] =	vst v63  }
0x112: {  	_ =	swait.ge [sflag:s8], $0x1400  }
0x113: {  	s11 =	simm.s32 $0x14;
	[sflag:s8] =	ssyncset.done $0x0;
	s9 =	rddreg [dreg:$0x1e]  }
0x114: {  	s6 =	simm.s32 $0x14080;
	[sflag:s8] =	ssyncadd.s32 $0xFFFFEC00;
	s10 =	sadd.s32 s22, s9  }
0x115: {  	[tilespmem:s6], [sflag:$0xE] =	stream.linear.gather [hbm4b:s10+s4], $0x28, $0x38;
	[tilespmem:$0x1BE00] =	vst v63  }
0x116: {  	_ =	swait.ge [sflag:s11], $0x28  }
0x117: {  	s31 =	simm.s32 $0x15A00;
	[sflag:s11] =	ssyncset.done $0x0  }
0x118: {  	s14 =	simm.s32 $0x3;
	s8 =	simm.s32 $0x14380;
	[sflag:s11] =	ssyncadd.s32 $0xFFFFFFD8  }
0x119: {  	[spmem:s2] =	stream.indirect.scatter.add.f32 [tilespmem:s31], [sflag:$0x8], $0x80, s8, s19, $0xb8;
	[tilespmem:$0x1BE00] =	vst v63  }
0x11a: {  	_ =	swait.ge [sflag:s14], $0x1400  }
0x11b: {  	[sflag:s14] =	ssyncset.done $0x0;
	s25 =	rddreg [dreg:$0x1c]  }
0x11c: {  	s9 =	simm.s32 $0x14100;
	[sflag:s14] =	ssyncadd.s32 $0xFFFFEC00;
	s26 =	sadd.s32 s22, s25  }
0x11d: {  	[tilespmem:s9], [sflag:$0xF] =	stream.linear.gather [hbm4b:s26+s4], $0x28, $0x38;
	[tilespmem:$0x1BE00] =	vst v63  }
0x11e: {  	_ =	swait.ge [sflag:s16], $0x28  }
0x11f: {  	[sflag:s16] =	ssyncset.done $0x0  }
0x120: {  	s10 =	simm.s32 $0x14400;
	s14 =	simm.s32 $0x16E00;
	[sflag:s16] =	ssyncadd.s32 $0xFFFFFFD8  }
0x121: {  	[spmem:s2] =	stream.indirect.scatter.add.f32 [tilespmem:s14], [sflag:$0x9], $0x80, s10, s19, $0xb8;
	[tilespmem:$0x1BE00] =	vst v63  }
0x122: {  	_ =	swait.ge [sflag:s18], $0x1400  }
0x123: {  	[sflag:s18] =	ssyncset.done $0x0;
	s0 =	rddreg [dreg:$0x1a]  }
0x124: {  	s11 =	simm.s32 $0x14180;
	[sflag:s18] =	ssyncadd.s32 $0xFFFFEC00;
	s3 =	sadd.s32 s22, s0  }
0x125: {  	[tilespmem:s11], [sflag:$0x10] =	stream.linear.gather [hbm4b:s3+s4], $0x28, $0x38;
	[tilespmem:$0x1BE00] =	vst v63  }
0x126: {  	_ =	swait.ge [sflag:s7], $0x28  }
0x127: {  	[sflag:s7] =	ssyncset.done $0x0  }
0x128: {  	s26 =	simm.s32 $0x5;
	s0 =	simm.s32 $0x18200;
	[sflag:s7] =	ssyncadd.s32 $0xFFFFFFD8  }
0x129: {  	[spmem:s2] =	stream.indirect.scatter.add.f32 [tilespmem:s0], [sflag:$0xA], $0x80, s29, s19, $0xb8;
	[tilespmem:$0x1BE00] =	vst v63  }
0x12a: {  	_ =	swait.ge [sflag:s26], $0x1400  }
0x12b: {  	[sflag:s26] =	ssyncset.done $0x0  }
0x12c: {  	p1 =	seq.s32 s22, $0x4B0;
	s3 =	rddreg [dreg:$0x18];
	[sflag:s26] =	ssyncadd.s32 $0xFFFFEC00  }
0x12d: {  	s25 =	sadd.s32 @!p1 s22, s3;
	s26 =	simm.s32 @!p1 $0x0;
	s3 =	simm.s32 @!p1 $0x14200  }
0x12e: {  	[tilespmem:s3], [sflag:$0x11] =	stream.linear.gather @!p1 [hbm4b:s25+s26], $0x28, $0x38;
	[tilespmem:$0x1BE00] =	vst v63  }
0x12f: {  	s25 =	simm.s32 $0x17  }
0x130: {  	_ =	swait.ge [sflag:s25], $0x28  }
0x131: {  	[sflag:s25] =	ssyncset.done $0x0  }
0x132: {  	[sflag:s25] =	ssyncadd.s32 $0xFFFFFFD8;
	s25 =	simm.s32 $0x6  }
0x133: {  	[spmem:s2] =	stream.indirect.scatter.add.f32 [tilespmem:s24], [sflag:$0xB], $0x80, s12, s19, $0xb8;
	[tilespmem:$0x1BE00] =	vst v63  }
0x134: {  	_ =	swait.ge [sflag:s25], $0x1400  }
0x135: {  	[sflag:s25] =	ssyncset.done $0x0;
	s3 =	rddreg [dreg:$0x16]  }
0x136: {  	[sflag:s25] =	ssyncadd.s32 $0xFFFFEC00;
	s3 =	sadd.s32 @!p1 s22, s3;
	s25 =	simm.s32 @!p1 $0x14280  }
0x137: {  	[tilespmem:s25], [sflag:$0x12] =	stream.linear.gather @!p1 [hbm4b:s3+s26], $0x28, $0x38;
	[tilespmem:$0x1BE00] =	vst v63  }
0x138: {  	s25 =	simm.s32 $0x18  }
0x139: {  	_ =	swait.ge [sflag:s25], $0x28  }
0x13a: {  	[sflag:s25] =	ssyncset.done $0x0  }
0x13b: {  	s26 =	simm.s32 $0x7;
	[sflag:s25] =	ssyncadd.s32 $0xFFFFFFD8  }
0x13c: {  	[spmem:s2] =	stream.indirect.scatter.add.f32 [tilespmem:s20], [sflag:$0xC], $0x80, s30, s19, $0xb8;
	[tilespmem:$0x1BE00] =	vst v63  }
0x13d: {  	_ =	swait.ge [sflag:s26], $0x1400  }
0x13e: {  	[sflag:s26] =	ssyncset.done $0x0;
	s20 =	rddreg [dreg:$0x4]  }
0x13f: {  	[sflag:s26] =	ssyncadd.s32 $0xFFFFEC00;
	s3 =	sadd.s32 s20, s21;
	s21 =	simm.s32 $0xD  }
0x140: {  	[tilespmem:s17], [sflag:$0x13] =	stream.linear.gather [hbm4b:s3+s4], $0x28, $0x38;
	[tilespmem:$0x1BE00] =	vst v63  }
0x141: {  	_ =	swait.ge [sflag:s21], $0x28  }
0x142: {  	[sflag:s21] =	ssyncset.done $0x0  }
0x143: {  	s25 =	simm.s32 $0x8;
	[sflag:s21] =	ssyncadd.s32 $0xFFFFFFD8  }
0x144: {  	[tilespmem:s13], [sflag:$0x1] =	stream.indirect.gather [hbm4b:s5+s19], $0x80, s1, s19, $0xb8;
	[tilespmem:$0x1BE00] =	vst v63  }
0x145: {  	_ =	swait.ge [sflag:s25], $0x1400  }
0x146: {  	[sflag:s25] =	ssyncset.done $0x0;
	s1 =	rddreg [dreg:$0x1d]  }
0x147: {  	[sflag:s25] =	ssyncadd.s32 $0xFFFFEC00;
	s3 =	sadd.s32 s22, s1  }
0x148: {  	[tilespmem:s8], [sflag:$0x14] =	stream.linear.gather [hbm4b:s3+s4], $0x28, $0x38;
	[tilespmem:$0x1BE00] =	vst v63  }
0x149: {  	s3 =	simm.s32 $0xE  }
0x14a: {  	_ =	swait.ge [sflag:s3], $0x28  }
0x14b: {  	[sflag:s3] =	ssyncset.done $0x0  }
0x14c: {  	[sflag:s3] =	ssyncadd.s32 $0xFFFFFFD8  }
0x14d: {  	[tilespmem:s31], [sflag:$0x2] =	stream.indirect.gather [hbm4b:s5+s19], $0x80, s6, s19, $0xb8;
	[tilespmem:$0x1BE00] =	vst v63  }
0x14e: {  	s6 =	simm.s32 $0x9  }
0x14f: {  	_ =	swait.ge [sflag:s6], $0x1400  }
0x150: {  	[sflag:s6] =	ssyncset.done $0x0;
	s8 =	rddreg [dreg:$0x1b]  }
0x151: {  	s13 =	simm.s32 $0xF;
	[sflag:s6] =	ssyncadd.s32 $0xFFFFEC00;
	s3 =	sadd.s32 s22, s8  }
0x152: {  	[tilespmem:s10], [sflag:$0x15] =	stream.linear.gather [hbm4b:s3+s4], $0x28, $0x38;
	[tilespmem:$0x1BE00] =	vst v63  }
0x153: {  	_ =	swait.ge [sflag:s13], $0x28  }
0x154: {  	[sflag:s13] =	ssyncset.done $0x0  }
0x155: {  	[sflag:s13] =	ssyncadd.s32 $0xFFFFFFD8  }
0x156: {  	[tilespmem:s14], [sflag:$0x3] =	stream.indirect.gather [hbm4b:s5+s19], $0x80, s9, s19, $0xb8;
	[tilespmem:$0x1BE00] =	vst v63  }
0x157: {  	s14 =	simm.s32 $0xA  }
0x158: {  	_ =	swait.ge [sflag:s14], $0x1400  }
0x159: {  	[sflag:s14] =	ssyncset.done $0x0;
	s20 =	rddreg [dreg:$0x19]  }
0x15a: {  	s25 =	simm.s32 $0x10;
	[sflag:s14] =	ssyncadd.s32 $0xFFFFEC00;
	s3 =	sadd.s32 s22, s20  }
0x15b: {  	[tilespmem:s29], [sflag:$0x16] =	stream.linear.gather [hbm4b:s3+s4], $0x28, $0x38;
	[tilespmem:$0x1BE00] =	vst v63  }
0x15c: {  	s30 =	simm.s32 $0x15A00;
	_ =	swait.ge [sflag:s25], $0x28  }
0x15d: {  	s26 =	simm.s32 $0x14000;
	s17 =	simm.s32 $0x14080;
	[sflag:s25] =	ssyncset.done $0x0  }
.Ltmp5:
0x15e: {  	s21 =	simm.s32 $0x14600;
	[sflag:s25] =	ssyncadd.s32 $0xFFFFFFD8;
	(pc) =	sbr.rel @p1 .LBB2_9-.Ltmp5, $4  }
0x15f: {  	[tilespmem:s0], [sflag:$0x4] =	stream.indirect.gather [hbm4b:s5+s19], $0x80, s11, s19, $0xb8;
	[tilespmem:$0x1BE00] =	vst v63  }
0x160: {  	s31 =	simm.s32 $0x16E00;
	s8 =	simm.s32 $0x14100;
	_ =	swait.ge [sflag:s28], $0x1400  }
0x161: {  	s6 =	simm.s32 $0x14580;
	s10 =	simm.s32 $0x14180;
	[sflag:s28] =	ssyncset.done $0x0  }
0x162: {  	s9 =	simm.s32 $0x1AA00;
	s14 =	simm.s32 $0x18200;
	[sflag:s28] =	ssyncadd.s32 $0xFFFFEC00  }
0x163: {  	s3 =	rddreg [dreg:$0x17]  }
0x164: {  	s0 =	simm.s32 $0x11;
	s3 =	sadd.s32 s22, s3  }
0x165: {  	[tilespmem:s12], [sflag:$0x17] =	stream.linear.gather [hbm4b:s3+s4], $0x28, $0x38;
	[tilespmem:$0x1BE00] =	vst v63  }
0x166: {  	_ =	swait.ge [sflag:s0], $0x28  }
0x167: {  	[sflag:s0] =	ssyncset.done $0x0  }
0x168: {  	s1 =	simm.s32 $0x14200;
	[sflag:s0] =	ssyncadd.s32 $0xFFFFFFD8  }
0x169: {  	[tilespmem:s24], [sflag:$0x5] =	stream.indirect.gather [hbm4b:s5+s19], $0x80, s1, s19, $0xb8;
	[tilespmem:$0x1BE00] =	vst v63  }
0x16a: {  	_ =	swait.ge [sflag:s15], $0x1400  }
0x16b: {  	[sflag:s15] =	ssyncset.done $0x0;
	s25 =	rddreg [dreg:$0x15]  }
0x16c: {  	[sflag:s15] =	ssyncadd.s32 $0xFFFFEC00;
	s3 =	sadd.s32 s22, s25  }
0x16d: {  	[tilespmem:s6], [sflag:$0x18] =	stream.linear.gather [hbm4b:s3+s4], $0x28, $0x38;
	[tilespmem:$0x1BE00] =	vst v63  }
.Ltmp6:
0x16e: {  	s26 =	simm.s32 $0x12;
	(pc) =	sbr.rel .LBB2_7-.Ltmp6, $4  }
0x16f: {  	s31 =	simm.s32 $0x14280;
	_ =	swait.ge [sflag:s26], $0x28  }
0x170: {  	s23 =	sadd.s32 $0xF0, s23;
	s30 =	simm.s32 $0x14580;
	[sflag:s26] =	ssyncset.done $0x0  }
0x171: {  	s20 =	simm.s32 $0x1AA00;
	s22 =	sadd.s32 $0x1E, s22;
	[sflag:s26] =	ssyncadd.s32 $0xFFFFFFD8  }
0x172: {  	[tilespmem:s9], [sflag:$0x6] =	stream.indirect.gather [hbm4b:s5+s19], $0x80, s31, s19, $0xb8;
	[tilespmem:$0x1BE00] =	vst v63  }
.LBB2_10:
0x173: {  	_ =	sfence.sel $0x180000  }
0x174: {  	[bflag:$0x0] =	sbarrier.arrive $0xFFFF  }
0x175: {  	_ =	strace $0x9000004D  }
0x176: {  	s0 =	stileid.u32;
	[bflag:$0x2] =	sbarrier.arrive $0xFFFF  }
0x177: {  	p0 =	sne.s32 s0, $0x0;
	s0 =	rddreg [dreg:$0x3]  }
0x178: {  	s0 =	sadd.s32 @!p0 $0x100000, s0  }
0x179: {  	[sflag:s0] =	ssyncadd.tile.s32 @!p0 $0x1;
	_ =	shalt  }
.Lfunc_end2:
_tile_overlayer_lowered:
.L_overlay_start_2:
0x17a: {  	(tag) =	ssettag $0x2  }
0x17b: {  	s0 =	rddreg [dreg:$0x0];
	s2 =	stileid.u32  }
0x17c: {  	s1 =	rddreg [dreg:$0x1];
	p0 =	sne.s32 s2, $0x0  }
0x17d: {  	s3 =	rddreg [dreg:$0x2];
	[bflag:$0x3] =	sbarrier.arrive $0xFFFF;
	s2 =	simm.s32 @!p0 $0x1C19  }
0x17e: {  	[timem:s3], [sflag:s2] =	dma.local @!p0 [hbm:s0], s1  }
0x17f: {  	s0 =	simm.s32 @!p0 $0x19  }
0x180: {  	_ =	swait.ge @!p0 [sflag:s0], s1  }
0x181: {  	s1 =	ssub.s32 @!p0 $0x0, s1;
	[sflag:s0] =	ssyncset.done @!p0 $0x0  }
0x182: {  	[sflag:s0] =	ssyncadd.s32 @!p0 s1  }
0x183: {  	[bflag:$0x3] =	sbarrier.arrive $0xFFFF  }
0x184: {  	_ =	shalt  }

// kernel: kernel.9.cloned.1.call-start
scs
__scs_entry_jumppad:
0x0: {  	(pc) =	sbr.rel $0x88, $3  }
0x1: {  	(tag) =	ssettag $0x0;
	lr =	simm.s32 $0x1  }
0x2: {  	[smem:$0x3F9B] =	sst lr;
	_ =	strace $0xD0000000  }
0x3: {  	_ = 	snop  }
0x4: {  	_ = 	snop  }
0x5: {  	_ = 	snop  }
0x6: {  	_ = 	snop  }
0x7: {  	_ = 	snop  }
__scs_overlays_trampoline_lowered:
0x8: {  	[smem:$0x3FAA] =	sst s0  }
0x9: {  	[smem:$0x3FAB] =	sst s1  }
0xa: {  	[smem:$0x3FAC] =	sst s2  }
0xb: {  	[smem:$0x3FAD] =	sst s3  }
0xc: {  	[smem:$0x3FAE] =	sst s4  }
0xd: {  	[smem:$0x3FAF] =	sst s5  }
0xe: {  	[smem:$0x3FB0] =	sst s6  }
0xf: {  	[smem:$0x3FB1] =	sst s7  }
0x10: {  	[smem:$0x3FB2] =	sst s8  }
0x11: {  	[smem:$0x3FB3] =	sst s9;
	s0 =	simm.s32 @!p0 $0x0  }
0x12: {  	s1 =	sld [smem:$0x3F99];
	s0 =	simm.s32 @p0 $0x1  }
0x13: {  	[smem:$0x3FB4] =	sst s0;
	s0 =	simm.s32 @!p1 $0x0  }
0x14: {  	s2 =	sld [smem:$0x3F98];
	s0 =	simm.s32 @p1 $0x1  }
0x15: {  	[smem:$0x3FB5] =	sst s0;
	s0 =	simm.s32 @!p2 $0x0  }
0x16: {  	s3 =	sld [smem:$0x3FDB];
	s0 =	simm.s32 @p2 $0x1  }
0x17: {  	s4 =	simm.s32 $0x1BF5;
	[smem:$0x3FB7] =	sst s0  }
0x18: {  	s0 =	sld [smem:$0x3F9A];
	_ =	swait.ge [sflag:s4], $0x0  }
0x19: {  	s7 =	sld [smem:$0x3F9B]  }
0x1a: {  	s8 =	sadd.s32 $0xFFFFE003, lr  }
0x1b: {  	s9 =	sadd.s32 $0xFFFFFEF7, lr;
	s5 =	simm.s32 $0xFFFFFFFF;
	p2 =	slt.u32 s8, $0xFFFFF086  }
0x1c: {  	p1 =	slt.u32 s9, $0xF7A;
	s5 =	simm.s32 @!p2 $0x0  }
0x1d: {  	s5 =	simm.s32 @p1 $0x1;
	p0 =	seq.s32 s7, s2  }
0x1e: {  	s7 =	smul.u32 @!p0 $0xF7A, s2;
	p2 =	seq.s32 @!p0 s5, $0x0  }
0x1f: {  	s9 =	smul.u32 $0xF7A, s1;
	s8 =	simm.s32 @!p0 $0x1BF5;
	p2 =	por !p2, p0  }
0x20: {  	[sflag:s8] =	ssyncset.s32 @!p0 $0xFFFFF086;
	s6 =	sadd.s32 @!p0 s3, s7;
	s7 =	simm.s32 @!p0 $0x108  }
0x21: {  	s3 =	sadd.s32 s3, s9;
	s6 =	sadd.s32 @!p0 $0x88, s6;
	s7 =	simm.s32 @p2 $0x1082  }
0x22: {  	[simem:s7], [sflag:s8] =	dma.local @!p0 [hbm:s6], $0xF7A  }
0x23: {  	s9 =	sor.u32 $0xD0000000, s2;
	s6 =	simm.s32 $0x108;
	_ =	swait.ge @!p0 [sflag:s8], $0x0  }
0x24: {  	s3 =	sadd.s32 $0x88, s3;
	s6 =	simm.s32 @!p1 $0x1082;
	[sflag:s4] =	ssyncset.s32 $0xFFFFF086  }
0x25: {  	[simem:s6], [sflag:s4] =	dma.local [hbm:s3], $0xF7A  }
0x26: {  	[smem:$0x3F9B] =	sst s1;
	(tag) =	ssettag s2;
	_ =	strace s9  }
0x27: {  	s1 =	sld [smem:$0x3FAB]  }
0x28: {  	s2 =	sld [smem:$0x3FAC]  }
0x29: {  	s4 =	sld [smem:$0x3FAE]  }
0x2a: {  	p0 =	seq.s32 s5, $0x0;
	s5 =	sld [smem:$0x3FAF]  }
0x2b: {  	s6 =	sld [smem:$0x3FB0]  }
0x2c: {  	s7 =	sld [smem:$0x3FB1]  }
0x2d: {  	s3 =	simm.s32 $0x108;
	s8 =	sld [smem:$0x3FB2]  }
0x2e: {  	s3 =	simm.s32 @!p0 $0x1082;
	s9 =	sld [smem:$0x3FB3]  }
0x2f: {  	lr =	sadd.s32 s0, s3;
	s0 =	sld [smem:$0x3FAA]  }
0x30: {  	s3 =	sld [smem:$0x3FAD]  }
0x31: {  	[smem:$0x3FB6] =	sst s10  }
0x32: {  	s10 =	sld [smem:$0x3FB4];
	_ =	sdelay $0x3  }
0x33: {  	p0 =	seq.s32 s10, $0x1;
	s10 =	sld [smem:$0x3FB6];
	_ =	sdelay $0x3  }
0x34: {  	[smem:$0x3FB6] =	sst s10  }
0x35: {  	s10 =	sld [smem:$0x3FB5];
	_ =	sdelay $0x3  }
0x36: {  	p1 =	seq.s32 s10, $0x1;
	s10 =	sld [smem:$0x3FB6];
	_ =	sdelay $0x3  }
0x37: {  	[smem:$0x3FB6] =	sst s10  }
0x38: {  	s10 =	sld [smem:$0x3FB7]  }
0x39: {  	_ = 	snop;
	(pc) =	sbr.ind lr, $3  }
0x3a: {  	_ = 	snop  }
0x3b: {  	_ = 	snop  }
0x3c: {  	p2 =	seq.s32 s10, $0x1;
	s10 =	sld [smem:$0x3FB6]  }
0x3d: {  	_ =	shalt  }
0x3e: {  	_ =	shalt  }
0x3f: {  	_ =	shalt  }
0x40: {  	_ =	shalt  }
0x41: {  	_ =	shalt  }
0x42: {  	_ =	shalt  }
0x43: {  	_ =	shalt  }
0x44: {  	_ =	shalt  }
0x45: {  	_ =	shalt  }
0x46: {  	_ =	shalt  }
0x47: {  	_ =	shalt  }
0x48: {  	_ =	shalt  }
0x49: {  	_ =	shalt  }
0x4a: {  	_ =	shalt  }
0x4b: {  	_ =	shalt  }
0x4c: {  	_ =	shalt  }
0x4d: {  	_ =	shalt  }
0x4e: {  	_ =	shalt  }
0x4f: {  	_ =	shalt  }
0x50: {  	_ =	shalt  }
0x51: {  	_ =	shalt  }
0x52: {  	_ =	shalt  }
0x53: {  	_ =	shalt  }
0x54: {  	_ =	shalt  }
0x55: {  	_ =	shalt  }
0x56: {  	_ =	shalt  }
0x57: {  	_ =	shalt  }
0x58: {  	_ =	shalt  }
0x59: {  	_ =	shalt  }
0x5a: {  	_ =	shalt  }
0x5b: {  	_ =	shalt  }
0x5c: {  	_ =	shalt  }
0x5d: {  	_ =	shalt  }
0x5e: {  	_ =	shalt  }
0x5f: {  	_ =	shalt  }
0x60: {  	_ =	shalt  }
0x61: {  	_ =	shalt  }
0x62: {  	_ =	shalt  }
0x63: {  	_ =	shalt  }
0x64: {  	_ =	shalt  }
0x65: {  	_ =	shalt  }
0x66: {  	_ =	shalt  }
0x67: {  	_ =	shalt  }
0x68: {  	_ =	shalt  }
0x69: {  	_ =	shalt  }
0x6a: {  	_ =	shalt  }
0x6b: {  	_ =	shalt  }
0x6c: {  	_ =	shalt  }
0x6d: {  	_ =	shalt  }
0x6e: {  	_ =	shalt  }
0x6f: {  	_ =	shalt  }
0x70: {  	_ =	shalt  }
0x71: {  	_ =	shalt  }
0x72: {  	_ =	shalt  }
0x73: {  	_ =	shalt  }
0x74: {  	_ =	shalt  }
0x75: {  	_ =	shalt  }
0x76: {  	_ =	shalt  }
0x77: {  	_ =	shalt  }
0x78: {  	_ =	shalt  }
0x79: {  	_ =	shalt  }
0x7a: {  	_ =	shalt  }
0x7b: {  	_ =	shalt  }
0x7c: {  	_ =	shalt  }
0x7d: {  	_ =	shalt  }
0x7e: {  	_ =	shalt  }
0x7f: {  	_ =	shalt  }
0x80: {  	_ =	shalt  }
0x81: {  	_ =	shalt  }
0x82: {  	_ =	shalt  }
0x83: {  	_ =	shalt  }
0x84: {  	_ =	shalt  }
0x85: {  	_ =	shalt  }
0x86: {  	_ =	shalt  }
0x87: {  	_ =	shalt  }
.Lfunc_end0:
.L_simem_size_0:
called_computation_lowered:
.L_overlay_start_0:
0x88: {  	s2 =	sld [smem:$0x3FD9]  }
0x89: {  	s3 =	sld [smem:$0x3FFE];
	_ =	sdelay $0x1  }
0x8a: {  	s1 =	srdreg.scid  }
0x8b: {  	s0 =	sand.u32 $0x1, s1  }
0x8c: {  	s17 =	sshll.u32 s0, $0xA;
	s2 =	sadd.s32 s3, s2  }
0x8d: {  	s2 =	sadd.s32 s2, s17  }
0x8e: {  	[smem:$0x3FC2] =	sst s2  }
0x8f: {  	_ = 	snop  }
0x90: {  	s2 =	sld [smem:$0x3FC8];
	(tm) =	ssettm $0x1  }
0x91: {  	s18 =	sld [smem:$0x3FFB];
	_ =	sdelay $0x3  }
0x92: {  	_ =	strace s18  }
0x93: {  	s3 =	sld [smem:$0x3FFC];
	_ =	sdelay $0x3  }
0x94: {  	_ =	strace s3  }
0x95: {  	s3 =	sld [smem:$0x3FFD];
	_ =	sdelay $0x3  }
0x96: {  	_ =	strace s3  }
0x97: {  	_ =	strace $0x8FFFFFFF  }
0x98: {  	s19 =	sld [smem:$0x3FDB];
	_ =	sdelay $0x1  }
0x99: {  	s4 =	simm.s32 $_scs_section_size  }
0x9a: {  	s5 =	simm.s32 $_size__tile_overlayer_lowered;
	s6 =	simm.s32 $_tile_overlayer_lowered  }
0x9b: {  	s22 =	simm.s32 $0x1BFF;
	s21 =	sshll.u32 s6, $0x1;
	s3 =	sadd.s32 s4, s19  }
0x9c: {  	s7 =	simm.s32 $0x0;
	s20 =	sshll.u32 s5, $0x1;
	s5 =	sadd.s32 s21, s3  }
0x9d: {  	[timem:s7], [sflag:s22] =	dma.local [hbm:s5], s20  }
0x9e: {  	_ =	swait.ge [sflag:s22], s20  }
0x9f: {  	s4 =	ssub.s32 $0x0, s20;
	[sflag:s22] =	ssyncset.done $0x0  }
0xa0: {  	[sflag:s22] =	ssyncadd.s32 s4;
	_ =	sdelay $0x1  }
0xa1: {  	s23 =	simm.s32 $0x1B8B  }
0xa2: {  	_ =	swait.ge [sflag:s23], $0x1  }
0xa3: {  	[sflag:s23] =	ssyncset.done $0x0  }
0xa4: {  	s25 =	simm.s32 $0x1B8E;
	s24 =	sld [smem:$0x3FFE];
	[sflag:s23] =	ssyncadd.s32 $0xFFFFFFFF  }
0xa5: {  	s26 =	simm.s32 $execute0_lowered;
	[smem:$0x3FD2] =	sst s25  }
0xa6: {  	s5 =	sshll.u32 s26, $0x1;
	_ =	strace $0x80000046;
	[dreg:$0x1] =	wrdreg $0xFFFFFFFF  }
0xa7: {  	s28 =	simm.s32 $_size_execute0_lowered;
	s3 =	sadd.s32 s3, s5;
	[dreg:$0x0] =	wrdreg $0x0  }
0xa8: {  	s5 =	sshll.u32 s28, $0x1;
	[dreg:$0x2] =	wrdreg s3  }
0xa9: {  	[dreg:$0x3] =	wrdreg s5  }
0xaa: {  	[dreg:$0x4] =	wrdreg $0xC0  }
0xab: {  	_ =	task [dreg:s7], $0x5FFFF  }
0xac: {  	[dreg:$0x1] =	wrdreg $0xFFFFFFFF  }
0xad: {  	[dreg:$0x0] =	wrdreg $0x60  }
0xae: {  	[dreg:$0x2] =	wrdreg s2  }
0xaf: {  	[dreg:$0x3] =	wrdreg s24  }
0xb0: {  	[dreg:$0x4] =	wrdreg $0x0  }
0xb1: {  	[dreg:$0x5] =	wrdreg $0x9  }
0xb2: {  	_ =	task.clear_ibuf [dreg:s7], $0x6FFFF;
	_ =	strace $0x90000046  }
0xb3: {  	s29 =	simm.s32 $0x9;
	_ =	strace $0x80000048  }
0xb4: {  	_ =	swait.ge [sflag:s29], $0x1  }
0xb5: {  	[sflag:s29] =	ssyncadd.s32 $0xFFFFFFFF  }
0xb6: {  	_ =	strace $0x90000048  }
0xb7: {  	_ =	sfence  }
0xb8: {  	s30 =	sld [smem:$0x0];
	_ =	sdelay $0x2  }
0xb9: {  	s31 =	sshll.u32 s1, $0xD;
	s1 =	sshrl.u32 s1, $0x2  }
0xba: {  	s3 =	sand.u32 $0x4000, s31;
	s1 =	sadd.s32 s1, s30  }
0xbb: {  	s0 =	sor.u32 s3, s0;
	s1 =	sshll.u32 s1, $0x11  }
0xbc: {  	s0 =	sor.u32 s1, s0  }
0xbd: {  	s0 =	sadd.s32 $0x8F2B, s0  }
0xbe: {  	[sflag:s0] =	ssyncadd.remote.s32 $0x1  }
0xbf: {  	_ =	sfence.sel $0xFFFF  }
0xc0: {  	[dreg:$0x0] =	wrdreg $0xFFFFFFFF;
	(pc) =	sbr.abs _section_cstart, $3  }
0xc1: {  	[dreg:$0x1] =	wrdreg $0xFFFFFFFF  }
0xc2: {  	_ =	task.clear_ibuf [dreg:s7], $0x2FFFF;
	_ =	strace $0x9FFFFFFF  }
0xc3: {  	(tm) =	ssettm $0x7FFFFFFF  }
tec
execute0_lowered:
.L_overlay_start_1:
0x0: {  	(tag) =	ssettag $0x1  }
0x1: {  	s0 =	rddreg [dreg:$0x0]  }
0x2: {  	s1 =	rddreg [dreg:$0x1]  }
0x3: {  	s2 =	rddreg [dreg:$0x2]  }
0x4: {  	s3 =	srdreg.scid;
	s14 =	stileid.u32;
	s11 =	simm.s32 $0x4F  }
0x5: {  	s28 =	simm.s32 $0x400;
	s29 =	simm.s32 $0x3;
	s30 =	simm.s32 $0x500  }
0x6: {  	s31 =	simm.s32 $0x4;
	s4 =	sand.u32 $0x1, s3;
	s3 =	simm.s32 $0x0  }
0x7: {  	s5 =	smul.u32 $0x500, s14;
	s6 =	sshll.u32 s4, $0x4;
	[smem:$0x7FF] =	sst s3  }
0x8: {  	s7 =	sshll.u32 s4, $0x7;
	s8 =	ssub.s32 $0x2, s4;
	s6 =	sor.u32 s14, s6  }
0x9: {  	_ =	strace $0x80000047;
	s5 =	sor.u32 s7, s5;
	s10 =	sshrl.u32 s8, $0x1  }
0xa: {  	s12 =	smul.u32 $0x4E, s6;
	s5 =	sshrl.u32 s5, $0x3;
	s9 =	smin.u32 s6, $0x4  }
0xb: {  	s8 =	ssub.s32 s8, s10;
	p0 =	slt.u32 s6, $0x4;
	s5 =	sadd.s32 s5, s1  }
0xc: {  	s1 =	sadd.s32 $0x3000, s1;
	s11 =	simm.s32 @!p0 $0x4E;
	p0 =	seq.s32 s4, $0x0  }
0xd: {  	s4 =	smul.u32 $0x4E0, s4;
	s23 =	smax.u32 s8, $0x1;
	s7 =	sadd.s32 s9, s12  }
0xe: {  	s12 =	smul.u32 $0xA00, s14;
	s16 =	sadd.s32 $0xFFFFFFFA, s11;
	[dreg:$0x12] =	wrdreg s23  }
0xf: {  	s14 =	smul.u32 $0x4E, s14;
	s11 =	sadd.s32 $0xFFFFFFF9, s11;
	[dreg:$0x4] =	wrdreg s16  }
0x10: {  	s5 =	sadd.s32 $0x2600, s5;
	s23 =	simm.s32 $0x300;
	[dreg:$0x5] =	wrdreg s11  }
0x11: {  	s13 =	sshll.u32 s7, $0x5;
	s7 =	sshll.u32 s7, $0x4;
	[dreg:$0x11] =	wrdreg s5  }
0x12: {  	s22 =	sor.u32 s4, s9;
	s16 =	simm.s32 $0x280;
	s11 =	simm.s32 $0xD  }
0x13: {  	s5 =	simm.s32 $0x7;
	s13 =	sadd.s32 s0, s13;
	s12 =	sshrl.u32 s12, $0x2  }
0x14: {  	s7 =	sadd.s32 s1, s7;
	s10 =	sadd.s32 $0x20, s13;
	[dreg:$0x9] =	wrdreg s13  }
0x15: {  	s17 =	sadd.s32 s14, s4;
	s15 =	sadd.s32 $0x40, s13;
	[dreg:$0xa] =	wrdreg s10  }
0x16: {  	s13 =	sadd.s32 $0x60, s13;
	s18 =	sadd.s32 $0x4C0, s7;
	[dreg:$0xb] =	wrdreg s15  }
0x17: {  	s19 =	sadd.s32 s9, s17;
	s20 =	sadd.s32 $0x4D0, s7;
	[dreg:$0xc] =	wrdreg s13  }
0x18: {  	s7 =	sadd.s32 $0x4E0, s7;
	s17 =	simm.s32 $0x380;
	[dreg:$0xe] =	wrdreg s18  }
0x19: {  	s9 =	simm.s32 $0xC;
	s10 =	simm.f32 $1.000000000e+00;
	[dreg:$0xf] =	wrdreg s20  }
0x1a: {  	s15 =	sadd.s32 s12, s2;
	[dreg:$0x10] =	wrdreg s7;
	s21 =	sshll.u32 s19, $0x4  }
0x1b: {  	s18 =	simm.s32 $0x9;
	s19 =	simm.s32 $0x6;
	s20 =	simm.s32 $0xA  }
0x1c: {  	s7 =	simm.s32 $0x8;
	s10 =	simm.s32 @!p0 $0x0;
	s13 =	sadd.s32 s21, s1  }
0x1d: {  	s1 =	sadd.s32 s14, s22;
	s22 =	simm.s32 $0x1;
	p0 =	sgt.u32 s6, $0x3  }
0x1e: {  	s6 =	simm.s32 $0xB;
	[dreg:$0xd] =	wrdreg s15;
	s24 =	sadd.s32 $0x30, s13  }
0x1f: {  	s25 =	sadd.s32 $0x20, s13;
	s1 =	sshll.u32 s1, $0x5;
	[dreg:$0x6] =	wrdreg s24  }
0x20: {  	s26 =	sadd.s32 $0x10, s13;
	v0 =	vmov s10;
	s10 =	simm.s32 $0x0;
	[dreg:$0x7] =	wrdreg s25  }
0x21: {  	s0 =	sadd.s32 s1, s0;
	[dreg:$0x8] =	wrdreg s26;
	s24 =	simm.s32 $0x80  }
0x22: {  	s25 =	simm.s32 $0x680;
	s26 =	simm.s32 $0x2;
	s0 =	sadd.s32 $0xE0, s0  }
0x23: {  	v1 =	vimm.f32 $1.000000000e+00;
	s1 =	simm.s32 $0x5;
	[dreg:$0x13] =	wrdreg s0;
	s0 =	simm.s32 $0x600  }
.LBB2_1:
0x24: {  	s4 =	rddreg [dreg:$0x9]  }
0x25: {  	[tilespmem:s16], [sflag:$0x1] =	stream.linear.gather [hbm4b:s4+s3], $0x100, $0x38;
	[tilespmem:$0x980] =	vst v63  }
0x26: {  	s14 =	rddreg [dreg:$0xa]  }
0x27: {  	[tilespmem:s17], [sflag:$0x2] =	stream.linear.gather [hbm4b:s14+s3], $0x100, $0x38;
	[tilespmem:$0x980] =	vst v63  }
0x28: {  	s21 =	rddreg [dreg:$0xb];
	s8 =	simm.s32 $0x480  }
0x29: {  	[tilespmem:s8], [sflag:$0x3] =	stream.linear.gather [hbm4b:s21+s3], $0x100, $0x38;
	[tilespmem:$0x980] =	vst v63  }
0x2a: {  	s12 =	simm.s32 $0x580;
	s8 =	rddreg [dreg:$0xc]  }
0x2b: {  	[tilespmem:s12], [sflag:$0x4] =	stream.linear.gather [hbm4b:s8+s3], $0x100, $0x38;
	[tilespmem:$0x980] =	vst v63  }
0x2c: {  	[tilespmem:$0x680] =	vst v1  }
0x2d: {  	[tilespmem:$0x690] =	vst v1  }
0x2e: {  	[tilespmem:$0x6A0] =	vst v1  }
0x2f: {  	[tilespmem:$0x6B0] =	vst v1  }
0x30: {  	[tilespmem:$0x6C0] =	vst v1  }
0x31: {  	[tilespmem:$0x6D0] =	vst v1  }
0x32: {  	[tilespmem:$0x6E0] =	vst v1  }
0x33: {  	[tilespmem:$0x6F0] =	vst v1  }
0x34: {  	[tilespmem:$0x700] =	vst v0  }
0x35: {  	[tilespmem:$0x710] =	vst v0  }
0x36: {  	[tilespmem:$0x720] =	vst v0  }
0x37: {  	[tilespmem:$0x730] =	vst v0  }
0x38: {  	[tilespmem:$0x740] =	vst v0  }
0x39: {  	[tilespmem:$0x750] =	vst v0  }
0x3a: {  	[tilespmem:$0x760] =	vst v0  }
0x3b: {  	[tilespmem:$0x770] =	vst v0  }
0x3c: {  	[tilespmem:$0x780] =	vst v0  }
0x3d: {  	[tilespmem:$0x790] =	vst v0  }
0x3e: {  	[tilespmem:$0x7A0] =	vst v0  }
0x3f: {  	[tilespmem:$0x7B0] =	vst v0  }
0x40: {  	[tilespmem:$0x7C0] =	vst v0  }
0x41: {  	[tilespmem:$0x7D0] =	vst v0  }
0x42: {  	[tilespmem:$0x7E0] =	vst v0  }
0x43: {  	[tilespmem:$0x7F0] =	vst v0  }
0x44: {  	[tilespmem:$0x800] =	vst v0  }
0x45: {  	[tilespmem:$0x810] =	vst v0  }
0x46: {  	[tilespmem:$0x820] =	vst v0  }
0x47: {  	[tilespmem:$0x830] =	vst v0  }
0x48: {  	[tilespmem:$0x840] =	vst v0  }
0x49: {  	[tilespmem:$0x850] =	vst v0  }
0x4a: {  	[tilespmem:$0x860] =	vst v0  }
0x4b: {  	[tilespmem:$0x870] =	vst v0  }
0x4c: {  	[tilespmem:$0x880] =	vst v0  }
0x4d: {  	[tilespmem:$0x890] =	vst v0  }
0x4e: {  	[tilespmem:$0x8A0] =	vst v0  }
0x4f: {  	[tilespmem:$0x8B0] =	vst v0  }
0x50: {  	[tilespmem:$0x8C0] =	vst v0  }
0x51: {  	[tilespmem:$0x8D0] =	vst v0  }
0x52: {  	[tilespmem:$0x8E0] =	vst v0  }
0x53: {  	[tilespmem:$0x8F0] =	vst v0  }
0x54: {  	[tilespmem:$0x900] =	vst v0  }
0x55: {  	[tilespmem:$0x910] =	vst v0  }
0x56: {  	[tilespmem:$0x920] =	vst v0  }
0x57: {  	[tilespmem:$0x930] =	vst v0  }
0x58: {  	[tilespmem:$0x940] =	vst v0  }
0x59: {  	[tilespmem:$0x950] =	vst v0  }
0x5a: {  	[tilespmem:$0x960] =	vst v0  }
0x5b: {  	s14 =	simm.s32 $0x700;
	[tilespmem:$0x970] =	vst v0  }
0x5c: {  	[spmem:s15] =	stream.linear.scatter [tilespmem:s14], [sflag:$0xD], $0x280, $0x38;
	[tilespmem:$0x980] =	vst v63  }
0x5d: {  	_ =	swait.ge [sflag:s11], $0x280  }
0x5e: {  	[sflag:s11] =	ssyncset.done $0x0  }
0x5f: {  	[sflag:s11] =	ssyncadd.s32 $0xFFFFFD80  }
0x60: {  	[bflag:$0x0] =	sbarrier.arrive $0xFFFF  }
0x61: {  	_ =	swait.ge [sflag:s22], $0x100  }
0x62: {  	[sflag:s22] =	ssyncset.done $0x0  }
0x63: {  	s15 =	sadd.s32 $0x0, s13;
	[sflag:s22] =	ssyncadd.s32 $0xFFFFFF00  }
0x64: {  	[hbm4b:s15+s3] =	stream.linear.scatter [tilespmem:s23], [sflag:$0x5], $0x80, $0x38;
	[tilespmem:$0x980] =	vst v63  }
0x65: {  	_ = 	snop  }
0x66: {  	[spmem:s2] =	stream.indirect.scatter.add.f32 [tilespmem:s25], [sflag:$0x9], $0x1, s23, s24, $0xb8;
	[tilespmem:$0x980] =	vst v63  }
0x67: {  	_ =	swait.ge [sflag:s26], $0x100  }
0x68: {  	s21 =	rddreg [dreg:$0x8];
	[sflag:s26] =	ssyncset.done $0x0  }
0x69: {  	[sflag:s26] =	ssyncadd.s32 $0xFFFFFF00;
	s8 =	sadd.s32 $0x0, s21  }
0x6a: {  	[hbm4b:s8+s3] =	stream.linear.scatter [tilespmem:s28], [sflag:$0x6], $0x80, $0x38;
	[tilespmem:$0x980] =	vst v63  }
0x6b: {  	_ = 	snop  }
0x6c: {  	[spmem:s2] =	stream.indirect.scatter.add.f32 [tilespmem:s25], [sflag:$0xA], $0x1, s28, s24, $0xb8;
	[tilespmem:$0x980] =	vst v63  }
0x6d: {  	_ =	swait.ge [sflag:s29], $0x100  }
0x6e: {  	s4 =	rddreg [dreg:$0x7];
	[sflag:s29] =	ssyncset.done $0x0  }
0x6f: {  	[sflag:s29] =	ssyncadd.s32 $0xFFFFFF00;
	s8 =	sadd.s32 $0x0, s4  }
0x70: {  	[hbm4b:s8+s3] =	stream.linear.scatter [tilespmem:s30], [sflag:$0x7], $0x80, $0x38;
	[tilespmem:$0x980] =	vst v63  }
0x71: {  	_ = 	snop  }
0x72: {  	[spmem:s2] =	stream.indirect.scatter.add.f32 [tilespmem:s25], [sflag:$0xB], $0x1, s30, s24, $0xb8;
	[tilespmem:$0x980] =	vst v63  }
0x73: {  	_ =	swait.ge [sflag:s31], $0x100  }
0x74: {  	s11 =	rddreg [dreg:$0x6];
	[sflag:s31] =	ssyncset.done $0x0  }
0x75: {  	[sflag:s31] =	ssyncadd.s32 $0xFFFFFF00;
	s8 =	sadd.s32 $0x0, s11  }
0x76: {  	[hbm4b:s8+s3] =	stream.linear.scatter [tilespmem:s0], [sflag:$0x8], $0x80, $0x38;
	[tilespmem:$0x980] =	vst v63  }
0x77: {  	_ = 	snop  }
0x78: {  	[spmem:s2] =	stream.indirect.scatter.add.f32 [tilespmem:s25], [sflag:$0xC], $0x1, s0, s24, $0xb8;
	[tilespmem:$0x980] =	vst v63  }
0x79: {  	_ =	swait.ge [sflag:s1], $0x80  }
0x7a: {  	[sflag:s1] =	ssyncset.done $0x0  }
0x7b: {  	[sflag:s1] =	ssyncadd.s32 $0xFFFFFF80  }
0x7c: {  	_ =	swait.ge [sflag:s18], $0x80  }
0x7d: {  	[sflag:s18] =	ssyncset.done $0x0;
	s15 =	rddreg [dreg:$0x13]  }
0x7e: {  	[sflag:s18] =	ssyncadd.s32 $0xFFFFFF80;
	s12 =	sadd.s32 $0xFFFFFFA0, s15  }
0x7f: {  	[tilespmem:s16], [sflag:$0x1] =	stream.linear.gather [hbm4b:s12+s3], $0x100, $0x38;
	[tilespmem:$0x980] =	vst v63  }
0x80: {  	_ =	swait.ge [sflag:s19], $0x80  }
0x81: {  	[sflag:s19] =	ssyncset.done $0x0  }
0x82: {  	[sflag:s19] =	ssyncadd.s32 $0xFFFFFF80  }
0x83: {  	_ =	swait.ge [sflag:s20], $0x80  }
0x84: {  	[sflag:s20] =	ssyncset.done $0x0  }
0x85: {  	s14 =	sadd.s32 $0xFFFFFFC0, s15;
	[sflag:s20] =	ssyncadd.s32 $0xFFFFFF80  }
0x86: {  	[tilespmem:s17], [sflag:$0x2] =	stream.linear.gather [hbm4b:s14+s3], $0x100, $0x38;
	[tilespmem:$0x980] =	vst v63  }
0x87: {  	_ =	swait.ge [sflag:s5], $0x80  }
0x88: {  	[sflag:s5] =	ssyncset.done $0x0  }
0x89: {  	[sflag:s5] =	ssyncadd.s32 $0xFFFFFF80  }
0x8a: {  	_ =	swait.ge [sflag:s6], $0x80  }
0x8b: {  	s21 =	rddreg [dreg:$0x4];
	[sflag:s6] =	ssyncset.done $0x0  }
0x8c: {  	[sflag:s6] =	ssyncadd.s32 $0xFFFFFF80;
	p1 =	sle.u32 s21, $0x0  }
0x8d: {  	s8 =	sadd.s32 @!p1 $0xFFFFFFE0, s15;
	s11 =	simm.s32 @!p1 $0x0;
	s12 =	simm.s32 @!p1 $0x480  }
0x8e: {  	[tilespmem:s12], [sflag:$0x3] =	stream.linear.gather @!p1 [hbm4b:s8+s11], $0x100, $0x38;
	[tilespmem:$0x980] =	vst v63  }
0x8f: {  	_ =	swait.ge [sflag:s7], $0x80  }
0x90: {  	[sflag:s7] =	ssyncset.done $0x0  }
0x91: {  	[sflag:s7] =	ssyncadd.s32 $0xFFFFFF80  }
0x92: {  	_ =	swait.ge [sflag:s9], $0x80  }
0x93: {  	s14 =	sadd.s32 $0x80, s15;
	s11 =	simm.s32 $0x40;
	[sflag:s9] =	ssyncset.done $0x0  }
0x94: {  	s12 =	simm.s32 $0x0;
	s8 =	rddreg [dreg:$0x5];
	[sflag:s9] =	ssyncadd.s32 $0xFFFFFF80  }
.LBB2_2:
0x95: {  	p2 =	sge.u32 s12, s8  }
0x96: {  	s21 =	simm.s32 @!p2 $0x0;
	s4 =	simm.s32 @!p2 $0x580  }
0x97: {  	[tilespmem:s4], [sflag:$0x4] =	stream.linear.gather @!p2 [hbm4b:s15+s21], $0x100, $0x38;
	[tilespmem:$0x980] =	vst v63  }
0x98: {  	_ =	swait.ge [sflag:s22], $0x100  }
0x99: {  	s8 =	smov.u32 s11;
	[sflag:s22] =	ssyncset.done $0x0  }
0x9a: {  	s21 =	sadd.s32 s8, s13;
	[sflag:s22] =	ssyncadd.s32 $0xFFFFFF00  }
0x9b: {  	[hbm4b:s21+s3] =	stream.linear.scatter [tilespmem:s23], [sflag:$0x5], $0x80, $0x38;
	[tilespmem:$0x980] =	vst v63  }
0x9c: {  	_ = 	snop  }
0x9d: {  	[spmem:s2] =	stream.indirect.scatter.add.f32 [tilespmem:s25], [sflag:$0x9], $0x1, s23, s24, $0xb8;
	[tilespmem:$0x980] =	vst v63  }
0x9e: {  	_ =	swait.ge [sflag:s26], $0x100  }
0x9f: {  	[sflag:s26] =	ssyncset.done $0x0;
	s21 =	rddreg [dreg:$0x8]  }
0xa0: {  	[sflag:s26] =	ssyncadd.s32 $0xFFFFFF00;
	s4 =	sadd.s32 s8, s21  }
0xa1: {  	[hbm4b:s4+s3] =	stream.linear.scatter [tilespmem:s28], [sflag:$0x6], $0x80, $0x38;
	[tilespmem:$0x980] =	vst v63  }
0xa2: {  	_ = 	snop  }
0xa3: {  	[spmem:s2] =	stream.indirect.scatter.add.f32 [tilespmem:s25], [sflag:$0xA], $0x1, s28, s24, $0xb8;
	[tilespmem:$0x980] =	vst v63  }
0xa4: {  	_ =	swait.ge [sflag:s29], $0x100  }
0xa5: {  	[sflag:s29] =	ssyncset.done $0x0;
	s21 =	rddreg [dreg:$0x7]  }
0xa6: {  	[sflag:s29] =	ssyncadd.s32 $0xFFFFFF00;
	s4 =	sadd.s32 s8, s21  }
0xa7: {  	[hbm4b:s4+s3] =	stream.linear.scatter [tilespmem:s30], [sflag:$0x7], $0x80, $0x38;
	[tilespmem:$0x980] =	vst v63  }
0xa8: {  	_ = 	snop  }
0xa9: {  	[spmem:s2] =	stream.indirect.scatter.add.f32 [tilespmem:s25], [sflag:$0xB], $0x1, s30, s24, $0xb8;
	[tilespmem:$0x980] =	vst v63  }
0xaa: {  	_ =	swait.ge [sflag:s31], $0x100  }
0xab: {  	[sflag:s31] =	ssyncset.done $0x0;
	s21 =	rddreg [dreg:$0x6]  }
0xac: {  	[sflag:s31] =	ssyncadd.s32 $0xFFFFFF00;
	s4 =	sadd.s32 s8, s21  }
0xad: {  	[hbm4b:s4+s3] =	stream.linear.scatter [tilespmem:s0], [sflag:$0x8], $0x80, $0x38;
	[tilespmem:$0x980] =	vst v63  }
0xae: {  	_ = 	snop  }
0xaf: {  	[spmem:s2] =	stream.indirect.scatter.add.f32 [tilespmem:s25], [sflag:$0xC], $0x1, s0, s24, $0xb8;
	[tilespmem:$0x980] =	vst v63  }
0xb0: {  	_ =	swait.ge [sflag:s1], $0x80  }
0xb1: {  	[sflag:s1] =	ssyncset.done $0x0  }
0xb2: {  	[sflag:s1] =	ssyncadd.s32 $0xFFFFFF80  }
0xb3: {  	_ =	swait.ge [sflag:s18], $0x80  }
0xb4: {  	[sflag:s18] =	ssyncset.done $0x0  }
0xb5: {  	s21 =	sadd.s32 $0xFFFFFFA0, s14;
	[sflag:s18] =	ssyncadd.s32 $0xFFFFFF80  }
0xb6: {  	[tilespmem:s16], [sflag:$0x1] =	stream.linear.gather [hbm4b:s21+s3], $0x100, $0x38;
	[tilespmem:$0x980] =	vst v63  }
0xb7: {  	_ =	swait.ge [sflag:s19], $0x80  }
0xb8: {  	[sflag:s19] =	ssyncset.done $0x0  }
0xb9: {  	[sflag:s19] =	ssyncadd.s32 $0xFFFFFF80  }
0xba: {  	_ =	swait.ge [sflag:s20], $0x80  }
0xbb: {  	[sflag:s20] =	ssyncset.done $0x0  }
0xbc: {  	s8 =	sadd.s32 $0xFFFFFFC0, s14;
	[sflag:s20] =	ssyncadd.s32 $0xFFFFFF80  }
0xbd: {  	[tilespmem:s17], [sflag:$0x2] =	stream.linear.gather [hbm4b:s8+s3], $0x100, $0x38;
	[tilespmem:$0x980] =	vst v63  }
0xbe: {  	_ =	swait.ge [sflag:s5], $0x80  }
0xbf: {  	[sflag:s5] =	ssyncset.done $0x0  }
0xc0: {  	[sflag:s5] =	ssyncadd.s32 $0xFFFFFF80  }
0xc1: {  	_ =	swait.ge [sflag:s6], $0x80  }
0xc2: {  	s12 =	sadd.s32 $0x4, s12;
	s21 =	rddreg [dreg:$0x4];
	[sflag:s6] =	ssyncset.done $0x0  }
0xc3: {  	s11 =	sadd.s32 $0x40, s11;
	[sflag:s6] =	ssyncadd.s32 $0xFFFFFF80;
	p2 =	sge.u32 s12, s21  }
0xc4: {  	s4 =	sadd.s32 @!p2 $0xFFFFFFE0, s14;
	s8 =	simm.s32 @!p2 $0x0;
	s21 =	simm.s32 @!p2 $0x480  }
0xc5: {  	[tilespmem:s21], [sflag:$0x3] =	stream.linear.gather @!p2 [hbm4b:s4+s8], $0x100, $0x38;
	[tilespmem:$0x980] =	vst v63  }
0xc6: {  	p1 =	sne.s32 s11, $0x4C0;
	_ =	swait.ge [sflag:s7], $0x80  }
.Ltmp0:
0xc7: {  	[sflag:s7] =	ssyncset.done $0x0;
	(pc) =	sbr.rel @p1 .LBB2_2-.Ltmp0, $4  }
0xc8: {  	[sflag:s7] =	ssyncadd.s32 $0xFFFFFF80  }
0xc9: {  	_ =	swait.ge [sflag:s9], $0x80  }
0xca: {  	s15 =	smov.u32 s14;
	[sflag:s9] =	ssyncset.done $0x0  }
0xcb: {  	s14 =	sadd.s32 $0x80, s14;
	s8 =	rddreg [dreg:$0x5];
	[sflag:s9] =	ssyncadd.s32 $0xFFFFFF80  }
0xcc: {  	p1 =	sge.u32 s12, s8  }
0xcd: {  	s4 =	simm.s32 @!p1 $0x0;
	s8 =	simm.s32 @!p1 $0x580  }
0xce: {  	[tilespmem:s8], [sflag:$0x4] =	stream.linear.gather @!p1 [hbm4b:s15+s4], $0x100, $0x38;
	[tilespmem:$0x980] =	vst v63  }
0xcf: {  	_ =	swait.ge [sflag:s22], $0x100  }
0xd0: {  	[sflag:s22] =	ssyncset.done $0x0  }
0xd1: {  	s15 =	rddreg [dreg:$0xe];
	[sflag:s22] =	ssyncadd.s32 $0xFFFFFF00  }
0xd2: {  	[hbm4b:s15+s3] =	stream.linear.scatter [tilespmem:s23], [sflag:$0x5], $0x80, $0x38;
	[tilespmem:$0x980] =	vst v63  }
0xd3: {  	_ = 	snop  }
0xd4: {  	[spmem:s2] =	stream.indirect.scatter.add.f32 [tilespmem:s25], [sflag:$0x9], $0x1, s23, s24, $0xb8;
	[tilespmem:$0x980] =	vst v63  }
0xd5: {  	_ =	swait.ge [sflag:s1], $0x80  }
0xd6: {  	[sflag:s1] =	ssyncset.done $0x0  }
0xd7: {  	[sflag:s1] =	ssyncadd.s32 $0xFFFFFF80  }
0xd8: {  	_ =	swait.ge [sflag:s18], $0x80  }
0xd9: {  	[sflag:s18] =	ssyncset.done $0x0  }
0xda: {  	[sflag:s18] =	ssyncadd.s32 $0xFFFFFF80  }
0xdb: {  	_ =	swait.ge [sflag:s26], $0x100  }
0xdc: {  	[sflag:s26] =	ssyncset.done $0x0  }
0xdd: {  	s21 =	rddreg [dreg:$0xf];
	[sflag:s26] =	ssyncadd.s32 $0xFFFFFF00  }
0xde: {  	[hbm4b:s21+s3] =	stream.linear.scatter [tilespmem:s28], [sflag:$0x6], $0x80, $0x38;
	[tilespmem:$0x980] =	vst v63  }
0xdf: {  	_ = 	snop  }
0xe0: {  	[spmem:s2] =	stream.indirect.scatter.add.f32 [tilespmem:s25], [sflag:$0xA], $0x1, s28, s24, $0xb8;
	[tilespmem:$0x980] =	vst v63  }
0xe1: {  	_ =	swait.ge [sflag:s19], $0x80  }
0xe2: {  	[sflag:s19] =	ssyncset.done $0x0  }
0xe3: {  	[sflag:s19] =	ssyncadd.s32 $0xFFFFFF80  }
0xe4: {  	_ =	swait.ge [sflag:s20], $0x80  }
0xe5: {  	[sflag:s20] =	ssyncset.done $0x0  }
0xe6: {  	s4 =	simm.s32 @!p0 $0x3;
	[sflag:s20] =	ssyncadd.s32 $0xFFFFFF80  }
0xe7: {  	_ =	swait.ge @!p0 [sflag:s4], $0x100  }
0xe8: {  	s8 =	simm.s32 @!p0 $0x500;
	[sflag:s4] =	ssyncset.done @!p0 $0x0  }
0xe9: {  	s11 =	rddreg [dreg:$0x10];
	[sflag:s4] =	ssyncadd.s32 @!p0 $0xFFFFFF00;
	s4 =	simm.s32 @!p0 $0x0  }
0xea: {  	[hbm4b:s11+s4] =	stream.linear.scatter @!p0 [tilespmem:s8], [sflag:$0x7], $0x80, $0x38;
	[tilespmem:$0x980] =	vst v63  }
0xeb: {  	s4 =	simm.s32 @!p0 $0x80;
	s11 =	simm.s32 @!p0 $0x680  }
0xec: {  	[spmem:s2] =	stream.indirect.scatter.add.f32 @!p0 [tilespmem:s11], [sflag:$0xB], $0x1, s8, s4, $0xb8;
	[tilespmem:$0x980] =	vst v63  }
0xed: {  	s4 =	simm.s32 @!p0 $0x7  }
0xee: {  	_ =	swait.ge @!p0 [sflag:s4], $0x80  }
0xef: {  	[sflag:s4] =	ssyncset.done @!p0 $0x0  }
0xf0: {  	[sflag:s4] =	ssyncadd.s32 @!p0 $0xFFFFFF80;
	s4 =	simm.s32 @!p0 $0xB  }
0xf1: {  	_ =	swait.ge @!p0 [sflag:s4], $0x80  }
0xf2: {  	[sflag:s4] =	ssyncset.done @!p0 $0x0  }
0xf3: {  	[sflag:s4] =	ssyncadd.s32 @!p0 $0xFFFFFF80  }
0xf4: {  	s14 =	simm.s32 $0x10;
	s8 =	stileid.u32;
	[bflag:$0x0] =	sbarrier.arrive $0xFFFF  }
0xf5: {  	s21 =	simm.s32 $0x20;
	s4 =	sshll.u32 s8, $0x6;
	s15 =	rddreg [dreg:$0xd]  }
0xf6: {  	s4 =	sor.u32 $0x1C0D, s4;
	s12 =	rddreg [dreg:$0x11];
	s11 =	sshrl.u32 s15, $0x3  }
0xf7: {  	[hbm:s12@s21], [sflag:s4] =	dma.strided [spmem:s11@s14], $0x50, s22, $0x10   }
0xf8: {  	s11 =	simm.s32 $0xD  }
0xf9: {  	_ =	swait.ge [sflag:s11], $0x50  }
0xfa: {  	s10 =	sadd.s32 $0x1, s10;
	s21 =	rddreg [dreg:$0x12]  }
0xfb: {  	p1 =	sne.s32 s10, s21  }
.Ltmp1:
0xfc: {  	_ = 	snop;
	(pc) =	sbr.rel @p1 .LBB2_1-.Ltmp1, $3  }
0xfd: {  	_ =	sdelay $0x1  }
0xfe: {  	[sflag:s11] =	ssyncset.done $0x0  }
0xff: {  	[sflag:s11] =	ssyncadd.s32 $0xFFFFFFB0  }
0x100: {  	_ =	sfence.sel $0x180000  }
0x101: {  	[bflag:$0x0] =	sbarrier.arrive $0xFFFF  }
0x102: {  	_ =	strace $0x90000047  }
0x103: {  	s0 =	stileid.u32;
	[bflag:$0x2] =	sbarrier.arrive $0xFFFF  }
0x104: {  	p0 =	sne.s32 s0, $0x0;
	s0 =	rddreg [dreg:$0x3]  }
0x105: {  	s0 =	sadd.s32 @!p0 $0x100000, s0  }
0x106: {  	[sflag:s0] =	ssyncadd.tile.s32 @!p0 $0x1;
	_ =	shalt  }
.Lfunc_end2:
_tile_overlayer_lowered:
.L_overlay_start_2:
0x107: {  	(tag) =	ssettag $0x2  }
0x108: {  	s0 =	rddreg [dreg:$0x0];
	s2 =	stileid.u32  }
0x109: {  	s1 =	rddreg [dreg:$0x1];
	p0 =	sne.s32 s2, $0x0  }
0x10a: {  	s3 =	rddreg [dreg:$0x2];
	[bflag:$0x3] =	sbarrier.arrive $0xFFFF;
	s2 =	simm.s32 @!p0 $0x1C0D  }
0x10b: {  	[timem:s3], [sflag:s2] =	dma.local @!p0 [hbm:s0], s1  }
0x10c: {  	s0 =	simm.s32 @!p0 $0xD  }
0x10d: {  	_ =	swait.ge @!p0 [sflag:s0], s1  }
0x10e: {  	s1 =	ssub.s32 @!p0 $0x0, s1;
	[sflag:s0] =	ssyncset.done @!p0 $0x0  }
0x10f: {  	[sflag:s0] =	ssyncadd.s32 @!p0 s1  }
0x110: {  	[bflag:$0x3] =	sbarrier.arrive $0xFFFF  }
0x111: {  	_ =	shalt  }

</sc_bundles>
